<compile_context>
chip_gen: v7x
topology: tpu7x:2x2x1
jax: 0.10.2.dev20260603
libtpu: 0.0.44.dev20260713+nightly
codegen_flags: <defaults>
</compile_context>

<pallas_src>
import functools

import jax
import jax.numpy as jnp
from jax import lax
from jax.experimental import pallas as pl
from jax.experimental.pallas import tpu as pltpu
from jax.experimental.pallas import tpu_sc as plsc

NUM_CORES = 2
NUM_SUBCORES = 16
NW = NUM_CORES * NUM_SUBCORES

EMB = 32
BLK = 128
HB = 2


def _emb_gather(h_len, n_b):
    mesh = plsc.VectorSubcoreMesh(
        core_axis_name="c",
        subcore_axis_name="s",
        num_cores=NUM_CORES,
        num_subcores=NUM_SUBCORES,
    )
    n_blocks = h_len // HB
    n_body = n_blocks // 2 - 1

    @functools.partial(
        pl.kernel,
        out_type=(
            jax.ShapeDtypeStruct((h_len, EMB, n_b), jnp.float32),
            jax.ShapeDtypeStruct((NW, HB, EMB, BLK), jnp.float32),
        ),
        mesh=mesh,
        scratch_types=[
            pltpu.VMEM((h_len, BLK), jnp.int32),
            pltpu.VMEM((h_len, BLK), jnp.int32),
            pltpu.VMEM((BLK, 128), jnp.float32),
            pltpu.VMEM((BLK, 128), jnp.float32),
            pltpu.VMEM((HB, EMB, BLK), jnp.float32),
            pltpu.VMEM((HB, EMB, BLK), jnp.float32),
            pltpu.SemaphoreType.DMA,
            pltpu.SemaphoreType.DMA,
            pltpu.SemaphoreType.DMA,
        ],
        compiler_params=pltpu.CompilerParams(
            use_tc_tiling_on_sc=True, needs_layout_passes=False),
    )
    def k(it_hbm, ip_hbm, tp_hbm, out_hbm, dummy_hbm,
          idx_v, idxp_v, vb0, vb1, ob0, ob1, sg, so0, so1):
        wid = lax.axis_index("s") * NUM_CORES + lax.axis_index("c")
        b0 = wid * BLK
        pltpu.sync_copy(it_hbm.at[wid], idx_v)
        pltpu.sync_copy(ip_hbm.at[wid], idxp_v)

        vbufs = (vb0, vb1)
        obufs = (ob0, ob1)
        osems = (so0, so1)
        lanes = lax.iota(jnp.int32, 16)

        def issue_gather(h, vb):
            pltpu.async_copy(tp_hbm.at[idxp_v.at[h]], vb, sg)

        def drain_gather(vb):
            pltpu.make_async_copy(tp_hbm.at[idxp_v.at[0]], vb, sg).wait()

        def issue_out(blk, ob, sem):
            pltpu.async_copy(
                ob, out_hbm.at[pl.ds(blk * HB, HB), :, pl.ds(b0, BLK)], sem)

        def drain_out(ob, sem):
            pltpu.make_async_copy(
                ob, out_hbm.at[pl.ds(0, HB), :, pl.ds(b0, BLK)], sem).wait()

        def extract(h, vb, ob, j):
            @plsc.parallel_loop(0, BLK // 16, 1, unroll=4)
            def _bl_loop(bl):
                off = bl * 16
                idx16 = idx_v[h, pl.ds(off, 16)]
                cols = (idx16 & 3) << 5
                rows = lanes + off
                vals = [plsc.load_gather(vb, [rows, cols + d])
                        for d in range(EMB)]
                for d in range(EMB):
                    ob[j, d, pl.ds(off, 16)] = vals[d]

        pltpu.async_copy(ob0, dummy_hbm.at[wid], so0)
        pltpu.async_copy(ob1, dummy_hbm.at[wid], so1)
        issue_gather(0, vb0)

        def block(blk, par, last):
            ob = obufs[par]
            drain_out(ob, osems[par])
            for j in range(HB):
                h = blk * HB + j
                hpar = j & 1
                if not last or j < HB - 1:
                    issue_gather(h + 1, vbufs[hpar ^ 1])
                drain_gather(vbufs[hpar])
                extract(h, vbufs[hpar], ob, j)
            issue_out(blk, ob, osems[par])

        def body(i, carry):
            block(2 * i, 0, False)
            block(2 * i + 1, 1, False)
            return carry

        lax.fori_loop(0, n_body, body, 0)
        block(2 * n_body, 0, False)
        block(2 * n_body + 1, 1, True)
        drain_out(ob0, so0)
        drain_out(ob1, so1)

    return k


def kernel(input, table):
    b, h = input.shape
    idx = input.astype(jnp.int32)
    table_p = table.reshape(250000, 128)
    idx_w = idx.T.reshape(h, NW, BLK).transpose(1, 0, 2)
    idxp_w = idx_w >> 2
    out_t, _ = _emb_gather(h, b)(idx_w, idxp_w, table_p)
    return jnp.transpose(out_t, (2, 0, 1))

# --- scband reference (transcript-rebuilt; emitter-appended) ---
"""Pipeline reference for scband-element-embedder-11020886082093 (READ-ONLY COPY).

The authoritative reference and input builder live on the scoring server;
editing this copy changes nothing except your own understanding.
"""

import jax, jax.numpy as jnp
import numpy as np

NUM_EMBEDDINGS = 1000000
EMB_SIZE = 32
BATCH = 4096
HIST = 200

def setup_inputs(seed: int = 0) -> dict:
    key = jax.random.key(seed)
    k1, k2 = jax.random.split(key)
    input_ids = jax.random.randint(k1, (BATCH, HIST), 0, NUM_EMBEDDINGS, dtype=jnp.int64)
    # nn.Embedding default init: N(0, 1)
    table = jax.random.normal(k2, (NUM_EMBEDDINGS, EMB_SIZE), dtype=jnp.float32)
    return {"input": input_ids, "table": table}

def reference(input, table):
    # forward(input) = self.embed(input) -> embedding gather
    return jnp.take(table, input, axis=0)

if __name__ == "__main__":
    import jax
    _d = setup_inputs()
    print(jax.jit(kernel)(*tuple(_d.values())))

</pallas_src>

<mosaic_0001>
#map = affine_map<(d0, d1) -> (0, 0, 0)>
#map1 = affine_map<(d0, d1) -> (0, 0)>
#map2 = affine_map<(d0, d1) -> (0, 0, 0, 0)>
module attributes {stable_mosaic.version = 14 : i64} {
  func.func @k(%arg0: i32, %arg1: i32, %arg2: memref<32x200x128xi32, #tpu.memory_space<hbm>>, %arg3: memref<32x200x128xi32, #tpu.memory_space<hbm>>, %arg4: memref<250000x128xf32, #tpu.memory_space<hbm>>, %arg5: memref<200x32x4096xf32, #tpu.memory_space<hbm>>, %arg6: memref<32x2x32x128xf32, #tpu.memory_space<hbm>>, %arg7: memref<200x128xi32, #tpu.memory_space<vmem>>, %arg8: memref<200x128xi32, #tpu.memory_space<vmem>>, %arg9: memref<128x128xf32, #tpu.memory_space<vmem>>, %arg10: memref<128x128xf32, #tpu.memory_space<vmem>>, %arg11: memref<2x32x128xf32, #tpu.memory_space<vmem>>, %arg12: memref<2x32x128xf32, #tpu.memory_space<vmem>>, %arg13: memref<!tpu.dma_semaphore, #tpu.memory_space<semaphore_mem>>, %arg14: memref<!tpu.dma_semaphore, #tpu.memory_space<semaphore_mem>>, %arg15: memref<!tpu.dma_semaphore, #tpu.memory_space<semaphore_mem>>) attributes {dimension_semantics = [#tpu.dimension_semantics<core_parallel>, #tpu.dimension_semantics<subcore_parallel>], iteration_bounds = array<i64: 2, 16>, scalar_prefetch = 0 : i64, scratch_operands = 9 : i64, tpu.core_type = #tpu.core_type<sc_vector_subcore>, window_params = [{transform_indices = #map}, {transform_indices = #map}, {transform_indices = #map1}, {transform_indices = #map}, {transform_indices = #map2}]} {
    %mul3A = arith.constant 2 : i32
    %mul3A_0 = arith.muli %arg1, %mul3A : i32
    %add3A = arith.addi %mul3A_0, %arg0 : i32
    %mul3A_1 = arith.constant 128 : i32
    %mul3A_2 = arith.muli %add3A, %mul3A_1 : i32
    "tpu.region"() ({
      %run_scoped3A = tpu.sem_alloc : memref<!tpu.dma_semaphore, #tpu.memory_space<semaphore_mem>>
      %dma_start3A_129 = arith.constant 0 : i32
      %dma_start3A_130 = arith.constant 0 : i32
      %dma_start3A_131 = tpu.memref_slice %arg2[%add3A, %dma_start3A_129, %dma_start3A_130] : memref<32x200x128xi32, #tpu.memory_space<hbm>> -> memref<1x200x128xi32, #tpu.memory_space<hbm>>
      %dma_start3A_132 = tpu.memref_squeeze %dma_start3A_131 : memref<1x200x128xi32, #tpu.memory_space<hbm>> -> memref<200x128xi32, #tpu.memory_space<hbm>>
      %dma_start3A_133 = arith.constant 0 : i32
      %dma_start3A_134 = arith.constant 0 : i32
      %dma_start3A_135 = tpu.memref_slice %arg2[%add3A, %dma_start3A_133, %dma_start3A_134] : memref<32x200x128xi32, #tpu.memory_space<hbm>> -> memref<1x200x128xi32, #tpu.memory_space<hbm>>
      %dma_start3A_136 = tpu.memref_squeeze %dma_start3A_135 : memref<1x200x128xi32, #tpu.memory_space<hbm>> -> memref<200x128xi32, #tpu.memory_space<hbm>>
      tpu.enqueue_dma source(%dma_start3A_136 : memref<200x128xi32, #tpu.memory_space<hbm>>) target(%arg7 : memref<200x128xi32, #tpu.memory_space<vmem>>) target_semaphore(%run_scoped3A : memref<!tpu.dma_semaphore, #tpu.memory_space<semaphore_mem>>)
      %dma_wait3A_137 = arith.constant 0 : i32
      %dma_wait3A_138 = arith.constant 0 : i32
      %dma_wait3A_139 = tpu.memref_slice %arg2[%add3A, %dma_wait3A_137, %dma_wait3A_138] : memref<32x200x128xi32, #tpu.memory_space<hbm>> -> memref<1x200x128xi32, #tpu.memory_space<hbm>>
      %dma_wait3A_140 = tpu.memref_squeeze %dma_wait3A_139 : memref<1x200x128xi32, #tpu.memory_space<hbm>> -> memref<200x128xi32, #tpu.memory_space<hbm>>
      %dma_wait3A_141 = arith.constant 0 : i32
      %dma_wait3A_142 = arith.constant 0 : i32
      %dma_wait3A_143 = tpu.memref_slice %arg2[%add3A, %dma_wait3A_141, %dma_wait3A_142] : memref<32x200x128xi32, #tpu.memory_space<hbm>> -> memref<1x200x128xi32, #tpu.memory_space<hbm>>
      %dma_wait3A_144 = tpu.memref_squeeze %dma_wait3A_143 : memref<1x200x128xi32, #tpu.memory_space<hbm>> -> memref<200x128xi32, #tpu.memory_space<hbm>>
      tpu.wait_dma2 semaphore(%run_scoped3A : memref<!tpu.dma_semaphore, #tpu.memory_space<semaphore_mem>>) src(%dma_wait3A_144 : memref<200x128xi32, #tpu.memory_space<hbm>>) dst(%arg7 : memref<200x128xi32, #tpu.memory_space<vmem>>)
      tpu.yield
    }) : () -> ()
    "tpu.region"() ({
      %run_scoped3A = tpu.sem_alloc : memref<!tpu.dma_semaphore, #tpu.memory_space<semaphore_mem>>
      %dma_start3A_129 = arith.constant 0 : i32
      %dma_start3A_130 = arith.constant 0 : i32
      %dma_start3A_131 = tpu.memref_slice %arg3[%add3A, %dma_start3A_129, %dma_start3A_130] : memref<32x200x128xi32, #tpu.memory_space<hbm>> -> memref<1x200x128xi32, #tpu.memory_space<hbm>>
      %dma_start3A_132 = tpu.memref_squeeze %dma_start3A_131 : memref<1x200x128xi32, #tpu.memory_space<hbm>> -> memref<200x128xi32, #tpu.memory_space<hbm>>
      %dma_start3A_133 = arith.constant 0 : i32
      %dma_start3A_134 = arith.constant 0 : i32
      %dma_start3A_135 = tpu.memref_slice %arg3[%add3A, %dma_start3A_133, %dma_start3A_134] : memref<32x200x128xi32, #tpu.memory_space<hbm>> -> memref<1x200x128xi32, #tpu.memory_space<hbm>>
      %dma_start3A_136 = tpu.memref_squeeze %dma_start3A_135 : memref<1x200x128xi32, #tpu.memory_space<hbm>> -> memref<200x128xi32, #tpu.memory_space<hbm>>
      tpu.enqueue_dma source(%dma_start3A_136 : memref<200x128xi32, #tpu.memory_space<hbm>>) target(%arg8 : memref<200x128xi32, #tpu.memory_space<vmem>>) target_semaphore(%run_scoped3A : memref<!tpu.dma_semaphore, #tpu.memory_space<semaphore_mem>>)
      %dma_wait3A_137 = arith.constant 0 : i32
      %dma_wait3A_138 = arith.constant 0 : i32
      %dma_wait3A_139 = tpu.memref_slice %arg3[%add3A, %dma_wait3A_137, %dma_wait3A_138] : memref<32x200x128xi32, #tpu.memory_space<hbm>> -> memref<1x200x128xi32, #tpu.memory_space<hbm>>
      %dma_wait3A_140 = tpu.memref_squeeze %dma_wait3A_139 : memref<1x200x128xi32, #tpu.memory_space<hbm>> -> memref<200x128xi32, #tpu.memory_space<hbm>>
      %dma_wait3A_141 = arith.constant 0 : i32
      %dma_wait3A_142 = arith.constant 0 : i32
      %dma_wait3A_143 = tpu.memref_slice %arg3[%add3A, %dma_wait3A_141, %dma_wait3A_142] : memref<32x200x128xi32, #tpu.memory_space<hbm>> -> memref<1x200x128xi32, #tpu.memory_space<hbm>>
      %dma_wait3A_144 = tpu.memref_squeeze %dma_wait3A_143 : memref<1x200x128xi32, #tpu.memory_space<hbm>> -> memref<200x128xi32, #tpu.memory_space<hbm>>
      tpu.wait_dma2 semaphore(%run_scoped3A : memref<!tpu.dma_semaphore, #tpu.memory_space<semaphore_mem>>) src(%dma_wait3A_144 : memref<200x128xi32, #tpu.memory_space<hbm>>) dst(%arg8 : memref<200x128xi32, #tpu.memory_space<vmem>>)
      tpu.yield
    }) : () -> ()
    %iota3A = tpu.iota {dimensions = array<i32: 0>} : vector<16xi32>
    %dma_start3A = arith.constant 0 : i32
    %dma_start3A_3 = arith.constant 0 : i32
    %dma_start3A_4 = arith.constant 0 : i32
    %dma_start3A_5 = tpu.memref_slice %arg6[%add3A, %dma_start3A, %dma_start3A_3, %dma_start3A_4] : memref<32x2x32x128xf32, #tpu.memory_space<hbm>> -> memref<1x2x32x128xf32, #tpu.memory_space<hbm>>
    %dma_start3A_6 = tpu.memref_squeeze %dma_start3A_5 : memref<1x2x32x128xf32, #tpu.memory_space<hbm>> -> memref<2x32x128xf32, #tpu.memory_space<hbm>>
    %dma_start3A_7 = arith.constant 0 : i32
    %dma_start3A_8 = arith.constant 0 : i32
    %dma_start3A_9 = arith.constant 0 : i32
    %dma_start3A_10 = tpu.memref_slice %arg6[%add3A, %dma_start3A_7, %dma_start3A_8, %dma_start3A_9] : memref<32x2x32x128xf32, #tpu.memory_space<hbm>> -> memref<1x2x32x128xf32, #tpu.memory_space<hbm>>
    %dma_start3A_11 = tpu.memref_squeeze %dma_start3A_10 : memref<1x2x32x128xf32, #tpu.memory_space<hbm>> -> memref<2x32x128xf32, #tpu.memory_space<hbm>>
    tpu.enqueue_dma source(%arg11 : memref<2x32x128xf32, #tpu.memory_space<vmem>>) target(%dma_start3A_11 : memref<2x32x128xf32, #tpu.memory_space<hbm>>) target_semaphore(%arg14 : memref<!tpu.dma_semaphore, #tpu.memory_space<semaphore_mem>>)
    %dma_start3A_12 = arith.constant 0 : i32
    %dma_start3A_13 = arith.constant 0 : i32
    %dma_start3A_14 = arith.constant 0 : i32
    %dma_start3A_15 = tpu.memref_slice %arg6[%add3A, %dma_start3A_12, %dma_start3A_13, %dma_start3A_14] : memref<32x2x32x128xf32, #tpu.memory_space<hbm>> -> memref<1x2x32x128xf32, #tpu.memory_space<hbm>>
    %dma_start3A_16 = tpu.memref_squeeze %dma_start3A_15 : memref<1x2x32x128xf32, #tpu.memory_space<hbm>> -> memref<2x32x128xf32, #tpu.memory_space<hbm>>
    %dma_start3A_17 = arith.constant 0 : i32
    %dma_start3A_18 = arith.constant 0 : i32
    %dma_start3A_19 = arith.constant 0 : i32
    %dma_start3A_20 = tpu.memref_slice %arg6[%add3A, %dma_start3A_17, %dma_start3A_18, %dma_start3A_19] : memref<32x2x32x128xf32, #tpu.memory_space<hbm>> -> memref<1x2x32x128xf32, #tpu.memory_space<hbm>>
    %dma_start3A_21 = tpu.memref_squeeze %dma_start3A_20 : memref<1x2x32x128xf32, #tpu.memory_space<hbm>> -> memref<2x32x128xf32, #tpu.memory_space<hbm>>
    tpu.enqueue_dma source(%arg12 : memref<2x32x128xf32, #tpu.memory_space<vmem>>) target(%dma_start3A_21 : memref<2x32x128xf32, #tpu.memory_space<hbm>>) target_semaphore(%arg15 : memref<!tpu.dma_semaphore, #tpu.memory_space<semaphore_mem>>)
    %dma_start3A_22 = arith.constant 0 : i32
    %dma_start3A_23 = arith.constant 0 : i32
    %dma_start3A_24 = tpu.memref_slice %arg8[%dma_start3A_22, %dma_start3A_23] : memref<200x128xi32, #tpu.memory_space<vmem>> -> memref<1x128xi32, #tpu.memory_space<vmem>>
    %dma_start3A_25 = tpu.memref_squeeze %dma_start3A_24 : memref<1x128xi32, #tpu.memory_space<vmem>> -> memref<128xi32, #tpu.memory_space<vmem>>
    %dma_start3A_26 = arith.constant 0 : i32
    %dma_start3A_27 = arith.constant 0 : i32
    %dma_start3A_28 = tpu.memref_slice %arg4[%dma_start3A_26, %dma_start3A_27] : memref<250000x128xf32, #tpu.memory_space<hbm>> -> memref<250000x128xf32, #tpu.memory_space<hbm>>
    tpu.enqueue_indirect_dma source(%dma_start3A_28 : memref<250000x128xf32, #tpu.memory_space<hbm>>) target(%arg9 : memref<128x128xf32, #tpu.memory_space<vmem>>) offsets(%dma_start3A_25 : memref<128xi32, #tpu.memory_space<vmem>>) semaphore(%arg13 : memref<!tpu.dma_semaphore, #tpu.memory_space<semaphore_mem>>)
    %scan3A = arith.constant 0 : i32
    %scan3A_29 = arith.constant 0 : i32
    %scan3A_30 = arith.constant 49 : i32
    %scan3A_31 = arith.addi %scan3A_29, %scan3A_30 : i32
    %scan3A_32 = arith.constant 1 : i32
    scf.for %scan3A_129 = %scan3A_29 to %scan3A_31 step %scan3A_32  : i32 {
      %mul3A_130 = arith.constant 2 : i32
      %mul3A_131 = arith.muli %mul3A_130, %scan3A_129 : i32
      %dma_wait3A_132 = arith.constant 0 : i32
      %dma_wait3A_133 = arith.constant 0 : i32
      %dma_wait3A_134 = tpu.memref_slice %arg5[%dma_wait3A_132, %dma_wait3A_133, %mul3A_2] : memref<200x32x4096xf32, #tpu.memory_space<hbm>> -> memref<2x32x128xf32, #tpu.memory_space<hbm>>
      %dma_wait3A_135 = arith.constant 0 : i32
      %dma_wait3A_136 = arith.constant 0 : i32
      %dma_wait3A_137 = tpu.memref_slice %arg5[%dma_wait3A_135, %dma_wait3A_136, %mul3A_2] : memref<200x32x4096xf32, #tpu.memory_space<hbm>> -> memref<2x32x128xf32, #tpu.memory_space<hbm>>
      tpu.wait_dma2 semaphore(%arg14 : memref<!tpu.dma_semaphore, #tpu.memory_space<semaphore_mem>>) src(%arg11 : memref<2x32x128xf32, #tpu.memory_space<vmem>>) dst(%dma_wait3A_137 : memref<2x32x128xf32, #tpu.memory_space<hbm>>)
      %mul3A_138 = arith.constant 2 : i32
      %mul3A_139 = arith.muli %mul3A_131, %mul3A_138 : i32
      %add3A_140 = arith.constant 0 : i32
      %add3A_141 = arith.addi %mul3A_139, %add3A_140 : i32
      %add3A_142 = arith.constant 1 : i32
      %add3A_143 = arith.addi %add3A_141, %add3A_142 : i32
      %dma_start3A_144 = arith.constant 0 : i32
      %dma_start3A_145 = tpu.memref_slice %arg8[%add3A_143, %dma_start3A_144] : memref<200x128xi32, #tpu.memory_space<vmem>> -> memref<1x128xi32, #tpu.memory_space<vmem>>
      %dma_start3A_146 = tpu.memref_squeeze %dma_start3A_145 : memref<1x128xi32, #tpu.memory_space<vmem>> -> memref<128xi32, #tpu.memory_space<vmem>>
      %dma_start3A_147 = arith.constant 0 : i32
      %dma_start3A_148 = arith.constant 0 : i32
      %dma_start3A_149 = tpu.memref_slice %arg4[%dma_start3A_147, %dma_start3A_148] : memref<250000x128xf32, #tpu.memory_space<hbm>> -> memref<250000x128xf32, #tpu.memory_space<hbm>>
      tpu.enqueue_indirect_dma source(%dma_start3A_149 : memref<250000x128xf32, #tpu.memory_space<hbm>>) target(%arg10 : memref<128x128xf32, #tpu.memory_space<vmem>>) offsets(%dma_start3A_146 : memref<128xi32, #tpu.memory_space<vmem>>) semaphore(%arg13 : memref<!tpu.dma_semaphore, #tpu.memory_space<semaphore_mem>>)
      %dma_wait3A_150 = arith.constant 0 : i32
      %dma_wait3A_151 = arith.constant 0 : i32
      %dma_wait3A_152 = tpu.memref_slice %arg8[%dma_wait3A_150, %dma_wait3A_151] : memref<200x128xi32, #tpu.memory_space<vmem>> -> memref<1x128xi32, #tpu.memory_space<vmem>>
      %dma_wait3A_153 = tpu.memref_squeeze %dma_wait3A_152 : memref<1x128xi32, #tpu.memory_space<vmem>> -> memref<128xi32, #tpu.memory_space<vmem>>
      %dma_wait3A_154 = arith.constant 0 : i32
      %dma_wait3A_155 = arith.constant 0 : i32
      %dma_wait3A_156 = tpu.memref_slice %arg4[%dma_wait3A_154, %dma_wait3A_155] : memref<250000x128xf32, #tpu.memory_space<hbm>> -> memref<250000x128xf32, #tpu.memory_space<hbm>>
      tpu.wait_indirect_dma semaphore(%arg13 : memref<!tpu.dma_semaphore, #tpu.memory_space<semaphore_mem>>) src(%dma_wait3A_156 : memref<250000x128xf32, #tpu.memory_space<hbm>>) dst(%arg9 : memref<128x128xf32, #tpu.memory_space<vmem>>)
      %parallel_loop3A_157 = arith.constant 0 : i32
      %parallel_loop3A_158 = arith.constant 8 : i32
      %parallel_loop3A_159 = arith.constant 1 : i32
      scf.for %parallel_loop3A_248 = %parallel_loop3A_157 to %parallel_loop3A_158 step %parallel_loop3A_159  : i32 {
        %parallel_loop3A_249 = arith.constant 16 : i32
        %parallel_loop3A_250 = arith.muli %parallel_loop3A_248, %parallel_loop3A_249 : i32
        %parallel_loop3A_251 = arith.index_cast %add3A_141 : i32 to index
        %parallel_loop3A_252 = arith.index_cast %parallel_loop3A_250 : i32 to index
        %parallel_loop3A_253 = tpu.vector_load %arg7[%parallel_loop3A_251, %parallel_loop3A_252] {strides = array<i32>} : memref<200x128xi32, #tpu.memory_space<vmem>>, vector<16xi32>,
        %parallel_loop3A_254 = arith.constant 3 : i32
        %parallel_loop3A_255 = vector.broadcast %parallel_loop3A_254 : i32 to vector<16xi32>
        %parallel_loop3A_256 = arith.andi %parallel_loop3A_253, %parallel_loop3A_255 : vector<16xi32>
        %parallel_loop3A_257 = arith.constant 5 : i32
        %parallel_loop3A_258 = vector.broadcast %parallel_loop3A_257 : i32 to vector<16xi32>
        %parallel_loop3A_259 = arith.shli %parallel_loop3A_256, %parallel_loop3A_258 : vector<16xi32>
        %parallel_loop3A_260 = vector.broadcast %parallel_loop3A_250 : i32 to vector<16xi32>
        %parallel_loop3A_261 = arith.addi %iota3A, %parallel_loop3A_260 : vector<16xi32>
        %parallel_loop3A_262 = arith.constant 0 : i32
        %parallel_loop3A_263 = vector.broadcast %parallel_loop3A_262 : i32 to vector<16xi32>
        %parallel_loop3A_264 = arith.addi %parallel_loop3A_259, %parallel_loop3A_263 : vector<16xi32>
        %parallel_loop3A_265 = tpu.vector_load_idx %arg9[%parallel_loop3A_261, %parallel_loop3A_264] : memref<128x128xf32, #tpu.memory_space<vmem>>[vector<16xi32>, vector<16xi32>], vector<16xf32>,
        %parallel_loop3A_266 = arith.constant 1 : i32
        %parallel_loop3A_267 = vector.broadcast %parallel_loop3A_266 : i32 to vector<16xi32>
        %parallel_loop3A_268 = arith.addi %parallel_loop3A_259, %parallel_loop3A_267 : vector<16xi32>
        %parallel_loop3A_269 = tpu.vector_load_idx %arg9[%parallel_loop3A_261, %parallel_loop3A_268] : memref<128x128xf32, #tpu.memory_space<vmem>>[vector<16xi32>, vector<16xi32>], vector<16xf32>,
        %parallel_loop3A_270 = arith.constant 2 : i32
        %parallel_loop3A_271 = vector.broadcast %parallel_loop3A_270 : i32 to vector<16xi32>
        %parallel_loop3A_272 = arith.addi %parallel_loop3A_259, %parallel_loop3A_271 : vector<16xi32>
        %parallel_loop3A_273 = tpu.vector_load_idx %arg9[%parallel_loop3A_261, %parallel_loop3A_272] : memref<128x128xf32, #tpu.memory_space<vmem>>[vector<16xi32>, vector<16xi32>], vector<16xf32>,
        %parallel_loop3A_274 = arith.constant 3 : i32
        %parallel_loop3A_275 = vector.broadcast %parallel_loop3A_274 : i32 to vector<16xi32>
        %parallel_loop3A_276 = arith.addi %parallel_loop3A_259, %parallel_loop3A_275 : vector<16xi32>
        %parallel_loop3A_277 = tpu.vector_load_idx %arg9[%parallel_loop3A_261, %parallel_loop3A_276] : memref<128x128xf32, #tpu.memory_space<vmem>>[vector<16xi32>, vector<16xi32>], vector<16xf32>,
        %parallel_loop3A_278 = arith.constant 4 : i32
        %parallel_loop3A_279 = vector.broadcast %parallel_loop3A_278 : i32 to vector<16xi32>
        %parallel_loop3A_280 = arith.addi %parallel_loop3A_259, %parallel_loop3A_279 : vector<16xi32>
        %parallel_loop3A_281 = tpu.vector_load_idx %arg9[%parallel_loop3A_261, %parallel_loop3A_280] : memref<128x128xf32, #tpu.memory_space<vmem>>[vector<16xi32>, vector<16xi32>], vector<16xf32>,
        %parallel_loop3A_282 = arith.constant 5 : i32
        %parallel_loop3A_283 = vector.broadcast %parallel_loop3A_282 : i32 to vector<16xi32>
        %parallel_loop3A_284 = arith.addi %parallel_loop3A_259, %parallel_loop3A_283 : vector<16xi32>
        %parallel_loop3A_285 = tpu.vector_load_idx %arg9[%parallel_loop3A_261, %parallel_loop3A_284] : memref<128x128xf32, #tpu.memory_space<vmem>>[vector<16xi32>, vector<16xi32>], vector<16xf32>,
        %parallel_loop3A_286 = arith.constant 6 : i32
        %parallel_loop3A_287 = vector.broadcast %parallel_loop3A_286 : i32 to vector<16xi32>
        %parallel_loop3A_288 = arith.addi %parallel_loop3A_259, %parallel_loop3A_287 : vector<16xi32>
        %parallel_loop3A_289 = tpu.vector_load_idx %arg9[%parallel_loop3A_261, %parallel_loop3A_288] : memref<128x128xf32, #tpu.memory_space<vmem>>[vector<16xi32>, vector<16xi32>], vector<16xf32>,
        %parallel_loop3A_290 = arith.constant 7 : i32
        %parallel_loop3A_291 = vector.broadcast %parallel_loop3A_290 : i32 to vector<16xi32>
        %parallel_loop3A_292 = arith.addi %parallel_loop3A_259, %parallel_loop3A_291 : vector<16xi32>
        %parallel_loop3A_293 = tpu.vector_load_idx %arg9[%parallel_loop3A_261, %parallel_loop3A_292] : memref<128x128xf32, #tpu.memory_space<vmem>>[vector<16xi32>, vector<16xi32>], vector<16xf32>,
        %parallel_loop3A_294 = arith.constant 8 : i32
        %parallel_loop3A_295 = vector.broadcast %parallel_loop3A_294 : i32 to vector<16xi32>
        %parallel_loop3A_296 = arith.addi %parallel_loop3A_259, %parallel_loop3A_295 : vector<16xi32>
        %parallel_loop3A_297 = tpu.vector_load_idx %arg9[%parallel_loop3A_261, %parallel_loop3A_296] : memref<128x128xf32, #tpu.memory_space<vmem>>[vector<16xi32>, vector<16xi32>], vector<16xf32>,
        %parallel_loop3A_298 = arith.constant 9 : i32
        %parallel_loop3A_299 = vector.broadcast %parallel_loop3A_298 : i32 to vector<16xi32>
        %parallel_loop3A_300 = arith.addi %parallel_loop3A_259, %parallel_loop3A_299 : vector<16xi32>
        %parallel_loop3A_301 = tpu.vector_load_idx %arg9[%parallel_loop3A_261, %parallel_loop3A_300] : memref<128x128xf32, #tpu.memory_space<vmem>>[vector<16xi32>, vector<16xi32>], vector<16xf32>,
        %parallel_loop3A_302 = arith.constant 10 : i32
        %parallel_loop3A_303 = vector.broadcast %parallel_loop3A_302 : i32 to vector<16xi32>
        %parallel_loop3A_304 = arith.addi %parallel_loop3A_259, %parallel_loop3A_303 : vector<16xi32>
        %parallel_loop3A_305 = tpu.vector_load_idx %arg9[%parallel_loop3A_261, %parallel_loop3A_304] : memref<128x128xf32, #tpu.memory_space<vmem>>[vector<16xi32>, vector<16xi32>], vector<16xf32>,
        %parallel_loop3A_306 = arith.constant 11 : i32
        %parallel_loop3A_307 = vector.broadcast %parallel_loop3A_306 : i32 to vector<16xi32>
        %parallel_loop3A_308 = arith.addi %parallel_loop3A_259, %parallel_loop3A_307 : vector<16xi32>
        %parallel_loop3A_309 = tpu.vector_load_idx %arg9[%parallel_loop3A_261, %parallel_loop3A_308] : memref<128x128xf32, #tpu.memory_space<vmem>>[vector<16xi32>, vector<16xi32>], vector<16xf32>,
        %parallel_loop3A_310 = arith.constant 12 : i32
        %parallel_loop3A_311 = vector.broadcast %parallel_loop3A_310 : i32 to vector<16xi32>
        %parallel_loop3A_312 = arith.addi %parallel_loop3A_259, %parallel_loop3A_311 : vector<16xi32>
        %parallel_loop3A_313 = tpu.vector_load_idx %arg9[%parallel_loop3A_261, %parallel_loop3A_312] : memref<128x128xf32, #tpu.memory_space<vmem>>[vector<16xi32>, vector<16xi32>], vector<16xf32>,
        %parallel_loop3A_314 = arith.constant 13 : i32
        %parallel_loop3A_315 = vector.broadcast %parallel_loop3A_314 : i32 to vector<16xi32>
        %parallel_loop3A_316 = arith.addi %parallel_loop3A_259, %parallel_loop3A_315 : vector<16xi32>
        %parallel_loop3A_317 = tpu.vector_load_idx %arg9[%parallel_loop3A_261, %parallel_loop3A_316] : memref<128x128xf32, #tpu.memory_space<vmem>>[vector<16xi32>, vector<16xi32>], vector<16xf32>,
        %parallel_loop3A_318 = arith.constant 14 : i32
        %parallel_loop3A_319 = vector.broadcast %parallel_loop3A_318 : i32 to vector<16xi32>
        %parallel_loop3A_320 = arith.addi %parallel_loop3A_259, %parallel_loop3A_319 : vector<16xi32>
        %parallel_loop3A_321 = tpu.vector_load_idx %arg9[%parallel_loop3A_261, %parallel_loop3A_320] : memref<128x128xf32, #tpu.memory_space<vmem>>[vector<16xi32>, vector<16xi32>], vector<16xf32>,
        %parallel_loop3A_322 = arith.constant 15 : i32
        %parallel_loop3A_323 = vector.broadcast %parallel_loop3A_322 : i32 to vector<16xi32>
        %parallel_loop3A_324 = arith.addi %parallel_loop3A_259, %parallel_loop3A_323 : vector<16xi32>
        %parallel_loop3A_325 = tpu.vector_load_idx %arg9[%parallel_loop3A_261, %parallel_loop3A_324] : memref<128x128xf32, #tpu.memory_space<vmem>>[vector<16xi32>, vector<16xi32>], vector<16xf32>,
        %parallel_loop3A_326 = arith.constant 16 : i32
        %parallel_loop3A_327 = vector.broadcast %parallel_loop3A_326 : i32 to vector<16xi32>
        %parallel_loop3A_328 = arith.addi %parallel_loop3A_259, %parallel_loop3A_327 : vector<16xi32>
        %parallel_loop3A_329 = tpu.vector_load_idx %arg9[%parallel_loop3A_261, %parallel_loop3A_328] : memref<128x128xf32, #tpu.memory_space<vmem>>[vector<16xi32>, vector<16xi32>], vector<16xf32>,
        %parallel_loop3A_330 = arith.constant 17 : i32
        %parallel_loop3A_331 = vector.broadcast %parallel_loop3A_330 : i32 to vector<16xi32>
        %parallel_loop3A_332 = arith.addi %parallel_loop3A_259, %parallel_loop3A_331 : vector<16xi32>
        %parallel_loop3A_333 = tpu.vector_load_idx %arg9[%parallel_loop3A_261, %parallel_loop3A_332] : memref<128x128xf32, #tpu.memory_space<vmem>>[vector<16xi32>, vector<16xi32>], vector<16xf32>,
        %parallel_loop3A_334 = arith.constant 18 : i32
        %parallel_loop3A_335 = vector.broadcast %parallel_loop3A_334 : i32 to vector<16xi32>
        %parallel_loop3A_336 = arith.addi %parallel_loop3A_259, %parallel_loop3A_335 : vector<16xi32>
        %parallel_loop3A_337 = tpu.vector_load_idx %arg9[%parallel_loop3A_261, %parallel_loop3A_336] : memref<128x128xf32, #tpu.memory_space<vmem>>[vector<16xi32>, vector<16xi32>], vector<16xf32>,
        %parallel_loop3A_338 = arith.constant 19 : i32
        %parallel_loop3A_339 = vector.broadcast %parallel_loop3A_338 : i32 to vector<16xi32>
        %parallel_loop3A_340 = arith.addi %parallel_loop3A_259, %parallel_loop3A_339 : vector<16xi32>
        %parallel_loop3A_341 = tpu.vector_load_idx %arg9[%parallel_loop3A_261, %parallel_loop3A_340] : memref<128x128xf32, #tpu.memory_space<vmem>>[vector<16xi32>, vector<16xi32>], vector<16xf32>,
        %parallel_loop3A_342 = arith.constant 20 : i32
        %parallel_loop3A_343 = vector.broadcast %parallel_loop3A_342 : i32 to vector<16xi32>
        %parallel_loop3A_344 = arith.addi %parallel_loop3A_259, %parallel_loop3A_343 : vector<16xi32>
        %parallel_loop3A_345 = tpu.vector_load_idx %arg9[%parallel_loop3A_261, %parallel_loop3A_344] : memref<128x128xf32, #tpu.memory_space<vmem>>[vector<16xi32>, vector<16xi32>], vector<16xf32>,
        %parallel_loop3A_346 = arith.constant 21 : i32
        %parallel_loop3A_347 = vector.broadcast %parallel_loop3A_346 : i32 to vector<16xi32>
        %parallel_loop3A_348 = arith.addi %parallel_loop3A_259, %parallel_loop3A_347 : vector<16xi32>
        %parallel_loop3A_349 = tpu.vector_load_idx %arg9[%parallel_loop3A_261, %parallel_loop3A_348] : memref<128x128xf32, #tpu.memory_space<vmem>>[vector<16xi32>, vector<16xi32>], vector<16xf32>,
        %parallel_loop3A_350 = arith.constant 22 : i32
        %parallel_loop3A_351 = vector.broadcast %parallel_loop3A_350 : i32 to vector<16xi32>
        %parallel_loop3A_352 = arith.addi %parallel_loop3A_259, %parallel_loop3A_351 : vector<16xi32>
        %parallel_loop3A_353 = tpu.vector_load_idx %arg9[%parallel_loop3A_261, %parallel_loop3A_352] : memref<128x128xf32, #tpu.memory_space<vmem>>[vector<16xi32>, vector<16xi32>], vector<16xf32>,
        %parallel_loop3A_354 = arith.constant 23 : i32
        %parallel_loop3A_355 = vector.broadcast %parallel_loop3A_354 : i32 to vector<16xi32>
        %parallel_loop3A_356 = arith.addi %parallel_loop3A_259, %parallel_loop3A_355 : vector<16xi32>
        %parallel_loop3A_357 = tpu.vector_load_idx %arg9[%parallel_loop3A_261, %parallel_loop3A_356] : memref<128x128xf32, #tpu.memory_space<vmem>>[vector<16xi32>, vector<16xi32>], vector<16xf32>,
        %parallel_loop3A_358 = arith.constant 24 : i32
        %parallel_loop3A_359 = vector.broadcast %parallel_loop3A_358 : i32 to vector<16xi32>
        %parallel_loop3A_360 = arith.addi %parallel_loop3A_259, %parallel_loop3A_359 : vector<16xi32>
        %parallel_loop3A_361 = tpu.vector_load_idx %arg9[%parallel_loop3A_261, %parallel_loop3A_360] : memref<128x128xf32, #tpu.memory_space<vmem>>[vector<16xi32>, vector<16xi32>], vector<16xf32>,
        %parallel_loop3A_362 = arith.constant 25 : i32
        %parallel_loop3A_363 = vector.broadcast %parallel_loop3A_362 : i32 to vector<16xi32>
        %parallel_loop3A_364 = arith.addi %parallel_loop3A_259, %parallel_loop3A_363 : vector<16xi32>
        %parallel_loop3A_365 = tpu.vector_load_idx %arg9[%parallel_loop3A_261, %parallel_loop3A_364] : memref<128x128xf32, #tpu.memory_space<vmem>>[vector<16xi32>, vector<16xi32>], vector<16xf32>,
        %parallel_loop3A_366 = arith.constant 26 : i32
        %parallel_loop3A_367 = vector.broadcast %parallel_loop3A_366 : i32 to vector<16xi32>
        %parallel_loop3A_368 = arith.addi %parallel_loop3A_259, %parallel_loop3A_367 : vector<16xi32>
        %parallel_loop3A_369 = tpu.vector_load_idx %arg9[%parallel_loop3A_261, %parallel_loop3A_368] : memref<128x128xf32, #tpu.memory_space<vmem>>[vector<16xi32>, vector<16xi32>], vector<16xf32>,
        %parallel_loop3A_370 = arith.constant 27 : i32
        %parallel_loop3A_371 = vector.broadcast %parallel_loop3A_370 : i32 to vector<16xi32>
        %parallel_loop3A_372 = arith.addi %parallel_loop3A_259, %parallel_loop3A_371 : vector<16xi32>
        %parallel_loop3A_373 = tpu.vector_load_idx %arg9[%parallel_loop3A_261, %parallel_loop3A_372] : memref<128x128xf32, #tpu.memory_space<vmem>>[vector<16xi32>, vector<16xi32>], vector<16xf32>,
        %parallel_loop3A_374 = arith.constant 28 : i32
        %parallel_loop3A_375 = vector.broadcast %parallel_loop3A_374 : i32 to vector<16xi32>
        %parallel_loop3A_376 = arith.addi %parallel_loop3A_259, %parallel_loop3A_375 : vector<16xi32>
        %parallel_loop3A_377 = tpu.vector_load_idx %arg9[%parallel_loop3A_261, %parallel_loop3A_376] : memref<128x128xf32, #tpu.memory_space<vmem>>[vector<16xi32>, vector<16xi32>], vector<16xf32>,
        %parallel_loop3A_378 = arith.constant 29 : i32
        %parallel_loop3A_379 = vector.broadcast %parallel_loop3A_378 : i32 to vector<16xi32>
        %parallel_loop3A_380 = arith.addi %parallel_loop3A_259, %parallel_loop3A_379 : vector<16xi32>
        %parallel_loop3A_381 = tpu.vector_load_idx %arg9[%parallel_loop3A_261, %parallel_loop3A_380] : memref<128x128xf32, #tpu.memory_space<vmem>>[vector<16xi32>, vector<16xi32>], vector<16xf32>,
        %parallel_loop3A_382 = arith.constant 30 : i32
        %parallel_loop3A_383 = vector.broadcast %parallel_loop3A_382 : i32 to vector<16xi32>
        %parallel_loop3A_384 = arith.addi %parallel_loop3A_259, %parallel_loop3A_383 : vector<16xi32>
        %parallel_loop3A_385 = tpu.vector_load_idx %arg9[%parallel_loop3A_261, %parallel_loop3A_384] : memref<128x128xf32, #tpu.memory_space<vmem>>[vector<16xi32>, vector<16xi32>], vector<16xf32>,
        %parallel_loop3A_386 = arith.constant 31 : i32
        %parallel_loop3A_387 = vector.broadcast %parallel_loop3A_386 : i32 to vector<16xi32>
        %parallel_loop3A_388 = arith.addi %parallel_loop3A_259, %parallel_loop3A_387 : vector<16xi32>
        %parallel_loop3A_389 = tpu.vector_load_idx %arg9[%parallel_loop3A_261, %parallel_loop3A_388] : memref<128x128xf32, #tpu.memory_space<vmem>>[vector<16xi32>, vector<16xi32>], vector<16xf32>,
        %parallel_loop3A_390 = arith.constant 0 : i32
        %parallel_loop3A_391 = arith.constant 0 : i32
        %parallel_loop3A_392 = arith.index_cast %parallel_loop3A_390 : i32 to index
        %parallel_loop3A_393 = arith.index_cast %parallel_loop3A_391 : i32 to index
        %parallel_loop3A_394 = arith.index_cast %parallel_loop3A_250 : i32 to index
        %parallel_loop3A_395 = tpu.vector_load %arg11[%parallel_loop3A_392, %parallel_loop3A_393, %parallel_loop3A_394] {strides = array<i32>} : memref<2x32x128xf32, #tpu.memory_space<vmem>>, vector<16xf32>,
        tpu.vector_store %arg11[%parallel_loop3A_392, %parallel_loop3A_393, %parallel_loop3A_394], %parallel_loop3A_265 {strides = array<i32>} : memref<2x32x128xf32, #tpu.memory_space<vmem>>, vector<16xf32>,
        %parallel_loop3A_396 = arith.constant 0 : i32
        %parallel_loop3A_397 = arith.constant 1 : i32
        %parallel_loop3A_398 = arith.index_cast %parallel_loop3A_396 : i32 to index
        %parallel_loop3A_399 = arith.index_cast %parallel_loop3A_397 : i32 to index
        %parallel_loop3A_400 = arith.index_cast %parallel_loop3A_250 : i32 to index
        %parallel_loop3A_401 = tpu.vector_load %arg11[%parallel_loop3A_398, %parallel_loop3A_399, %parallel_loop3A_400] {strides = array<i32>} : memref<2x32x128xf32, #tpu.memory_space<vmem>>, vector<16xf32>,
        tpu.vector_store %arg11[%parallel_loop3A_398, %parallel_loop3A_399, %parallel_loop3A_400], %parallel_loop3A_269 {strides = array<i32>} : memref<2x32x128xf32, #tpu.memory_space<vmem>>, vector<16xf32>,
        %parallel_loop3A_402 = arith.constant 0 : i32
        %parallel_loop3A_403 = arith.constant 2 : i32
        %parallel_loop3A_404 = arith.index_cast %parallel_loop3A_402 : i32 to index
        %parallel_loop3A_405 = arith.index_cast %parallel_loop3A_403 : i32 to index
        %parallel_loop3A_406 = arith.index_cast %parallel_loop3A_250 : i32 to index
        %parallel_loop3A_407 = tpu.vector_load %arg11[%parallel_loop3A_404, %parallel_loop3A_405, %parallel_loop3A_406] {strides = array<i32>} : memref<2x32x128xf32, #tpu.memory_space<vmem>>, vector<16xf32>,
        tpu.vector_store %arg11[%parallel_loop3A_404, %parallel_loop3A_405, %parallel_loop3A_406], %parallel_loop3A_273 {strides = array<i32>} : memref<2x32x128xf32, #tpu.memory_space<vmem>>, vector<16xf32>,
        %parallel_loop3A_408 = arith.constant 0 : i32
        %parallel_loop3A_409 = arith.constant 3 : i32
        %parallel_loop3A_410 = arith.index_cast %parallel_loop3A_408 : i32 to index
        %parallel_loop3A_411 = arith.index_cast %parallel_loop3A_409 : i32 to index
        %parallel_loop3A_412 = arith.index_cast %parallel_loop3A_250 : i32 to index
        %parallel_loop3A_413 = tpu.vector_load %arg11[%parallel_loop3A_410, %parallel_loop3A_411, %parallel_loop3A_412] {strides = array<i32>} : memref<2x32x128xf32, #tpu.memory_space<vmem>>, vector<16xf32>,
        tpu.vector_store %arg11[%parallel_loop3A_410, %parallel_loop3A_411, %parallel_loop3A_412], %parallel_loop3A_277 {strides = array<i32>} : memref<2x32x128xf32, #tpu.memory_space<vmem>>, vector<16xf32>,
        %parallel_loop3A_414 = arith.constant 0 : i32
        %parallel_loop3A_415 = arith.constant 4 : i32
        %parallel_loop3A_416 = arith.index_cast %parallel_loop3A_414 : i32 to index
        %parallel_loop3A_417 = arith.index_cast %parallel_loop3A_415 : i32 to index
        %parallel_loop3A_418 = arith.index_cast %parallel_loop3A_250 : i32 to index
        %parallel_loop3A_419 = tpu.vector_load %arg11[%parallel_loop3A_416, %parallel_loop3A_417, %parallel_loop3A_418] {strides = array<i32>} : memref<2x32x128xf32, #tpu.memory_space<vmem>>, vector<16xf32>,
        tpu.vector_store %arg11[%parallel_loop3A_416, %parallel_loop3A_417, %parallel_loop3A_418], %parallel_loop3A_281 {strides = array<i32>} : memref<2x32x128xf32, #tpu.memory_space<vmem>>, vector<16xf32>,
        %parallel_loop3A_420 = arith.constant 0 : i32
        %parallel_loop3A_421 = arith.constant 5 : i32
        %parallel_loop3A_422 = arith.index_cast %parallel_loop3A_420 : i32 to index
        %parallel_loop3A_423 = arith.index_cast %parallel_loop3A_421 : i32 to index
        %parallel_loop3A_424 = arith.index_cast %parallel_loop3A_250 : i32 to index
        %parallel_loop3A_425 = tpu.vector_load %arg11[%parallel_loop3A_422, %parallel_loop3A_423, %parallel_loop3A_424] {strides = array<i32>} : memref<2x32x128xf32, #tpu.memory_space<vmem>>, vector<16xf32>,
        tpu.vector_store %arg11[%parallel_loop3A_422, %parallel_loop3A_423, %parallel_loop3A_424], %parallel_loop3A_285 {strides = array<i32>} : memref<2x32x128xf32, #tpu.memory_space<vmem>>, vector<16xf32>,
        %parallel_loop3A_426 = arith.constant 0 : i32
        %parallel_loop3A_427 = arith.constant 6 : i32
        %parallel_loop3A_428 = arith.index_cast %parallel_loop3A_426 : i32 to index
        %parallel_loop3A_429 = arith.index_cast %parallel_loop3A_427 : i32 to index
        %parallel_loop3A_430 = arith.index_cast %parallel_loop3A_250 : i32 to index
        %parallel_loop3A_431 = tpu.vector_load %arg11[%parallel_loop3A_428, %parallel_loop3A_429, %parallel_loop3A_430] {strides = array<i32>} : memref<2x32x128xf32, #tpu.memory_space<vmem>>, vector<16xf32>,
        tpu.vector_store %arg11[%parallel_loop3A_428, %parallel_loop3A_429, %parallel_loop3A_430], %parallel_loop3A_289 {strides = array<i32>} : memref<2x32x128xf32, #tpu.memory_space<vmem>>, vector<16xf32>,
        %parallel_loop3A_432 = arith.constant 0 : i32
        %parallel_loop3A_433 = arith.constant 7 : i32
        %parallel_loop3A_434 = arith.index_cast %parallel_loop3A_432 : i32 to index
        %parallel_loop3A_435 = arith.index_cast %parallel_loop3A_433 : i32 to index
        %parallel_loop3A_436 = arith.index_cast %parallel_loop3A_250 : i32 to index
        %parallel_loop3A_437 = tpu.vector_load %arg11[%parallel_loop3A_434, %parallel_loop3A_435, %parallel_loop3A_436] {strides = array<i32>} : memref<2x32x128xf32, #tpu.memory_space<vmem>>, vector<16xf32>,
        tpu.vector_store %arg11[%parallel_loop3A_434, %parallel_loop3A_435, %parallel_loop3A_436], %parallel_loop3A_293 {strides = array<i32>} : memref<2x32x128xf32, #tpu.memory_space<vmem>>, vector<16xf32>,
        %parallel_loop3A_438 = arith.constant 0 : i32
        %parallel_loop3A_439 = arith.constant 8 : i32
        %parallel_loop3A_440 = arith.index_cast %parallel_loop3A_438 : i32 to index
        %parallel_loop3A_441 = arith.index_cast %parallel_loop3A_439 : i32 to index
        %parallel_loop3A_442 = arith.index_cast %parallel_loop3A_250 : i32 to index
        %parallel_loop3A_443 = tpu.vector_load %arg11[%parallel_loop3A_440, %parallel_loop3A_441, %parallel_loop3A_442] {strides = array<i32>} : memref<2x32x128xf32, #tpu.memory_space<vmem>>, vector<16xf32>,
        tpu.vector_store %arg11[%parallel_loop3A_440, %parallel_loop3A_441, %parallel_loop3A_442], %parallel_loop3A_297 {strides = array<i32>} : memref<2x32x128xf32, #tpu.memory_space<vmem>>, vector<16xf32>,
        %parallel_loop3A_444 = arith.constant 0 : i32
        %parallel_loop3A_445 = arith.constant 9 : i32
        %parallel_loop3A_446 = arith.index_cast %parallel_loop3A_444 : i32 to index
        %parallel_loop3A_447 = arith.index_cast %parallel_loop3A_445 : i32 to index
        %parallel_loop3A_448 = arith.index_cast %parallel_loop3A_250 : i32 to index
        %parallel_loop3A_449 = tpu.vector_load %arg11[%parallel_loop3A_446, %parallel_loop3A_447, %parallel_loop3A_448] {strides = array<i32>} : memref<2x32x128xf32, #tpu.memory_space<vmem>>, vector<16xf32>,
        tpu.vector_store %arg11[%parallel_loop3A_446, %parallel_loop3A_447, %parallel_loop3A_448], %parallel_loop3A_301 {strides = array<i32>} : memref<2x32x128xf32, #tpu.memory_space<vmem>>, vector<16xf32>,
        %parallel_loop3A_450 = arith.constant 0 : i32
        %parallel_loop3A_451 = arith.constant 10 : i32
        %parallel_loop3A_452 = arith.index_cast %parallel_loop3A_450 : i32 to index
        %parallel_loop3A_453 = arith.index_cast %parallel_loop3A_451 : i32 to index
        %parallel_loop3A_454 = arith.index_cast %parallel_loop3A_250 : i32 to index
        %parallel_loop3A_455 = tpu.vector_load %arg11[%parallel_loop3A_452, %parallel_loop3A_453, %parallel_loop3A_454] {strides = array<i32>} : memref<2x32x128xf32, #tpu.memory_space<vmem>>, vector<16xf32>,
        tpu.vector_store %arg11[%parallel_loop3A_452, %parallel_loop3A_453, %parallel_loop3A_454], %parallel_loop3A_305 {strides = array<i32>} : memref<2x32x128xf32, #tpu.memory_space<vmem>>, vector<16xf32>,
        %parallel_loop3A_456 = arith.constant 0 : i32
        %parallel_loop3A_457 = arith.constant 11 : i32
        %parallel_loop3A_458 = arith.index_cast %parallel_loop3A_456 : i32 to index
        %parallel_loop3A_459 = arith.index_cast %parallel_loop3A_457 : i32 to index
        %parallel_loop3A_460 = arith.index_cast %parallel_loop3A_250 : i32 to index
        %parallel_loop3A_461 = tpu.vector_load %arg11[%parallel_loop3A_458, %parallel_loop3A_459, %parallel_loop3A_460] {strides = array<i32>} : memref<2x32x128xf32, #tpu.memory_space<vmem>>, vector<16xf32>,
        tpu.vector_store %arg11[%parallel_loop3A_458, %parallel_loop3A_459, %parallel_loop3A_460], %parallel_loop3A_309 {strides = array<i32>} : memref<2x32x128xf32, #tpu.memory_space<vmem>>, vector<16xf32>,
        %parallel_loop3A_462 = arith.constant 0 : i32
        %parallel_loop3A_463 = arith.constant 12 : i32
        %parallel_loop3A_464 = arith.index_cast %parallel_loop3A_462 : i32 to index
        %parallel_loop3A_465 = arith.index_cast %parallel_loop3A_463 : i32 to index
        %parallel_loop3A_466 = arith.index_cast %parallel_loop3A_250 : i32 to index
        %parallel_loop3A_467 = tpu.vector_load %arg11[%parallel_loop3A_464, %parallel_loop3A_465, %parallel_loop3A_466] {strides = array<i32>} : memref<2x32x128xf32, #tpu.memory_space<vmem>>, vector<16xf32>,
        tpu.vector_store %arg11[%parallel_loop3A_464, %parallel_loop3A_465, %parallel_loop3A_466], %parallel_loop3A_313 {strides = array<i32>} : memref<2x32x128xf32, #tpu.memory_space<vmem>>, vector<16xf32>,
        %parallel_loop3A_468 = arith.constant 0 : i32
        %parallel_loop3A_469 = arith.constant 13 : i32
        %parallel_loop3A_470 = arith.index_cast %parallel_loop3A_468 : i32 to index
        %parallel_loop3A_471 = arith.index_cast %parallel_loop3A_469 : i32 to index
        %parallel_loop3A_472 = arith.index_cast %parallel_loop3A_250 : i32 to index
        %parallel_loop3A_473 = tpu.vector_load %arg11[%parallel_loop3A_470, %parallel_loop3A_471, %parallel_loop3A_472] {strides = array<i32>} : memref<2x32x128xf32, #tpu.memory_space<vmem>>, vector<16xf32>,
        tpu.vector_store %arg11[%parallel_loop3A_470, %parallel_loop3A_471, %parallel_loop3A_472], %parallel_loop3A_317 {strides = array<i32>} : memref<2x32x128xf32, #tpu.memory_space<vmem>>, vector<16xf32>,
        %parallel_loop3A_474 = arith.constant 0 : i32
        %parallel_loop3A_475 = arith.constant 14 : i32
        %parallel_loop3A_476 = arith.index_cast %parallel_loop3A_474 : i32 to index
        %parallel_loop3A_477 = arith.index_cast %parallel_loop3A_475 : i32 to index
        %parallel_loop3A_478 = arith.index_cast %parallel_loop3A_250 : i32 to index
        %parallel_loop3A_479 = tpu.vector_load %arg11[%parallel_loop3A_476, %parallel_loop3A_477, %parallel_loop3A_478] {strides = array<i32>} : memref<2x32x128xf32, #tpu.memory_space<vmem>>, vector<16xf32>,
        tpu.vector_store %arg11[%parallel_loop3A_476, %parallel_loop3A_477, %parallel_loop3A_478], %parallel_loop3A_321 {strides = array<i32>} : memref<2x32x128xf32, #tpu.memory_space<vmem>>, vector<16xf32>,
        %parallel_loop3A_480 = arith.constant 0 : i32
        %parallel_loop3A_481 = arith.constant 15 : i32
        %parallel_loop3A_482 = arith.index_cast %parallel_loop3A_480 : i32 to index
        %parallel_loop3A_483 = arith.index_cast %parallel_loop3A_481 : i32 to index
        %parallel_loop3A_484 = arith.index_cast %parallel_loop3A_250 : i32 to index
        %parallel_loop3A_485 = tpu.vector_load %arg11[%parallel_loop3A_482, %parallel_loop3A_483, %parallel_loop3A_484] {strides = array<i32>} : memref<2x32x128xf32, #tpu.memory_space<vmem>>, vector<16xf32>,
        tpu.vector_store %arg11[%parallel_loop3A_482, %parallel_loop3A_483, %parallel_loop3A_484], %parallel_loop3A_325 {strides = array<i32>} : memref<2x32x128xf32, #tpu.memory_space<vmem>>, vector<16xf32>,
        %parallel_loop3A_486 = arith.constant 0 : i32
        %parallel_loop3A_487 = arith.constant 16 : i32
        %parallel_loop3A_488 = arith.index_cast %parallel_loop3A_486 : i32 to index
        %parallel_loop3A_489 = arith.index_cast %parallel_loop3A_487 : i32 to index
        %parallel_loop3A_490 = arith.index_cast %parallel_loop3A_250 : i32 to index
        %parallel_loop3A_491 = tpu.vector_load %arg11[%parallel_loop3A_488, %parallel_loop3A_489, %parallel_loop3A_490] {strides = array<i32>} : memref<2x32x128xf32, #tpu.memory_space<vmem>>, vector<16xf32>,
        tpu.vector_store %arg11[%parallel_loop3A_488, %parallel_loop3A_489, %parallel_loop3A_490], %parallel_loop3A_329 {strides = array<i32>} : memref<2x32x128xf32, #tpu.memory_space<vmem>>, vector<16xf32>,
        %parallel_loop3A_492 = arith.constant 0 : i32
        %parallel_loop3A_493 = arith.constant 17 : i32
        %parallel_loop3A_494 = arith.index_cast %parallel_loop3A_492 : i32 to index
        %parallel_loop3A_495 = arith.index_cast %parallel_loop3A_493 : i32 to index
        %parallel_loop3A_496 = arith.index_cast %parallel_loop3A_250 : i32 to index
        %parallel_loop3A_497 = tpu.vector_load %arg11[%parallel_loop3A_494, %parallel_loop3A_495, %parallel_loop3A_496] {strides = array<i32>} : memref<2x32x128xf32, #tpu.memory_space<vmem>>, vector<16xf32>,
        tpu.vector_store %arg11[%parallel_loop3A_494, %parallel_loop3A_495, %parallel_loop3A_496], %parallel_loop3A_333 {strides = array<i32>} : memref<2x32x128xf32, #tpu.memory_space<vmem>>, vector<16xf32>,
        %parallel_loop3A_498 = arith.constant 0 : i32
        %parallel_loop3A_499 = arith.constant 18 : i32
        %parallel_loop3A_500 = arith.index_cast %parallel_loop3A_498 : i32 to index
        %parallel_loop3A_501 = arith.index_cast %parallel_loop3A_499 : i32 to index
        %parallel_loop3A_502 = arith.index_cast %parallel_loop3A_250 : i32 to index
        %parallel_loop3A_503 = tpu.vector_load %arg11[%parallel_loop3A_500, %parallel_loop3A_501, %parallel_loop3A_502] {strides = array<i32>} : memref<2x32x128xf32, #tpu.memory_space<vmem>>, vector<16xf32>,
        tpu.vector_store %arg11[%parallel_loop3A_500, %parallel_loop3A_501, %parallel_loop3A_502], %parallel_loop3A_337 {strides = array<i32>} : memref<2x32x128xf32, #tpu.memory_space<vmem>>, vector<16xf32>,
        %parallel_loop3A_504 = arith.constant 0 : i32
        %parallel_loop3A_505 = arith.constant 19 : i32
        %parallel_loop3A_506 = arith.index_cast %parallel_loop3A_504 : i32 to index
        %parallel_loop3A_507 = arith.index_cast %parallel_loop3A_505 : i32 to index
        %parallel_loop3A_508 = arith.index_cast %parallel_loop3A_250 : i32 to index
        %parallel_loop3A_509 = tpu.vector_load %arg11[%parallel_loop3A_506, %parallel_loop3A_507, %parallel_loop3A_508] {strides = array<i32>} : memref<2x32x128xf32, #tpu.memory_space<vmem>>, vector<16xf32>,
        tpu.vector_store %arg11[%parallel_loop3A_506, %parallel_loop3A_507, %parallel_loop3A_508], %parallel_loop3A_341 {strides = array<i32>} : memref<2x32x128xf32, #tpu.memory_space<vmem>>, vector<16xf32>,
        %parallel_loop3A_510 = arith.constant 0 : i32
        %parallel_loop3A_511 = arith.constant 20 : i32
        %parallel_loop3A_512 = arith.index_cast %parallel_loop3A_510 : i32 to index
        %parallel_loop3A_513 = arith.index_cast %parallel_loop3A_511 : i32 to index
        %parallel_loop3A_514 = arith.index_cast %parallel_loop3A_250 : i32 to index
        %parallel_loop3A_515 = tpu.vector_load %arg11[%parallel_loop3A_512, %parallel_loop3A_513, %parallel_loop3A_514] {strides = array<i32>} : memref<2x32x128xf32, #tpu.memory_space<vmem>>, vector<16xf32>,
        tpu.vector_store %arg11[%parallel_loop3A_512, %parallel_loop3A_513, %parallel_loop3A_514], %parallel_loop3A_345 {strides = array<i32>} : memref<2x32x128xf32, #tpu.memory_space<vmem>>, vector<16xf32>,
        %parallel_loop3A_516 = arith.constant 0 : i32
        %parallel_loop3A_517 = arith.constant 21 : i32
        %parallel_loop3A_518 = arith.index_cast %parallel_loop3A_516 : i32 to index
        %parallel_loop3A_519 = arith.index_cast %parallel_loop3A_517 : i32 to index
        %parallel_loop3A_520 = arith.index_cast %parallel_loop3A_250 : i32 to index
        %parallel_loop3A_521 = tpu.vector_load %arg11[%parallel_loop3A_518, %parallel_loop3A_519, %parallel_loop3A_520] {strides = array<i32>} : memref<2x32x128xf32, #tpu.memory_space<vmem>>, vector<16xf32>,
        tpu.vector_store %arg11[%parallel_loop3A_518, %parallel_loop3A_519, %parallel_loop3A_520], %parallel_loop3A_349 {strides = array<i32>} : memref<2x32x128xf32, #tpu.memory_space<vmem>>, vector<16xf32>,
        %parallel_loop3A_522 = arith.constant 0 : i32
        %parallel_loop3A_523 = arith.constant 22 : i32
        %parallel_loop3A_524 = arith.index_cast %parallel_loop3A_522 : i32 to index
        %parallel_loop3A_525 = arith.index_cast %parallel_loop3A_523 : i32 to index
        %parallel_loop3A_526 = arith.index_cast %parallel_loop3A_250 : i32 to index
        %parallel_loop3A_527 = tpu.vector_load %arg11[%parallel_loop3A_524, %parallel_loop3A_525, %parallel_loop3A_526] {strides = array<i32>} : memref<2x32x128xf32, #tpu.memory_space<vmem>>, vector<16xf32>,
        tpu.vector_store %arg11[%parallel_loop3A_524, %parallel_loop3A_525, %parallel_loop3A_526], %parallel_loop3A_353 {strides = array<i32>} : memref<2x32x128xf32, #tpu.memory_space<vmem>>, vector<16xf32>,
        %parallel_loop3A_528 = arith.constant 0 : i32
        %parallel_loop3A_529 = arith.constant 23 : i32
        %parallel_loop3A_530 = arith.index_cast %parallel_loop3A_528 : i32 to index
        %parallel_loop3A_531 = arith.index_cast %parallel_loop3A_529 : i32 to index
        %parallel_loop3A_532 = arith.index_cast %parallel_loop3A_250 : i32 to index
        %parallel_loop3A_533 = tpu.vector_load %arg11[%parallel_loop3A_530, %parallel_loop3A_531, %parallel_loop3A_532] {strides = array<i32>} : memref<2x32x128xf32, #tpu.memory_space<vmem>>, vector<16xf32>,
        tpu.vector_store %arg11[%parallel_loop3A_530, %parallel_loop3A_531, %parallel_loop3A_532], %parallel_loop3A_357 {strides = array<i32>} : memref<2x32x128xf32, #tpu.memory_space<vmem>>, vector<16xf32>,
        %parallel_loop3A_534 = arith.constant 0 : i32
        %parallel_loop3A_535 = arith.constant 24 : i32
        %parallel_loop3A_536 = arith.index_cast %parallel_loop3A_534 : i32 to index
        %parallel_loop3A_537 = arith.index_cast %parallel_loop3A_535 : i32 to index
        %parallel_loop3A_538 = arith.index_cast %parallel_loop3A_250 : i32 to index
        %parallel_loop3A_539 = tpu.vector_load %arg11[%parallel_loop3A_536, %parallel_loop3A_537, %parallel_loop3A_538] {strides = array<i32>} : memref<2x32x128xf32, #tpu.memory_space<vmem>>, vector<16xf32>,
        tpu.vector_store %arg11[%parallel_loop3A_536, %parallel_loop3A_537, %parallel_loop3A_538], %parallel_loop3A_361 {strides = array<i32>} : memref<2x32x128xf32, #tpu.memory_space<vmem>>, vector<16xf32>,
        %parallel_loop3A_540 = arith.constant 0 : i32
        %parallel_loop3A_541 = arith.constant 25 : i32
        %parallel_loop3A_542 = arith.index_cast %parallel_loop3A_540 : i32 to index
        %parallel_loop3A_543 = arith.index_cast %parallel_loop3A_541 : i32 to index
        %parallel_loop3A_544 = arith.index_cast %parallel_loop3A_250 : i32 to index
        %parallel_loop3A_545 = tpu.vector_load %arg11[%parallel_loop3A_542, %parallel_loop3A_543, %parallel_loop3A_544] {strides = array<i32>} : memref<2x32x128xf32, #tpu.memory_space<vmem>>, vector<16xf32>,
        tpu.vector_store %arg11[%parallel_loop3A_542, %parallel_loop3A_543, %parallel_loop3A_544], %parallel_loop3A_365 {strides = array<i32>} : memref<2x32x128xf32, #tpu.memory_space<vmem>>, vector<16xf32>,
        %parallel_loop3A_546 = arith.constant 0 : i32
        %parallel_loop3A_547 = arith.constant 26 : i32
        %parallel_loop3A_548 = arith.index_cast %parallel_loop3A_546 : i32 to index
        %parallel_loop3A_549 = arith.index_cast %parallel_loop3A_547 : i32 to index
        %parallel_loop3A_550 = arith.index_cast %parallel_loop3A_250 : i32 to index
        %parallel_loop3A_551 = tpu.vector_load %arg11[%parallel_loop3A_548, %parallel_loop3A_549, %parallel_loop3A_550] {strides = array<i32>} : memref<2x32x128xf32, #tpu.memory_space<vmem>>, vector<16xf32>,
        tpu.vector_store %arg11[%parallel_loop3A_548, %parallel_loop3A_549, %parallel_loop3A_550], %parallel_loop3A_369 {strides = array<i32>} : memref<2x32x128xf32, #tpu.memory_space<vmem>>, vector<16xf32>,
        %parallel_loop3A_552 = arith.constant 0 : i32
        %parallel_loop3A_553 = arith.constant 27 : i32
        %parallel_loop3A_554 = arith.index_cast %parallel_loop3A_552 : i32 to index
        %parallel_loop3A_555 = arith.index_cast %parallel_loop3A_553 : i32 to index
        %parallel_loop3A_556 = arith.index_cast %parallel_loop3A_250 : i32 to index
        %parallel_loop3A_557 = tpu.vector_load %arg11[%parallel_loop3A_554, %parallel_loop3A_555, %parallel_loop3A_556] {strides = array<i32>} : memref<2x32x128xf32, #tpu.memory_space<vmem>>, vector<16xf32>,
        tpu.vector_store %arg11[%parallel_loop3A_554, %parallel_loop3A_555, %parallel_loop3A_556], %parallel_loop3A_373 {strides = array<i32>} : memref<2x32x128xf32, #tpu.memory_space<vmem>>, vector<16xf32>,
        %parallel_loop3A_558 = arith.constant 0 : i32
        %parallel_loop3A_559 = arith.constant 28 : i32
        %parallel_loop3A_560 = arith.index_cast %parallel_loop3A_558 : i32 to index
        %parallel_loop3A_561 = arith.index_cast %parallel_loop3A_559 : i32 to index
        %parallel_loop3A_562 = arith.index_cast %parallel_loop3A_250 : i32 to index
        %parallel_loop3A_563 = tpu.vector_load %arg11[%parallel_loop3A_560, %parallel_loop3A_561, %parallel_loop3A_562] {strides = array<i32>} : memref<2x32x128xf32, #tpu.memory_space<vmem>>, vector<16xf32>,
        tpu.vector_store %arg11[%parallel_loop3A_560, %parallel_loop3A_561, %parallel_loop3A_562], %parallel_loop3A_377 {strides = array<i32>} : memref<2x32x128xf32, #tpu.memory_space<vmem>>, vector<16xf32>,
        %parallel_loop3A_564 = arith.constant 0 : i32
        %parallel_loop3A_565 = arith.constant 29 : i32
        %parallel_loop3A_566 = arith.index_cast %parallel_loop3A_564 : i32 to index
        %parallel_loop3A_567 = arith.index_cast %parallel_loop3A_565 : i32 to index
        %parallel_loop3A_568 = arith.index_cast %parallel_loop3A_250 : i32 to index
        %parallel_loop3A_569 = tpu.vector_load %arg11[%parallel_loop3A_566, %parallel_loop3A_567, %parallel_loop3A_568] {strides = array<i32>} : memref<2x32x128xf32, #tpu.memory_space<vmem>>, vector<16xf32>,
        tpu.vector_store %arg11[%parallel_loop3A_566, %parallel_loop3A_567, %parallel_loop3A_568], %parallel_loop3A_381 {strides = array<i32>} : memref<2x32x128xf32, #tpu.memory_space<vmem>>, vector<16xf32>,
        %parallel_loop3A_570 = arith.constant 0 : i32
        %parallel_loop3A_571 = arith.constant 30 : i32
        %parallel_loop3A_572 = arith.index_cast %parallel_loop3A_570 : i32 to index
        %parallel_loop3A_573 = arith.index_cast %parallel_loop3A_571 : i32 to index
        %parallel_loop3A_574 = arith.index_cast %parallel_loop3A_250 : i32 to index
        %parallel_loop3A_575 = tpu.vector_load %arg11[%parallel_loop3A_572, %parallel_loop3A_573, %parallel_loop3A_574] {strides = array<i32>} : memref<2x32x128xf32, #tpu.memory_space<vmem>>, vector<16xf32>,
        tpu.vector_store %arg11[%parallel_loop3A_572, %parallel_loop3A_573, %parallel_loop3A_574], %parallel_loop3A_385 {strides = array<i32>} : memref<2x32x128xf32, #tpu.memory_space<vmem>>, vector<16xf32>,
        %parallel_loop3A_576 = arith.constant 0 : i32
        %parallel_loop3A_577 = arith.constant 31 : i32
        %parallel_loop3A_578 = arith.index_cast %parallel_loop3A_576 : i32 to index
        %parallel_loop3A_579 = arith.index_cast %parallel_loop3A_577 : i32 to index
        %parallel_loop3A_580 = arith.index_cast %parallel_loop3A_250 : i32 to index
        %parallel_loop3A_581 = tpu.vector_load %arg11[%parallel_loop3A_578, %parallel_loop3A_579, %parallel_loop3A_580] {strides = array<i32>} : memref<2x32x128xf32, #tpu.memory_space<vmem>>, vector<16xf32>,
        tpu.vector_store %arg11[%parallel_loop3A_578, %parallel_loop3A_579, %parallel_loop3A_580], %parallel_loop3A_389 {strides = array<i32>} : memref<2x32x128xf32, #tpu.memory_space<vmem>>, vector<16xf32>,
      } {sc.loop_unroll_factor = 4 : i64, sc.parallel_access}
      %mul3A_160 = arith.constant 2 : i32
      %mul3A_161 = arith.muli %mul3A_131, %mul3A_160 : i32
      %add3A_162 = arith.constant 1 : i32
      %add3A_163 = arith.addi %mul3A_161, %add3A_162 : i32
      %add3A_164 = arith.constant 1 : i32
      %add3A_165 = arith.addi %add3A_163, %add3A_164 : i32
      %dma_start3A_166 = arith.constant 0 : i32
      %dma_start3A_167 = tpu.memref_slice %arg8[%add3A_165, %dma_start3A_166] : memref<200x128xi32, #tpu.memory_space<vmem>> -> memref<1x128xi32, #tpu.memory_space<vmem>>
      %dma_start3A_168 = tpu.memref_squeeze %dma_start3A_167 : memref<1x128xi32, #tpu.memory_space<vmem>> -> memref<128xi32, #tpu.memory_space<vmem>>
      %dma_start3A_169 = arith.constant 0 : i32
      %dma_start3A_170 = arith.constant 0 : i32
      %dma_start3A_171 = tpu.memref_slice %arg4[%dma_start3A_169, %dma_start3A_170] : memref<250000x128xf32, #tpu.memory_space<hbm>> -> memref<250000x128xf32, #tpu.memory_space<hbm>>
      tpu.enqueue_indirect_dma source(%dma_start3A_171 : memref<250000x128xf32, #tpu.memory_space<hbm>>) target(%arg9 : memref<128x128xf32, #tpu.memory_space<vmem>>) offsets(%dma_start3A_168 : memref<128xi32, #tpu.memory_space<vmem>>) semaphore(%arg13 : memref<!tpu.dma_semaphore, #tpu.memory_space<semaphore_mem>>)
      %dma_wait3A_172 = arith.constant 0 : i32
      %dma_wait3A_173 = arith.constant 0 : i32
      %dma_wait3A_174 = tpu.memref_slice %arg8[%dma_wait3A_172, %dma_wait3A_173] : memref<200x128xi32, #tpu.memory_space<vmem>> -> memref<1x128xi32, #tpu.memory_space<vmem>>
      %dma_wait3A_175 = tpu.memref_squeeze %dma_wait3A_174 : memref<1x128xi32, #tpu.memory_space<vmem>> -> memref<128xi32, #tpu.memory_space<vmem>>
      %dma_wait3A_176 = arith.constant 0 : i32
      %dma_wait3A_177 = arith.constant 0 : i32
      %dma_wait3A_178 = tpu.memref_slice %arg4[%dma_wait3A_176, %dma_wait3A_177] : memref<250000x128xf32, #tpu.memory_space<hbm>> -> memref<250000x128xf32, #tpu.memory_space<hbm>>
      tpu.wait_indirect_dma semaphore(%arg13 : memref<!tpu.dma_semaphore, #tpu.memory_space<semaphore_mem>>) src(%dma_wait3A_178 : memref<250000x128xf32, #tpu.memory_space<hbm>>) dst(%arg10 : memref<128x128xf32, #tpu.memory_space<vmem>>)
      %parallel_loop3A_179 = arith.constant 0 : i32
      %parallel_loop3A_180 = arith.constant 8 : i32
      %parallel_loop3A_181 = arith.constant 1 : i32
      scf.for %parallel_loop3A_248 = %parallel_loop3A_179 to %parallel_loop3A_180 step %parallel_loop3A_181  : i32 {
        %parallel_loop3A_249 = arith.constant 16 : i32
        %parallel_loop3A_250 = arith.muli %parallel_loop3A_248, %parallel_loop3A_249 : i32
        %parallel_loop3A_251 = arith.index_cast %add3A_163 : i32 to index
        %parallel_loop3A_252 = arith.index_cast %parallel_loop3A_250 : i32 to index
        %parallel_loop3A_253 = tpu.vector_load %arg7[%parallel_loop3A_251, %parallel_loop3A_252] {strides = array<i32>} : memref<200x128xi32, #tpu.memory_space<vmem>>, vector<16xi32>,
        %parallel_loop3A_254 = arith.constant 3 : i32
        %parallel_loop3A_255 = vector.broadcast %parallel_loop3A_254 : i32 to vector<16xi32>
        %parallel_loop3A_256 = arith.andi %parallel_loop3A_253, %parallel_loop3A_255 : vector<16xi32>
        %parallel_loop3A_257 = arith.constant 5 : i32
        %parallel_loop3A_258 = vector.broadcast %parallel_loop3A_257 : i32 to vector<16xi32>
        %parallel_loop3A_259 = arith.shli %parallel_loop3A_256, %parallel_loop3A_258 : vector<16xi32>
        %parallel_loop3A_260 = vector.broadcast %parallel_loop3A_250 : i32 to vector<16xi32>
        %parallel_loop3A_261 = arith.addi %iota3A, %parallel_loop3A_260 : vector<16xi32>
        %parallel_loop3A_262 = arith.constant 0 : i32
        %parallel_loop3A_263 = vector.broadcast %parallel_loop3A_262 : i32 to vector<16xi32>
        %parallel_loop3A_264 = arith.addi %parallel_loop3A_259, %parallel_loop3A_263 : vector<16xi32>
        %parallel_loop3A_265 = tpu.vector_load_idx %arg10[%parallel_loop3A_261, %parallel_loop3A_264] : memref<128x128xf32, #tpu.memory_space<vmem>>[vector<16xi32>, vector<16xi32>], vector<16xf32>,
        %parallel_loop3A_266 = arith.constant 1 : i32
        %parallel_loop3A_267 = vector.broadcast %parallel_loop3A_266 : i32 to vector<16xi32>
        %parallel_loop3A_268 = arith.addi %parallel_loop3A_259, %parallel_loop3A_267 : vector<16xi32>
        %parallel_loop3A_269 = tpu.vector_load_idx %arg10[%parallel_loop3A_261, %parallel_loop3A_268] : memref<128x128xf32, #tpu.memory_space<vmem>>[vector<16xi32>, vector<16xi32>], vector<16xf32>,
        %parallel_loop3A_270 = arith.constant 2 : i32
        %parallel_loop3A_271 = vector.broadcast %parallel_loop3A_270 : i32 to vector<16xi32>
        %parallel_loop3A_272 = arith.addi %parallel_loop3A_259, %parallel_loop3A_271 : vector<16xi32>
        %parallel_loop3A_273 = tpu.vector_load_idx %arg10[%parallel_loop3A_261, %parallel_loop3A_272] : memref<128x128xf32, #tpu.memory_space<vmem>>[vector<16xi32>, vector<16xi32>], vector<16xf32>,
        %parallel_loop3A_274 = arith.constant 3 : i32
        %parallel_loop3A_275 = vector.broadcast %parallel_loop3A_274 : i32 to vector<16xi32>
        %parallel_loop3A_276 = arith.addi %parallel_loop3A_259, %parallel_loop3A_275 : vector<16xi32>
        %parallel_loop3A_277 = tpu.vector_load_idx %arg10[%parallel_loop3A_261, %parallel_loop3A_276] : memref<128x128xf32, #tpu.memory_space<vmem>>[vector<16xi32>, vector<16xi32>], vector<16xf32>,
        %parallel_loop3A_278 = arith.constant 4 : i32
        %parallel_loop3A_279 = vector.broadcast %parallel_loop3A_278 : i32 to vector<16xi32>
        %parallel_loop3A_280 = arith.addi %parallel_loop3A_259, %parallel_loop3A_279 : vector<16xi32>
        %parallel_loop3A_281 = tpu.vector_load_idx %arg10[%parallel_loop3A_261, %parallel_loop3A_280] : memref<128x128xf32, #tpu.memory_space<vmem>>[vector<16xi32>, vector<16xi32>], vector<16xf32>,
        %parallel_loop3A_282 = arith.constant 5 : i32
        %parallel_loop3A_283 = vector.broadcast %parallel_loop3A_282 : i32 to vector<16xi32>
        %parallel_loop3A_284 = arith.addi %parallel_loop3A_259, %parallel_loop3A_283 : vector<16xi32>
        %parallel_loop3A_285 = tpu.vector_load_idx %arg10[%parallel_loop3A_261, %parallel_loop3A_284] : memref<128x128xf32, #tpu.memory_space<vmem>>[vector<16xi32>, vector<16xi32>], vector<16xf32>,
        %parallel_loop3A_286 = arith.constant 6 : i32
        %parallel_loop3A_287 = vector.broadcast %parallel_loop3A_286 : i32 to vector<16xi32>
        %parallel_loop3A_288 = arith.addi %parallel_loop3A_259, %parallel_loop3A_287 : vector<16xi32>
        %parallel_loop3A_289 = tpu.vector_load_idx %arg10[%parallel_loop3A_261, %parallel_loop3A_288] : memref<128x128xf32, #tpu.memory_space<vmem>>[vector<16xi32>, vector<16xi32>], vector<16xf32>,
        %parallel_loop3A_290 = arith.constant 7 : i32
        %parallel_loop3A_291 = vector.broadcast %parallel_loop3A_290 : i32 to vector<16xi32>
        %parallel_loop3A_292 = arith.addi %parallel_loop3A_259, %parallel_loop3A_291 : vector<16xi32>
        %parallel_loop3A_293 = tpu.vector_load_idx %arg10[%parallel_loop3A_261, %parallel_loop3A_292] : memref<128x128xf32, #tpu.memory_space<vmem>>[vector<16xi32>, vector<16xi32>], vector<16xf32>,
        %parallel_loop3A_294 = arith.constant 8 : i32
        %parallel_loop3A_295 = vector.broadcast %parallel_loop3A_294 : i32 to vector<16xi32>
        %parallel_loop3A_296 = arith.addi %parallel_loop3A_259, %parallel_loop3A_295 : vector<16xi32>
        %parallel_loop3A_297 = tpu.vector_load_idx %arg10[%parallel_loop3A_261, %parallel_loop3A_296] : memref<128x128xf32, #tpu.memory_space<vmem>>[vector<16xi32>, vector<16xi32>], vector<16xf32>,
        %parallel_loop3A_298 = arith.constant 9 : i32
        %parallel_loop3A_299 = vector.broadcast %parallel_loop3A_298 : i32 to vector<16xi32>
        %parallel_loop3A_300 = arith.addi %parallel_loop3A_259, %parallel_loop3A_299 : vector<16xi32>
        %parallel_loop3A_301 = tpu.vector_load_idx %arg10[%parallel_loop3A_261, %parallel_loop3A_300] : memref<128x128xf32, #tpu.memory_space<vmem>>[vector<16xi32>, vector<16xi32>], vector<16xf32>,
        %parallel_loop3A_302 = arith.constant 10 : i32
        %parallel_loop3A_303 = vector.broadcast %parallel_loop3A_302 : i32 to vector<16xi32>
        %parallel_loop3A_304 = arith.addi %parallel_loop3A_259, %parallel_loop3A_303 : vector<16xi32>
        %parallel_loop3A_305 = tpu.vector_load_idx %arg10[%parallel_loop3A_261, %parallel_loop3A_304] : memref<128x128xf32, #tpu.memory_space<vmem>>[vector<16xi32>, vector<16xi32>], vector<16xf32>,
        %parallel_loop3A_306 = arith.constant 11 : i32
        %parallel_loop3A_307 = vector.broadcast %parallel_loop3A_306 : i32 to vector<16xi32>
        %parallel_loop3A_308 = arith.addi %parallel_loop3A_259, %parallel_loop3A_307 : vector<16xi32>
        %parallel_loop3A_309 = tpu.vector_load_idx %arg10[%parallel_loop3A_261, %parallel_loop3A_308] : memref<128x128xf32, #tpu.memory_space<vmem>>[vector<16xi32>, vector<16xi32>], vector<16xf32>,
        %parallel_loop3A_310 = arith.constant 12 : i32
        %parallel_loop3A_311 = vector.broadcast %parallel_loop3A_310 : i32 to vector<16xi32>
        %parallel_loop3A_312 = arith.addi %parallel_loop3A_259, %parallel_loop3A_311 : vector<16xi32>
        %parallel_loop3A_313 = tpu.vector_load_idx %arg10[%parallel_loop3A_261, %parallel_loop3A_312] : memref<128x128xf32, #tpu.memory_space<vmem>>[vector<16xi32>, vector<16xi32>], vector<16xf32>,
        %parallel_loop3A_314 = arith.constant 13 : i32
        %parallel_loop3A_315 = vector.broadcast %parallel_loop3A_314 : i32 to vector<16xi32>
        %parallel_loop3A_316 = arith.addi %parallel_loop3A_259, %parallel_loop3A_315 : vector<16xi32>
        %parallel_loop3A_317 = tpu.vector_load_idx %arg10[%parallel_loop3A_261, %parallel_loop3A_316] : memref<128x128xf32, #tpu.memory_space<vmem>>[vector<16xi32>, vector<16xi32>], vector<16xf32>,
        %parallel_loop3A_318 = arith.constant 14 : i32
        %parallel_loop3A_319 = vector.broadcast %parallel_loop3A_318 : i32 to vector<16xi32>
        %parallel_loop3A_320 = arith.addi %parallel_loop3A_259, %parallel_loop3A_319 : vector<16xi32>
        %parallel_loop3A_321 = tpu.vector_load_idx %arg10[%parallel_loop3A_261, %parallel_loop3A_320] : memref<128x128xf32, #tpu.memory_space<vmem>>[vector<16xi32>, vector<16xi32>], vector<16xf32>,
        %parallel_loop3A_322 = arith.constant 15 : i32
        %parallel_loop3A_323 = vector.broadcast %parallel_loop3A_322 : i32 to vector<16xi32>
        %parallel_loop3A_324 = arith.addi %parallel_loop3A_259, %parallel_loop3A_323 : vector<16xi32>
        %parallel_loop3A_325 = tpu.vector_load_idx %arg10[%parallel_loop3A_261, %parallel_loop3A_324] : memref<128x128xf32, #tpu.memory_space<vmem>>[vector<16xi32>, vector<16xi32>], vector<16xf32>,
        %parallel_loop3A_326 = arith.constant 16 : i32
        %parallel_loop3A_327 = vector.broadcast %parallel_loop3A_326 : i32 to vector<16xi32>
        %parallel_loop3A_328 = arith.addi %parallel_loop3A_259, %parallel_loop3A_327 : vector<16xi32>
        %parallel_loop3A_329 = tpu.vector_load_idx %arg10[%parallel_loop3A_261, %parallel_loop3A_328] : memref<128x128xf32, #tpu.memory_space<vmem>>[vector<16xi32>, vector<16xi32>], vector<16xf32>,
        %parallel_loop3A_330 = arith.constant 17 : i32
        %parallel_loop3A_331 = vector.broadcast %parallel_loop3A_330 : i32 to vector<16xi32>
        %parallel_loop3A_332 = arith.addi %parallel_loop3A_259, %parallel_loop3A_331 : vector<16xi32>
        %parallel_loop3A_333 = tpu.vector_load_idx %arg10[%parallel_loop3A_261, %parallel_loop3A_332] : memref<128x128xf32, #tpu.memory_space<vmem>>[vector<16xi32>, vector<16xi32>], vector<16xf32>,
        %parallel_loop3A_334 = arith.constant 18 : i32
        %parallel_loop3A_335 = vector.broadcast %parallel_loop3A_334 : i32 to vector<16xi32>
        %parallel_loop3A_336 = arith.addi %parallel_loop3A_259, %parallel_loop3A_335 : vector<16xi32>
        %parallel_loop3A_337 = tpu.vector_load_idx %arg10[%parallel_loop3A_261, %parallel_loop3A_336] : memref<128x128xf32, #tpu.memory_space<vmem>>[vector<16xi32>, vector<16xi32>], vector<16xf32>,
        %parallel_loop3A_338 = arith.constant 19 : i32
        %parallel_loop3A_339 = vector.broadcast %parallel_loop3A_338 : i32 to vector<16xi32>
        %parallel_loop3A_340 = arith.addi %parallel_loop3A_259, %parallel_loop3A_339 : vector<16xi32>
        %parallel_loop3A_341 = tpu.vector_load_idx %arg10[%parallel_loop3A_261, %parallel_loop3A_340] : memref<128x128xf32, #tpu.memory_space<vmem>>[vector<16xi32>, vector<16xi32>], vector<16xf32>,
        %parallel_loop3A_342 = arith.constant 20 : i32
        %parallel_loop3A_343 = vector.broadcast %parallel_loop3A_342 : i32 to vector<16xi32>
        %parallel_loop3A_344 = arith.addi %parallel_loop3A_259, %parallel_loop3A_343 : vector<16xi32>
        %parallel_loop3A_345 = tpu.vector_load_idx %arg10[%parallel_loop3A_261, %parallel_loop3A_344] : memref<128x128xf32, #tpu.memory_space<vmem>>[vector<16xi32>, vector<16xi32>], vector<16xf32>,
        %parallel_loop3A_346 = arith.constant 21 : i32
        %parallel_loop3A_347 = vector.broadcast %parallel_loop3A_346 : i32 to vector<16xi32>
        %parallel_loop3A_348 = arith.addi %parallel_loop3A_259, %parallel_loop3A_347 : vector<16xi32>
        %parallel_loop3A_349 = tpu.vector_load_idx %arg10[%parallel_loop3A_261, %parallel_loop3A_348] : memref<128x128xf32, #tpu.memory_space<vmem>>[vector<16xi32>, vector<16xi32>], vector<16xf32>,
        %parallel_loop3A_350 = arith.constant 22 : i32
        %parallel_loop3A_351 = vector.broadcast %parallel_loop3A_350 : i32 to vector<16xi32>
        %parallel_loop3A_352 = arith.addi %parallel_loop3A_259, %parallel_loop3A_351 : vector<16xi32>
        %parallel_loop3A_353 = tpu.vector_load_idx %arg10[%parallel_loop3A_261, %parallel_loop3A_352] : memref<128x128xf32, #tpu.memory_space<vmem>>[vector<16xi32>, vector<16xi32>], vector<16xf32>,
        %parallel_loop3A_354 = arith.constant 23 : i32
        %parallel_loop3A_355 = vector.broadcast %parallel_loop3A_354 : i32 to vector<16xi32>
        %parallel_loop3A_356 = arith.addi %parallel_loop3A_259, %parallel_loop3A_355 : vector<16xi32>
        %parallel_loop3A_357 = tpu.vector_load_idx %arg10[%parallel_loop3A_261, %parallel_loop3A_356] : memref<128x128xf32, #tpu.memory_space<vmem>>[vector<16xi32>, vector<16xi32>], vector<16xf32>,
        %parallel_loop3A_358 = arith.constant 24 : i32
        %parallel_loop3A_359 = vector.broadcast %parallel_loop3A_358 : i32 to vector<16xi32>
        %parallel_loop3A_360 = arith.addi %parallel_loop3A_259, %parallel_loop3A_359 : vector<16xi32>
        %parallel_loop3A_361 = tpu.vector_load_idx %arg10[%parallel_loop3A_261, %parallel_loop3A_360] : memref<128x128xf32, #tpu.memory_space<vmem>>[vector<16xi32>, vector<16xi32>], vector<16xf32>,
        %parallel_loop3A_362 = arith.constant 25 : i32
        %parallel_loop3A_363 = vector.broadcast %parallel_loop3A_362 : i32 to vector<16xi32>
        %parallel_loop3A_364 = arith.addi %parallel_loop3A_259, %parallel_loop3A_363 : vector<16xi32>
        %parallel_loop3A_365 = tpu.vector_load_idx %arg10[%parallel_loop3A_261, %parallel_loop3A_364] : memref<128x128xf32, #tpu.memory_space<vmem>>[vector<16xi32>, vector<16xi32>], vector<16xf32>,
        %parallel_loop3A_366 = arith.constant 26 : i32
        %parallel_loop3A_367 = vector.broadcast %parallel_loop3A_366 : i32 to vector<16xi32>
        %parallel_loop3A_368 = arith.addi %parallel_loop3A_259, %parallel_loop3A_367 : vector<16xi32>
        %parallel_loop3A_369 = tpu.vector_load_idx %arg10[%parallel_loop3A_261, %parallel_loop3A_368] : memref<128x128xf32, #tpu.memory_space<vmem>>[vector<16xi32>, vector<16xi32>], vector<16xf32>,
        %parallel_loop3A_370 = arith.constant 27 : i32
        %parallel_loop3A_371 = vector.broadcast %parallel_loop3A_370 : i32 to vector<16xi32>
        %parallel_loop3A_372 = arith.addi %parallel_loop3A_259, %parallel_loop3A_371 : vector<16xi32>
        %parallel_loop3A_373 = tpu.vector_load_idx %arg10[%parallel_loop3A_261, %parallel_loop3A_372] : memref<128x128xf32, #tpu.memory_space<vmem>>[vector<16xi32>, vector<16xi32>], vector<16xf32>,
        %parallel_loop3A_374 = arith.constant 28 : i32
        %parallel_loop3A_375 = vector.broadcast %parallel_loop3A_374 : i32 to vector<16xi32>
        %parallel_loop3A_376 = arith.addi %parallel_loop3A_259, %parallel_loop3A_375 : vector<16xi32>
        %parallel_loop3A_377 = tpu.vector_load_idx %arg10[%parallel_loop3A_261, %parallel_loop3A_376] : memref<128x128xf32, #tpu.memory_space<vmem>>[vector<16xi32>, vector<16xi32>], vector<16xf32>,
        %parallel_loop3A_378 = arith.constant 29 : i32
        %parallel_loop3A_379 = vector.broadcast %parallel_loop3A_378 : i32 to vector<16xi32>
        %parallel_loop3A_380 = arith.addi %parallel_loop3A_259, %parallel_loop3A_379 : vector<16xi32>
        %parallel_loop3A_381 = tpu.vector_load_idx %arg10[%parallel_loop3A_261, %parallel_loop3A_380] : memref<128x128xf32, #tpu.memory_space<vmem>>[vector<16xi32>, vector<16xi32>], vector<16xf32>,
        %parallel_loop3A_382 = arith.constant 30 : i32
        %parallel_loop3A_383 = vector.broadcast %parallel_loop3A_382 : i32 to vector<16xi32>
        %parallel_loop3A_384 = arith.addi %parallel_loop3A_259, %parallel_loop3A_383 : vector<16xi32>
        %parallel_loop3A_385 = tpu.vector_load_idx %arg10[%parallel_loop3A_261, %parallel_loop3A_384] : memref<128x128xf32, #tpu.memory_space<vmem>>[vector<16xi32>, vector<16xi32>], vector<16xf32>,
        %parallel_loop3A_386 = arith.constant 31 : i32
        %parallel_loop3A_387 = vector.broadcast %parallel_loop3A_386 : i32 to vector<16xi32>
        %parallel_loop3A_388 = arith.addi %parallel_loop3A_259, %parallel_loop3A_387 : vector<16xi32>
        %parallel_loop3A_389 = tpu.vector_load_idx %arg10[%parallel_loop3A_261, %parallel_loop3A_388] : memref<128x128xf32, #tpu.memory_space<vmem>>[vector<16xi32>, vector<16xi32>], vector<16xf32>,
        %parallel_loop3A_390 = arith.constant 1 : i32
        %parallel_loop3A_391 = arith.constant 0 : i32
        %parallel_loop3A_392 = arith.index_cast %parallel_loop3A_390 : i32 to index
        %parallel_loop3A_393 = arith.index_cast %parallel_loop3A_391 : i32 to index
        %parallel_loop3A_394 = arith.index_cast %parallel_loop3A_250 : i32 to index
        %parallel_loop3A_395 = tpu.vector_load %arg11[%parallel_loop3A_392, %parallel_loop3A_393, %parallel_loop3A_394] {strides = array<i32>} : memref<2x32x128xf32, #tpu.memory_space<vmem>>, vector<16xf32>,
        tpu.vector_store %arg11[%parallel_loop3A_392, %parallel_loop3A_393, %parallel_loop3A_394], %parallel_loop3A_265 {strides = array<i32>} : memref<2x32x128xf32, #tpu.memory_space<vmem>>, vector<16xf32>,
        %parallel_loop3A_396 = arith.constant 1 : i32
        %parallel_loop3A_397 = arith.constant 1 : i32
        %parallel_loop3A_398 = arith.index_cast %parallel_loop3A_396 : i32 to index
        %parallel_loop3A_399 = arith.index_cast %parallel_loop3A_397 : i32 to index
        %parallel_loop3A_400 = arith.index_cast %parallel_loop3A_250 : i32 to index
        %parallel_loop3A_401 = tpu.vector_load %arg11[%parallel_loop3A_398, %parallel_loop3A_399, %parallel_loop3A_400] {strides = array<i32>} : memref<2x32x128xf32, #tpu.memory_space<vmem>>, vector<16xf32>,
        tpu.vector_store %arg11[%parallel_loop3A_398, %parallel_loop3A_399, %parallel_loop3A_400], %parallel_loop3A_269 {strides = array<i32>} : memref<2x32x128xf32, #tpu.memory_space<vmem>>, vector<16xf32>,
        %parallel_loop3A_402 = arith.constant 1 : i32
        %parallel_loop3A_403 = arith.constant 2 : i32
        %parallel_loop3A_404 = arith.index_cast %parallel_loop3A_402 : i32 to index
        %parallel_loop3A_405 = arith.index_cast %parallel_loop3A_403 : i32 to index
        %parallel_loop3A_406 = arith.index_cast %parallel_loop3A_250 : i32 to index
        %parallel_loop3A_407 = tpu.vector_load %arg11[%parallel_loop3A_404, %parallel_loop3A_405, %parallel_loop3A_406] {strides = array<i32>} : memref<2x32x128xf32, #tpu.memory_space<vmem>>, vector<16xf32>,
        tpu.vector_store %arg11[%parallel_loop3A_404, %parallel_loop3A_405, %parallel_loop3A_406], %parallel_loop3A_273 {strides = array<i32>} : memref<2x32x128xf32, #tpu.memory_space<vmem>>, vector<16xf32>,
        %parallel_loop3A_408 = arith.constant 1 : i32
        %parallel_loop3A_409 = arith.constant 3 : i32
        %parallel_loop3A_410 = arith.index_cast %parallel_loop3A_408 : i32 to index
        %parallel_loop3A_411 = arith.index_cast %parallel_loop3A_409 : i32 to index
        %parallel_loop3A_412 = arith.index_cast %parallel_loop3A_250 : i32 to index
        %parallel_loop3A_413 = tpu.vector_load %arg11[%parallel_loop3A_410, %parallel_loop3A_411, %parallel_loop3A_412] {strides = array<i32>} : memref<2x32x128xf32, #tpu.memory_space<vmem>>, vector<16xf32>,
        tpu.vector_store %arg11[%parallel_loop3A_410, %parallel_loop3A_411, %parallel_loop3A_412], %parallel_loop3A_277 {strides = array<i32>} : memref<2x32x128xf32, #tpu.memory_space<vmem>>, vector<16xf32>,
        %parallel_loop3A_414 = arith.constant 1 : i32
        %parallel_loop3A_415 = arith.constant 4 : i32
        %parallel_loop3A_416 = arith.index_cast %parallel_loop3A_414 : i32 to index
        %parallel_loop3A_417 = arith.index_cast %parallel_loop3A_415 : i32 to index
        %parallel_loop3A_418 = arith.index_cast %parallel_loop3A_250 : i32 to index
        %parallel_loop3A_419 = tpu.vector_load %arg11[%parallel_loop3A_416, %parallel_loop3A_417, %parallel_loop3A_418] {strides = array<i32>} : memref<2x32x128xf32, #tpu.memory_space<vmem>>, vector<16xf32>,
        tpu.vector_store %arg11[%parallel_loop3A_416, %parallel_loop3A_417, %parallel_loop3A_418], %parallel_loop3A_281 {strides = array<i32>} : memref<2x32x128xf32, #tpu.memory_space<vmem>>, vector<16xf32>,
        %parallel_loop3A_420 = arith.constant 1 : i32
        %parallel_loop3A_421 = arith.constant 5 : i32
        %parallel_loop3A_422 = arith.index_cast %parallel_loop3A_420 : i32 to index
        %parallel_loop3A_423 = arith.index_cast %parallel_loop3A_421 : i32 to index
        %parallel_loop3A_424 = arith.index_cast %parallel_loop3A_250 : i32 to index
        %parallel_loop3A_425 = tpu.vector_load %arg11[%parallel_loop3A_422, %parallel_loop3A_423, %parallel_loop3A_424] {strides = array<i32>} : memref<2x32x128xf32, #tpu.memory_space<vmem>>, vector<16xf32>,
        tpu.vector_store %arg11[%parallel_loop3A_422, %parallel_loop3A_423, %parallel_loop3A_424], %parallel_loop3A_285 {strides = array<i32>} : memref<2x32x128xf32, #tpu.memory_space<vmem>>, vector<16xf32>,
        %parallel_loop3A_426 = arith.constant 1 : i32
        %parallel_loop3A_427 = arith.constant 6 : i32
        %parallel_loop3A_428 = arith.index_cast %parallel_loop3A_426 : i32 to index
        %parallel_loop3A_429 = arith.index_cast %parallel_loop3A_427 : i32 to index
        %parallel_loop3A_430 = arith.index_cast %parallel_loop3A_250 : i32 to index
        %parallel_loop3A_431 = tpu.vector_load %arg11[%parallel_loop3A_428, %parallel_loop3A_429, %parallel_loop3A_430] {strides = array<i32>} : memref<2x32x128xf32, #tpu.memory_space<vmem>>, vector<16xf32>,
        tpu.vector_store %arg11[%parallel_loop3A_428, %parallel_loop3A_429, %parallel_loop3A_430], %parallel_loop3A_289 {strides = array<i32>} : memref<2x32x128xf32, #tpu.memory_space<vmem>>, vector<16xf32>,
        %parallel_loop3A_432 = arith.constant 1 : i32
        %parallel_loop3A_433 = arith.constant 7 : i32
        %parallel_loop3A_434 = arith.index_cast %parallel_loop3A_432 : i32 to index
        %parallel_loop3A_435 = arith.index_cast %parallel_loop3A_433 : i32 to index
        %parallel_loop3A_436 = arith.index_cast %parallel_loop3A_250 : i32 to index
        %parallel_loop3A_437 = tpu.vector_load %arg11[%parallel_loop3A_434, %parallel_loop3A_435, %parallel_loop3A_436] {strides = array<i32>} : memref<2x32x128xf32, #tpu.memory_space<vmem>>, vector<16xf32>,
        tpu.vector_store %arg11[%parallel_loop3A_434, %parallel_loop3A_435, %parallel_loop3A_436], %parallel_loop3A_293 {strides = array<i32>} : memref<2x32x128xf32, #tpu.memory_space<vmem>>, vector<16xf32>,
        %parallel_loop3A_438 = arith.constant 1 : i32
        %parallel_loop3A_439 = arith.constant 8 : i32
        %parallel_loop3A_440 = arith.index_cast %parallel_loop3A_438 : i32 to index
        %parallel_loop3A_441 = arith.index_cast %parallel_loop3A_439 : i32 to index
        %parallel_loop3A_442 = arith.index_cast %parallel_loop3A_250 : i32 to index
        %parallel_loop3A_443 = tpu.vector_load %arg11[%parallel_loop3A_440, %parallel_loop3A_441, %parallel_loop3A_442] {strides = array<i32>} : memref<2x32x128xf32, #tpu.memory_space<vmem>>, vector<16xf32>,
        tpu.vector_store %arg11[%parallel_loop3A_440, %parallel_loop3A_441, %parallel_loop3A_442], %parallel_loop3A_297 {strides = array<i32>} : memref<2x32x128xf32, #tpu.memory_space<vmem>>, vector<16xf32>,
        %parallel_loop3A_444 = arith.constant 1 : i32
        %parallel_loop3A_445 = arith.constant 9 : i32
        %parallel_loop3A_446 = arith.index_cast %parallel_loop3A_444 : i32 to index
        %parallel_loop3A_447 = arith.index_cast %parallel_loop3A_445 : i32 to index
        %parallel_loop3A_448 = arith.index_cast %parallel_loop3A_250 : i32 to index
        %parallel_loop3A_449 = tpu.vector_load %arg11[%parallel_loop3A_446, %parallel_loop3A_447, %parallel_loop3A_448] {strides = array<i32>} : memref<2x32x128xf32, #tpu.memory_space<vmem>>, vector<16xf32>,
        tpu.vector_store %arg11[%parallel_loop3A_446, %parallel_loop3A_447, %parallel_loop3A_448], %parallel_loop3A_301 {strides = array<i32>} : memref<2x32x128xf32, #tpu.memory_space<vmem>>, vector<16xf32>,
        %parallel_loop3A_450 = arith.constant 1 : i32
        %parallel_loop3A_451 = arith.constant 10 : i32
        %parallel_loop3A_452 = arith.index_cast %parallel_loop3A_450 : i32 to index
        %parallel_loop3A_453 = arith.index_cast %parallel_loop3A_451 : i32 to index
        %parallel_loop3A_454 = arith.index_cast %parallel_loop3A_250 : i32 to index
        %parallel_loop3A_455 = tpu.vector_load %arg11[%parallel_loop3A_452, %parallel_loop3A_453, %parallel_loop3A_454] {strides = array<i32>} : memref<2x32x128xf32, #tpu.memory_space<vmem>>, vector<16xf32>,
        tpu.vector_store %arg11[%parallel_loop3A_452, %parallel_loop3A_453, %parallel_loop3A_454], %parallel_loop3A_305 {strides = array<i32>} : memref<2x32x128xf32, #tpu.memory_space<vmem>>, vector<16xf32>,
        %parallel_loop3A_456 = arith.constant 1 : i32
        %parallel_loop3A_457 = arith.constant 11 : i32
        %parallel_loop3A_458 = arith.index_cast %parallel_loop3A_456 : i32 to index
        %parallel_loop3A_459 = arith.index_cast %parallel_loop3A_457 : i32 to index
        %parallel_loop3A_460 = arith.index_cast %parallel_loop3A_250 : i32 to index
        %parallel_loop3A_461 = tpu.vector_load %arg11[%parallel_loop3A_458, %parallel_loop3A_459, %parallel_loop3A_460] {strides = array<i32>} : memref<2x32x128xf32, #tpu.memory_space<vmem>>, vector<16xf32>,
        tpu.vector_store %arg11[%parallel_loop3A_458, %parallel_loop3A_459, %parallel_loop3A_460], %parallel_loop3A_309 {strides = array<i32>} : memref<2x32x128xf32, #tpu.memory_space<vmem>>, vector<16xf32>,
        %parallel_loop3A_462 = arith.constant 1 : i32
        %parallel_loop3A_463 = arith.constant 12 : i32
        %parallel_loop3A_464 = arith.index_cast %parallel_loop3A_462 : i32 to index
        %parallel_loop3A_465 = arith.index_cast %parallel_loop3A_463 : i32 to index
        %parallel_loop3A_466 = arith.index_cast %parallel_loop3A_250 : i32 to index
        %parallel_loop3A_467 = tpu.vector_load %arg11[%parallel_loop3A_464, %parallel_loop3A_465, %parallel_loop3A_466] {strides = array<i32>} : memref<2x32x128xf32, #tpu.memory_space<vmem>>, vector<16xf32>,
        tpu.vector_store %arg11[%parallel_loop3A_464, %parallel_loop3A_465, %parallel_loop3A_466], %parallel_loop3A_313 {strides = array<i32>} : memref<2x32x128xf32, #tpu.memory_space<vmem>>, vector<16xf32>,
        %parallel_loop3A_468 = arith.constant 1 : i32
        %parallel_loop3A_469 = arith.constant 13 : i32
        %parallel_loop3A_470 = arith.index_cast %parallel_loop3A_468 : i32 to index
        %parallel_loop3A_471 = arith.index_cast %parallel_loop3A_469 : i32 to index
        %parallel_loop3A_472 = arith.index_cast %parallel_loop3A_250 : i32 to index
        %parallel_loop3A_473 = tpu.vector_load %arg11[%parallel_loop3A_470, %parallel_loop3A_471, %parallel_loop3A_472] {strides = array<i32>} : memref<2x32x128xf32, #tpu.memory_space<vmem>>, vector<16xf32>,
        tpu.vector_store %arg11[%parallel_loop3A_470, %parallel_loop3A_471, %parallel_loop3A_472], %parallel_loop3A_317 {strides = array<i32>} : memref<2x32x128xf32, #tpu.memory_space<vmem>>, vector<16xf32>,
        %parallel_loop3A_474 = arith.constant 1 : i32
        %parallel_loop3A_475 = arith.constant 14 : i32
        %parallel_loop3A_476 = arith.index_cast %parallel_loop3A_474 : i32 to index
        %parallel_loop3A_477 = arith.index_cast %parallel_loop3A_475 : i32 to index
        %parallel_loop3A_478 = arith.index_cast %parallel_loop3A_250 : i32 to index
        %parallel_loop3A_479 = tpu.vector_load %arg11[%parallel_loop3A_476, %parallel_loop3A_477, %parallel_loop3A_478] {strides = array<i32>} : memref<2x32x128xf32, #tpu.memory_space<vmem>>, vector<16xf32>,
        tpu.vector_store %arg11[%parallel_loop3A_476, %parallel_loop3A_477, %parallel_loop3A_478], %parallel_loop3A_321 {strides = array<i32>} : memref<2x32x128xf32, #tpu.memory_space<vmem>>, vector<16xf32>,
        %parallel_loop3A_480 = arith.constant 1 : i32
        %parallel_loop3A_481 = arith.constant 15 : i32
        %parallel_loop3A_482 = arith.index_cast %parallel_loop3A_480 : i32 to index
        %parallel_loop3A_483 = arith.index_cast %parallel_loop3A_481 : i32 to index
        %parallel_loop3A_484 = arith.index_cast %parallel_loop3A_250 : i32 to index
        %parallel_loop3A_485 = tpu.vector_load %arg11[%parallel_loop3A_482, %parallel_loop3A_483, %parallel_loop3A_484] {strides = array<i32>} : memref<2x32x128xf32, #tpu.memory_space<vmem>>, vector<16xf32>,
        tpu.vector_store %arg11[%parallel_loop3A_482, %parallel_loop3A_483, %parallel_loop3A_484], %parallel_loop3A_325 {strides = array<i32>} : memref<2x32x128xf32, #tpu.memory_space<vmem>>, vector<16xf32>,
        %parallel_loop3A_486 = arith.constant 1 : i32
        %parallel_loop3A_487 = arith.constant 16 : i32
        %parallel_loop3A_488 = arith.index_cast %parallel_loop3A_486 : i32 to index
        %parallel_loop3A_489 = arith.index_cast %parallel_loop3A_487 : i32 to index
        %parallel_loop3A_490 = arith.index_cast %parallel_loop3A_250 : i32 to index
        %parallel_loop3A_491 = tpu.vector_load %arg11[%parallel_loop3A_488, %parallel_loop3A_489, %parallel_loop3A_490] {strides = array<i32>} : memref<2x32x128xf32, #tpu.memory_space<vmem>>, vector<16xf32>,
        tpu.vector_store %arg11[%parallel_loop3A_488, %parallel_loop3A_489, %parallel_loop3A_490], %parallel_loop3A_329 {strides = array<i32>} : memref<2x32x128xf32, #tpu.memory_space<vmem>>, vector<16xf32>,
        %parallel_loop3A_492 = arith.constant 1 : i32
        %parallel_loop3A_493 = arith.constant 17 : i32
        %parallel_loop3A_494 = arith.index_cast %parallel_loop3A_492 : i32 to index
        %parallel_loop3A_495 = arith.index_cast %parallel_loop3A_493 : i32 to index
        %parallel_loop3A_496 = arith.index_cast %parallel_loop3A_250 : i32 to index
        %parallel_loop3A_497 = tpu.vector_load %arg11[%parallel_loop3A_494, %parallel_loop3A_495, %parallel_loop3A_496] {strides = array<i32>} : memref<2x32x128xf32, #tpu.memory_space<vmem>>, vector<16xf32>,
        tpu.vector_store %arg11[%parallel_loop3A_494, %parallel_loop3A_495, %parallel_loop3A_496], %parallel_loop3A_333 {strides = array<i32>} : memref<2x32x128xf32, #tpu.memory_space<vmem>>, vector<16xf32>,
        %parallel_loop3A_498 = arith.constant 1 : i32
        %parallel_loop3A_499 = arith.constant 18 : i32
        %parallel_loop3A_500 = arith.index_cast %parallel_loop3A_498 : i32 to index
        %parallel_loop3A_501 = arith.index_cast %parallel_loop3A_499 : i32 to index
        %parallel_loop3A_502 = arith.index_cast %parallel_loop3A_250 : i32 to index
        %parallel_loop3A_503 = tpu.vector_load %arg11[%parallel_loop3A_500, %parallel_loop3A_501, %parallel_loop3A_502] {strides = array<i32>} : memref<2x32x128xf32, #tpu.memory_space<vmem>>, vector<16xf32>,
        tpu.vector_store %arg11[%parallel_loop3A_500, %parallel_loop3A_501, %parallel_loop3A_502], %parallel_loop3A_337 {strides = array<i32>} : memref<2x32x128xf32, #tpu.memory_space<vmem>>, vector<16xf32>,
        %parallel_loop3A_504 = arith.constant 1 : i32
        %parallel_loop3A_505 = arith.constant 19 : i32
        %parallel_loop3A_506 = arith.index_cast %parallel_loop3A_504 : i32 to index
        %parallel_loop3A_507 = arith.index_cast %parallel_loop3A_505 : i32 to index
        %parallel_loop3A_508 = arith.index_cast %parallel_loop3A_250 : i32 to index
        %parallel_loop3A_509 = tpu.vector_load %arg11[%parallel_loop3A_506, %parallel_loop3A_507, %parallel_loop3A_508] {strides = array<i32>} : memref<2x32x128xf32, #tpu.memory_space<vmem>>, vector<16xf32>,
        tpu.vector_store %arg11[%parallel_loop3A_506, %parallel_loop3A_507, %parallel_loop3A_508], %parallel_loop3A_341 {strides = array<i32>} : memref<2x32x128xf32, #tpu.memory_space<vmem>>, vector<16xf32>,
        %parallel_loop3A_510 = arith.constant 1 : i32
        %parallel_loop3A_511 = arith.constant 20 : i32
        %parallel_loop3A_512 = arith.index_cast %parallel_loop3A_510 : i32 to index
        %parallel_loop3A_513 = arith.index_cast %parallel_loop3A_511 : i32 to index
        %parallel_loop3A_514 = arith.index_cast %parallel_loop3A_250 : i32 to index
        %parallel_loop3A_515 = tpu.vector_load %arg11[%parallel_loop3A_512, %parallel_loop3A_513, %parallel_loop3A_514] {strides = array<i32>} : memref<2x32x128xf32, #tpu.memory_space<vmem>>, vector<16xf32>,
        tpu.vector_store %arg11[%parallel_loop3A_512, %parallel_loop3A_513, %parallel_loop3A_514], %parallel_loop3A_345 {strides = array<i32>} : memref<2x32x128xf32, #tpu.memory_space<vmem>>, vector<16xf32>,
        %parallel_loop3A_516 = arith.constant 1 : i32
        %parallel_loop3A_517 = arith.constant 21 : i32
        %parallel_loop3A_518 = arith.index_cast %parallel_loop3A_516 : i32 to index
        %parallel_loop3A_519 = arith.index_cast %parallel_loop3A_517 : i32 to index
        %parallel_loop3A_520 = arith.index_cast %parallel_loop3A_250 : i32 to index
        %parallel_loop3A_521 = tpu.vector_load %arg11[%parallel_loop3A_518, %parallel_loop3A_519, %parallel_loop3A_520] {strides = array<i32>} : memref<2x32x128xf32, #tpu.memory_space<vmem>>, vector<16xf32>,
        tpu.vector_store %arg11[%parallel_loop3A_518, %parallel_loop3A_519, %parallel_loop3A_520], %parallel_loop3A_349 {strides = array<i32>} : memref<2x32x128xf32, #tpu.memory_space<vmem>>, vector<16xf32>,
        %parallel_loop3A_522 = arith.constant 1 : i32
        %parallel_loop3A_523 = arith.constant 22 : i32
        %parallel_loop3A_524 = arith.index_cast %parallel_loop3A_522 : i32 to index
        %parallel_loop3A_525 = arith.index_cast %parallel_loop3A_523 : i32 to index
        %parallel_loop3A_526 = arith.index_cast %parallel_loop3A_250 : i32 to index
        %parallel_loop3A_527 = tpu.vector_load %arg11[%parallel_loop3A_524, %parallel_loop3A_525, %parallel_loop3A_526] {strides = array<i32>} : memref<2x32x128xf32, #tpu.memory_space<vmem>>, vector<16xf32>,
        tpu.vector_store %arg11[%parallel_loop3A_524, %parallel_loop3A_525, %parallel_loop3A_526], %parallel_loop3A_353 {strides = array<i32>} : memref<2x32x128xf32, #tpu.memory_space<vmem>>, vector<16xf32>,
        %parallel_loop3A_528 = arith.constant 1 : i32
        %parallel_loop3A_529 = arith.constant 23 : i32
        %parallel_loop3A_530 = arith.index_cast %parallel_loop3A_528 : i32 to index
        %parallel_loop3A_531 = arith.index_cast %parallel_loop3A_529 : i32 to index
        %parallel_loop3A_532 = arith.index_cast %parallel_loop3A_250 : i32 to index
        %parallel_loop3A_533 = tpu.vector_load %arg11[%parallel_loop3A_530, %parallel_loop3A_531, %parallel_loop3A_532] {strides = array<i32>} : memref<2x32x128xf32, #tpu.memory_space<vmem>>, vector<16xf32>,
        tpu.vector_store %arg11[%parallel_loop3A_530, %parallel_loop3A_531, %parallel_loop3A_532], %parallel_loop3A_357 {strides = array<i32>} : memref<2x32x128xf32, #tpu.memory_space<vmem>>, vector<16xf32>,
        %parallel_loop3A_534 = arith.constant 1 : i32
        %parallel_loop3A_535 = arith.constant 24 : i32
        %parallel_loop3A_536 = arith.index_cast %parallel_loop3A_534 : i32 to index
        %parallel_loop3A_537 = arith.index_cast %parallel_loop3A_535 : i32 to index
        %parallel_loop3A_538 = arith.index_cast %parallel_loop3A_250 : i32 to index
        %parallel_loop3A_539 = tpu.vector_load %arg11[%parallel_loop3A_536, %parallel_loop3A_537, %parallel_loop3A_538] {strides = array<i32>} : memref<2x32x128xf32, #tpu.memory_space<vmem>>, vector<16xf32>,
        tpu.vector_store %arg11[%parallel_loop3A_536, %parallel_loop3A_537, %parallel_loop3A_538], %parallel_loop3A_361 {strides = array<i32>} : memref<2x32x128xf32, #tpu.memory_space<vmem>>, vector<16xf32>,
        %parallel_loop3A_540 = arith.constant 1 : i32
        %parallel_loop3A_541 = arith.constant 25 : i32
        %parallel_loop3A_542 = arith.index_cast %parallel_loop3A_540 : i32 to index
        %parallel_loop3A_543 = arith.index_cast %parallel_loop3A_541 : i32 to index
        %parallel_loop3A_544 = arith.index_cast %parallel_loop3A_250 : i32 to index
        %parallel_loop3A_545 = tpu.vector_load %arg11[%parallel_loop3A_542, %parallel_loop3A_543, %parallel_loop3A_544] {strides = array<i32>} : memref<2x32x128xf32, #tpu.memory_space<vmem>>, vector<16xf32>,
        tpu.vector_store %arg11[%parallel_loop3A_542, %parallel_loop3A_543, %parallel_loop3A_544], %parallel_loop3A_365 {strides = array<i32>} : memref<2x32x128xf32, #tpu.memory_space<vmem>>, vector<16xf32>,
        %parallel_loop3A_546 = arith.constant 1 : i32
        %parallel_loop3A_547 = arith.constant 26 : i32
        %parallel_loop3A_548 = arith.index_cast %parallel_loop3A_546 : i32 to index
        %parallel_loop3A_549 = arith.index_cast %parallel_loop3A_547 : i32 to index
        %parallel_loop3A_550 = arith.index_cast %parallel_loop3A_250 : i32 to index
        %parallel_loop3A_551 = tpu.vector_load %arg11[%parallel_loop3A_548, %parallel_loop3A_549, %parallel_loop3A_550] {strides = array<i32>} : memref<2x32x128xf32, #tpu.memory_space<vmem>>, vector<16xf32>,
        tpu.vector_store %arg11[%parallel_loop3A_548, %parallel_loop3A_549, %parallel_loop3A_550], %parallel_loop3A_369 {strides = array<i32>} : memref<2x32x128xf32, #tpu.memory_space<vmem>>, vector<16xf32>,
        %parallel_loop3A_552 = arith.constant 1 : i32
        %parallel_loop3A_553 = arith.constant 27 : i32
        %parallel_loop3A_554 = arith.index_cast %parallel_loop3A_552 : i32 to index
        %parallel_loop3A_555 = arith.index_cast %parallel_loop3A_553 : i32 to index
        %parallel_loop3A_556 = arith.index_cast %parallel_loop3A_250 : i32 to index
        %parallel_loop3A_557 = tpu.vector_load %arg11[%parallel_loop3A_554, %parallel_loop3A_555, %parallel_loop3A_556] {strides = array<i32>} : memref<2x32x128xf32, #tpu.memory_space<vmem>>, vector<16xf32>,
        tpu.vector_store %arg11[%parallel_loop3A_554, %parallel_loop3A_555, %parallel_loop3A_556], %parallel_loop3A_373 {strides = array<i32>} : memref<2x32x128xf32, #tpu.memory_space<vmem>>, vector<16xf32>,
        %parallel_loop3A_558 = arith.constant 1 : i32
        %parallel_loop3A_559 = arith.constant 28 : i32
        %parallel_loop3A_560 = arith.index_cast %parallel_loop3A_558 : i32 to index
        %parallel_loop3A_561 = arith.index_cast %parallel_loop3A_559 : i32 to index
        %parallel_loop3A_562 = arith.index_cast %parallel_loop3A_250 : i32 to index
        %parallel_loop3A_563 = tpu.vector_load %arg11[%parallel_loop3A_560, %parallel_loop3A_561, %parallel_loop3A_562] {strides = array<i32>} : memref<2x32x128xf32, #tpu.memory_space<vmem>>, vector<16xf32>,
        tpu.vector_store %arg11[%parallel_loop3A_560, %parallel_loop3A_561, %parallel_loop3A_562], %parallel_loop3A_377 {strides = array<i32>} : memref<2x32x128xf32, #tpu.memory_space<vmem>>, vector<16xf32>,
        %parallel_loop3A_564 = arith.constant 1 : i32
        %parallel_loop3A_565 = arith.constant 29 : i32
        %parallel_loop3A_566 = arith.index_cast %parallel_loop3A_564 : i32 to index
        %parallel_loop3A_567 = arith.index_cast %parallel_loop3A_565 : i32 to index
        %parallel_loop3A_568 = arith.index_cast %parallel_loop3A_250 : i32 to index
        %parallel_loop3A_569 = tpu.vector_load %arg11[%parallel_loop3A_566, %parallel_loop3A_567, %parallel_loop3A_568] {strides = array<i32>} : memref<2x32x128xf32, #tpu.memory_space<vmem>>, vector<16xf32>,
        tpu.vector_store %arg11[%parallel_loop3A_566, %parallel_loop3A_567, %parallel_loop3A_568], %parallel_loop3A_381 {strides = array<i32>} : memref<2x32x128xf32, #tpu.memory_space<vmem>>, vector<16xf32>,
        %parallel_loop3A_570 = arith.constant 1 : i32
        %parallel_loop3A_571 = arith.constant 30 : i32
        %parallel_loop3A_572 = arith.index_cast %parallel_loop3A_570 : i32 to index
        %parallel_loop3A_573 = arith.index_cast %parallel_loop3A_571 : i32 to index
        %parallel_loop3A_574 = arith.index_cast %parallel_loop3A_250 : i32 to index
        %parallel_loop3A_575 = tpu.vector_load %arg11[%parallel_loop3A_572, %parallel_loop3A_573, %parallel_loop3A_574] {strides = array<i32>} : memref<2x32x128xf32, #tpu.memory_space<vmem>>, vector<16xf32>,
        tpu.vector_store %arg11[%parallel_loop3A_572, %parallel_loop3A_573, %parallel_loop3A_574], %parallel_loop3A_385 {strides = array<i32>} : memref<2x32x128xf32, #tpu.memory_space<vmem>>, vector<16xf32>,
        %parallel_loop3A_576 = arith.constant 1 : i32
        %parallel_loop3A_577 = arith.constant 31 : i32
        %parallel_loop3A_578 = arith.index_cast %parallel_loop3A_576 : i32 to index
        %parallel_loop3A_579 = arith.index_cast %parallel_loop3A_577 : i32 to index
        %parallel_loop3A_580 = arith.index_cast %parallel_loop3A_250 : i32 to index
        %parallel_loop3A_581 = tpu.vector_load %arg11[%parallel_loop3A_578, %parallel_loop3A_579, %parallel_loop3A_580] {strides = array<i32>} : memref<2x32x128xf32, #tpu.memory_space<vmem>>, vector<16xf32>,
        tpu.vector_store %arg11[%parallel_loop3A_578, %parallel_loop3A_579, %parallel_loop3A_580], %parallel_loop3A_389 {strides = array<i32>} : memref<2x32x128xf32, #tpu.memory_space<vmem>>, vector<16xf32>,
      } {sc.loop_unroll_factor = 4 : i64, sc.parallel_access}
      %mul3A_182 = arith.constant 2 : i32
      %mul3A_183 = arith.muli %mul3A_131, %mul3A_182 : i32
      %dma_start3A_184 = arith.constant 0 : i32
      %dma_start3A_185 = tpu.memref_slice %arg5[%mul3A_183, %dma_start3A_184, %mul3A_2] : memref<200x32x4096xf32, #tpu.memory_space<hbm>> -> memref<2x32x128xf32, #tpu.memory_space<hbm>>
      %dma_start3A_186 = arith.constant 0 : i32
      %dma_start3A_187 = tpu.memref_slice %arg5[%mul3A_183, %dma_start3A_186, %mul3A_2] : memref<200x32x4096xf32, #tpu.memory_space<hbm>> -> memref<2x32x128xf32, #tpu.memory_space<hbm>>
      tpu.enqueue_dma source(%arg11 : memref<2x32x128xf32, #tpu.memory_space<vmem>>) target(%dma_start3A_187 : memref<2x32x128xf32, #tpu.memory_space<hbm>>) target_semaphore(%arg14 : memref<!tpu.dma_semaphore, #tpu.memory_space<semaphore_mem>>)
      %mul3A_188 = arith.constant 2 : i32
      %mul3A_189 = arith.muli %mul3A_188, %scan3A_129 : i32
      %add3A_190 = arith.constant 1 : i32
      %add3A_191 = arith.addi %mul3A_189, %add3A_190 : i32
      %dma_wait3A_192 = arith.constant 0 : i32
      %dma_wait3A_193 = arith.constant 0 : i32
      %dma_wait3A_194 = tpu.memref_slice %arg5[%dma_wait3A_192, %dma_wait3A_193, %mul3A_2] : memref<200x32x4096xf32, #tpu.memory_space<hbm>> -> memref<2x32x128xf32, #tpu.memory_space<hbm>>
      %dma_wait3A_195 = arith.constant 0 : i32
      %dma_wait3A_196 = arith.constant 0 : i32
      %dma_wait3A_197 = tpu.memref_slice %arg5[%dma_wait3A_195, %dma_wait3A_196, %mul3A_2] : memref<200x32x4096xf32, #tpu.memory_space<hbm>> -> memref<2x32x128xf32, #tpu.memory_space<hbm>>
      tpu.wait_dma2 semaphore(%arg15 : memref<!tpu.dma_semaphore, #tpu.memory_space<semaphore_mem>>) src(%arg12 : memref<2x32x128xf32, #tpu.memory_space<vmem>>) dst(%dma_wait3A_197 : memref<2x32x128xf32, #tpu.memory_space<hbm>>)
      %mul3A_198 = arith.constant 2 : i32
      %mul3A_199 = arith.muli %add3A_191, %mul3A_198 : i32
      %add3A_200 = arith.constant 0 : i32
      %add3A_201 = arith.addi %mul3A_199, %add3A_200 : i32
      %add3A_202 = arith.constant 1 : i32
      %add3A_203 = arith.addi %add3A_201, %add3A_202 : i32
      %dma_start3A_204 = arith.constant 0 : i32
      %dma_start3A_205 = tpu.memref_slice %arg8[%add3A_203, %dma_start3A_204] : memref<200x128xi32, #tpu.memory_space<vmem>> -> memref<1x128xi32, #tpu.memory_space<vmem>>
      %dma_start3A_206 = tpu.memref_squeeze %dma_start3A_205 : memref<1x128xi32, #tpu.memory_space<vmem>> -> memref<128xi32, #tpu.memory_space<vmem>>
      %dma_start3A_207 = arith.constant 0 : i32
      %dma_start3A_208 = arith.constant 0 : i32
      %dma_start3A_209 = tpu.memref_slice %arg4[%dma_start3A_207, %dma_start3A_208] : memref<250000x128xf32, #tpu.memory_space<hbm>> -> memref<250000x128xf32, #tpu.memory_space<hbm>>
      tpu.enqueue_indirect_dma source(%dma_start3A_209 : memref<250000x128xf32, #tpu.memory_space<hbm>>) target(%arg10 : memref<128x128xf32, #tpu.memory_space<vmem>>) offsets(%dma_start3A_206 : memref<128xi32, #tpu.memory_space<vmem>>) semaphore(%arg13 : memref<!tpu.dma_semaphore, #tpu.memory_space<semaphore_mem>>)
      %dma_wait3A_210 = arith.constant 0 : i32
      %dma_wait3A_211 = arith.constant 0 : i32
      %dma_wait3A_212 = tpu.memref_slice %arg8[%dma_wait3A_210, %dma_wait3A_211] : memref<200x128xi32, #tpu.memory_space<vmem>> -> memref<1x128xi32, #tpu.memory_space<vmem>>
      %dma_wait3A_213 = tpu.memref_squeeze %dma_wait3A_212 : memref<1x128xi32, #tpu.memory_space<vmem>> -> memref<128xi32, #tpu.memory_space<vmem>>
      %dma_wait3A_214 = arith.constant 0 : i32
      %dma_wait3A_215 = arith.constant 0 : i32
      %dma_wait3A_216 = tpu.memref_slice %arg4[%dma_wait3A_214, %dma_wait3A_215] : memref<250000x128xf32, #tpu.memory_space<hbm>> -> memref<250000x128xf32, #tpu.memory_space<hbm>>
      tpu.wait_indirect_dma semaphore(%arg13 : memref<!tpu.dma_semaphore, #tpu.memory_space<semaphore_mem>>) src(%dma_wait3A_216 : memref<250000x128xf32, #tpu.memory_space<hbm>>) dst(%arg9 : memref<128x128xf32, #tpu.memory_space<vmem>>)
      %parallel_loop3A_217 = arith.constant 0 : i32
      %parallel_loop3A_218 = arith.constant 8 : i32
      %parallel_loop3A_219 = arith.constant 1 : i32
      scf.for %parallel_loop3A_248 = %parallel_loop3A_217 to %parallel_loop3A_218 step %parallel_loop3A_219  : i32 {
        %parallel_loop3A_249 = arith.constant 16 : i32
        %parallel_loop3A_250 = arith.muli %parallel_loop3A_248, %parallel_loop3A_249 : i32
        %parallel_loop3A_251 = arith.index_cast %add3A_201 : i32 to index
        %parallel_loop3A_252 = arith.index_cast %parallel_loop3A_250 : i32 to index
        %parallel_loop3A_253 = tpu.vector_load %arg7[%parallel_loop3A_251, %parallel_loop3A_252] {strides = array<i32>} : memref<200x128xi32, #tpu.memory_space<vmem>>, vector<16xi32>,
        %parallel_loop3A_254 = arith.constant 3 : i32
        %parallel_loop3A_255 = vector.broadcast %parallel_loop3A_254 : i32 to vector<16xi32>
        %parallel_loop3A_256 = arith.andi %parallel_loop3A_253, %parallel_loop3A_255 : vector<16xi32>
        %parallel_loop3A_257 = arith.constant 5 : i32
        %parallel_loop3A_258 = vector.broadcast %parallel_loop3A_257 : i32 to vector<16xi32>
        %parallel_loop3A_259 = arith.shli %parallel_loop3A_256, %parallel_loop3A_258 : vector<16xi32>
        %parallel_loop3A_260 = vector.broadcast %parallel_loop3A_250 : i32 to vector<16xi32>
        %parallel_loop3A_261 = arith.addi %iota3A, %parallel_loop3A_260 : vector<16xi32>
        %parallel_loop3A_262 = arith.constant 0 : i32
        %parallel_loop3A_263 = vector.broadcast %parallel_loop3A_262 : i32 to vector<16xi32>
        %parallel_loop3A_264 = arith.addi %parallel_loop3A_259, %parallel_loop3A_263 : vector<16xi32>
        %parallel_loop3A_265 = tpu.vector_load_idx %arg9[%parallel_loop3A_261, %parallel_loop3A_264] : memref<128x128xf32, #tpu.memory_space<vmem>>[vector<16xi32>, vector<16xi32>], vector<16xf32>,
        %parallel_loop3A_266 = arith.constant 1 : i32
        %parallel_loop3A_267 = vector.broadcast %parallel_loop3A_266 : i32 to vector<16xi32>
        %parallel_loop3A_268 = arith.addi %parallel_loop3A_259, %parallel_loop3A_267 : vector<16xi32>
        %parallel_loop3A_269 = tpu.vector_load_idx %arg9[%parallel_loop3A_261, %parallel_loop3A_268] : memref<128x128xf32, #tpu.memory_space<vmem>>[vector<16xi32>, vector<16xi32>], vector<16xf32>,
        %parallel_loop3A_270 = arith.constant 2 : i32
        %parallel_loop3A_271 = vector.broadcast %parallel_loop3A_270 : i32 to vector<16xi32>
        %parallel_loop3A_272 = arith.addi %parallel_loop3A_259, %parallel_loop3A_271 : vector<16xi32>
        %parallel_loop3A_273 = tpu.vector_load_idx %arg9[%parallel_loop3A_261, %parallel_loop3A_272] : memref<128x128xf32, #tpu.memory_space<vmem>>[vector<16xi32>, vector<16xi32>], vector<16xf32>,
        %parallel_loop3A_274 = arith.constant 3 : i32
        %parallel_loop3A_275 = vector.broadcast %parallel_loop3A_274 : i32 to vector<16xi32>
        %parallel_loop3A_276 = arith.addi %parallel_loop3A_259, %parallel_loop3A_275 : vector<16xi32>
        %parallel_loop3A_277 = tpu.vector_load_idx %arg9[%parallel_loop3A_261, %parallel_loop3A_276] : memref<128x128xf32, #tpu.memory_space<vmem>>[vector<16xi32>, vector<16xi32>], vector<16xf32>,
        %parallel_loop3A_278 = arith.constant 4 : i32
        %parallel_loop3A_279 = vector.broadcast %parallel_loop3A_278 : i32 to vector<16xi32>
        %parallel_loop3A_280 = arith.addi %parallel_loop3A_259, %parallel_loop3A_279 : vector<16xi32>
        %parallel_loop3A_281 = tpu.vector_load_idx %arg9[%parallel_loop3A_261, %parallel_loop3A_280] : memref<128x128xf32, #tpu.memory_space<vmem>>[vector<16xi32>, vector<16xi32>], vector<16xf32>,
        %parallel_loop3A_282 = arith.constant 5 : i32
        %parallel_loop3A_283 = vector.broadcast %parallel_loop3A_282 : i32 to vector<16xi32>
        %parallel_loop3A_284 = arith.addi %parallel_loop3A_259, %parallel_loop3A_283 : vector<16xi32>
        %parallel_loop3A_285 = tpu.vector_load_idx %arg9[%parallel_loop3A_261, %parallel_loop3A_284] : memref<128x128xf32, #tpu.memory_space<vmem>>[vector<16xi32>, vector<16xi32>], vector<16xf32>,
        %parallel_loop3A_286 = arith.constant 6 : i32
        %parallel_loop3A_287 = vector.broadcast %parallel_loop3A_286 : i32 to vector<16xi32>
        %parallel_loop3A_288 = arith.addi %parallel_loop3A_259, %parallel_loop3A_287 : vector<16xi32>
        %parallel_loop3A_289 = tpu.vector_load_idx %arg9[%parallel_loop3A_261, %parallel_loop3A_288] : memref<128x128xf32, #tpu.memory_space<vmem>>[vector<16xi32>, vector<16xi32>], vector<16xf32>,
        %parallel_loop3A_290 = arith.constant 7 : i32
        %parallel_loop3A_291 = vector.broadcast %parallel_loop3A_290 : i32 to vector<16xi32>
        %parallel_loop3A_292 = arith.addi %parallel_loop3A_259, %parallel_loop3A_291 : vector<16xi32>
        %parallel_loop3A_293 = tpu.vector_load_idx %arg9[%parallel_loop3A_261, %parallel_loop3A_292] : memref<128x128xf32, #tpu.memory_space<vmem>>[vector<16xi32>, vector<16xi32>], vector<16xf32>,
        %parallel_loop3A_294 = arith.constant 8 : i32
        %parallel_loop3A_295 = vector.broadcast %parallel_loop3A_294 : i32 to vector<16xi32>
        %parallel_loop3A_296 = arith.addi %parallel_loop3A_259, %parallel_loop3A_295 : vector<16xi32>
        %parallel_loop3A_297 = tpu.vector_load_idx %arg9[%parallel_loop3A_261, %parallel_loop3A_296] : memref<128x128xf32, #tpu.memory_space<vmem>>[vector<16xi32>, vector<16xi32>], vector<16xf32>,
        %parallel_loop3A_298 = arith.constant 9 : i32
        %parallel_loop3A_299 = vector.broadcast %parallel_loop3A_298 : i32 to vector<16xi32>
        %parallel_loop3A_300 = arith.addi %parallel_loop3A_259, %parallel_loop3A_299 : vector<16xi32>
        %parallel_loop3A_301 = tpu.vector_load_idx %arg9[%parallel_loop3A_261, %parallel_loop3A_300] : memref<128x128xf32, #tpu.memory_space<vmem>>[vector<16xi32>, vector<16xi32>], vector<16xf32>,
        %parallel_loop3A_302 = arith.constant 10 : i32
        %parallel_loop3A_303 = vector.broadcast %parallel_loop3A_302 : i32 to vector<16xi32>
        %parallel_loop3A_304 = arith.addi %parallel_loop3A_259, %parallel_loop3A_303 : vector<16xi32>
        %parallel_loop3A_305 = tpu.vector_load_idx %arg9[%parallel_loop3A_261, %parallel_loop3A_304] : memref<128x128xf32, #tpu.memory_space<vmem>>[vector<16xi32>, vector<16xi32>], vector<16xf32>,
        %parallel_loop3A_306 = arith.constant 11 : i32
        %parallel_loop3A_307 = vector.broadcast %parallel_loop3A_306 : i32 to vector<16xi32>
        %parallel_loop3A_308 = arith.addi %parallel_loop3A_259, %parallel_loop3A_307 : vector<16xi32>
        %parallel_loop3A_309 = tpu.vector_load_idx %arg9[%parallel_loop3A_261, %parallel_loop3A_308] : memref<128x128xf32, #tpu.memory_space<vmem>>[vector<16xi32>, vector<16xi32>], vector<16xf32>,
        %parallel_loop3A_310 = arith.constant 12 : i32
        %parallel_loop3A_311 = vector.broadcast %parallel_loop3A_310 : i32 to vector<16xi32>
        %parallel_loop3A_312 = arith.addi %parallel_loop3A_259, %parallel_loop3A_311 : vector<16xi32>
        %parallel_loop3A_313 = tpu.vector_load_idx %arg9[%parallel_loop3A_261, %parallel_loop3A_312] : memref<128x128xf32, #tpu.memory_space<vmem>>[vector<16xi32>, vector<16xi32>], vector<16xf32>,
        %parallel_loop3A_314 = arith.constant 13 : i32
        %parallel_loop3A_315 = vector.broadcast %parallel_loop3A_314 : i32 to vector<16xi32>
        %parallel_loop3A_316 = arith.addi %parallel_loop3A_259, %parallel_loop3A_315 : vector<16xi32>
        %parallel_loop3A_317 = tpu.vector_load_idx %arg9[%parallel_loop3A_261, %parallel_loop3A_316] : memref<128x128xf32, #tpu.memory_space<vmem>>[vector<16xi32>, vector<16xi32>], vector<16xf32>,
        %parallel_loop3A_318 = arith.constant 14 : i32
        %parallel_loop3A_319 = vector.broadcast %parallel_loop3A_318 : i32 to vector<16xi32>
        %parallel_loop3A_320 = arith.addi %parallel_loop3A_259, %parallel_loop3A_319 : vector<16xi32>
        %parallel_loop3A_321 = tpu.vector_load_idx %arg9[%parallel_loop3A_261, %parallel_loop3A_320] : memref<128x128xf32, #tpu.memory_space<vmem>>[vector<16xi32>, vector<16xi32>], vector<16xf32>,
        %parallel_loop3A_322 = arith.constant 15 : i32
        %parallel_loop3A_323 = vector.broadcast %parallel_loop3A_322 : i32 to vector<16xi32>
        %parallel_loop3A_324 = arith.addi %parallel_loop3A_259, %parallel_loop3A_323 : vector<16xi32>
        %parallel_loop3A_325 = tpu.vector_load_idx %arg9[%parallel_loop3A_261, %parallel_loop3A_324] : memref<128x128xf32, #tpu.memory_space<vmem>>[vector<16xi32>, vector<16xi32>], vector<16xf32>,
        %parallel_loop3A_326 = arith.constant 16 : i32
        %parallel_loop3A_327 = vector.broadcast %parallel_loop3A_326 : i32 to vector<16xi32>
        %parallel_loop3A_328 = arith.addi %parallel_loop3A_259, %parallel_loop3A_327 : vector<16xi32>
        %parallel_loop3A_329 = tpu.vector_load_idx %arg9[%parallel_loop3A_261, %parallel_loop3A_328] : memref<128x128xf32, #tpu.memory_space<vmem>>[vector<16xi32>, vector<16xi32>], vector<16xf32>,
        %parallel_loop3A_330 = arith.constant 17 : i32
        %parallel_loop3A_331 = vector.broadcast %parallel_loop3A_330 : i32 to vector<16xi32>
        %parallel_loop3A_332 = arith.addi %parallel_loop3A_259, %parallel_loop3A_331 : vector<16xi32>
        %parallel_loop3A_333 = tpu.vector_load_idx %arg9[%parallel_loop3A_261, %parallel_loop3A_332] : memref<128x128xf32, #tpu.memory_space<vmem>>[vector<16xi32>, vector<16xi32>], vector<16xf32>,
        %parallel_loop3A_334 = arith.constant 18 : i32
        %parallel_loop3A_335 = vector.broadcast %parallel_loop3A_334 : i32 to vector<16xi32>
        %parallel_loop3A_336 = arith.addi %parallel_loop3A_259, %parallel_loop3A_335 : vector<16xi32>
        %parallel_loop3A_337 = tpu.vector_load_idx %arg9[%parallel_loop3A_261, %parallel_loop3A_336] : memref<128x128xf32, #tpu.memory_space<vmem>>[vector<16xi32>, vector<16xi32>], vector<16xf32>,
        %parallel_loop3A_338 = arith.constant 19 : i32
        %parallel_loop3A_339 = vector.broadcast %parallel_loop3A_338 : i32 to vector<16xi32>
        %parallel_loop3A_340 = arith.addi %parallel_loop3A_259, %parallel_loop3A_339 : vector<16xi32>
        %parallel_loop3A_341 = tpu.vector_load_idx %arg9[%parallel_loop3A_261, %parallel_loop3A_340] : memref<128x128xf32, #tpu.memory_space<vmem>>[vector<16xi32>, vector<16xi32>], vector<16xf32>,
        %parallel_loop3A_342 = arith.constant 20 : i32
        %parallel_loop3A_343 = vector.broadcast %parallel_loop3A_342 : i32 to vector<16xi32>
        %parallel_loop3A_344 = arith.addi %parallel_loop3A_259, %parallel_loop3A_343 : vector<16xi32>
        %parallel_loop3A_345 = tpu.vector_load_idx %arg9[%parallel_loop3A_261, %parallel_loop3A_344] : memref<128x128xf32, #tpu.memory_space<vmem>>[vector<16xi32>, vector<16xi32>], vector<16xf32>,
        %parallel_loop3A_346 = arith.constant 21 : i32
        %parallel_loop3A_347 = vector.broadcast %parallel_loop3A_346 : i32 to vector<16xi32>
        %parallel_loop3A_348 = arith.addi %parallel_loop3A_259, %parallel_loop3A_347 : vector<16xi32>
        %parallel_loop3A_349 = tpu.vector_load_idx %arg9[%parallel_loop3A_261, %parallel_loop3A_348] : memref<128x128xf32, #tpu.memory_space<vmem>>[vector<16xi32>, vector<16xi32>], vector<16xf32>,
        %parallel_loop3A_350 = arith.constant 22 : i32
        %parallel_loop3A_351 = vector.broadcast %parallel_loop3A_350 : i32 to vector<16xi32>
        %parallel_loop3A_352 = arith.addi %parallel_loop3A_259, %parallel_loop3A_351 : vector<16xi32>
        %parallel_loop3A_353 = tpu.vector_load_idx %arg9[%parallel_loop3A_261, %parallel_loop3A_352] : memref<128x128xf32, #tpu.memory_space<vmem>>[vector<16xi32>, vector<16xi32>], vector<16xf32>,
        %parallel_loop3A_354 = arith.constant 23 : i32
        %parallel_loop3A_355 = vector.broadcast %parallel_loop3A_354 : i32 to vector<16xi32>
        %parallel_loop3A_356 = arith.addi %parallel_loop3A_259, %parallel_loop3A_355 : vector<16xi32>
        %parallel_loop3A_357 = tpu.vector_load_idx %arg9[%parallel_loop3A_261, %parallel_loop3A_356] : memref<128x128xf32, #tpu.memory_space<vmem>>[vector<16xi32>, vector<16xi32>], vector<16xf32>,
        %parallel_loop3A_358 = arith.constant 24 : i32
        %parallel_loop3A_359 = vector.broadcast %parallel_loop3A_358 : i32 to vector<16xi32>
        %parallel_loop3A_360 = arith.addi %parallel_loop3A_259, %parallel_loop3A_359 : vector<16xi32>
        %parallel_loop3A_361 = tpu.vector_load_idx %arg9[%parallel_loop3A_261, %parallel_loop3A_360] : memref<128x128xf32, #tpu.memory_space<vmem>>[vector<16xi32>, vector<16xi32>], vector<16xf32>,
        %parallel_loop3A_362 = arith.constant 25 : i32
        %parallel_loop3A_363 = vector.broadcast %parallel_loop3A_362 : i32 to vector<16xi32>
        %parallel_loop3A_364 = arith.addi %parallel_loop3A_259, %parallel_loop3A_363 : vector<16xi32>
        %parallel_loop3A_365 = tpu.vector_load_idx %arg9[%parallel_loop3A_261, %parallel_loop3A_364] : memref<128x128xf32, #tpu.memory_space<vmem>>[vector<16xi32>, vector<16xi32>], vector<16xf32>,
        %parallel_loop3A_366 = arith.constant 26 : i32
        %parallel_loop3A_367 = vector.broadcast %parallel_loop3A_366 : i32 to vector<16xi32>
        %parallel_loop3A_368 = arith.addi %parallel_loop3A_259, %parallel_loop3A_367 : vector<16xi32>
        %parallel_loop3A_369 = tpu.vector_load_idx %arg9[%parallel_loop3A_261, %parallel_loop3A_368] : memref<128x128xf32, #tpu.memory_space<vmem>>[vector<16xi32>, vector<16xi32>], vector<16xf32>,
        %parallel_loop3A_370 = arith.constant 27 : i32
        %parallel_loop3A_371 = vector.broadcast %parallel_loop3A_370 : i32 to vector<16xi32>
        %parallel_loop3A_372 = arith.addi %parallel_loop3A_259, %parallel_loop3A_371 : vector<16xi32>
        %parallel_loop3A_373 = tpu.vector_load_idx %arg9[%parallel_loop3A_261, %parallel_loop3A_372] : memref<128x128xf32, #tpu.memory_space<vmem>>[vector<16xi32>, vector<16xi32>], vector<16xf32>,
        %parallel_loop3A_374 = arith.constant 28 : i32
        %parallel_loop3A_375 = vector.broadcast %parallel_loop3A_374 : i32 to vector<16xi32>
        %parallel_loop3A_376 = arith.addi %parallel_loop3A_259, %parallel_loop3A_375 : vector<16xi32>
        %parallel_loop3A_377 = tpu.vector_load_idx %arg9[%parallel_loop3A_261, %parallel_loop3A_376] : memref<128x128xf32, #tpu.memory_space<vmem>>[vector<16xi32>, vector<16xi32>], vector<16xf32>,
        %parallel_loop3A_378 = arith.constant 29 : i32
        %parallel_loop3A_379 = vector.broadcast %parallel_loop3A_378 : i32 to vector<16xi32>
        %parallel_loop3A_380 = arith.addi %parallel_loop3A_259, %parallel_loop3A_379 : vector<16xi32>
        %parallel_loop3A_381 = tpu.vector_load_idx %arg9[%parallel_loop3A_261, %parallel_loop3A_380] : memref<128x128xf32, #tpu.memory_space<vmem>>[vector<16xi32>, vector<16xi32>], vector<16xf32>,
        %parallel_loop3A_382 = arith.constant 30 : i32
        %parallel_loop3A_383 = vector.broadcast %parallel_loop3A_382 : i32 to vector<16xi32>
        %parallel_loop3A_384 = arith.addi %parallel_loop3A_259, %parallel_loop3A_383 : vector<16xi32>
        %parallel_loop3A_385 = tpu.vector_load_idx %arg9[%parallel_loop3A_261, %parallel_loop3A_384] : memref<128x128xf32, #tpu.memory_space<vmem>>[vector<16xi32>, vector<16xi32>], vector<16xf32>,
        %parallel_loop3A_386 = arith.constant 31 : i32
        %parallel_loop3A_387 = vector.broadcast %parallel_loop3A_386 : i32 to vector<16xi32>
        %parallel_loop3A_388 = arith.addi %parallel_loop3A_259, %parallel_loop3A_387 : vector<16xi32>
        %parallel_loop3A_389 = tpu.vector_load_idx %arg9[%parallel_loop3A_261, %parallel_loop3A_388] : memref<128x128xf32, #tpu.memory_space<vmem>>[vector<16xi32>, vector<16xi32>], vector<16xf32>,
        %parallel_loop3A_390 = arith.constant 0 : i32
        %parallel_loop3A_391 = arith.constant 0 : i32
        %parallel_loop3A_392 = arith.index_cast %parallel_loop3A_390 : i32 to index
        %parallel_loop3A_393 = arith.index_cast %parallel_loop3A_391 : i32 to index
        %parallel_loop3A_394 = arith.index_cast %parallel_loop3A_250 : i32 to index
        %parallel_loop3A_395 = tpu.vector_load %arg12[%parallel_loop3A_392, %parallel_loop3A_393, %parallel_loop3A_394] {strides = array<i32>} : memref<2x32x128xf32, #tpu.memory_space<vmem>>, vector<16xf32>,
        tpu.vector_store %arg12[%parallel_loop3A_392, %parallel_loop3A_393, %parallel_loop3A_394], %parallel_loop3A_265 {strides = array<i32>} : memref<2x32x128xf32, #tpu.memory_space<vmem>>, vector<16xf32>,
        %parallel_loop3A_396 = arith.constant 0 : i32
        %parallel_loop3A_397 = arith.constant 1 : i32
        %parallel_loop3A_398 = arith.index_cast %parallel_loop3A_396 : i32 to index
        %parallel_loop3A_399 = arith.index_cast %parallel_loop3A_397 : i32 to index
        %parallel_loop3A_400 = arith.index_cast %parallel_loop3A_250 : i32 to index
        %parallel_loop3A_401 = tpu.vector_load %arg12[%parallel_loop3A_398, %parallel_loop3A_399, %parallel_loop3A_400] {strides = array<i32>} : memref<2x32x128xf32, #tpu.memory_space<vmem>>, vector<16xf32>,
        tpu.vector_store %arg12[%parallel_loop3A_398, %parallel_loop3A_399, %parallel_loop3A_400], %parallel_loop3A_269 {strides = array<i32>} : memref<2x32x128xf32, #tpu.memory_space<vmem>>, vector<16xf32>,
        %parallel_loop3A_402 = arith.constant 0 : i32
        %parallel_loop3A_403 = arith.constant 2 : i32
        %parallel_loop3A_404 = arith.index_cast %parallel_loop3A_402 : i32 to index
        %parallel_loop3A_405 = arith.index_cast %parallel_loop3A_403 : i32 to index
        %parallel_loop3A_406 = arith.index_cast %parallel_loop3A_250 : i32 to index
        %parallel_loop3A_407 = tpu.vector_load %arg12[%parallel_loop3A_404, %parallel_loop3A_405, %parallel_loop3A_406] {strides = array<i32>} : memref<2x32x128xf32, #tpu.memory_space<vmem>>, vector<16xf32>,
        tpu.vector_store %arg12[%parallel_loop3A_404, %parallel_loop3A_405, %parallel_loop3A_406], %parallel_loop3A_273 {strides = array<i32>} : memref<2x32x128xf32, #tpu.memory_space<vmem>>, vector<16xf32>,
        %parallel_loop3A_408 = arith.constant 0 : i32
        %parallel_loop3A_409 = arith.constant 3 : i32
        %parallel_loop3A_410 = arith.index_cast %parallel_loop3A_408 : i32 to index
        %parallel_loop3A_411 = arith.index_cast %parallel_loop3A_409 : i32 to index
        %parallel_loop3A_412 = arith.index_cast %parallel_loop3A_250 : i32 to index
        %parallel_loop3A_413 = tpu.vector_load %arg12[%parallel_loop3A_410, %parallel_loop3A_411, %parallel_loop3A_412] {strides = array<i32>} : memref<2x32x128xf32, #tpu.memory_space<vmem>>, vector<16xf32>,
        tpu.vector_store %arg12[%parallel_loop3A_410, %parallel_loop3A_411, %parallel_loop3A_412], %parallel_loop3A_277 {strides = array<i32>} : memref<2x32x128xf32, #tpu.memory_space<vmem>>, vector<16xf32>,
        %parallel_loop3A_414 = arith.constant 0 : i32
        %parallel_loop3A_415 = arith.constant 4 : i32
        %parallel_loop3A_416 = arith.index_cast %parallel_loop3A_414 : i32 to index
        %parallel_loop3A_417 = arith.index_cast %parallel_loop3A_415 : i32 to index
        %parallel_loop3A_418 = arith.index_cast %parallel_loop3A_250 : i32 to index
        %parallel_loop3A_419 = tpu.vector_load %arg12[%parallel_loop3A_416, %parallel_loop3A_417, %parallel_loop3A_418] {strides = array<i32>} : memref<2x32x128xf32, #tpu.memory_space<vmem>>, vector<16xf32>,
        tpu.vector_store %arg12[%parallel_loop3A_416, %parallel_loop3A_417, %parallel_loop3A_418], %parallel_loop3A_281 {strides = array<i32>} : memref<2x32x128xf32, #tpu.memory_space<vmem>>, vector<16xf32>,
        %parallel_loop3A_420 = arith.constant 0 : i32
        %parallel_loop3A_421 = arith.constant 5 : i32
        %parallel_loop3A_422 = arith.index_cast %parallel_loop3A_420 : i32 to index
        %parallel_loop3A_423 = arith.index_cast %parallel_loop3A_421 : i32 to index
        %parallel_loop3A_424 = arith.index_cast %parallel_loop3A_250 : i32 to index
        %parallel_loop3A_425 = tpu.vector_load %arg12[%parallel_loop3A_422, %parallel_loop3A_423, %parallel_loop3A_424] {strides = array<i32>} : memref<2x32x128xf32, #tpu.memory_space<vmem>>, vector<16xf32>,
        tpu.vector_store %arg12[%parallel_loop3A_422, %parallel_loop3A_423, %parallel_loop3A_424], %parallel_loop3A_285 {strides = array<i32>} : memref<2x32x128xf32, #tpu.memory_space<vmem>>, vector<16xf32>,
        %parallel_loop3A_426 = arith.constant 0 : i32
        %parallel_loop3A_427 = arith.constant 6 : i32
        %parallel_loop3A_428 = arith.index_cast %parallel_loop3A_426 : i32 to index
        %parallel_loop3A_429 = arith.index_cast %parallel_loop3A_427 : i32 to index
        %parallel_loop3A_430 = arith.index_cast %parallel_loop3A_250 : i32 to index
        %parallel_loop3A_431 = tpu.vector_load %arg12[%parallel_loop3A_428, %parallel_loop3A_429, %parallel_loop3A_430] {strides = array<i32>} : memref<2x32x128xf32, #tpu.memory_space<vmem>>, vector<16xf32>,
        tpu.vector_store %arg12[%parallel_loop3A_428, %parallel_loop3A_429, %parallel_loop3A_430], %parallel_loop3A_289 {strides = array<i32>} : memref<2x32x128xf32, #tpu.memory_space<vmem>>, vector<16xf32>,
        %parallel_loop3A_432 = arith.constant 0 : i32
        %parallel_loop3A_433 = arith.constant 7 : i32
        %parallel_loop3A_434 = arith.index_cast %parallel_loop3A_432 : i32 to index
        %parallel_loop3A_435 = arith.index_cast %parallel_loop3A_433 : i32 to index
        %parallel_loop3A_436 = arith.index_cast %parallel_loop3A_250 : i32 to index
        %parallel_loop3A_437 = tpu.vector_load %arg12[%parallel_loop3A_434, %parallel_loop3A_435, %parallel_loop3A_436] {strides = array<i32>} : memref<2x32x128xf32, #tpu.memory_space<vmem>>, vector<16xf32>,
        tpu.vector_store %arg12[%parallel_loop3A_434, %parallel_loop3A_435, %parallel_loop3A_436], %parallel_loop3A_293 {strides = array<i32>} : memref<2x32x128xf32, #tpu.memory_space<vmem>>, vector<16xf32>,
        %parallel_loop3A_438 = arith.constant 0 : i32
        %parallel_loop3A_439 = arith.constant 8 : i32
        %parallel_loop3A_440 = arith.index_cast %parallel_loop3A_438 : i32 to index
        %parallel_loop3A_441 = arith.index_cast %parallel_loop3A_439 : i32 to index
        %parallel_loop3A_442 = arith.index_cast %parallel_loop3A_250 : i32 to index
        %parallel_loop3A_443 = tpu.vector_load %arg12[%parallel_loop3A_440, %parallel_loop3A_441, %parallel_loop3A_442] {strides = array<i32>} : memref<2x32x128xf32, #tpu.memory_space<vmem>>, vector<16xf32>,
        tpu.vector_store %arg12[%parallel_loop3A_440, %parallel_loop3A_441, %parallel_loop3A_442], %parallel_loop3A_297 {strides = array<i32>} : memref<2x32x128xf32, #tpu.memory_space<vmem>>, vector<16xf32>,
        %parallel_loop3A_444 = arith.constant 0 : i32
        %parallel_loop3A_445 = arith.constant 9 : i32
        %parallel_loop3A_446 = arith.index_cast %parallel_loop3A_444 : i32 to index
        %parallel_loop3A_447 = arith.index_cast %parallel_loop3A_445 : i32 to index
        %parallel_loop3A_448 = arith.index_cast %parallel_loop3A_250 : i32 to index
        %parallel_loop3A_449 = tpu.vector_load %arg12[%parallel_loop3A_446, %parallel_loop3A_447, %parallel_loop3A_448] {strides = array<i32>} : memref<2x32x128xf32, #tpu.memory_space<vmem>>, vector<16xf32>,
        tpu.vector_store %arg12[%parallel_loop3A_446, %parallel_loop3A_447, %parallel_loop3A_448], %parallel_loop3A_301 {strides = array<i32>} : memref<2x32x128xf32, #tpu.memory_space<vmem>>, vector<16xf32>,
        %parallel_loop3A_450 = arith.constant 0 : i32
        %parallel_loop3A_451 = arith.constant 10 : i32
        %parallel_loop3A_452 = arith.index_cast %parallel_loop3A_450 : i32 to index
        %parallel_loop3A_453 = arith.index_cast %parallel_loop3A_451 : i32 to index
        %parallel_loop3A_454 = arith.index_cast %parallel_loop3A_250 : i32 to index
        %parallel_loop3A_455 = tpu.vector_load %arg12[%parallel_loop3A_452, %parallel_loop3A_453, %parallel_loop3A_454] {strides = array<i32>} : memref<2x32x128xf32, #tpu.memory_space<vmem>>, vector<16xf32>,
        tpu.vector_store %arg12[%parallel_loop3A_452, %parallel_loop3A_453, %parallel_loop3A_454], %parallel_loop3A_305 {strides = array<i32>} : memref<2x32x128xf32, #tpu.memory_space<vmem>>, vector<16xf32>,
        %parallel_loop3A_456 = arith.constant 0 : i32
        %parallel_loop3A_457 = arith.constant 11 : i32
        %parallel_loop3A_458 = arith.index_cast %parallel_loop3A_456 : i32 to index
        %parallel_loop3A_459 = arith.index_cast %parallel_loop3A_457 : i32 to index
        %parallel_loop3A_460 = arith.index_cast %parallel_loop3A_250 : i32 to index
        %parallel_loop3A_461 = tpu.vector_load %arg12[%parallel_loop3A_458, %parallel_loop3A_459, %parallel_loop3A_460] {strides = array<i32>} : memref<2x32x128xf32, #tpu.memory_space<vmem>>, vector<16xf32>,
        tpu.vector_store %arg12[%parallel_loop3A_458, %parallel_loop3A_459, %parallel_loop3A_460], %parallel_loop3A_309 {strides = array<i32>} : memref<2x32x128xf32, #tpu.memory_space<vmem>>, vector<16xf32>,
        %parallel_loop3A_462 = arith.constant 0 : i32
        %parallel_loop3A_463 = arith.constant 12 : i32
        %parallel_loop3A_464 = arith.index_cast %parallel_loop3A_462 : i32 to index
        %parallel_loop3A_465 = arith.index_cast %parallel_loop3A_463 : i32 to index
        %parallel_loop3A_466 = arith.index_cast %parallel_loop3A_250 : i32 to index
        %parallel_loop3A_467 = tpu.vector_load %arg12[%parallel_loop3A_464, %parallel_loop3A_465, %parallel_loop3A_466] {strides = array<i32>} : memref<2x32x128xf32, #tpu.memory_space<vmem>>, vector<16xf32>,
        tpu.vector_store %arg12[%parallel_loop3A_464, %parallel_loop3A_465, %parallel_loop3A_466], %parallel_loop3A_313 {strides = array<i32>} : memref<2x32x128xf32, #tpu.memory_space<vmem>>, vector<16xf32>,
        %parallel_loop3A_468 = arith.constant 0 : i32
        %parallel_loop3A_469 = arith.constant 13 : i32
        %parallel_loop3A_470 = arith.index_cast %parallel_loop3A_468 : i32 to index
        %parallel_loop3A_471 = arith.index_cast %parallel_loop3A_469 : i32 to index
        %parallel_loop3A_472 = arith.index_cast %parallel_loop3A_250 : i32 to index
        %parallel_loop3A_473 = tpu.vector_load %arg12[%parallel_loop3A_470, %parallel_loop3A_471, %parallel_loop3A_472] {strides = array<i32>} : memref<2x32x128xf32, #tpu.memory_space<vmem>>, vector<16xf32>,
        tpu.vector_store %arg12[%parallel_loop3A_470, %parallel_loop3A_471, %parallel_loop3A_472], %parallel_loop3A_317 {strides = array<i32>} : memref<2x32x128xf32, #tpu.memory_space<vmem>>, vector<16xf32>,
        %parallel_loop3A_474 = arith.constant 0 : i32
        %parallel_loop3A_475 = arith.constant 14 : i32
        %parallel_loop3A_476 = arith.index_cast %parallel_loop3A_474 : i32 to index
        %parallel_loop3A_477 = arith.index_cast %parallel_loop3A_475 : i32 to index
        %parallel_loop3A_478 = arith.index_cast %parallel_loop3A_250 : i32 to index
        %parallel_loop3A_479 = tpu.vector_load %arg12[%parallel_loop3A_476, %parallel_loop3A_477, %parallel_loop3A_478] {strides = array<i32>} : memref<2x32x128xf32, #tpu.memory_space<vmem>>, vector<16xf32>,
        tpu.vector_store %arg12[%parallel_loop3A_476, %parallel_loop3A_477, %parallel_loop3A_478], %parallel_loop3A_321 {strides = array<i32>} : memref<2x32x128xf32, #tpu.memory_space<vmem>>, vector<16xf32>,
        %parallel_loop3A_480 = arith.constant 0 : i32
        %parallel_loop3A_481 = arith.constant 15 : i32
        %parallel_loop3A_482 = arith.index_cast %parallel_loop3A_480 : i32 to index
        %parallel_loop3A_483 = arith.index_cast %parallel_loop3A_481 : i32 to index
        %parallel_loop3A_484 = arith.index_cast %parallel_loop3A_250 : i32 to index
        %parallel_loop3A_485 = tpu.vector_load %arg12[%parallel_loop3A_482, %parallel_loop3A_483, %parallel_loop3A_484] {strides = array<i32>} : memref<2x32x128xf32, #tpu.memory_space<vmem>>, vector<16xf32>,
        tpu.vector_store %arg12[%parallel_loop3A_482, %parallel_loop3A_483, %parallel_loop3A_484], %parallel_loop3A_325 {strides = array<i32>} : memref<2x32x128xf32, #tpu.memory_space<vmem>>, vector<16xf32>,
        %parallel_loop3A_486 = arith.constant 0 : i32
        %parallel_loop3A_487 = arith.constant 16 : i32
        %parallel_loop3A_488 = arith.index_cast %parallel_loop3A_486 : i32 to index
        %parallel_loop3A_489 = arith.index_cast %parallel_loop3A_487 : i32 to index
        %parallel_loop3A_490 = arith.index_cast %parallel_loop3A_250 : i32 to index
        %parallel_loop3A_491 = tpu.vector_load %arg12[%parallel_loop3A_488, %parallel_loop3A_489, %parallel_loop3A_490] {strides = array<i32>} : memref<2x32x128xf32, #tpu.memory_space<vmem>>, vector<16xf32>,
        tpu.vector_store %arg12[%parallel_loop3A_488, %parallel_loop3A_489, %parallel_loop3A_490], %parallel_loop3A_329 {strides = array<i32>} : memref<2x32x128xf32, #tpu.memory_space<vmem>>, vector<16xf32>,
        %parallel_loop3A_492 = arith.constant 0 : i32
        %parallel_loop3A_493 = arith.constant 17 : i32
        %parallel_loop3A_494 = arith.index_cast %parallel_loop3A_492 : i32 to index
        %parallel_loop3A_495 = arith.index_cast %parallel_loop3A_493 : i32 to index
        %parallel_loop3A_496 = arith.index_cast %parallel_loop3A_250 : i32 to index
        %parallel_loop3A_497 = tpu.vector_load %arg12[%parallel_loop3A_494, %parallel_loop3A_495, %parallel_loop3A_496] {strides = array<i32>} : memref<2x32x128xf32, #tpu.memory_space<vmem>>, vector<16xf32>,
        tpu.vector_store %arg12[%parallel_loop3A_494, %parallel_loop3A_495, %parallel_loop3A_496], %parallel_loop3A_333 {strides = array<i32>} : memref<2x32x128xf32, #tpu.memory_space<vmem>>, vector<16xf32>,
        %parallel_loop3A_498 = arith.constant 0 : i32
        %parallel_loop3A_499 = arith.constant 18 : i32
        %parallel_loop3A_500 = arith.index_cast %parallel_loop3A_498 : i32 to index
        %parallel_loop3A_501 = arith.index_cast %parallel_loop3A_499 : i32 to index
        %parallel_loop3A_502 = arith.index_cast %parallel_loop3A_250 : i32 to index
        %parallel_loop3A_503 = tpu.vector_load %arg12[%parallel_loop3A_500, %parallel_loop3A_501, %parallel_loop3A_502] {strides = array<i32>} : memref<2x32x128xf32, #tpu.memory_space<vmem>>, vector<16xf32>,
        tpu.vector_store %arg12[%parallel_loop3A_500, %parallel_loop3A_501, %parallel_loop3A_502], %parallel_loop3A_337 {strides = array<i32>} : memref<2x32x128xf32, #tpu.memory_space<vmem>>, vector<16xf32>,
        %parallel_loop3A_504 = arith.constant 0 : i32
        %parallel_loop3A_505 = arith.constant 19 : i32
        %parallel_loop3A_506 = arith.index_cast %parallel_loop3A_504 : i32 to index
        %parallel_loop3A_507 = arith.index_cast %parallel_loop3A_505 : i32 to index
        %parallel_loop3A_508 = arith.index_cast %parallel_loop3A_250 : i32 to index
        %parallel_loop3A_509 = tpu.vector_load %arg12[%parallel_loop3A_506, %parallel_loop3A_507, %parallel_loop3A_508] {strides = array<i32>} : memref<2x32x128xf32, #tpu.memory_space<vmem>>, vector<16xf32>,
        tpu.vector_store %arg12[%parallel_loop3A_506, %parallel_loop3A_507, %parallel_loop3A_508], %parallel_loop3A_341 {strides = array<i32>} : memref<2x32x128xf32, #tpu.memory_space<vmem>>, vector<16xf32>,
        %parallel_loop3A_510 = arith.constant 0 : i32
        %parallel_loop3A_511 = arith.constant 20 : i32
        %parallel_loop3A_512 = arith.index_cast %parallel_loop3A_510 : i32 to index
        %parallel_loop3A_513 = arith.index_cast %parallel_loop3A_511 : i32 to index
        %parallel_loop3A_514 = arith.index_cast %parallel_loop3A_250 : i32 to index
        %parallel_loop3A_515 = tpu.vector_load %arg12[%parallel_loop3A_512, %parallel_loop3A_513, %parallel_loop3A_514] {strides = array<i32>} : memref<2x32x128xf32, #tpu.memory_space<vmem>>, vector<16xf32>,
        tpu.vector_store %arg12[%parallel_loop3A_512, %parallel_loop3A_513, %parallel_loop3A_514], %parallel_loop3A_345 {strides = array<i32>} : memref<2x32x128xf32, #tpu.memory_space<vmem>>, vector<16xf32>,
        %parallel_loop3A_516 = arith.constant 0 : i32
        %parallel_loop3A_517 = arith.constant 21 : i32
        %parallel_loop3A_518 = arith.index_cast %parallel_loop3A_516 : i32 to index
        %parallel_loop3A_519 = arith.index_cast %parallel_loop3A_517 : i32 to index
        %parallel_loop3A_520 = arith.index_cast %parallel_loop3A_250 : i32 to index
        %parallel_loop3A_521 = tpu.vector_load %arg12[%parallel_loop3A_518, %parallel_loop3A_519, %parallel_loop3A_520] {strides = array<i32>} : memref<2x32x128xf32, #tpu.memory_space<vmem>>, vector<16xf32>,
        tpu.vector_store %arg12[%parallel_loop3A_518, %parallel_loop3A_519, %parallel_loop3A_520], %parallel_loop3A_349 {strides = array<i32>} : memref<2x32x128xf32, #tpu.memory_space<vmem>>, vector<16xf32>,
        %parallel_loop3A_522 = arith.constant 0 : i32
        %parallel_loop3A_523 = arith.constant 22 : i32
        %parallel_loop3A_524 = arith.index_cast %parallel_loop3A_522 : i32 to index
        %parallel_loop3A_525 = arith.index_cast %parallel_loop3A_523 : i32 to index
        %parallel_loop3A_526 = arith.index_cast %parallel_loop3A_250 : i32 to index
        %parallel_loop3A_527 = tpu.vector_load %arg12[%parallel_loop3A_524, %parallel_loop3A_525, %parallel_loop3A_526] {strides = array<i32>} : memref<2x32x128xf32, #tpu.memory_space<vmem>>, vector<16xf32>,
        tpu.vector_store %arg12[%parallel_loop3A_524, %parallel_loop3A_525, %parallel_loop3A_526], %parallel_loop3A_353 {strides = array<i32>} : memref<2x32x128xf32, #tpu.memory_space<vmem>>, vector<16xf32>,
        %parallel_loop3A_528 = arith.constant 0 : i32
        %parallel_loop3A_529 = arith.constant 23 : i32
        %parallel_loop3A_530 = arith.index_cast %parallel_loop3A_528 : i32 to index
        %parallel_loop3A_531 = arith.index_cast %parallel_loop3A_529 : i32 to index
        %parallel_loop3A_532 = arith.index_cast %parallel_loop3A_250 : i32 to index
        %parallel_loop3A_533 = tpu.vector_load %arg12[%parallel_loop3A_530, %parallel_loop3A_531, %parallel_loop3A_532] {strides = array<i32>} : memref<2x32x128xf32, #tpu.memory_space<vmem>>, vector<16xf32>,
        tpu.vector_store %arg12[%parallel_loop3A_530, %parallel_loop3A_531, %parallel_loop3A_532], %parallel_loop3A_357 {strides = array<i32>} : memref<2x32x128xf32, #tpu.memory_space<vmem>>, vector<16xf32>,
        %parallel_loop3A_534 = arith.constant 0 : i32
        %parallel_loop3A_535 = arith.constant 24 : i32
        %parallel_loop3A_536 = arith.index_cast %parallel_loop3A_534 : i32 to index
        %parallel_loop3A_537 = arith.index_cast %parallel_loop3A_535 : i32 to index
        %parallel_loop3A_538 = arith.index_cast %parallel_loop3A_250 : i32 to index
        %parallel_loop3A_539 = tpu.vector_load %arg12[%parallel_loop3A_536, %parallel_loop3A_537, %parallel_loop3A_538] {strides = array<i32>} : memref<2x32x128xf32, #tpu.memory_space<vmem>>, vector<16xf32>,
        tpu.vector_store %arg12[%parallel_loop3A_536, %parallel_loop3A_537, %parallel_loop3A_538], %parallel_loop3A_361 {strides = array<i32>} : memref<2x32x128xf32, #tpu.memory_space<vmem>>, vector<16xf32>,
        %parallel_loop3A_540 = arith.constant 0 : i32
        %parallel_loop3A_541 = arith.constant 25 : i32
        %parallel_loop3A_542 = arith.index_cast %parallel_loop3A_540 : i32 to index
        %parallel_loop3A_543 = arith.index_cast %parallel_loop3A_541 : i32 to index
        %parallel_loop3A_544 = arith.index_cast %parallel_loop3A_250 : i32 to index
        %parallel_loop3A_545 = tpu.vector_load %arg12[%parallel_loop3A_542, %parallel_loop3A_543, %parallel_loop3A_544] {strides = array<i32>} : memref<2x32x128xf32, #tpu.memory_space<vmem>>, vector<16xf32>,
        tpu.vector_store %arg12[%parallel_loop3A_542, %parallel_loop3A_543, %parallel_loop3A_544], %parallel_loop3A_365 {strides = array<i32>} : memref<2x32x128xf32, #tpu.memory_space<vmem>>, vector<16xf32>,
        %parallel_loop3A_546 = arith.constant 0 : i32
        %parallel_loop3A_547 = arith.constant 26 : i32
        %parallel_loop3A_548 = arith.index_cast %parallel_loop3A_546 : i32 to index
        %parallel_loop3A_549 = arith.index_cast %parallel_loop3A_547 : i32 to index
        %parallel_loop3A_550 = arith.index_cast %parallel_loop3A_250 : i32 to index
        %parallel_loop3A_551 = tpu.vector_load %arg12[%parallel_loop3A_548, %parallel_loop3A_549, %parallel_loop3A_550] {strides = array<i32>} : memref<2x32x128xf32, #tpu.memory_space<vmem>>, vector<16xf32>,
        tpu.vector_store %arg12[%parallel_loop3A_548, %parallel_loop3A_549, %parallel_loop3A_550], %parallel_loop3A_369 {strides = array<i32>} : memref<2x32x128xf32, #tpu.memory_space<vmem>>, vector<16xf32>,
        %parallel_loop3A_552 = arith.constant 0 : i32
        %parallel_loop3A_553 = arith.constant 27 : i32
        %parallel_loop3A_554 = arith.index_cast %parallel_loop3A_552 : i32 to index
        %parallel_loop3A_555 = arith.index_cast %parallel_loop3A_553 : i32 to index
        %parallel_loop3A_556 = arith.index_cast %parallel_loop3A_250 : i32 to index
        %parallel_loop3A_557 = tpu.vector_load %arg12[%parallel_loop3A_554, %parallel_loop3A_555, %parallel_loop3A_556] {strides = array<i32>} : memref<2x32x128xf32, #tpu.memory_space<vmem>>, vector<16xf32>,
        tpu.vector_store %arg12[%parallel_loop3A_554, %parallel_loop3A_555, %parallel_loop3A_556], %parallel_loop3A_373 {strides = array<i32>} : memref<2x32x128xf32, #tpu.memory_space<vmem>>, vector<16xf32>,
        %parallel_loop3A_558 = arith.constant 0 : i32
        %parallel_loop3A_559 = arith.constant 28 : i32
        %parallel_loop3A_560 = arith.index_cast %parallel_loop3A_558 : i32 to index
        %parallel_loop3A_561 = arith.index_cast %parallel_loop3A_559 : i32 to index
        %parallel_loop3A_562 = arith.index_cast %parallel_loop3A_250 : i32 to index
        %parallel_loop3A_563 = tpu.vector_load %arg12[%parallel_loop3A_560, %parallel_loop3A_561, %parallel_loop3A_562] {strides = array<i32>} : memref<2x32x128xf32, #tpu.memory_space<vmem>>, vector<16xf32>,
        tpu.vector_store %arg12[%parallel_loop3A_560, %parallel_loop3A_561, %parallel_loop3A_562], %parallel_loop3A_377 {strides = array<i32>} : memref<2x32x128xf32, #tpu.memory_space<vmem>>, vector<16xf32>,
        %parallel_loop3A_564 = arith.constant 0 : i32
        %parallel_loop3A_565 = arith.constant 29 : i32
        %parallel_loop3A_566 = arith.index_cast %parallel_loop3A_564 : i32 to index
        %parallel_loop3A_567 = arith.index_cast %parallel_loop3A_565 : i32 to index
        %parallel_loop3A_568 = arith.index_cast %parallel_loop3A_250 : i32 to index
        %parallel_loop3A_569 = tpu.vector_load %arg12[%parallel_loop3A_566, %parallel_loop3A_567, %parallel_loop3A_568] {strides = array<i32>} : memref<2x32x128xf32, #tpu.memory_space<vmem>>, vector<16xf32>,
        tpu.vector_store %arg12[%parallel_loop3A_566, %parallel_loop3A_567, %parallel_loop3A_568], %parallel_loop3A_381 {strides = array<i32>} : memref<2x32x128xf32, #tpu.memory_space<vmem>>, vector<16xf32>,
        %parallel_loop3A_570 = arith.constant 0 : i32
        %parallel_loop3A_571 = arith.constant 30 : i32
        %parallel_loop3A_572 = arith.index_cast %parallel_loop3A_570 : i32 to index
        %parallel_loop3A_573 = arith.index_cast %parallel_loop3A_571 : i32 to index
        %parallel_loop3A_574 = arith.index_cast %parallel_loop3A_250 : i32 to index
        %parallel_loop3A_575 = tpu.vector_load %arg12[%parallel_loop3A_572, %parallel_loop3A_573, %parallel_loop3A_574] {strides = array<i32>} : memref<2x32x128xf32, #tpu.memory_space<vmem>>, vector<16xf32>,
        tpu.vector_store %arg12[%parallel_loop3A_572, %parallel_loop3A_573, %parallel_loop3A_574], %parallel_loop3A_385 {strides = array<i32>} : memref<2x32x128xf32, #tpu.memory_space<vmem>>, vector<16xf32>,
        %parallel_loop3A_576 = arith.constant 0 : i32
        %parallel_loop3A_577 = arith.constant 31 : i32
        %parallel_loop3A_578 = arith.index_cast %parallel_loop3A_576 : i32 to index
        %parallel_loop3A_579 = arith.index_cast %parallel_loop3A_577 : i32 to index
        %parallel_loop3A_580 = arith.index_cast %parallel_loop3A_250 : i32 to index
        %parallel_loop3A_581 = tpu.vector_load %arg12[%parallel_loop3A_578, %parallel_loop3A_579, %parallel_loop3A_580] {strides = array<i32>} : memref<2x32x128xf32, #tpu.memory_space<vmem>>, vector<16xf32>,
        tpu.vector_store %arg12[%parallel_loop3A_578, %parallel_loop3A_579, %parallel_loop3A_580], %parallel_loop3A_389 {strides = array<i32>} : memref<2x32x128xf32, #tpu.memory_space<vmem>>, vector<16xf32>,
      } {sc.loop_unroll_factor = 4 : i64, sc.parallel_access}
      %mul3A_220 = arith.constant 2 : i32
      %mul3A_221 = arith.muli %add3A_191, %mul3A_220 : i32
      %add3A_222 = arith.constant 1 : i32
      %add3A_223 = arith.addi %mul3A_221, %add3A_222 : i32
      %add3A_224 = arith.constant 1 : i32
      %add3A_225 = arith.addi %add3A_223, %add3A_224 : i32
      %dma_start3A_226 = arith.constant 0 : i32
      %dma_start3A_227 = tpu.memref_slice %arg8[%add3A_225, %dma_start3A_226] : memref<200x128xi32, #tpu.memory_space<vmem>> -> memref<1x128xi32, #tpu.memory_space<vmem>>
      %dma_start3A_228 = tpu.memref_squeeze %dma_start3A_227 : memref<1x128xi32, #tpu.memory_space<vmem>> -> memref<128xi32, #tpu.memory_space<vmem>>
      %dma_start3A_229 = arith.constant 0 : i32
      %dma_start3A_230 = arith.constant 0 : i32
      %dma_start3A_231 = tpu.memref_slice %arg4[%dma_start3A_229, %dma_start3A_230] : memref<250000x128xf32, #tpu.memory_space<hbm>> -> memref<250000x128xf32, #tpu.memory_space<hbm>>
      tpu.enqueue_indirect_dma source(%dma_start3A_231 : memref<250000x128xf32, #tpu.memory_space<hbm>>) target(%arg9 : memref<128x128xf32, #tpu.memory_space<vmem>>) offsets(%dma_start3A_228 : memref<128xi32, #tpu.memory_space<vmem>>) semaphore(%arg13 : memref<!tpu.dma_semaphore, #tpu.memory_space<semaphore_mem>>)
      %dma_wait3A_232 = arith.constant 0 : i32
      %dma_wait3A_233 = arith.constant 0 : i32
      %dma_wait3A_234 = tpu.memref_slice %arg8[%dma_wait3A_232, %dma_wait3A_233] : memref<200x128xi32, #tpu.memory_space<vmem>> -> memref<1x128xi32, #tpu.memory_space<vmem>>
      %dma_wait3A_235 = tpu.memref_squeeze %dma_wait3A_234 : memref<1x128xi32, #tpu.memory_space<vmem>> -> memref<128xi32, #tpu.memory_space<vmem>>
      %dma_wait3A_236 = arith.constant 0 : i32
      %dma_wait3A_237 = arith.constant 0 : i32
      %dma_wait3A_238 = tpu.memref_slice %arg4[%dma_wait3A_236, %dma_wait3A_237] : memref<250000x128xf32, #tpu.memory_space<hbm>> -> memref<250000x128xf32, #tpu.memory_space<hbm>>
      tpu.wait_indirect_dma semaphore(%arg13 : memref<!tpu.dma_semaphore, #tpu.memory_space<semaphore_mem>>) src(%dma_wait3A_238 : memref<250000x128xf32, #tpu.memory_space<hbm>>) dst(%arg10 : memref<128x128xf32, #tpu.memory_space<vmem>>)
      %parallel_loop3A_239 = arith.constant 0 : i32
      %parallel_loop3A_240 = arith.constant 8 : i32
      %parallel_loop3A_241 = arith.constant 1 : i32
      scf.for %parallel_loop3A_248 = %parallel_loop3A_239 to %parallel_loop3A_240 step %parallel_loop3A_241  : i32 {
        %parallel_loop3A_249 = arith.constant 16 : i32
        %parallel_loop3A_250 = arith.muli %parallel_loop3A_248, %parallel_loop3A_249 : i32
        %parallel_loop3A_251 = arith.index_cast %add3A_223 : i32 to index
        %parallel_loop3A_252 = arith.index_cast %parallel_loop3A_250 : i32 to index
        %parallel_loop3A_253 = tpu.vector_load %arg7[%parallel_loop3A_251, %parallel_loop3A_252] {strides = array<i32>} : memref<200x128xi32, #tpu.memory_space<vmem>>, vector<16xi32>,
        %parallel_loop3A_254 = arith.constant 3 : i32
        %parallel_loop3A_255 = vector.broadcast %parallel_loop3A_254 : i32 to vector<16xi32>
        %parallel_loop3A_256 = arith.andi %parallel_loop3A_253, %parallel_loop3A_255 : vector<16xi32>
        %parallel_loop3A_257 = arith.constant 5 : i32
        %parallel_loop3A_258 = vector.broadcast %parallel_loop3A_257 : i32 to vector<16xi32>
        %parallel_loop3A_259 = arith.shli %parallel_loop3A_256, %parallel_loop3A_258 : vector<16xi32>
        %parallel_loop3A_260 = vector.broadcast %parallel_loop3A_250 : i32 to vector<16xi32>
        %parallel_loop3A_261 = arith.addi %iota3A, %parallel_loop3A_260 : vector<16xi32>
        %parallel_loop3A_262 = arith.constant 0 : i32
        %parallel_loop3A_263 = vector.broadcast %parallel_loop3A_262 : i32 to vector<16xi32>
        %parallel_loop3A_264 = arith.addi %parallel_loop3A_259, %parallel_loop3A_263 : vector<16xi32>
        %parallel_loop3A_265 = tpu.vector_load_idx %arg10[%parallel_loop3A_261, %parallel_loop3A_264] : memref<128x128xf32, #tpu.memory_space<vmem>>[vector<16xi32>, vector<16xi32>], vector<16xf32>,
        %parallel_loop3A_266 = arith.constant 1 : i32
        %parallel_loop3A_267 = vector.broadcast %parallel_loop3A_266 : i32 to vector<16xi32>
        %parallel_loop3A_268 = arith.addi %parallel_loop3A_259, %parallel_loop3A_267 : vector<16xi32>
        %parallel_loop3A_269 = tpu.vector_load_idx %arg10[%parallel_loop3A_261, %parallel_loop3A_268] : memref<128x128xf32, #tpu.memory_space<vmem>>[vector<16xi32>, vector<16xi32>], vector<16xf32>,
        %parallel_loop3A_270 = arith.constant 2 : i32
        %parallel_loop3A_271 = vector.broadcast %parallel_loop3A_270 : i32 to vector<16xi32>
        %parallel_loop3A_272 = arith.addi %parallel_loop3A_259, %parallel_loop3A_271 : vector<16xi32>
        %parallel_loop3A_273 = tpu.vector_load_idx %arg10[%parallel_loop3A_261, %parallel_loop3A_272] : memref<128x128xf32, #tpu.memory_space<vmem>>[vector<16xi32>, vector<16xi32>], vector<16xf32>,
        %parallel_loop3A_274 = arith.constant 3 : i32
        %parallel_loop3A_275 = vector.broadcast %parallel_loop3A_274 : i32 to vector<16xi32>
        %parallel_loop3A_276 = arith.addi %parallel_loop3A_259, %parallel_loop3A_275 : vector<16xi32>
        %parallel_loop3A_277 = tpu.vector_load_idx %arg10[%parallel_loop3A_261, %parallel_loop3A_276] : memref<128x128xf32, #tpu.memory_space<vmem>>[vector<16xi32>, vector<16xi32>], vector<16xf32>,
        %parallel_loop3A_278 = arith.constant 4 : i32
        %parallel_loop3A_279 = vector.broadcast %parallel_loop3A_278 : i32 to vector<16xi32>
        %parallel_loop3A_280 = arith.addi %parallel_loop3A_259, %parallel_loop3A_279 : vector<16xi32>
        %parallel_loop3A_281 = tpu.vector_load_idx %arg10[%parallel_loop3A_261, %parallel_loop3A_280] : memref<128x128xf32, #tpu.memory_space<vmem>>[vector<16xi32>, vector<16xi32>], vector<16xf32>,
        %parallel_loop3A_282 = arith.constant 5 : i32
        %parallel_loop3A_283 = vector.broadcast %parallel_loop3A_282 : i32 to vector<16xi32>
        %parallel_loop3A_284 = arith.addi %parallel_loop3A_259, %parallel_loop3A_283 : vector<16xi32>
        %parallel_loop3A_285 = tpu.vector_load_idx %arg10[%parallel_loop3A_261, %parallel_loop3A_284] : memref<128x128xf32, #tpu.memory_space<vmem>>[vector<16xi32>, vector<16xi32>], vector<16xf32>,
        %parallel_loop3A_286 = arith.constant 6 : i32
        %parallel_loop3A_287 = vector.broadcast %parallel_loop3A_286 : i32 to vector<16xi32>
        %parallel_loop3A_288 = arith.addi %parallel_loop3A_259, %parallel_loop3A_287 : vector<16xi32>
        %parallel_loop3A_289 = tpu.vector_load_idx %arg10[%parallel_loop3A_261, %parallel_loop3A_288] : memref<128x128xf32, #tpu.memory_space<vmem>>[vector<16xi32>, vector<16xi32>], vector<16xf32>,
        %parallel_loop3A_290 = arith.constant 7 : i32
        %parallel_loop3A_291 = vector.broadcast %parallel_loop3A_290 : i32 to vector<16xi32>
        %parallel_loop3A_292 = arith.addi %parallel_loop3A_259, %parallel_loop3A_291 : vector<16xi32>
        %parallel_loop3A_293 = tpu.vector_load_idx %arg10[%parallel_loop3A_261, %parallel_loop3A_292] : memref<128x128xf32, #tpu.memory_space<vmem>>[vector<16xi32>, vector<16xi32>], vector<16xf32>,
        %parallel_loop3A_294 = arith.constant 8 : i32
        %parallel_loop3A_295 = vector.broadcast %parallel_loop3A_294 : i32 to vector<16xi32>
        %parallel_loop3A_296 = arith.addi %parallel_loop3A_259, %parallel_loop3A_295 : vector<16xi32>
        %parallel_loop3A_297 = tpu.vector_load_idx %arg10[%parallel_loop3A_261, %parallel_loop3A_296] : memref<128x128xf32, #tpu.memory_space<vmem>>[vector<16xi32>, vector<16xi32>], vector<16xf32>,
        %parallel_loop3A_298 = arith.constant 9 : i32
        %parallel_loop3A_299 = vector.broadcast %parallel_loop3A_298 : i32 to vector<16xi32>
        %parallel_loop3A_300 = arith.addi %parallel_loop3A_259, %parallel_loop3A_299 : vector<16xi32>
        %parallel_loop3A_301 = tpu.vector_load_idx %arg10[%parallel_loop3A_261, %parallel_loop3A_300] : memref<128x128xf32, #tpu.memory_space<vmem>>[vector<16xi32>, vector<16xi32>], vector<16xf32>,
        %parallel_loop3A_302 = arith.constant 10 : i32
        %parallel_loop3A_303 = vector.broadcast %parallel_loop3A_302 : i32 to vector<16xi32>
        %parallel_loop3A_304 = arith.addi %parallel_loop3A_259, %parallel_loop3A_303 : vector<16xi32>
        %parallel_loop3A_305 = tpu.vector_load_idx %arg10[%parallel_loop3A_261, %parallel_loop3A_304] : memref<128x128xf32, #tpu.memory_space<vmem>>[vector<16xi32>, vector<16xi32>], vector<16xf32>,
        %parallel_loop3A_306 = arith.constant 11 : i32
        %parallel_loop3A_307 = vector.broadcast %parallel_loop3A_306 : i32 to vector<16xi32>
        %parallel_loop3A_308 = arith.addi %parallel_loop3A_259, %parallel_loop3A_307 : vector<16xi32>
        %parallel_loop3A_309 = tpu.vector_load_idx %arg10[%parallel_loop3A_261, %parallel_loop3A_308] : memref<128x128xf32, #tpu.memory_space<vmem>>[vector<16xi32>, vector<16xi32>], vector<16xf32>,
        %parallel_loop3A_310 = arith.constant 12 : i32
        %parallel_loop3A_311 = vector.broadcast %parallel_loop3A_310 : i32 to vector<16xi32>
        %parallel_loop3A_312 = arith.addi %parallel_loop3A_259, %parallel_loop3A_311 : vector<16xi32>
        %parallel_loop3A_313 = tpu.vector_load_idx %arg10[%parallel_loop3A_261, %parallel_loop3A_312] : memref<128x128xf32, #tpu.memory_space<vmem>>[vector<16xi32>, vector<16xi32>], vector<16xf32>,
        %parallel_loop3A_314 = arith.constant 13 : i32
        %parallel_loop3A_315 = vector.broadcast %parallel_loop3A_314 : i32 to vector<16xi32>
        %parallel_loop3A_316 = arith.addi %parallel_loop3A_259, %parallel_loop3A_315 : vector<16xi32>
        %parallel_loop3A_317 = tpu.vector_load_idx %arg10[%parallel_loop3A_261, %parallel_loop3A_316] : memref<128x128xf32, #tpu.memory_space<vmem>>[vector<16xi32>, vector<16xi32>], vector<16xf32>,
        %parallel_loop3A_318 = arith.constant 14 : i32
        %parallel_loop3A_319 = vector.broadcast %parallel_loop3A_318 : i32 to vector<16xi32>
        %parallel_loop3A_320 = arith.addi %parallel_loop3A_259, %parallel_loop3A_319 : vector<16xi32>
        %parallel_loop3A_321 = tpu.vector_load_idx %arg10[%parallel_loop3A_261, %parallel_loop3A_320] : memref<128x128xf32, #tpu.memory_space<vmem>>[vector<16xi32>, vector<16xi32>], vector<16xf32>,
        %parallel_loop3A_322 = arith.constant 15 : i32
        %parallel_loop3A_323 = vector.broadcast %parallel_loop3A_322 : i32 to vector<16xi32>
        %parallel_loop3A_324 = arith.addi %parallel_loop3A_259, %parallel_loop3A_323 : vector<16xi32>
        %parallel_loop3A_325 = tpu.vector_load_idx %arg10[%parallel_loop3A_261, %parallel_loop3A_324] : memref<128x128xf32, #tpu.memory_space<vmem>>[vector<16xi32>, vector<16xi32>], vector<16xf32>,
        %parallel_loop3A_326 = arith.constant 16 : i32
        %parallel_loop3A_327 = vector.broadcast %parallel_loop3A_326 : i32 to vector<16xi32>
        %parallel_loop3A_328 = arith.addi %parallel_loop3A_259, %parallel_loop3A_327 : vector<16xi32>
        %parallel_loop3A_329 = tpu.vector_load_idx %arg10[%parallel_loop3A_261, %parallel_loop3A_328] : memref<128x128xf32, #tpu.memory_space<vmem>>[vector<16xi32>, vector<16xi32>], vector<16xf32>,
        %parallel_loop3A_330 = arith.constant 17 : i32
        %parallel_loop3A_331 = vector.broadcast %parallel_loop3A_330 : i32 to vector<16xi32>
        %parallel_loop3A_332 = arith.addi %parallel_loop3A_259, %parallel_loop3A_331 : vector<16xi32>
        %parallel_loop3A_333 = tpu.vector_load_idx %arg10[%parallel_loop3A_261, %parallel_loop3A_332] : memref<128x128xf32, #tpu.memory_space<vmem>>[vector<16xi32>, vector<16xi32>], vector<16xf32>,
        %parallel_loop3A_334 = arith.constant 18 : i32
        %parallel_loop3A_335 = vector.broadcast %parallel_loop3A_334 : i32 to vector<16xi32>
        %parallel_loop3A_336 = arith.addi %parallel_loop3A_259, %parallel_loop3A_335 : vector<16xi32>
        %parallel_loop3A_337 = tpu.vector_load_idx %arg10[%parallel_loop3A_261, %parallel_loop3A_336] : memref<128x128xf32, #tpu.memory_space<vmem>>[vector<16xi32>, vector<16xi32>], vector<16xf32>,
        %parallel_loop3A_338 = arith.constant 19 : i32
        %parallel_loop3A_339 = vector.broadcast %parallel_loop3A_338 : i32 to vector<16xi32>
        %parallel_loop3A_340 = arith.addi %parallel_loop3A_259, %parallel_loop3A_339 : vector<16xi32>
        %parallel_loop3A_341 = tpu.vector_load_idx %arg10[%parallel_loop3A_261, %parallel_loop3A_340] : memref<128x128xf32, #tpu.memory_space<vmem>>[vector<16xi32>, vector<16xi32>], vector<16xf32>,
        %parallel_loop3A_342 = arith.constant 20 : i32
        %parallel_loop3A_343 = vector.broadcast %parallel_loop3A_342 : i32 to vector<16xi32>
        %parallel_loop3A_344 = arith.addi %parallel_loop3A_259, %parallel_loop3A_343 : vector<16xi32>
        %parallel_loop3A_345 = tpu.vector_load_idx %arg10[%parallel_loop3A_261, %parallel_loop3A_344] : memref<128x128xf32, #tpu.memory_space<vmem>>[vector<16xi32>, vector<16xi32>], vector<16xf32>,
        %parallel_loop3A_346 = arith.constant 21 : i32
        %parallel_loop3A_347 = vector.broadcast %parallel_loop3A_346 : i32 to vector<16xi32>
        %parallel_loop3A_348 = arith.addi %parallel_loop3A_259, %parallel_loop3A_347 : vector<16xi32>
        %parallel_loop3A_349 = tpu.vector_load_idx %arg10[%parallel_loop3A_261, %parallel_loop3A_348] : memref<128x128xf32, #tpu.memory_space<vmem>>[vector<16xi32>, vector<16xi32>], vector<16xf32>,
        %parallel_loop3A_350 = arith.constant 22 : i32
        %parallel_loop3A_351 = vector.broadcast %parallel_loop3A_350 : i32 to vector<16xi32>
        %parallel_loop3A_352 = arith.addi %parallel_loop3A_259, %parallel_loop3A_351 : vector<16xi32>
        %parallel_loop3A_353 = tpu.vector_load_idx %arg10[%parallel_loop3A_261, %parallel_loop3A_352] : memref<128x128xf32, #tpu.memory_space<vmem>>[vector<16xi32>, vector<16xi32>], vector<16xf32>,
        %parallel_loop3A_354 = arith.constant 23 : i32
        %parallel_loop3A_355 = vector.broadcast %parallel_loop3A_354 : i32 to vector<16xi32>
        %parallel_loop3A_356 = arith.addi %parallel_loop3A_259, %parallel_loop3A_355 : vector<16xi32>
        %parallel_loop3A_357 = tpu.vector_load_idx %arg10[%parallel_loop3A_261, %parallel_loop3A_356] : memref<128x128xf32, #tpu.memory_space<vmem>>[vector<16xi32>, vector<16xi32>], vector<16xf32>,
        %parallel_loop3A_358 = arith.constant 24 : i32
        %parallel_loop3A_359 = vector.broadcast %parallel_loop3A_358 : i32 to vector<16xi32>
        %parallel_loop3A_360 = arith.addi %parallel_loop3A_259, %parallel_loop3A_359 : vector<16xi32>
        %parallel_loop3A_361 = tpu.vector_load_idx %arg10[%parallel_loop3A_261, %parallel_loop3A_360] : memref<128x128xf32, #tpu.memory_space<vmem>>[vector<16xi32>, vector<16xi32>], vector<16xf32>,
        %parallel_loop3A_362 = arith.constant 25 : i32
        %parallel_loop3A_363 = vector.broadcast %parallel_loop3A_362 : i32 to vector<16xi32>
        %parallel_loop3A_364 = arith.addi %parallel_loop3A_259, %parallel_loop3A_363 : vector<16xi32>
        %parallel_loop3A_365 = tpu.vector_load_idx %arg10[%parallel_loop3A_261, %parallel_loop3A_364] : memref<128x128xf32, #tpu.memory_space<vmem>>[vector<16xi32>, vector<16xi32>], vector<16xf32>,
        %parallel_loop3A_366 = arith.constant 26 : i32
        %parallel_loop3A_367 = vector.broadcast %parallel_loop3A_366 : i32 to vector<16xi32>
        %parallel_loop3A_368 = arith.addi %parallel_loop3A_259, %parallel_loop3A_367 : vector<16xi32>
        %parallel_loop3A_369 = tpu.vector_load_idx %arg10[%parallel_loop3A_261, %parallel_loop3A_368] : memref<128x128xf32, #tpu.memory_space<vmem>>[vector<16xi32>, vector<16xi32>], vector<16xf32>,
        %parallel_loop3A_370 = arith.constant 27 : i32
        %parallel_loop3A_371 = vector.broadcast %parallel_loop3A_370 : i32 to vector<16xi32>
        %parallel_loop3A_372 = arith.addi %parallel_loop3A_259, %parallel_loop3A_371 : vector<16xi32>
        %parallel_loop3A_373 = tpu.vector_load_idx %arg10[%parallel_loop3A_261, %parallel_loop3A_372] : memref<128x128xf32, #tpu.memory_space<vmem>>[vector<16xi32>, vector<16xi32>], vector<16xf32>,
        %parallel_loop3A_374 = arith.constant 28 : i32
        %parallel_loop3A_375 = vector.broadcast %parallel_loop3A_374 : i32 to vector<16xi32>
        %parallel_loop3A_376 = arith.addi %parallel_loop3A_259, %parallel_loop3A_375 : vector<16xi32>
        %parallel_loop3A_377 = tpu.vector_load_idx %arg10[%parallel_loop3A_261, %parallel_loop3A_376] : memref<128x128xf32, #tpu.memory_space<vmem>>[vector<16xi32>, vector<16xi32>], vector<16xf32>,
        %parallel_loop3A_378 = arith.constant 29 : i32
        %parallel_loop3A_379 = vector.broadcast %parallel_loop3A_378 : i32 to vector<16xi32>
        %parallel_loop3A_380 = arith.addi %parallel_loop3A_259, %parallel_loop3A_379 : vector<16xi32>
        %parallel_loop3A_381 = tpu.vector_load_idx %arg10[%parallel_loop3A_261, %parallel_loop3A_380] : memref<128x128xf32, #tpu.memory_space<vmem>>[vector<16xi32>, vector<16xi32>], vector<16xf32>,
        %parallel_loop3A_382 = arith.constant 30 : i32
        %parallel_loop3A_383 = vector.broadcast %parallel_loop3A_382 : i32 to vector<16xi32>
        %parallel_loop3A_384 = arith.addi %parallel_loop3A_259, %parallel_loop3A_383 : vector<16xi32>
        %parallel_loop3A_385 = tpu.vector_load_idx %arg10[%parallel_loop3A_261, %parallel_loop3A_384] : memref<128x128xf32, #tpu.memory_space<vmem>>[vector<16xi32>, vector<16xi32>], vector<16xf32>,
        %parallel_loop3A_386 = arith.constant 31 : i32
        %parallel_loop3A_387 = vector.broadcast %parallel_loop3A_386 : i32 to vector<16xi32>
        %parallel_loop3A_388 = arith.addi %parallel_loop3A_259, %parallel_loop3A_387 : vector<16xi32>
        %parallel_loop3A_389 = tpu.vector_load_idx %arg10[%parallel_loop3A_261, %parallel_loop3A_388] : memref<128x128xf32, #tpu.memory_space<vmem>>[vector<16xi32>, vector<16xi32>], vector<16xf32>,
        %parallel_loop3A_390 = arith.constant 1 : i32
        %parallel_loop3A_391 = arith.constant 0 : i32
        %parallel_loop3A_392 = arith.index_cast %parallel_loop3A_390 : i32 to index
        %parallel_loop3A_393 = arith.index_cast %parallel_loop3A_391 : i32 to index
        %parallel_loop3A_394 = arith.index_cast %parallel_loop3A_250 : i32 to index
        %parallel_loop3A_395 = tpu.vector_load %arg12[%parallel_loop3A_392, %parallel_loop3A_393, %parallel_loop3A_394] {strides = array<i32>} : memref<2x32x128xf32, #tpu.memory_space<vmem>>, vector<16xf32>,
        tpu.vector_store %arg12[%parallel_loop3A_392, %parallel_loop3A_393, %parallel_loop3A_394], %parallel_loop3A_265 {strides = array<i32>} : memref<2x32x128xf32, #tpu.memory_space<vmem>>, vector<16xf32>,
        %parallel_loop3A_396 = arith.constant 1 : i32
        %parallel_loop3A_397 = arith.constant 1 : i32
        %parallel_loop3A_398 = arith.index_cast %parallel_loop3A_396 : i32 to index
        %parallel_loop3A_399 = arith.index_cast %parallel_loop3A_397 : i32 to index
        %parallel_loop3A_400 = arith.index_cast %parallel_loop3A_250 : i32 to index
        %parallel_loop3A_401 = tpu.vector_load %arg12[%parallel_loop3A_398, %parallel_loop3A_399, %parallel_loop3A_400] {strides = array<i32>} : memref<2x32x128xf32, #tpu.memory_space<vmem>>, vector<16xf32>,
        tpu.vector_store %arg12[%parallel_loop3A_398, %parallel_loop3A_399, %parallel_loop3A_400], %parallel_loop3A_269 {strides = array<i32>} : memref<2x32x128xf32, #tpu.memory_space<vmem>>, vector<16xf32>,
        %parallel_loop3A_402 = arith.constant 1 : i32
        %parallel_loop3A_403 = arith.constant 2 : i32
        %parallel_loop3A_404 = arith.index_cast %parallel_loop3A_402 : i32 to index
        %parallel_loop3A_405 = arith.index_cast %parallel_loop3A_403 : i32 to index
        %parallel_loop3A_406 = arith.index_cast %parallel_loop3A_250 : i32 to index
        %parallel_loop3A_407 = tpu.vector_load %arg12[%parallel_loop3A_404, %parallel_loop3A_405, %parallel_loop3A_406] {strides = array<i32>} : memref<2x32x128xf32, #tpu.memory_space<vmem>>, vector<16xf32>,
        tpu.vector_store %arg12[%parallel_loop3A_404, %parallel_loop3A_405, %parallel_loop3A_406], %parallel_loop3A_273 {strides = array<i32>} : memref<2x32x128xf32, #tpu.memory_space<vmem>>, vector<16xf32>,
        %parallel_loop3A_408 = arith.constant 1 : i32
        %parallel_loop3A_409 = arith.constant 3 : i32
        %parallel_loop3A_410 = arith.index_cast %parallel_loop3A_408 : i32 to index
        %parallel_loop3A_411 = arith.index_cast %parallel_loop3A_409 : i32 to index
        %parallel_loop3A_412 = arith.index_cast %parallel_loop3A_250 : i32 to index
        %parallel_loop3A_413 = tpu.vector_load %arg12[%parallel_loop3A_410, %parallel_loop3A_411, %parallel_loop3A_412] {strides = array<i32>} : memref<2x32x128xf32, #tpu.memory_space<vmem>>, vector<16xf32>,
        tpu.vector_store %arg12[%parallel_loop3A_410, %parallel_loop3A_411, %parallel_loop3A_412], %parallel_loop3A_277 {strides = array<i32>} : memref<2x32x128xf32, #tpu.memory_space<vmem>>, vector<16xf32>,
        %parallel_loop3A_414 = arith.constant 1 : i32
        %parallel_loop3A_415 = arith.constant 4 : i32
        %parallel_loop3A_416 = arith.index_cast %parallel_loop3A_414 : i32 to index
        %parallel_loop3A_417 = arith.index_cast %parallel_loop3A_415 : i32 to index
        %parallel_loop3A_418 = arith.index_cast %parallel_loop3A_250 : i32 to index
        %parallel_loop3A_419 = tpu.vector_load %arg12[%parallel_loop3A_416, %parallel_loop3A_417, %parallel_loop3A_418] {strides = array<i32>} : memref<2x32x128xf32, #tpu.memory_space<vmem>>, vector<16xf32>,
        tpu.vector_store %arg12[%parallel_loop3A_416, %parallel_loop3A_417, %parallel_loop3A_418], %parallel_loop3A_281 {strides = array<i32>} : memref<2x32x128xf32, #tpu.memory_space<vmem>>, vector<16xf32>,
        %parallel_loop3A_420 = arith.constant 1 : i32
        %parallel_loop3A_421 = arith.constant 5 : i32
        %parallel_loop3A_422 = arith.index_cast %parallel_loop3A_420 : i32 to index
        %parallel_loop3A_423 = arith.index_cast %parallel_loop3A_421 : i32 to index
        %parallel_loop3A_424 = arith.index_cast %parallel_loop3A_250 : i32 to index
        %parallel_loop3A_425 = tpu.vector_load %arg12[%parallel_loop3A_422, %parallel_loop3A_423, %parallel_loop3A_424] {strides = array<i32>} : memref<2x32x128xf32, #tpu.memory_space<vmem>>, vector<16xf32>,
        tpu.vector_store %arg12[%parallel_loop3A_422, %parallel_loop3A_423, %parallel_loop3A_424], %parallel_loop3A_285 {strides = array<i32>} : memref<2x32x128xf32, #tpu.memory_space<vmem>>, vector<16xf32>,
        %parallel_loop3A_426 = arith.constant 1 : i32
        %parallel_loop3A_427 = arith.constant 6 : i32
        %parallel_loop3A_428 = arith.index_cast %parallel_loop3A_426 : i32 to index
        %parallel_loop3A_429 = arith.index_cast %parallel_loop3A_427 : i32 to index
        %parallel_loop3A_430 = arith.index_cast %parallel_loop3A_250 : i32 to index
        %parallel_loop3A_431 = tpu.vector_load %arg12[%parallel_loop3A_428, %parallel_loop3A_429, %parallel_loop3A_430] {strides = array<i32>} : memref<2x32x128xf32, #tpu.memory_space<vmem>>, vector<16xf32>,
        tpu.vector_store %arg12[%parallel_loop3A_428, %parallel_loop3A_429, %parallel_loop3A_430], %parallel_loop3A_289 {strides = array<i32>} : memref<2x32x128xf32, #tpu.memory_space<vmem>>, vector<16xf32>,
        %parallel_loop3A_432 = arith.constant 1 : i32
        %parallel_loop3A_433 = arith.constant 7 : i32
        %parallel_loop3A_434 = arith.index_cast %parallel_loop3A_432 : i32 to index
        %parallel_loop3A_435 = arith.index_cast %parallel_loop3A_433 : i32 to index
        %parallel_loop3A_436 = arith.index_cast %parallel_loop3A_250 : i32 to index
        %parallel_loop3A_437 = tpu.vector_load %arg12[%parallel_loop3A_434, %parallel_loop3A_435, %parallel_loop3A_436] {strides = array<i32>} : memref<2x32x128xf32, #tpu.memory_space<vmem>>, vector<16xf32>,
        tpu.vector_store %arg12[%parallel_loop3A_434, %parallel_loop3A_435, %parallel_loop3A_436], %parallel_loop3A_293 {strides = array<i32>} : memref<2x32x128xf32, #tpu.memory_space<vmem>>, vector<16xf32>,
        %parallel_loop3A_438 = arith.constant 1 : i32
        %parallel_loop3A_439 = arith.constant 8 : i32
        %parallel_loop3A_440 = arith.index_cast %parallel_loop3A_438 : i32 to index
        %parallel_loop3A_441 = arith.index_cast %parallel_loop3A_439 : i32 to index
        %parallel_loop3A_442 = arith.index_cast %parallel_loop3A_250 : i32 to index
        %parallel_loop3A_443 = tpu.vector_load %arg12[%parallel_loop3A_440, %parallel_loop3A_441, %parallel_loop3A_442] {strides = array<i32>} : memref<2x32x128xf32, #tpu.memory_space<vmem>>, vector<16xf32>,
        tpu.vector_store %arg12[%parallel_loop3A_440, %parallel_loop3A_441, %parallel_loop3A_442], %parallel_loop3A_297 {strides = array<i32>} : memref<2x32x128xf32, #tpu.memory_space<vmem>>, vector<16xf32>,
        %parallel_loop3A_444 = arith.constant 1 : i32
        %parallel_loop3A_445 = arith.constant 9 : i32
        %parallel_loop3A_446 = arith.index_cast %parallel_loop3A_444 : i32 to index
        %parallel_loop3A_447 = arith.index_cast %parallel_loop3A_445 : i32 to index
        %parallel_loop3A_448 = arith.index_cast %parallel_loop3A_250 : i32 to index
        %parallel_loop3A_449 = tpu.vector_load %arg12[%parallel_loop3A_446, %parallel_loop3A_447, %parallel_loop3A_448] {strides = array<i32>} : memref<2x32x128xf32, #tpu.memory_space<vmem>>, vector<16xf32>,
        tpu.vector_store %arg12[%parallel_loop3A_446, %parallel_loop3A_447, %parallel_loop3A_448], %parallel_loop3A_301 {strides = array<i32>} : memref<2x32x128xf32, #tpu.memory_space<vmem>>, vector<16xf32>,
        %parallel_loop3A_450 = arith.constant 1 : i32
        %parallel_loop3A_451 = arith.constant 10 : i32
        %parallel_loop3A_452 = arith.index_cast %parallel_loop3A_450 : i32 to index
        %parallel_loop3A_453 = arith.index_cast %parallel_loop3A_451 : i32 to index
        %parallel_loop3A_454 = arith.index_cast %parallel_loop3A_250 : i32 to index
        %parallel_loop3A_455 = tpu.vector_load %arg12[%parallel_loop3A_452, %parallel_loop3A_453, %parallel_loop3A_454] {strides = array<i32>} : memref<2x32x128xf32, #tpu.memory_space<vmem>>, vector<16xf32>,
        tpu.vector_store %arg12[%parallel_loop3A_452, %parallel_loop3A_453, %parallel_loop3A_454], %parallel_loop3A_305 {strides = array<i32>} : memref<2x32x128xf32, #tpu.memory_space<vmem>>, vector<16xf32>,
        %parallel_loop3A_456 = arith.constant 1 : i32
        %parallel_loop3A_457 = arith.constant 11 : i32
        %parallel_loop3A_458 = arith.index_cast %parallel_loop3A_456 : i32 to index
        %parallel_loop3A_459 = arith.index_cast %parallel_loop3A_457 : i32 to index
        %parallel_loop3A_460 = arith.index_cast %parallel_loop3A_250 : i32 to index
        %parallel_loop3A_461 = tpu.vector_load %arg12[%parallel_loop3A_458, %parallel_loop3A_459, %parallel_loop3A_460] {strides = array<i32>} : memref<2x32x128xf32, #tpu.memory_space<vmem>>, vector<16xf32>,
        tpu.vector_store %arg12[%parallel_loop3A_458, %parallel_loop3A_459, %parallel_loop3A_460], %parallel_loop3A_309 {strides = array<i32>} : memref<2x32x128xf32, #tpu.memory_space<vmem>>, vector<16xf32>,
        %parallel_loop3A_462 = arith.constant 1 : i32
        %parallel_loop3A_463 = arith.constant 12 : i32
        %parallel_loop3A_464 = arith.index_cast %parallel_loop3A_462 : i32 to index
        %parallel_loop3A_465 = arith.index_cast %parallel_loop3A_463 : i32 to index
        %parallel_loop3A_466 = arith.index_cast %parallel_loop3A_250 : i32 to index
        %parallel_loop3A_467 = tpu.vector_load %arg12[%parallel_loop3A_464, %parallel_loop3A_465, %parallel_loop3A_466] {strides = array<i32>} : memref<2x32x128xf32, #tpu.memory_space<vmem>>, vector<16xf32>,
        tpu.vector_store %arg12[%parallel_loop3A_464, %parallel_loop3A_465, %parallel_loop3A_466], %parallel_loop3A_313 {strides = array<i32>} : memref<2x32x128xf32, #tpu.memory_space<vmem>>, vector<16xf32>,
        %parallel_loop3A_468 = arith.constant 1 : i32
        %parallel_loop3A_469 = arith.constant 13 : i32
        %parallel_loop3A_470 = arith.index_cast %parallel_loop3A_468 : i32 to index
        %parallel_loop3A_471 = arith.index_cast %parallel_loop3A_469 : i32 to index
        %parallel_loop3A_472 = arith.index_cast %parallel_loop3A_250 : i32 to index
        %parallel_loop3A_473 = tpu.vector_load %arg12[%parallel_loop3A_470, %parallel_loop3A_471, %parallel_loop3A_472] {strides = array<i32>} : memref<2x32x128xf32, #tpu.memory_space<vmem>>, vector<16xf32>,
        tpu.vector_store %arg12[%parallel_loop3A_470, %parallel_loop3A_471, %parallel_loop3A_472], %parallel_loop3A_317 {strides = array<i32>} : memref<2x32x128xf32, #tpu.memory_space<vmem>>, vector<16xf32>,
        %parallel_loop3A_474 = arith.constant 1 : i32
        %parallel_loop3A_475 = arith.constant 14 : i32
        %parallel_loop3A_476 = arith.index_cast %parallel_loop3A_474 : i32 to index
        %parallel_loop3A_477 = arith.index_cast %parallel_loop3A_475 : i32 to index
        %parallel_loop3A_478 = arith.index_cast %parallel_loop3A_250 : i32 to index
        %parallel_loop3A_479 = tpu.vector_load %arg12[%parallel_loop3A_476, %parallel_loop3A_477, %parallel_loop3A_478] {strides = array<i32>} : memref<2x32x128xf32, #tpu.memory_space<vmem>>, vector<16xf32>,
        tpu.vector_store %arg12[%parallel_loop3A_476, %parallel_loop3A_477, %parallel_loop3A_478], %parallel_loop3A_321 {strides = array<i32>} : memref<2x32x128xf32, #tpu.memory_space<vmem>>, vector<16xf32>,
        %parallel_loop3A_480 = arith.constant 1 : i32
        %parallel_loop3A_481 = arith.constant 15 : i32
        %parallel_loop3A_482 = arith.index_cast %parallel_loop3A_480 : i32 to index
        %parallel_loop3A_483 = arith.index_cast %parallel_loop3A_481 : i32 to index
        %parallel_loop3A_484 = arith.index_cast %parallel_loop3A_250 : i32 to index
        %parallel_loop3A_485 = tpu.vector_load %arg12[%parallel_loop3A_482, %parallel_loop3A_483, %parallel_loop3A_484] {strides = array<i32>} : memref<2x32x128xf32, #tpu.memory_space<vmem>>, vector<16xf32>,
        tpu.vector_store %arg12[%parallel_loop3A_482, %parallel_loop3A_483, %parallel_loop3A_484], %parallel_loop3A_325 {strides = array<i32>} : memref<2x32x128xf32, #tpu.memory_space<vmem>>, vector<16xf32>,
        %parallel_loop3A_486 = arith.constant 1 : i32
        %parallel_loop3A_487 = arith.constant 16 : i32
        %parallel_loop3A_488 = arith.index_cast %parallel_loop3A_486 : i32 to index
        %parallel_loop3A_489 = arith.index_cast %parallel_loop3A_487 : i32 to index
        %parallel_loop3A_490 = arith.index_cast %parallel_loop3A_250 : i32 to index
        %parallel_loop3A_491 = tpu.vector_load %arg12[%parallel_loop3A_488, %parallel_loop3A_489, %parallel_loop3A_490] {strides = array<i32>} : memref<2x32x128xf32, #tpu.memory_space<vmem>>, vector<16xf32>,
        tpu.vector_store %arg12[%parallel_loop3A_488, %parallel_loop3A_489, %parallel_loop3A_490], %parallel_loop3A_329 {strides = array<i32>} : memref<2x32x128xf32, #tpu.memory_space<vmem>>, vector<16xf32>,
        %parallel_loop3A_492 = arith.constant 1 : i32
        %parallel_loop3A_493 = arith.constant 17 : i32
        %parallel_loop3A_494 = arith.index_cast %parallel_loop3A_492 : i32 to index
        %parallel_loop3A_495 = arith.index_cast %parallel_loop3A_493 : i32 to index
        %parallel_loop3A_496 = arith.index_cast %parallel_loop3A_250 : i32 to index
        %parallel_loop3A_497 = tpu.vector_load %arg12[%parallel_loop3A_494, %parallel_loop3A_495, %parallel_loop3A_496] {strides = array<i32>} : memref<2x32x128xf32, #tpu.memory_space<vmem>>, vector<16xf32>,
        tpu.vector_store %arg12[%parallel_loop3A_494, %parallel_loop3A_495, %parallel_loop3A_496], %parallel_loop3A_333 {strides = array<i32>} : memref<2x32x128xf32, #tpu.memory_space<vmem>>, vector<16xf32>,
        %parallel_loop3A_498 = arith.constant 1 : i32
        %parallel_loop3A_499 = arith.constant 18 : i32
        %parallel_loop3A_500 = arith.index_cast %parallel_loop3A_498 : i32 to index
        %parallel_loop3A_501 = arith.index_cast %parallel_loop3A_499 : i32 to index
        %parallel_loop3A_502 = arith.index_cast %parallel_loop3A_250 : i32 to index
        %parallel_loop3A_503 = tpu.vector_load %arg12[%parallel_loop3A_500, %parallel_loop3A_501, %parallel_loop3A_502] {strides = array<i32>} : memref<2x32x128xf32, #tpu.memory_space<vmem>>, vector<16xf32>,
        tpu.vector_store %arg12[%parallel_loop3A_500, %parallel_loop3A_501, %parallel_loop3A_502], %parallel_loop3A_337 {strides = array<i32>} : memref<2x32x128xf32, #tpu.memory_space<vmem>>, vector<16xf32>,
        %parallel_loop3A_504 = arith.constant 1 : i32
        %parallel_loop3A_505 = arith.constant 19 : i32
        %parallel_loop3A_506 = arith.index_cast %parallel_loop3A_504 : i32 to index
        %parallel_loop3A_507 = arith.index_cast %parallel_loop3A_505 : i32 to index
        %parallel_loop3A_508 = arith.index_cast %parallel_loop3A_250 : i32 to index
        %parallel_loop3A_509 = tpu.vector_load %arg12[%parallel_loop3A_506, %parallel_loop3A_507, %parallel_loop3A_508] {strides = array<i32>} : memref<2x32x128xf32, #tpu.memory_space<vmem>>, vector<16xf32>,
        tpu.vector_store %arg12[%parallel_loop3A_506, %parallel_loop3A_507, %parallel_loop3A_508], %parallel_loop3A_341 {strides = array<i32>} : memref<2x32x128xf32, #tpu.memory_space<vmem>>, vector<16xf32>,
        %parallel_loop3A_510 = arith.constant 1 : i32
        %parallel_loop3A_511 = arith.constant 20 : i32
        %parallel_loop3A_512 = arith.index_cast %parallel_loop3A_510 : i32 to index
        %parallel_loop3A_513 = arith.index_cast %parallel_loop3A_511 : i32 to index
        %parallel_loop3A_514 = arith.index_cast %parallel_loop3A_250 : i32 to index
        %parallel_loop3A_515 = tpu.vector_load %arg12[%parallel_loop3A_512, %parallel_loop3A_513, %parallel_loop3A_514] {strides = array<i32>} : memref<2x32x128xf32, #tpu.memory_space<vmem>>, vector<16xf32>,
        tpu.vector_store %arg12[%parallel_loop3A_512, %parallel_loop3A_513, %parallel_loop3A_514], %parallel_loop3A_345 {strides = array<i32>} : memref<2x32x128xf32, #tpu.memory_space<vmem>>, vector<16xf32>,
        %parallel_loop3A_516 = arith.constant 1 : i32
        %parallel_loop3A_517 = arith.constant 21 : i32
        %parallel_loop3A_518 = arith.index_cast %parallel_loop3A_516 : i32 to index
        %parallel_loop3A_519 = arith.index_cast %parallel_loop3A_517 : i32 to index
        %parallel_loop3A_520 = arith.index_cast %parallel_loop3A_250 : i32 to index
        %parallel_loop3A_521 = tpu.vector_load %arg12[%parallel_loop3A_518, %parallel_loop3A_519, %parallel_loop3A_520] {strides = array<i32>} : memref<2x32x128xf32, #tpu.memory_space<vmem>>, vector<16xf32>,
        tpu.vector_store %arg12[%parallel_loop3A_518, %parallel_loop3A_519, %parallel_loop3A_520], %parallel_loop3A_349 {strides = array<i32>} : memref<2x32x128xf32, #tpu.memory_space<vmem>>, vector<16xf32>,
        %parallel_loop3A_522 = arith.constant 1 : i32
        %parallel_loop3A_523 = arith.constant 22 : i32
        %parallel_loop3A_524 = arith.index_cast %parallel_loop3A_522 : i32 to index
        %parallel_loop3A_525 = arith.index_cast %parallel_loop3A_523 : i32 to index
        %parallel_loop3A_526 = arith.index_cast %parallel_loop3A_250 : i32 to index
        %parallel_loop3A_527 = tpu.vector_load %arg12[%parallel_loop3A_524, %parallel_loop3A_525, %parallel_loop3A_526] {strides = array<i32>} : memref<2x32x128xf32, #tpu.memory_space<vmem>>, vector<16xf32>,
        tpu.vector_store %arg12[%parallel_loop3A_524, %parallel_loop3A_525, %parallel_loop3A_526], %parallel_loop3A_353 {strides = array<i32>} : memref<2x32x128xf32, #tpu.memory_space<vmem>>, vector<16xf32>,
        %parallel_loop3A_528 = arith.constant 1 : i32
        %parallel_loop3A_529 = arith.constant 23 : i32
        %parallel_loop3A_530 = arith.index_cast %parallel_loop3A_528 : i32 to index
        %parallel_loop3A_531 = arith.index_cast %parallel_loop3A_529 : i32 to index
        %parallel_loop3A_532 = arith.index_cast %parallel_loop3A_250 : i32 to index
        %parallel_loop3A_533 = tpu.vector_load %arg12[%parallel_loop3A_530, %parallel_loop3A_531, %parallel_loop3A_532] {strides = array<i32>} : memref<2x32x128xf32, #tpu.memory_space<vmem>>, vector<16xf32>,
        tpu.vector_store %arg12[%parallel_loop3A_530, %parallel_loop3A_531, %parallel_loop3A_532], %parallel_loop3A_357 {strides = array<i32>} : memref<2x32x128xf32, #tpu.memory_space<vmem>>, vector<16xf32>,
        %parallel_loop3A_534 = arith.constant 1 : i32
        %parallel_loop3A_535 = arith.constant 24 : i32
        %parallel_loop3A_536 = arith.index_cast %parallel_loop3A_534 : i32 to index
        %parallel_loop3A_537 = arith.index_cast %parallel_loop3A_535 : i32 to index
        %parallel_loop3A_538 = arith.index_cast %parallel_loop3A_250 : i32 to index
        %parallel_loop3A_539 = tpu.vector_load %arg12[%parallel_loop3A_536, %parallel_loop3A_537, %parallel_loop3A_538] {strides = array<i32>} : memref<2x32x128xf32, #tpu.memory_space<vmem>>, vector<16xf32>,
        tpu.vector_store %arg12[%parallel_loop3A_536, %parallel_loop3A_537, %parallel_loop3A_538], %parallel_loop3A_361 {strides = array<i32>} : memref<2x32x128xf32, #tpu.memory_space<vmem>>, vector<16xf32>,
        %parallel_loop3A_540 = arith.constant 1 : i32
        %parallel_loop3A_541 = arith.constant 25 : i32
        %parallel_loop3A_542 = arith.index_cast %parallel_loop3A_540 : i32 to index
        %parallel_loop3A_543 = arith.index_cast %parallel_loop3A_541 : i32 to index
        %parallel_loop3A_544 = arith.index_cast %parallel_loop3A_250 : i32 to index
        %parallel_loop3A_545 = tpu.vector_load %arg12[%parallel_loop3A_542, %parallel_loop3A_543, %parallel_loop3A_544] {strides = array<i32>} : memref<2x32x128xf32, #tpu.memory_space<vmem>>, vector<16xf32>,
        tpu.vector_store %arg12[%parallel_loop3A_542, %parallel_loop3A_543, %parallel_loop3A_544], %parallel_loop3A_365 {strides = array<i32>} : memref<2x32x128xf32, #tpu.memory_space<vmem>>, vector<16xf32>,
        %parallel_loop3A_546 = arith.constant 1 : i32
        %parallel_loop3A_547 = arith.constant 26 : i32
        %parallel_loop3A_548 = arith.index_cast %parallel_loop3A_546 : i32 to index
        %parallel_loop3A_549 = arith.index_cast %parallel_loop3A_547 : i32 to index
        %parallel_loop3A_550 = arith.index_cast %parallel_loop3A_250 : i32 to index
        %parallel_loop3A_551 = tpu.vector_load %arg12[%parallel_loop3A_548, %parallel_loop3A_549, %parallel_loop3A_550] {strides = array<i32>} : memref<2x32x128xf32, #tpu.memory_space<vmem>>, vector<16xf32>,
        tpu.vector_store %arg12[%parallel_loop3A_548, %parallel_loop3A_549, %parallel_loop3A_550], %parallel_loop3A_369 {strides = array<i32>} : memref<2x32x128xf32, #tpu.memory_space<vmem>>, vector<16xf32>,
        %parallel_loop3A_552 = arith.constant 1 : i32
        %parallel_loop3A_553 = arith.constant 27 : i32
        %parallel_loop3A_554 = arith.index_cast %parallel_loop3A_552 : i32 to index
        %parallel_loop3A_555 = arith.index_cast %parallel_loop3A_553 : i32 to index
        %parallel_loop3A_556 = arith.index_cast %parallel_loop3A_250 : i32 to index
        %parallel_loop3A_557 = tpu.vector_load %arg12[%parallel_loop3A_554, %parallel_loop3A_555, %parallel_loop3A_556] {strides = array<i32>} : memref<2x32x128xf32, #tpu.memory_space<vmem>>, vector<16xf32>,
        tpu.vector_store %arg12[%parallel_loop3A_554, %parallel_loop3A_555, %parallel_loop3A_556], %parallel_loop3A_373 {strides = array<i32>} : memref<2x32x128xf32, #tpu.memory_space<vmem>>, vector<16xf32>,
        %parallel_loop3A_558 = arith.constant 1 : i32
        %parallel_loop3A_559 = arith.constant 28 : i32
        %parallel_loop3A_560 = arith.index_cast %parallel_loop3A_558 : i32 to index
        %parallel_loop3A_561 = arith.index_cast %parallel_loop3A_559 : i32 to index
        %parallel_loop3A_562 = arith.index_cast %parallel_loop3A_250 : i32 to index
        %parallel_loop3A_563 = tpu.vector_load %arg12[%parallel_loop3A_560, %parallel_loop3A_561, %parallel_loop3A_562] {strides = array<i32>} : memref<2x32x128xf32, #tpu.memory_space<vmem>>, vector<16xf32>,
        tpu.vector_store %arg12[%parallel_loop3A_560, %parallel_loop3A_561, %parallel_loop3A_562], %parallel_loop3A_377 {strides = array<i32>} : memref<2x32x128xf32, #tpu.memory_space<vmem>>, vector<16xf32>,
        %parallel_loop3A_564 = arith.constant 1 : i32
        %parallel_loop3A_565 = arith.constant 29 : i32
        %parallel_loop3A_566 = arith.index_cast %parallel_loop3A_564 : i32 to index
        %parallel_loop3A_567 = arith.index_cast %parallel_loop3A_565 : i32 to index
        %parallel_loop3A_568 = arith.index_cast %parallel_loop3A_250 : i32 to index
        %parallel_loop3A_569 = tpu.vector_load %arg12[%parallel_loop3A_566, %parallel_loop3A_567, %parallel_loop3A_568] {strides = array<i32>} : memref<2x32x128xf32, #tpu.memory_space<vmem>>, vector<16xf32>,
        tpu.vector_store %arg12[%parallel_loop3A_566, %parallel_loop3A_567, %parallel_loop3A_568], %parallel_loop3A_381 {strides = array<i32>} : memref<2x32x128xf32, #tpu.memory_space<vmem>>, vector<16xf32>,
        %parallel_loop3A_570 = arith.constant 1 : i32
        %parallel_loop3A_571 = arith.constant 30 : i32
        %parallel_loop3A_572 = arith.index_cast %parallel_loop3A_570 : i32 to index
        %parallel_loop3A_573 = arith.index_cast %parallel_loop3A_571 : i32 to index
        %parallel_loop3A_574 = arith.index_cast %parallel_loop3A_250 : i32 to index
        %parallel_loop3A_575 = tpu.vector_load %arg12[%parallel_loop3A_572, %parallel_loop3A_573, %parallel_loop3A_574] {strides = array<i32>} : memref<2x32x128xf32, #tpu.memory_space<vmem>>, vector<16xf32>,
        tpu.vector_store %arg12[%parallel_loop3A_572, %parallel_loop3A_573, %parallel_loop3A_574], %parallel_loop3A_385 {strides = array<i32>} : memref<2x32x128xf32, #tpu.memory_space<vmem>>, vector<16xf32>,
        %parallel_loop3A_576 = arith.constant 1 : i32
        %parallel_loop3A_577 = arith.constant 31 : i32
        %parallel_loop3A_578 = arith.index_cast %parallel_loop3A_576 : i32 to index
        %parallel_loop3A_579 = arith.index_cast %parallel_loop3A_577 : i32 to index
        %parallel_loop3A_580 = arith.index_cast %parallel_loop3A_250 : i32 to index
        %parallel_loop3A_581 = tpu.vector_load %arg12[%parallel_loop3A_578, %parallel_loop3A_579, %parallel_loop3A_580] {strides = array<i32>} : memref<2x32x128xf32, #tpu.memory_space<vmem>>, vector<16xf32>,
        tpu.vector_store %arg12[%parallel_loop3A_578, %parallel_loop3A_579, %parallel_loop3A_580], %parallel_loop3A_389 {strides = array<i32>} : memref<2x32x128xf32, #tpu.memory_space<vmem>>, vector<16xf32>,
      } {sc.loop_unroll_factor = 4 : i64, sc.parallel_access}
      %mul3A_242 = arith.constant 2 : i32
      %mul3A_243 = arith.muli %add3A_191, %mul3A_242 : i32
      %dma_start3A_244 = arith.constant 0 : i32
      %dma_start3A_245 = tpu.memref_slice %arg5[%mul3A_243, %dma_start3A_244, %mul3A_2] : memref<200x32x4096xf32, #tpu.memory_space<hbm>> -> memref<2x32x128xf32, #tpu.memory_space<hbm>>
      %dma_start3A_246 = arith.constant 0 : i32
      %dma_start3A_247 = tpu.memref_slice %arg5[%mul3A_243, %dma_start3A_246, %mul3A_2] : memref<200x32x4096xf32, #tpu.memory_space<hbm>> -> memref<2x32x128xf32, #tpu.memory_space<hbm>>
      tpu.enqueue_dma source(%arg12 : memref<2x32x128xf32, #tpu.memory_space<vmem>>) target(%dma_start3A_247 : memref<2x32x128xf32, #tpu.memory_space<hbm>>) target_semaphore(%arg15 : memref<!tpu.dma_semaphore, #tpu.memory_space<semaphore_mem>>)
    }
    %scan3A_33 = arith.constant 49 : i32
    %dma_wait3A = arith.constant 0 : i32
    %dma_wait3A_34 = arith.constant 0 : i32
    %dma_wait3A_35 = tpu.memref_slice %arg5[%dma_wait3A, %dma_wait3A_34, %mul3A_2] : memref<200x32x4096xf32, #tpu.memory_space<hbm>> -> memref<2x32x128xf32, #tpu.memory_space<hbm>>
    %dma_wait3A_36 = arith.constant 0 : i32
    %dma_wait3A_37 = arith.constant 0 : i32
    %dma_wait3A_38 = tpu.memref_slice %arg5[%dma_wait3A_36, %dma_wait3A_37, %mul3A_2] : memref<200x32x4096xf32, #tpu.memory_space<hbm>> -> memref<2x32x128xf32, #tpu.memory_space<hbm>>
    tpu.wait_dma2 semaphore(%arg14 : memref<!tpu.dma_semaphore, #tpu.memory_space<semaphore_mem>>) src(%arg11 : memref<2x32x128xf32, #tpu.memory_space<vmem>>) dst(%dma_wait3A_38 : memref<2x32x128xf32, #tpu.memory_space<hbm>>)
    %dma_start3A_39 = arith.constant 197 : i32
    %dma_start3A_40 = arith.constant 0 : i32
    %dma_start3A_41 = tpu.memref_slice %arg8[%dma_start3A_39, %dma_start3A_40] : memref<200x128xi32, #tpu.memory_space<vmem>> -> memref<1x128xi32, #tpu.memory_space<vmem>>
    %dma_start3A_42 = tpu.memref_squeeze %dma_start3A_41 : memref<1x128xi32, #tpu.memory_space<vmem>> -> memref<128xi32, #tpu.memory_space<vmem>>
    %dma_start3A_43 = arith.constant 0 : i32
    %dma_start3A_44 = arith.constant 0 : i32
    %dma_start3A_45 = tpu.memref_slice %arg4[%dma_start3A_43, %dma_start3A_44] : memref<250000x128xf32, #tpu.memory_space<hbm>> -> memref<250000x128xf32, #tpu.memory_space<hbm>>
    tpu.enqueue_indirect_dma source(%dma_start3A_45 : memref<250000x128xf32, #tpu.memory_space<hbm>>) target(%arg10 : memref<128x128xf32, #tpu.memory_space<vmem>>) offsets(%dma_start3A_42 : memref<128xi32, #tpu.memory_space<vmem>>) semaphore(%arg13 : memref<!tpu.dma_semaphore, #tpu.memory_space<semaphore_mem>>)
    %dma_wait3A_46 = arith.constant 0 : i32
    %dma_wait3A_47 = arith.constant 0 : i32
    %dma_wait3A_48 = tpu.memref_slice %arg8[%dma_wait3A_46, %dma_wait3A_47] : memref<200x128xi32, #tpu.memory_space<vmem>> -> memref<1x128xi32, #tpu.memory_space<vmem>>
    %dma_wait3A_49 = tpu.memref_squeeze %dma_wait3A_48 : memref<1x128xi32, #tpu.memory_space<vmem>> -> memref<128xi32, #tpu.memory_space<vmem>>
    %dma_wait3A_50 = arith.constant 0 : i32
    %dma_wait3A_51 = arith.constant 0 : i32
    %dma_wait3A_52 = tpu.memref_slice %arg4[%dma_wait3A_50, %dma_wait3A_51] : memref<250000x128xf32, #tpu.memory_space<hbm>> -> memref<250000x128xf32, #tpu.memory_space<hbm>>
    tpu.wait_indirect_dma semaphore(%arg13 : memref<!tpu.dma_semaphore, #tpu.memory_space<semaphore_mem>>) src(%dma_wait3A_52 : memref<250000x128xf32, #tpu.memory_space<hbm>>) dst(%arg9 : memref<128x128xf32, #tpu.memory_space<vmem>>)
    %parallel_loop3A = arith.constant 0 : i32
    %parallel_loop3A_53 = arith.constant 8 : i32
    %parallel_loop3A_54 = arith.constant 1 : i32
    scf.for %parallel_loop3A_129 = %parallel_loop3A to %parallel_loop3A_53 step %parallel_loop3A_54  : i32 {
      %parallel_loop3A_130 = arith.constant 16 : i32
      %parallel_loop3A_131 = arith.muli %parallel_loop3A_129, %parallel_loop3A_130 : i32
      %parallel_loop3A_132 = arith.constant 196 : i32
      %parallel_loop3A_133 = arith.index_cast %parallel_loop3A_132 : i32 to index
      %parallel_loop3A_134 = arith.index_cast %parallel_loop3A_131 : i32 to index
      %parallel_loop3A_135 = tpu.vector_load %arg7[%parallel_loop3A_133, %parallel_loop3A_134] {strides = array<i32>} : memref<200x128xi32, #tpu.memory_space<vmem>>, vector<16xi32>,
      %parallel_loop3A_136 = arith.constant 3 : i32
      %parallel_loop3A_137 = vector.broadcast %parallel_loop3A_136 : i32 to vector<16xi32>
      %parallel_loop3A_138 = arith.andi %parallel_loop3A_135, %parallel_loop3A_137 : vector<16xi32>
      %parallel_loop3A_139 = arith.constant 5 : i32
      %parallel_loop3A_140 = vector.broadcast %parallel_loop3A_139 : i32 to vector<16xi32>
      %parallel_loop3A_141 = arith.shli %parallel_loop3A_138, %parallel_loop3A_140 : vector<16xi32>
      %parallel_loop3A_142 = vector.broadcast %parallel_loop3A_131 : i32 to vector<16xi32>
      %parallel_loop3A_143 = arith.addi %iota3A, %parallel_loop3A_142 : vector<16xi32>
      %parallel_loop3A_144 = arith.constant 0 : i32
      %parallel_loop3A_145 = vector.broadcast %parallel_loop3A_144 : i32 to vector<16xi32>
      %parallel_loop3A_146 = arith.addi %parallel_loop3A_141, %parallel_loop3A_145 : vector<16xi32>
      %parallel_loop3A_147 = tpu.vector_load_idx %arg9[%parallel_loop3A_143, %parallel_loop3A_146] : memref<128x128xf32, #tpu.memory_space<vmem>>[vector<16xi32>, vector<16xi32>], vector<16xf32>,
      %parallel_loop3A_148 = arith.constant 1 : i32
      %parallel_loop3A_149 = vector.broadcast %parallel_loop3A_148 : i32 to vector<16xi32>
      %parallel_loop3A_150 = arith.addi %parallel_loop3A_141, %parallel_loop3A_149 : vector<16xi32>
      %parallel_loop3A_151 = tpu.vector_load_idx %arg9[%parallel_loop3A_143, %parallel_loop3A_150] : memref<128x128xf32, #tpu.memory_space<vmem>>[vector<16xi32>, vector<16xi32>], vector<16xf32>,
      %parallel_loop3A_152 = arith.constant 2 : i32
      %parallel_loop3A_153 = vector.broadcast %parallel_loop3A_152 : i32 to vector<16xi32>
      %parallel_loop3A_154 = arith.addi %parallel_loop3A_141, %parallel_loop3A_153 : vector<16xi32>
      %parallel_loop3A_155 = tpu.vector_load_idx %arg9[%parallel_loop3A_143, %parallel_loop3A_154] : memref<128x128xf32, #tpu.memory_space<vmem>>[vector<16xi32>, vector<16xi32>], vector<16xf32>,
      %parallel_loop3A_156 = arith.constant 3 : i32
      %parallel_loop3A_157 = vector.broadcast %parallel_loop3A_156 : i32 to vector<16xi32>
      %parallel_loop3A_158 = arith.addi %parallel_loop3A_141, %parallel_loop3A_157 : vector<16xi32>
      %parallel_loop3A_159 = tpu.vector_load_idx %arg9[%parallel_loop3A_143, %parallel_loop3A_158] : memref<128x128xf32, #tpu.memory_space<vmem>>[vector<16xi32>, vector<16xi32>], vector<16xf32>,
      %parallel_loop3A_160 = arith.constant 4 : i32
      %parallel_loop3A_161 = vector.broadcast %parallel_loop3A_160 : i32 to vector<16xi32>
      %parallel_loop3A_162 = arith.addi %parallel_loop3A_141, %parallel_loop3A_161 : vector<16xi32>
      %parallel_loop3A_163 = tpu.vector_load_idx %arg9[%parallel_loop3A_143, %parallel_loop3A_162] : memref<128x128xf32, #tpu.memory_space<vmem>>[vector<16xi32>, vector<16xi32>], vector<16xf32>,
      %parallel_loop3A_164 = arith.constant 5 : i32
      %parallel_loop3A_165 = vector.broadcast %parallel_loop3A_164 : i32 to vector<16xi32>
      %parallel_loop3A_166 = arith.addi %parallel_loop3A_141, %parallel_loop3A_165 : vector<16xi32>
      %parallel_loop3A_167 = tpu.vector_load_idx %arg9[%parallel_loop3A_143, %parallel_loop3A_166] : memref<128x128xf32, #tpu.memory_space<vmem>>[vector<16xi32>, vector<16xi32>], vector<16xf32>,
      %parallel_loop3A_168 = arith.constant 6 : i32
      %parallel_loop3A_169 = vector.broadcast %parallel_loop3A_168 : i32 to vector<16xi32>
      %parallel_loop3A_170 = arith.addi %parallel_loop3A_141, %parallel_loop3A_169 : vector<16xi32>
      %parallel_loop3A_171 = tpu.vector_load_idx %arg9[%parallel_loop3A_143, %parallel_loop3A_170] : memref<128x128xf32, #tpu.memory_space<vmem>>[vector<16xi32>, vector<16xi32>], vector<16xf32>,
      %parallel_loop3A_172 = arith.constant 7 : i32
      %parallel_loop3A_173 = vector.broadcast %parallel_loop3A_172 : i32 to vector<16xi32>
      %parallel_loop3A_174 = arith.addi %parallel_loop3A_141, %parallel_loop3A_173 : vector<16xi32>
      %parallel_loop3A_175 = tpu.vector_load_idx %arg9[%parallel_loop3A_143, %parallel_loop3A_174] : memref<128x128xf32, #tpu.memory_space<vmem>>[vector<16xi32>, vector<16xi32>], vector<16xf32>,
      %parallel_loop3A_176 = arith.constant 8 : i32
      %parallel_loop3A_177 = vector.broadcast %parallel_loop3A_176 : i32 to vector<16xi32>
      %parallel_loop3A_178 = arith.addi %parallel_loop3A_141, %parallel_loop3A_177 : vector<16xi32>
      %parallel_loop3A_179 = tpu.vector_load_idx %arg9[%parallel_loop3A_143, %parallel_loop3A_178] : memref<128x128xf32, #tpu.memory_space<vmem>>[vector<16xi32>, vector<16xi32>], vector<16xf32>,
      %parallel_loop3A_180 = arith.constant 9 : i32
      %parallel_loop3A_181 = vector.broadcast %parallel_loop3A_180 : i32 to vector<16xi32>
      %parallel_loop3A_182 = arith.addi %parallel_loop3A_141, %parallel_loop3A_181 : vector<16xi32>
      %parallel_loop3A_183 = tpu.vector_load_idx %arg9[%parallel_loop3A_143, %parallel_loop3A_182] : memref<128x128xf32, #tpu.memory_space<vmem>>[vector<16xi32>, vector<16xi32>], vector<16xf32>,
      %parallel_loop3A_184 = arith.constant 10 : i32
      %parallel_loop3A_185 = vector.broadcast %parallel_loop3A_184 : i32 to vector<16xi32>
      %parallel_loop3A_186 = arith.addi %parallel_loop3A_141, %parallel_loop3A_185 : vector<16xi32>
      %parallel_loop3A_187 = tpu.vector_load_idx %arg9[%parallel_loop3A_143, %parallel_loop3A_186] : memref<128x128xf32, #tpu.memory_space<vmem>>[vector<16xi32>, vector<16xi32>], vector<16xf32>,
      %parallel_loop3A_188 = arith.constant 11 : i32
      %parallel_loop3A_189 = vector.broadcast %parallel_loop3A_188 : i32 to vector<16xi32>
      %parallel_loop3A_190 = arith.addi %parallel_loop3A_141, %parallel_loop3A_189 : vector<16xi32>
      %parallel_loop3A_191 = tpu.vector_load_idx %arg9[%parallel_loop3A_143, %parallel_loop3A_190] : memref<128x128xf32, #tpu.memory_space<vmem>>[vector<16xi32>, vector<16xi32>], vector<16xf32>,
      %parallel_loop3A_192 = arith.constant 12 : i32
      %parallel_loop3A_193 = vector.broadcast %parallel_loop3A_192 : i32 to vector<16xi32>
      %parallel_loop3A_194 = arith.addi %parallel_loop3A_141, %parallel_loop3A_193 : vector<16xi32>
      %parallel_loop3A_195 = tpu.vector_load_idx %arg9[%parallel_loop3A_143, %parallel_loop3A_194] : memref<128x128xf32, #tpu.memory_space<vmem>>[vector<16xi32>, vector<16xi32>], vector<16xf32>,
      %parallel_loop3A_196 = arith.constant 13 : i32
      %parallel_loop3A_197 = vector.broadcast %parallel_loop3A_196 : i32 to vector<16xi32>
      %parallel_loop3A_198 = arith.addi %parallel_loop3A_141, %parallel_loop3A_197 : vector<16xi32>
      %parallel_loop3A_199 = tpu.vector_load_idx %arg9[%parallel_loop3A_143, %parallel_loop3A_198] : memref<128x128xf32, #tpu.memory_space<vmem>>[vector<16xi32>, vector<16xi32>], vector<16xf32>,
      %parallel_loop3A_200 = arith.constant 14 : i32
      %parallel_loop3A_201 = vector.broadcast %parallel_loop3A_200 : i32 to vector<16xi32>
      %parallel_loop3A_202 = arith.addi %parallel_loop3A_141, %parallel_loop3A_201 : vector<16xi32>
      %parallel_loop3A_203 = tpu.vector_load_idx %arg9[%parallel_loop3A_143, %parallel_loop3A_202] : memref<128x128xf32, #tpu.memory_space<vmem>>[vector<16xi32>, vector<16xi32>], vector<16xf32>,
      %parallel_loop3A_204 = arith.constant 15 : i32
      %parallel_loop3A_205 = vector.broadcast %parallel_loop3A_204 : i32 to vector<16xi32>
      %parallel_loop3A_206 = arith.addi %parallel_loop3A_141, %parallel_loop3A_205 : vector<16xi32>
      %parallel_loop3A_207 = tpu.vector_load_idx %arg9[%parallel_loop3A_143, %parallel_loop3A_206] : memref<128x128xf32, #tpu.memory_space<vmem>>[vector<16xi32>, vector<16xi32>], vector<16xf32>,
      %parallel_loop3A_208 = arith.constant 16 : i32
      %parallel_loop3A_209 = vector.broadcast %parallel_loop3A_208 : i32 to vector<16xi32>
      %parallel_loop3A_210 = arith.addi %parallel_loop3A_141, %parallel_loop3A_209 : vector<16xi32>
      %parallel_loop3A_211 = tpu.vector_load_idx %arg9[%parallel_loop3A_143, %parallel_loop3A_210] : memref<128x128xf32, #tpu.memory_space<vmem>>[vector<16xi32>, vector<16xi32>], vector<16xf32>,
      %parallel_loop3A_212 = arith.constant 17 : i32
      %parallel_loop3A_213 = vector.broadcast %parallel_loop3A_212 : i32 to vector<16xi32>
      %parallel_loop3A_214 = arith.addi %parallel_loop3A_141, %parallel_loop3A_213 : vector<16xi32>
      %parallel_loop3A_215 = tpu.vector_load_idx %arg9[%parallel_loop3A_143, %parallel_loop3A_214] : memref<128x128xf32, #tpu.memory_space<vmem>>[vector<16xi32>, vector<16xi32>], vector<16xf32>,
      %parallel_loop3A_216 = arith.constant 18 : i32
      %parallel_loop3A_217 = vector.broadcast %parallel_loop3A_216 : i32 to vector<16xi32>
      %parallel_loop3A_218 = arith.addi %parallel_loop3A_141, %parallel_loop3A_217 : vector<16xi32>
      %parallel_loop3A_219 = tpu.vector_load_idx %arg9[%parallel_loop3A_143, %parallel_loop3A_218] : memref<128x128xf32, #tpu.memory_space<vmem>>[vector<16xi32>, vector<16xi32>], vector<16xf32>,
      %parallel_loop3A_220 = arith.constant 19 : i32
      %parallel_loop3A_221 = vector.broadcast %parallel_loop3A_220 : i32 to vector<16xi32>
      %parallel_loop3A_222 = arith.addi %parallel_loop3A_141, %parallel_loop3A_221 : vector<16xi32>
      %parallel_loop3A_223 = tpu.vector_load_idx %arg9[%parallel_loop3A_143, %parallel_loop3A_222] : memref<128x128xf32, #tpu.memory_space<vmem>>[vector<16xi32>, vector<16xi32>], vector<16xf32>,
      %parallel_loop3A_224 = arith.constant 20 : i32
      %parallel_loop3A_225 = vector.broadcast %parallel_loop3A_224 : i32 to vector<16xi32>
      %parallel_loop3A_226 = arith.addi %parallel_loop3A_141, %parallel_loop3A_225 : vector<16xi32>
      %parallel_loop3A_227 = tpu.vector_load_idx %arg9[%parallel_loop3A_143, %parallel_loop3A_226] : memref<128x128xf32, #tpu.memory_space<vmem>>[vector<16xi32>, vector<16xi32>], vector<16xf32>,
      %parallel_loop3A_228 = arith.constant 21 : i32
      %parallel_loop3A_229 = vector.broadcast %parallel_loop3A_228 : i32 to vector<16xi32>
      %parallel_loop3A_230 = arith.addi %parallel_loop3A_141, %parallel_loop3A_229 : vector<16xi32>
      %parallel_loop3A_231 = tpu.vector_load_idx %arg9[%parallel_loop3A_143, %parallel_loop3A_230] : memref<128x128xf32, #tpu.memory_space<vmem>>[vector<16xi32>, vector<16xi32>], vector<16xf32>,
      %parallel_loop3A_232 = arith.constant 22 : i32
      %parallel_loop3A_233 = vector.broadcast %parallel_loop3A_232 : i32 to vector<16xi32>
      %parallel_loop3A_234 = arith.addi %parallel_loop3A_141, %parallel_loop3A_233 : vector<16xi32>
      %parallel_loop3A_235 = tpu.vector_load_idx %arg9[%parallel_loop3A_143, %parallel_loop3A_234] : memref<128x128xf32, #tpu.memory_space<vmem>>[vector<16xi32>, vector<16xi32>], vector<16xf32>,
      %parallel_loop3A_236 = arith.constant 23 : i32
      %parallel_loop3A_237 = vector.broadcast %parallel_loop3A_236 : i32 to vector<16xi32>
      %parallel_loop3A_238 = arith.addi %parallel_loop3A_141, %parallel_loop3A_237 : vector<16xi32>
      %parallel_loop3A_239 = tpu.vector_load_idx %arg9[%parallel_loop3A_143, %parallel_loop3A_238] : memref<128x128xf32, #tpu.memory_space<vmem>>[vector<16xi32>, vector<16xi32>], vector<16xf32>,
      %parallel_loop3A_240 = arith.constant 24 : i32
      %parallel_loop3A_241 = vector.broadcast %parallel_loop3A_240 : i32 to vector<16xi32>
      %parallel_loop3A_242 = arith.addi %parallel_loop3A_141, %parallel_loop3A_241 : vector<16xi32>
      %parallel_loop3A_243 = tpu.vector_load_idx %arg9[%parallel_loop3A_143, %parallel_loop3A_242] : memref<128x128xf32, #tpu.memory_space<vmem>>[vector<16xi32>, vector<16xi32>], vector<16xf32>,
      %parallel_loop3A_244 = arith.constant 25 : i32
      %parallel_loop3A_245 = vector.broadcast %parallel_loop3A_244 : i32 to vector<16xi32>
      %parallel_loop3A_246 = arith.addi %parallel_loop3A_141, %parallel_loop3A_245 : vector<16xi32>
      %parallel_loop3A_247 = tpu.vector_load_idx %arg9[%parallel_loop3A_143, %parallel_loop3A_246] : memref<128x128xf32, #tpu.memory_space<vmem>>[vector<16xi32>, vector<16xi32>], vector<16xf32>,
      %parallel_loop3A_248 = arith.constant 26 : i32
      %parallel_loop3A_249 = vector.broadcast %parallel_loop3A_248 : i32 to vector<16xi32>
      %parallel_loop3A_250 = arith.addi %parallel_loop3A_141, %parallel_loop3A_249 : vector<16xi32>
      %parallel_loop3A_251 = tpu.vector_load_idx %arg9[%parallel_loop3A_143, %parallel_loop3A_250] : memref<128x128xf32, #tpu.memory_space<vmem>>[vector<16xi32>, vector<16xi32>], vector<16xf32>,
      %parallel_loop3A_252 = arith.constant 27 : i32
      %parallel_loop3A_253 = vector.broadcast %parallel_loop3A_252 : i32 to vector<16xi32>
      %parallel_loop3A_254 = arith.addi %parallel_loop3A_141, %parallel_loop3A_253 : vector<16xi32>
      %parallel_loop3A_255 = tpu.vector_load_idx %arg9[%parallel_loop3A_143, %parallel_loop3A_254] : memref<128x128xf32, #tpu.memory_space<vmem>>[vector<16xi32>, vector<16xi32>], vector<16xf32>,
      %parallel_loop3A_256 = arith.constant 28 : i32
      %parallel_loop3A_257 = vector.broadcast %parallel_loop3A_256 : i32 to vector<16xi32>
      %parallel_loop3A_258 = arith.addi %parallel_loop3A_141, %parallel_loop3A_257 : vector<16xi32>
      %parallel_loop3A_259 = tpu.vector_load_idx %arg9[%parallel_loop3A_143, %parallel_loop3A_258] : memref<128x128xf32, #tpu.memory_space<vmem>>[vector<16xi32>, vector<16xi32>], vector<16xf32>,
      %parallel_loop3A_260 = arith.constant 29 : i32
      %parallel_loop3A_261 = vector.broadcast %parallel_loop3A_260 : i32 to vector<16xi32>
      %parallel_loop3A_262 = arith.addi %parallel_loop3A_141, %parallel_loop3A_261 : vector<16xi32>
      %parallel_loop3A_263 = tpu.vector_load_idx %arg9[%parallel_loop3A_143, %parallel_loop3A_262] : memref<128x128xf32, #tpu.memory_space<vmem>>[vector<16xi32>, vector<16xi32>], vector<16xf32>,
      %parallel_loop3A_264 = arith.constant 30 : i32
      %parallel_loop3A_265 = vector.broadcast %parallel_loop3A_264 : i32 to vector<16xi32>
      %parallel_loop3A_266 = arith.addi %parallel_loop3A_141, %parallel_loop3A_265 : vector<16xi32>
      %parallel_loop3A_267 = tpu.vector_load_idx %arg9[%parallel_loop3A_143, %parallel_loop3A_266] : memref<128x128xf32, #tpu.memory_space<vmem>>[vector<16xi32>, vector<16xi32>], vector<16xf32>,
      %parallel_loop3A_268 = arith.constant 31 : i32
      %parallel_loop3A_269 = vector.broadcast %parallel_loop3A_268 : i32 to vector<16xi32>
      %parallel_loop3A_270 = arith.addi %parallel_loop3A_141, %parallel_loop3A_269 : vector<16xi32>
      %parallel_loop3A_271 = tpu.vector_load_idx %arg9[%parallel_loop3A_143, %parallel_loop3A_270] : memref<128x128xf32, #tpu.memory_space<vmem>>[vector<16xi32>, vector<16xi32>], vector<16xf32>,
      %parallel_loop3A_272 = arith.constant 0 : i32
      %parallel_loop3A_273 = arith.constant 0 : i32
      %parallel_loop3A_274 = arith.index_cast %parallel_loop3A_272 : i32 to index
      %parallel_loop3A_275 = arith.index_cast %parallel_loop3A_273 : i32 to index
      %parallel_loop3A_276 = arith.index_cast %parallel_loop3A_131 : i32 to index
      %parallel_loop3A_277 = tpu.vector_load %arg11[%parallel_loop3A_274, %parallel_loop3A_275, %parallel_loop3A_276] {strides = array<i32>} : memref<2x32x128xf32, #tpu.memory_space<vmem>>, vector<16xf32>,
      tpu.vector_store %arg11[%parallel_loop3A_274, %parallel_loop3A_275, %parallel_loop3A_276], %parallel_loop3A_147 {strides = array<i32>} : memref<2x32x128xf32, #tpu.memory_space<vmem>>, vector<16xf32>,
      %parallel_loop3A_278 = arith.constant 0 : i32
      %parallel_loop3A_279 = arith.constant 1 : i32
      %parallel_loop3A_280 = arith.index_cast %parallel_loop3A_278 : i32 to index
      %parallel_loop3A_281 = arith.index_cast %parallel_loop3A_279 : i32 to index
      %parallel_loop3A_282 = arith.index_cast %parallel_loop3A_131 : i32 to index
      %parallel_loop3A_283 = tpu.vector_load %arg11[%parallel_loop3A_280, %parallel_loop3A_281, %parallel_loop3A_282] {strides = array<i32>} : memref<2x32x128xf32, #tpu.memory_space<vmem>>, vector<16xf32>,
      tpu.vector_store %arg11[%parallel_loop3A_280, %parallel_loop3A_281, %parallel_loop3A_282], %parallel_loop3A_151 {strides = array<i32>} : memref<2x32x128xf32, #tpu.memory_space<vmem>>, vector<16xf32>,
      %parallel_loop3A_284 = arith.constant 0 : i32
      %parallel_loop3A_285 = arith.constant 2 : i32
      %parallel_loop3A_286 = arith.index_cast %parallel_loop3A_284 : i32 to index
      %parallel_loop3A_287 = arith.index_cast %parallel_loop3A_285 : i32 to index
      %parallel_loop3A_288 = arith.index_cast %parallel_loop3A_131 : i32 to index
      %parallel_loop3A_289 = tpu.vector_load %arg11[%parallel_loop3A_286, %parallel_loop3A_287, %parallel_loop3A_288] {strides = array<i32>} : memref<2x32x128xf32, #tpu.memory_space<vmem>>, vector<16xf32>,
      tpu.vector_store %arg11[%parallel_loop3A_286, %parallel_loop3A_287, %parallel_loop3A_288], %parallel_loop3A_155 {strides = array<i32>} : memref<2x32x128xf32, #tpu.memory_space<vmem>>, vector<16xf32>,
      %parallel_loop3A_290 = arith.constant 0 : i32
      %parallel_loop3A_291 = arith.constant 3 : i32
      %parallel_loop3A_292 = arith.index_cast %parallel_loop3A_290 : i32 to index
      %parallel_loop3A_293 = arith.index_cast %parallel_loop3A_291 : i32 to index
      %parallel_loop3A_294 = arith.index_cast %parallel_loop3A_131 : i32 to index
      %parallel_loop3A_295 = tpu.vector_load %arg11[%parallel_loop3A_292, %parallel_loop3A_293, %parallel_loop3A_294] {strides = array<i32>} : memref<2x32x128xf32, #tpu.memory_space<vmem>>, vector<16xf32>,
      tpu.vector_store %arg11[%parallel_loop3A_292, %parallel_loop3A_293, %parallel_loop3A_294], %parallel_loop3A_159 {strides = array<i32>} : memref<2x32x128xf32, #tpu.memory_space<vmem>>, vector<16xf32>,
      %parallel_loop3A_296 = arith.constant 0 : i32
      %parallel_loop3A_297 = arith.constant 4 : i32
      %parallel_loop3A_298 = arith.index_cast %parallel_loop3A_296 : i32 to index
      %parallel_loop3A_299 = arith.index_cast %parallel_loop3A_297 : i32 to index
      %parallel_loop3A_300 = arith.index_cast %parallel_loop3A_131 : i32 to index
      %parallel_loop3A_301 = tpu.vector_load %arg11[%parallel_loop3A_298, %parallel_loop3A_299, %parallel_loop3A_300] {strides = array<i32>} : memref<2x32x128xf32, #tpu.memory_space<vmem>>, vector<16xf32>,
      tpu.vector_store %arg11[%parallel_loop3A_298, %parallel_loop3A_299, %parallel_loop3A_300], %parallel_loop3A_163 {strides = array<i32>} : memref<2x32x128xf32, #tpu.memory_space<vmem>>, vector<16xf32>,
      %parallel_loop3A_302 = arith.constant 0 : i32
      %parallel_loop3A_303 = arith.constant 5 : i32
      %parallel_loop3A_304 = arith.index_cast %parallel_loop3A_302 : i32 to index
      %parallel_loop3A_305 = arith.index_cast %parallel_loop3A_303 : i32 to index
      %parallel_loop3A_306 = arith.index_cast %parallel_loop3A_131 : i32 to index
      %parallel_loop3A_307 = tpu.vector_load %arg11[%parallel_loop3A_304, %parallel_loop3A_305, %parallel_loop3A_306] {strides = array<i32>} : memref<2x32x128xf32, #tpu.memory_space<vmem>>, vector<16xf32>,
      tpu.vector_store %arg11[%parallel_loop3A_304, %parallel_loop3A_305, %parallel_loop3A_306], %parallel_loop3A_167 {strides = array<i32>} : memref<2x32x128xf32, #tpu.memory_space<vmem>>, vector<16xf32>,
      %parallel_loop3A_308 = arith.constant 0 : i32
      %parallel_loop3A_309 = arith.constant 6 : i32
      %parallel_loop3A_310 = arith.index_cast %parallel_loop3A_308 : i32 to index
      %parallel_loop3A_311 = arith.index_cast %parallel_loop3A_309 : i32 to index
      %parallel_loop3A_312 = arith.index_cast %parallel_loop3A_131 : i32 to index
      %parallel_loop3A_313 = tpu.vector_load %arg11[%parallel_loop3A_310, %parallel_loop3A_311, %parallel_loop3A_312] {strides = array<i32>} : memref<2x32x128xf32, #tpu.memory_space<vmem>>, vector<16xf32>,
      tpu.vector_store %arg11[%parallel_loop3A_310, %parallel_loop3A_311, %parallel_loop3A_312], %parallel_loop3A_171 {strides = array<i32>} : memref<2x32x128xf32, #tpu.memory_space<vmem>>, vector<16xf32>,
      %parallel_loop3A_314 = arith.constant 0 : i32
      %parallel_loop3A_315 = arith.constant 7 : i32
      %parallel_loop3A_316 = arith.index_cast %parallel_loop3A_314 : i32 to index
      %parallel_loop3A_317 = arith.index_cast %parallel_loop3A_315 : i32 to index
      %parallel_loop3A_318 = arith.index_cast %parallel_loop3A_131 : i32 to index
      %parallel_loop3A_319 = tpu.vector_load %arg11[%parallel_loop3A_316, %parallel_loop3A_317, %parallel_loop3A_318] {strides = array<i32>} : memref<2x32x128xf32, #tpu.memory_space<vmem>>, vector<16xf32>,
      tpu.vector_store %arg11[%parallel_loop3A_316, %parallel_loop3A_317, %parallel_loop3A_318], %parallel_loop3A_175 {strides = array<i32>} : memref<2x32x128xf32, #tpu.memory_space<vmem>>, vector<16xf32>,
      %parallel_loop3A_320 = arith.constant 0 : i32
      %parallel_loop3A_321 = arith.constant 8 : i32
      %parallel_loop3A_322 = arith.index_cast %parallel_loop3A_320 : i32 to index
      %parallel_loop3A_323 = arith.index_cast %parallel_loop3A_321 : i32 to index
      %parallel_loop3A_324 = arith.index_cast %parallel_loop3A_131 : i32 to index
      %parallel_loop3A_325 = tpu.vector_load %arg11[%parallel_loop3A_322, %parallel_loop3A_323, %parallel_loop3A_324] {strides = array<i32>} : memref<2x32x128xf32, #tpu.memory_space<vmem>>, vector<16xf32>,
      tpu.vector_store %arg11[%parallel_loop3A_322, %parallel_loop3A_323, %parallel_loop3A_324], %parallel_loop3A_179 {strides = array<i32>} : memref<2x32x128xf32, #tpu.memory_space<vmem>>, vector<16xf32>,
      %parallel_loop3A_326 = arith.constant 0 : i32
      %parallel_loop3A_327 = arith.constant 9 : i32
      %parallel_loop3A_328 = arith.index_cast %parallel_loop3A_326 : i32 to index
      %parallel_loop3A_329 = arith.index_cast %parallel_loop3A_327 : i32 to index
      %parallel_loop3A_330 = arith.index_cast %parallel_loop3A_131 : i32 to index
      %parallel_loop3A_331 = tpu.vector_load %arg11[%parallel_loop3A_328, %parallel_loop3A_329, %parallel_loop3A_330] {strides = array<i32>} : memref<2x32x128xf32, #tpu.memory_space<vmem>>, vector<16xf32>,
      tpu.vector_store %arg11[%parallel_loop3A_328, %parallel_loop3A_329, %parallel_loop3A_330], %parallel_loop3A_183 {strides = array<i32>} : memref<2x32x128xf32, #tpu.memory_space<vmem>>, vector<16xf32>,
      %parallel_loop3A_332 = arith.constant 0 : i32
      %parallel_loop3A_333 = arith.constant 10 : i32
      %parallel_loop3A_334 = arith.index_cast %parallel_loop3A_332 : i32 to index
      %parallel_loop3A_335 = arith.index_cast %parallel_loop3A_333 : i32 to index
      %parallel_loop3A_336 = arith.index_cast %parallel_loop3A_131 : i32 to index
      %parallel_loop3A_337 = tpu.vector_load %arg11[%parallel_loop3A_334, %parallel_loop3A_335, %parallel_loop3A_336] {strides = array<i32>} : memref<2x32x128xf32, #tpu.memory_space<vmem>>, vector<16xf32>,
      tpu.vector_store %arg11[%parallel_loop3A_334, %parallel_loop3A_335, %parallel_loop3A_336], %parallel_loop3A_187 {strides = array<i32>} : memref<2x32x128xf32, #tpu.memory_space<vmem>>, vector<16xf32>,
      %parallel_loop3A_338 = arith.constant 0 : i32
      %parallel_loop3A_339 = arith.constant 11 : i32
      %parallel_loop3A_340 = arith.index_cast %parallel_loop3A_338 : i32 to index
      %parallel_loop3A_341 = arith.index_cast %parallel_loop3A_339 : i32 to index
      %parallel_loop3A_342 = arith.index_cast %parallel_loop3A_131 : i32 to index
      %parallel_loop3A_343 = tpu.vector_load %arg11[%parallel_loop3A_340, %parallel_loop3A_341, %parallel_loop3A_342] {strides = array<i32>} : memref<2x32x128xf32, #tpu.memory_space<vmem>>, vector<16xf32>,
      tpu.vector_store %arg11[%parallel_loop3A_340, %parallel_loop3A_341, %parallel_loop3A_342], %parallel_loop3A_191 {strides = array<i32>} : memref<2x32x128xf32, #tpu.memory_space<vmem>>, vector<16xf32>,
      %parallel_loop3A_344 = arith.constant 0 : i32
      %parallel_loop3A_345 = arith.constant 12 : i32
      %parallel_loop3A_346 = arith.index_cast %parallel_loop3A_344 : i32 to index
      %parallel_loop3A_347 = arith.index_cast %parallel_loop3A_345 : i32 to index
      %parallel_loop3A_348 = arith.index_cast %parallel_loop3A_131 : i32 to index
      %parallel_loop3A_349 = tpu.vector_load %arg11[%parallel_loop3A_346, %parallel_loop3A_347, %parallel_loop3A_348] {strides = array<i32>} : memref<2x32x128xf32, #tpu.memory_space<vmem>>, vector<16xf32>,
      tpu.vector_store %arg11[%parallel_loop3A_346, %parallel_loop3A_347, %parallel_loop3A_348], %parallel_loop3A_195 {strides = array<i32>} : memref<2x32x128xf32, #tpu.memory_space<vmem>>, vector<16xf32>,
      %parallel_loop3A_350 = arith.constant 0 : i32
      %parallel_loop3A_351 = arith.constant 13 : i32
      %parallel_loop3A_352 = arith.index_cast %parallel_loop3A_350 : i32 to index
      %parallel_loop3A_353 = arith.index_cast %parallel_loop3A_351 : i32 to index
      %parallel_loop3A_354 = arith.index_cast %parallel_loop3A_131 : i32 to index
      %parallel_loop3A_355 = tpu.vector_load %arg11[%parallel_loop3A_352, %parallel_loop3A_353, %parallel_loop3A_354] {strides = array<i32>} : memref<2x32x128xf32, #tpu.memory_space<vmem>>, vector<16xf32>,
      tpu.vector_store %arg11[%parallel_loop3A_352, %parallel_loop3A_353, %parallel_loop3A_354], %parallel_loop3A_199 {strides = array<i32>} : memref<2x32x128xf32, #tpu.memory_space<vmem>>, vector<16xf32>,
      %parallel_loop3A_356 = arith.constant 0 : i32
      %parallel_loop3A_357 = arith.constant 14 : i32
      %parallel_loop3A_358 = arith.index_cast %parallel_loop3A_356 : i32 to index
      %parallel_loop3A_359 = arith.index_cast %parallel_loop3A_357 : i32 to index
      %parallel_loop3A_360 = arith.index_cast %parallel_loop3A_131 : i32 to index
      %parallel_loop3A_361 = tpu.vector_load %arg11[%parallel_loop3A_358, %parallel_loop3A_359, %parallel_loop3A_360] {strides = array<i32>} : memref<2x32x128xf32, #tpu.memory_space<vmem>>, vector<16xf32>,
      tpu.vector_store %arg11[%parallel_loop3A_358, %parallel_loop3A_359, %parallel_loop3A_360], %parallel_loop3A_203 {strides = array<i32>} : memref<2x32x128xf32, #tpu.memory_space<vmem>>, vector<16xf32>,
      %parallel_loop3A_362 = arith.constant 0 : i32
      %parallel_loop3A_363 = arith.constant 15 : i32
      %parallel_loop3A_364 = arith.index_cast %parallel_loop3A_362 : i32 to index
      %parallel_loop3A_365 = arith.index_cast %parallel_loop3A_363 : i32 to index
      %parallel_loop3A_366 = arith.index_cast %parallel_loop3A_131 : i32 to index
      %parallel_loop3A_367 = tpu.vector_load %arg11[%parallel_loop3A_364, %parallel_loop3A_365, %parallel_loop3A_366] {strides = array<i32>} : memref<2x32x128xf32, #tpu.memory_space<vmem>>, vector<16xf32>,
      tpu.vector_store %arg11[%parallel_loop3A_364, %parallel_loop3A_365, %parallel_loop3A_366], %parallel_loop3A_207 {strides = array<i32>} : memref<2x32x128xf32, #tpu.memory_space<vmem>>, vector<16xf32>,
      %parallel_loop3A_368 = arith.constant 0 : i32
      %parallel_loop3A_369 = arith.constant 16 : i32
      %parallel_loop3A_370 = arith.index_cast %parallel_loop3A_368 : i32 to index
      %parallel_loop3A_371 = arith.index_cast %parallel_loop3A_369 : i32 to index
      %parallel_loop3A_372 = arith.index_cast %parallel_loop3A_131 : i32 to index
      %parallel_loop3A_373 = tpu.vector_load %arg11[%parallel_loop3A_370, %parallel_loop3A_371, %parallel_loop3A_372] {strides = array<i32>} : memref<2x32x128xf32, #tpu.memory_space<vmem>>, vector<16xf32>,
      tpu.vector_store %arg11[%parallel_loop3A_370, %parallel_loop3A_371, %parallel_loop3A_372], %parallel_loop3A_211 {strides = array<i32>} : memref<2x32x128xf32, #tpu.memory_space<vmem>>, vector<16xf32>,
      %parallel_loop3A_374 = arith.constant 0 : i32
      %parallel_loop3A_375 = arith.constant 17 : i32
      %parallel_loop3A_376 = arith.index_cast %parallel_loop3A_374 : i32 to index
      %parallel_loop3A_377 = arith.index_cast %parallel_loop3A_375 : i32 to index
      %parallel_loop3A_378 = arith.index_cast %parallel_loop3A_131 : i32 to index
      %parallel_loop3A_379 = tpu.vector_load %arg11[%parallel_loop3A_376, %parallel_loop3A_377, %parallel_loop3A_378] {strides = array<i32>} : memref<2x32x128xf32, #tpu.memory_space<vmem>>, vector<16xf32>,
      tpu.vector_store %arg11[%parallel_loop3A_376, %parallel_loop3A_377, %parallel_loop3A_378], %parallel_loop3A_215 {strides = array<i32>} : memref<2x32x128xf32, #tpu.memory_space<vmem>>, vector<16xf32>,
      %parallel_loop3A_380 = arith.constant 0 : i32
      %parallel_loop3A_381 = arith.constant 18 : i32
      %parallel_loop3A_382 = arith.index_cast %parallel_loop3A_380 : i32 to index
      %parallel_loop3A_383 = arith.index_cast %parallel_loop3A_381 : i32 to index
      %parallel_loop3A_384 = arith.index_cast %parallel_loop3A_131 : i32 to index
      %parallel_loop3A_385 = tpu.vector_load %arg11[%parallel_loop3A_382, %parallel_loop3A_383, %parallel_loop3A_384] {strides = array<i32>} : memref<2x32x128xf32, #tpu.memory_space<vmem>>, vector<16xf32>,
      tpu.vector_store %arg11[%parallel_loop3A_382, %parallel_loop3A_383, %parallel_loop3A_384], %parallel_loop3A_219 {strides = array<i32>} : memref<2x32x128xf32, #tpu.memory_space<vmem>>, vector<16xf32>,
      %parallel_loop3A_386 = arith.constant 0 : i32
      %parallel_loop3A_387 = arith.constant 19 : i32
      %parallel_loop3A_388 = arith.index_cast %parallel_loop3A_386 : i32 to index
      %parallel_loop3A_389 = arith.index_cast %parallel_loop3A_387 : i32 to index
      %parallel_loop3A_390 = arith.index_cast %parallel_loop3A_131 : i32 to index
      %parallel_loop3A_391 = tpu.vector_load %arg11[%parallel_loop3A_388, %parallel_loop3A_389, %parallel_loop3A_390] {strides = array<i32>} : memref<2x32x128xf32, #tpu.memory_space<vmem>>, vector<16xf32>,
      tpu.vector_store %arg11[%parallel_loop3A_388, %parallel_loop3A_389, %parallel_loop3A_390], %parallel_loop3A_223 {strides = array<i32>} : memref<2x32x128xf32, #tpu.memory_space<vmem>>, vector<16xf32>,
      %parallel_loop3A_392 = arith.constant 0 : i32
      %parallel_loop3A_393 = arith.constant 20 : i32
      %parallel_loop3A_394 = arith.index_cast %parallel_loop3A_392 : i32 to index
      %parallel_loop3A_395 = arith.index_cast %parallel_loop3A_393 : i32 to index
      %parallel_loop3A_396 = arith.index_cast %parallel_loop3A_131 : i32 to index
      %parallel_loop3A_397 = tpu.vector_load %arg11[%parallel_loop3A_394, %parallel_loop3A_395, %parallel_loop3A_396] {strides = array<i32>} : memref<2x32x128xf32, #tpu.memory_space<vmem>>, vector<16xf32>,
      tpu.vector_store %arg11[%parallel_loop3A_394, %parallel_loop3A_395, %parallel_loop3A_396], %parallel_loop3A_227 {strides = array<i32>} : memref<2x32x128xf32, #tpu.memory_space<vmem>>, vector<16xf32>,
      %parallel_loop3A_398 = arith.constant 0 : i32
      %parallel_loop3A_399 = arith.constant 21 : i32
      %parallel_loop3A_400 = arith.index_cast %parallel_loop3A_398 : i32 to index
      %parallel_loop3A_401 = arith.index_cast %parallel_loop3A_399 : i32 to index
      %parallel_loop3A_402 = arith.index_cast %parallel_loop3A_131 : i32 to index
      %parallel_loop3A_403 = tpu.vector_load %arg11[%parallel_loop3A_400, %parallel_loop3A_401, %parallel_loop3A_402] {strides = array<i32>} : memref<2x32x128xf32, #tpu.memory_space<vmem>>, vector<16xf32>,
      tpu.vector_store %arg11[%parallel_loop3A_400, %parallel_loop3A_401, %parallel_loop3A_402], %parallel_loop3A_231 {strides = array<i32>} : memref<2x32x128xf32, #tpu.memory_space<vmem>>, vector<16xf32>,
      %parallel_loop3A_404 = arith.constant 0 : i32
      %parallel_loop3A_405 = arith.constant 22 : i32
      %parallel_loop3A_406 = arith.index_cast %parallel_loop3A_404 : i32 to index
      %parallel_loop3A_407 = arith.index_cast %parallel_loop3A_405 : i32 to index
      %parallel_loop3A_408 = arith.index_cast %parallel_loop3A_131 : i32 to index
      %parallel_loop3A_409 = tpu.vector_load %arg11[%parallel_loop3A_406, %parallel_loop3A_407, %parallel_loop3A_408] {strides = array<i32>} : memref<2x32x128xf32, #tpu.memory_space<vmem>>, vector<16xf32>,
      tpu.vector_store %arg11[%parallel_loop3A_406, %parallel_loop3A_407, %parallel_loop3A_408], %parallel_loop3A_235 {strides = array<i32>} : memref<2x32x128xf32, #tpu.memory_space<vmem>>, vector<16xf32>,
      %parallel_loop3A_410 = arith.constant 0 : i32
      %parallel_loop3A_411 = arith.constant 23 : i32
      %parallel_loop3A_412 = arith.index_cast %parallel_loop3A_410 : i32 to index
      %parallel_loop3A_413 = arith.index_cast %parallel_loop3A_411 : i32 to index
      %parallel_loop3A_414 = arith.index_cast %parallel_loop3A_131 : i32 to index
      %parallel_loop3A_415 = tpu.vector_load %arg11[%parallel_loop3A_412, %parallel_loop3A_413, %parallel_loop3A_414] {strides = array<i32>} : memref<2x32x128xf32, #tpu.memory_space<vmem>>, vector<16xf32>,
      tpu.vector_store %arg11[%parallel_loop3A_412, %parallel_loop3A_413, %parallel_loop3A_414], %parallel_loop3A_239 {strides = array<i32>} : memref<2x32x128xf32, #tpu.memory_space<vmem>>, vector<16xf32>,
      %parallel_loop3A_416 = arith.constant 0 : i32
      %parallel_loop3A_417 = arith.constant 24 : i32
      %parallel_loop3A_418 = arith.index_cast %parallel_loop3A_416 : i32 to index
      %parallel_loop3A_419 = arith.index_cast %parallel_loop3A_417 : i32 to index
      %parallel_loop3A_420 = arith.index_cast %parallel_loop3A_131 : i32 to index
      %parallel_loop3A_421 = tpu.vector_load %arg11[%parallel_loop3A_418, %parallel_loop3A_419, %parallel_loop3A_420] {strides = array<i32>} : memref<2x32x128xf32, #tpu.memory_space<vmem>>, vector<16xf32>,
      tpu.vector_store %arg11[%parallel_loop3A_418, %parallel_loop3A_419, %parallel_loop3A_420], %parallel_loop3A_243 {strides = array<i32>} : memref<2x32x128xf32, #tpu.memory_space<vmem>>, vector<16xf32>,
      %parallel_loop3A_422 = arith.constant 0 : i32
      %parallel_loop3A_423 = arith.constant 25 : i32
      %parallel_loop3A_424 = arith.index_cast %parallel_loop3A_422 : i32 to index
      %parallel_loop3A_425 = arith.index_cast %parallel_loop3A_423 : i32 to index
      %parallel_loop3A_426 = arith.index_cast %parallel_loop3A_131 : i32 to index
      %parallel_loop3A_427 = tpu.vector_load %arg11[%parallel_loop3A_424, %parallel_loop3A_425, %parallel_loop3A_426] {strides = array<i32>} : memref<2x32x128xf32, #tpu.memory_space<vmem>>, vector<16xf32>,
      tpu.vector_store %arg11[%parallel_loop3A_424, %parallel_loop3A_425, %parallel_loop3A_426], %parallel_loop3A_247 {strides = array<i32>} : memref<2x32x128xf32, #tpu.memory_space<vmem>>, vector<16xf32>,
      %parallel_loop3A_428 = arith.constant 0 : i32
      %parallel_loop3A_429 = arith.constant 26 : i32
      %parallel_loop3A_430 = arith.index_cast %parallel_loop3A_428 : i32 to index
      %parallel_loop3A_431 = arith.index_cast %parallel_loop3A_429 : i32 to index
      %parallel_loop3A_432 = arith.index_cast %parallel_loop3A_131 : i32 to index
      %parallel_loop3A_433 = tpu.vector_load %arg11[%parallel_loop3A_430, %parallel_loop3A_431, %parallel_loop3A_432] {strides = array<i32>} : memref<2x32x128xf32, #tpu.memory_space<vmem>>, vector<16xf32>,
      tpu.vector_store %arg11[%parallel_loop3A_430, %parallel_loop3A_431, %parallel_loop3A_432], %parallel_loop3A_251 {strides = array<i32>} : memref<2x32x128xf32, #tpu.memory_space<vmem>>, vector<16xf32>,
      %parallel_loop3A_434 = arith.constant 0 : i32
      %parallel_loop3A_435 = arith.constant 27 : i32
      %parallel_loop3A_436 = arith.index_cast %parallel_loop3A_434 : i32 to index
      %parallel_loop3A_437 = arith.index_cast %parallel_loop3A_435 : i32 to index
      %parallel_loop3A_438 = arith.index_cast %parallel_loop3A_131 : i32 to index
      %parallel_loop3A_439 = tpu.vector_load %arg11[%parallel_loop3A_436, %parallel_loop3A_437, %parallel_loop3A_438] {strides = array<i32>} : memref<2x32x128xf32, #tpu.memory_space<vmem>>, vector<16xf32>,
      tpu.vector_store %arg11[%parallel_loop3A_436, %parallel_loop3A_437, %parallel_loop3A_438], %parallel_loop3A_255 {strides = array<i32>} : memref<2x32x128xf32, #tpu.memory_space<vmem>>, vector<16xf32>,
      %parallel_loop3A_440 = arith.constant 0 : i32
      %parallel_loop3A_441 = arith.constant 28 : i32
      %parallel_loop3A_442 = arith.index_cast %parallel_loop3A_440 : i32 to index
      %parallel_loop3A_443 = arith.index_cast %parallel_loop3A_441 : i32 to index
      %parallel_loop3A_444 = arith.index_cast %parallel_loop3A_131 : i32 to index
      %parallel_loop3A_445 = tpu.vector_load %arg11[%parallel_loop3A_442, %parallel_loop3A_443, %parallel_loop3A_444] {strides = array<i32>} : memref<2x32x128xf32, #tpu.memory_space<vmem>>, vector<16xf32>,
      tpu.vector_store %arg11[%parallel_loop3A_442, %parallel_loop3A_443, %parallel_loop3A_444], %parallel_loop3A_259 {strides = array<i32>} : memref<2x32x128xf32, #tpu.memory_space<vmem>>, vector<16xf32>,
      %parallel_loop3A_446 = arith.constant 0 : i32
      %parallel_loop3A_447 = arith.constant 29 : i32
      %parallel_loop3A_448 = arith.index_cast %parallel_loop3A_446 : i32 to index
      %parallel_loop3A_449 = arith.index_cast %parallel_loop3A_447 : i32 to index
      %parallel_loop3A_450 = arith.index_cast %parallel_loop3A_131 : i32 to index
      %parallel_loop3A_451 = tpu.vector_load %arg11[%parallel_loop3A_448, %parallel_loop3A_449, %parallel_loop3A_450] {strides = array<i32>} : memref<2x32x128xf32, #tpu.memory_space<vmem>>, vector<16xf32>,
      tpu.vector_store %arg11[%parallel_loop3A_448, %parallel_loop3A_449, %parallel_loop3A_450], %parallel_loop3A_263 {strides = array<i32>} : memref<2x32x128xf32, #tpu.memory_space<vmem>>, vector<16xf32>,
      %parallel_loop3A_452 = arith.constant 0 : i32
      %parallel_loop3A_453 = arith.constant 30 : i32
      %parallel_loop3A_454 = arith.index_cast %parallel_loop3A_452 : i32 to index
      %parallel_loop3A_455 = arith.index_cast %parallel_loop3A_453 : i32 to index
      %parallel_loop3A_456 = arith.index_cast %parallel_loop3A_131 : i32 to index
      %parallel_loop3A_457 = tpu.vector_load %arg11[%parallel_loop3A_454, %parallel_loop3A_455, %parallel_loop3A_456] {strides = array<i32>} : memref<2x32x128xf32, #tpu.memory_space<vmem>>, vector<16xf32>,
      tpu.vector_store %arg11[%parallel_loop3A_454, %parallel_loop3A_455, %parallel_loop3A_456], %parallel_loop3A_267 {strides = array<i32>} : memref<2x32x128xf32, #tpu.memory_space<vmem>>, vector<16xf32>,
      %parallel_loop3A_458 = arith.constant 0 : i32
      %parallel_loop3A_459 = arith.constant 31 : i32
      %parallel_loop3A_460 = arith.index_cast %parallel_loop3A_458 : i32 to index
      %parallel_loop3A_461 = arith.index_cast %parallel_loop3A_459 : i32 to index
      %parallel_loop3A_462 = arith.index_cast %parallel_loop3A_131 : i32 to index
      %parallel_loop3A_463 = tpu.vector_load %arg11[%parallel_loop3A_460, %parallel_loop3A_461, %parallel_loop3A_462] {strides = array<i32>} : memref<2x32x128xf32, #tpu.memory_space<vmem>>, vector<16xf32>,
      tpu.vector_store %arg11[%parallel_loop3A_460, %parallel_loop3A_461, %parallel_loop3A_462], %parallel_loop3A_271 {strides = array<i32>} : memref<2x32x128xf32, #tpu.memory_space<vmem>>, vector<16xf32>,
    } {sc.loop_unroll_factor = 4 : i64, sc.parallel_access}
    %dma_start3A_55 = arith.constant 198 : i32
    %dma_start3A_56 = arith.constant 0 : i32
    %dma_start3A_57 = tpu.memref_slice %arg8[%dma_start3A_55, %dma_start3A_56] : memref<200x128xi32, #tpu.memory_space<vmem>> -> memref<1x128xi32, #tpu.memory_space<vmem>>
    %dma_start3A_58 = tpu.memref_squeeze %dma_start3A_57 : memref<1x128xi32, #tpu.memory_space<vmem>> -> memref<128xi32, #tpu.memory_space<vmem>>
    %dma_start3A_59 = arith.constant 0 : i32
    %dma_start3A_60 = arith.constant 0 : i32
    %dma_start3A_61 = tpu.memref_slice %arg4[%dma_start3A_59, %dma_start3A_60] : memref<250000x128xf32, #tpu.memory_space<hbm>> -> memref<250000x128xf32, #tpu.memory_space<hbm>>
    tpu.enqueue_indirect_dma source(%dma_start3A_61 : memref<250000x128xf32, #tpu.memory_space<hbm>>) target(%arg9 : memref<128x128xf32, #tpu.memory_space<vmem>>) offsets(%dma_start3A_58 : memref<128xi32, #tpu.memory_space<vmem>>) semaphore(%arg13 : memref<!tpu.dma_semaphore, #tpu.memory_space<semaphore_mem>>)
    %dma_wait3A_62 = arith.constant 0 : i32
    %dma_wait3A_63 = arith.constant 0 : i32
    %dma_wait3A_64 = tpu.memref_slice %arg8[%dma_wait3A_62, %dma_wait3A_63] : memref<200x128xi32, #tpu.memory_space<vmem>> -> memref<1x128xi32, #tpu.memory_space<vmem>>
    %dma_wait3A_65 = tpu.memref_squeeze %dma_wait3A_64 : memref<1x128xi32, #tpu.memory_space<vmem>> -> memref<128xi32, #tpu.memory_space<vmem>>
    %dma_wait3A_66 = arith.constant 0 : i32
    %dma_wait3A_67 = arith.constant 0 : i32
    %dma_wait3A_68 = tpu.memref_slice %arg4[%dma_wait3A_66, %dma_wait3A_67] : memref<250000x128xf32, #tpu.memory_space<hbm>> -> memref<250000x128xf32, #tpu.memory_space<hbm>>
    tpu.wait_indirect_dma semaphore(%arg13 : memref<!tpu.dma_semaphore, #tpu.memory_space<semaphore_mem>>) src(%dma_wait3A_68 : memref<250000x128xf32, #tpu.memory_space<hbm>>) dst(%arg10 : memref<128x128xf32, #tpu.memory_space<vmem>>)
    %parallel_loop3A_69 = arith.constant 0 : i32
    %parallel_loop3A_70 = arith.constant 8 : i32
    %parallel_loop3A_71 = arith.constant 1 : i32
    scf.for %parallel_loop3A_129 = %parallel_loop3A_69 to %parallel_loop3A_70 step %parallel_loop3A_71  : i32 {
      %parallel_loop3A_130 = arith.constant 16 : i32
      %parallel_loop3A_131 = arith.muli %parallel_loop3A_129, %parallel_loop3A_130 : i32
      %parallel_loop3A_132 = arith.constant 197 : i32
      %parallel_loop3A_133 = arith.index_cast %parallel_loop3A_132 : i32 to index
      %parallel_loop3A_134 = arith.index_cast %parallel_loop3A_131 : i32 to index
      %parallel_loop3A_135 = tpu.vector_load %arg7[%parallel_loop3A_133, %parallel_loop3A_134] {strides = array<i32>} : memref<200x128xi32, #tpu.memory_space<vmem>>, vector<16xi32>,
      %parallel_loop3A_136 = arith.constant 3 : i32
      %parallel_loop3A_137 = vector.broadcast %parallel_loop3A_136 : i32 to vector<16xi32>
      %parallel_loop3A_138 = arith.andi %parallel_loop3A_135, %parallel_loop3A_137 : vector<16xi32>
      %parallel_loop3A_139 = arith.constant 5 : i32
      %parallel_loop3A_140 = vector.broadcast %parallel_loop3A_139 : i32 to vector<16xi32>
      %parallel_loop3A_141 = arith.shli %parallel_loop3A_138, %parallel_loop3A_140 : vector<16xi32>
      %parallel_loop3A_142 = vector.broadcast %parallel_loop3A_131 : i32 to vector<16xi32>
      %parallel_loop3A_143 = arith.addi %iota3A, %parallel_loop3A_142 : vector<16xi32>
      %parallel_loop3A_144 = arith.constant 0 : i32
      %parallel_loop3A_145 = vector.broadcast %parallel_loop3A_144 : i32 to vector<16xi32>
      %parallel_loop3A_146 = arith.addi %parallel_loop3A_141, %parallel_loop3A_145 : vector<16xi32>
      %parallel_loop3A_147 = tpu.vector_load_idx %arg10[%parallel_loop3A_143, %parallel_loop3A_146] : memref<128x128xf32, #tpu.memory_space<vmem>>[vector<16xi32>, vector<16xi32>], vector<16xf32>,
      %parallel_loop3A_148 = arith.constant 1 : i32
      %parallel_loop3A_149 = vector.broadcast %parallel_loop3A_148 : i32 to vector<16xi32>
      %parallel_loop3A_150 = arith.addi %parallel_loop3A_141, %parallel_loop3A_149 : vector<16xi32>
      %parallel_loop3A_151 = tpu.vector_load_idx %arg10[%parallel_loop3A_143, %parallel_loop3A_150] : memref<128x128xf32, #tpu.memory_space<vmem>>[vector<16xi32>, vector<16xi32>], vector<16xf32>,
      %parallel_loop3A_152 = arith.constant 2 : i32
      %parallel_loop3A_153 = vector.broadcast %parallel_loop3A_152 : i32 to vector<16xi32>
      %parallel_loop3A_154 = arith.addi %parallel_loop3A_141, %parallel_loop3A_153 : vector<16xi32>
      %parallel_loop3A_155 = tpu.vector_load_idx %arg10[%parallel_loop3A_143, %parallel_loop3A_154] : memref<128x128xf32, #tpu.memory_space<vmem>>[vector<16xi32>, vector<16xi32>], vector<16xf32>,
      %parallel_loop3A_156 = arith.constant 3 : i32
      %parallel_loop3A_157 = vector.broadcast %parallel_loop3A_156 : i32 to vector<16xi32>
      %parallel_loop3A_158 = arith.addi %parallel_loop3A_141, %parallel_loop3A_157 : vector<16xi32>
      %parallel_loop3A_159 = tpu.vector_load_idx %arg10[%parallel_loop3A_143, %parallel_loop3A_158] : memref<128x128xf32, #tpu.memory_space<vmem>>[vector<16xi32>, vector<16xi32>], vector<16xf32>,
      %parallel_loop3A_160 = arith.constant 4 : i32
      %parallel_loop3A_161 = vector.broadcast %parallel_loop3A_160 : i32 to vector<16xi32>
      %parallel_loop3A_162 = arith.addi %parallel_loop3A_141, %parallel_loop3A_161 : vector<16xi32>
      %parallel_loop3A_163 = tpu.vector_load_idx %arg10[%parallel_loop3A_143, %parallel_loop3A_162] : memref<128x128xf32, #tpu.memory_space<vmem>>[vector<16xi32>, vector<16xi32>], vector<16xf32>,
      %parallel_loop3A_164 = arith.constant 5 : i32
      %parallel_loop3A_165 = vector.broadcast %parallel_loop3A_164 : i32 to vector<16xi32>
      %parallel_loop3A_166 = arith.addi %parallel_loop3A_141, %parallel_loop3A_165 : vector<16xi32>
      %parallel_loop3A_167 = tpu.vector_load_idx %arg10[%parallel_loop3A_143, %parallel_loop3A_166] : memref<128x128xf32, #tpu.memory_space<vmem>>[vector<16xi32>, vector<16xi32>], vector<16xf32>,
      %parallel_loop3A_168 = arith.constant 6 : i32
      %parallel_loop3A_169 = vector.broadcast %parallel_loop3A_168 : i32 to vector<16xi32>
      %parallel_loop3A_170 = arith.addi %parallel_loop3A_141, %parallel_loop3A_169 : vector<16xi32>
      %parallel_loop3A_171 = tpu.vector_load_idx %arg10[%parallel_loop3A_143, %parallel_loop3A_170] : memref<128x128xf32, #tpu.memory_space<vmem>>[vector<16xi32>, vector<16xi32>], vector<16xf32>,
      %parallel_loop3A_172 = arith.constant 7 : i32
      %parallel_loop3A_173 = vector.broadcast %parallel_loop3A_172 : i32 to vector<16xi32>
      %parallel_loop3A_174 = arith.addi %parallel_loop3A_141, %parallel_loop3A_173 : vector<16xi32>
      %parallel_loop3A_175 = tpu.vector_load_idx %arg10[%parallel_loop3A_143, %parallel_loop3A_174] : memref<128x128xf32, #tpu.memory_space<vmem>>[vector<16xi32>, vector<16xi32>], vector<16xf32>,
      %parallel_loop3A_176 = arith.constant 8 : i32
      %parallel_loop3A_177 = vector.broadcast %parallel_loop3A_176 : i32 to vector<16xi32>
      %parallel_loop3A_178 = arith.addi %parallel_loop3A_141, %parallel_loop3A_177 : vector<16xi32>
      %parallel_loop3A_179 = tpu.vector_load_idx %arg10[%parallel_loop3A_143, %parallel_loop3A_178] : memref<128x128xf32, #tpu.memory_space<vmem>>[vector<16xi32>, vector<16xi32>], vector<16xf32>,
      %parallel_loop3A_180 = arith.constant 9 : i32
      %parallel_loop3A_181 = vector.broadcast %parallel_loop3A_180 : i32 to vector<16xi32>
      %parallel_loop3A_182 = arith.addi %parallel_loop3A_141, %parallel_loop3A_181 : vector<16xi32>
      %parallel_loop3A_183 = tpu.vector_load_idx %arg10[%parallel_loop3A_143, %parallel_loop3A_182] : memref<128x128xf32, #tpu.memory_space<vmem>>[vector<16xi32>, vector<16xi32>], vector<16xf32>,
      %parallel_loop3A_184 = arith.constant 10 : i32
      %parallel_loop3A_185 = vector.broadcast %parallel_loop3A_184 : i32 to vector<16xi32>
      %parallel_loop3A_186 = arith.addi %parallel_loop3A_141, %parallel_loop3A_185 : vector<16xi32>
      %parallel_loop3A_187 = tpu.vector_load_idx %arg10[%parallel_loop3A_143, %parallel_loop3A_186] : memref<128x128xf32, #tpu.memory_space<vmem>>[vector<16xi32>, vector<16xi32>], vector<16xf32>,
      %parallel_loop3A_188 = arith.constant 11 : i32
      %parallel_loop3A_189 = vector.broadcast %parallel_loop3A_188 : i32 to vector<16xi32>
      %parallel_loop3A_190 = arith.addi %parallel_loop3A_141, %parallel_loop3A_189 : vector<16xi32>
      %parallel_loop3A_191 = tpu.vector_load_idx %arg10[%parallel_loop3A_143, %parallel_loop3A_190] : memref<128x128xf32, #tpu.memory_space<vmem>>[vector<16xi32>, vector<16xi32>], vector<16xf32>,
      %parallel_loop3A_192 = arith.constant 12 : i32
      %parallel_loop3A_193 = vector.broadcast %parallel_loop3A_192 : i32 to vector<16xi32>
      %parallel_loop3A_194 = arith.addi %parallel_loop3A_141, %parallel_loop3A_193 : vector<16xi32>
      %parallel_loop3A_195 = tpu.vector_load_idx %arg10[%parallel_loop3A_143, %parallel_loop3A_194] : memref<128x128xf32, #tpu.memory_space<vmem>>[vector<16xi32>, vector<16xi32>], vector<16xf32>,
      %parallel_loop3A_196 = arith.constant 13 : i32
      %parallel_loop3A_197 = vector.broadcast %parallel_loop3A_196 : i32 to vector<16xi32>
      %parallel_loop3A_198 = arith.addi %parallel_loop3A_141, %parallel_loop3A_197 : vector<16xi32>
      %parallel_loop3A_199 = tpu.vector_load_idx %arg10[%parallel_loop3A_143, %parallel_loop3A_198] : memref<128x128xf32, #tpu.memory_space<vmem>>[vector<16xi32>, vector<16xi32>], vector<16xf32>,
      %parallel_loop3A_200 = arith.constant 14 : i32
      %parallel_loop3A_201 = vector.broadcast %parallel_loop3A_200 : i32 to vector<16xi32>
      %parallel_loop3A_202 = arith.addi %parallel_loop3A_141, %parallel_loop3A_201 : vector<16xi32>
      %parallel_loop3A_203 = tpu.vector_load_idx %arg10[%parallel_loop3A_143, %parallel_loop3A_202] : memref<128x128xf32, #tpu.memory_space<vmem>>[vector<16xi32>, vector<16xi32>], vector<16xf32>,
      %parallel_loop3A_204 = arith.constant 15 : i32
      %parallel_loop3A_205 = vector.broadcast %parallel_loop3A_204 : i32 to vector<16xi32>
      %parallel_loop3A_206 = arith.addi %parallel_loop3A_141, %parallel_loop3A_205 : vector<16xi32>
      %parallel_loop3A_207 = tpu.vector_load_idx %arg10[%parallel_loop3A_143, %parallel_loop3A_206] : memref<128x128xf32, #tpu.memory_space<vmem>>[vector<16xi32>, vector<16xi32>], vector<16xf32>,
      %parallel_loop3A_208 = arith.constant 16 : i32
      %parallel_loop3A_209 = vector.broadcast %parallel_loop3A_208 : i32 to vector<16xi32>
      %parallel_loop3A_210 = arith.addi %parallel_loop3A_141, %parallel_loop3A_209 : vector<16xi32>
      %parallel_loop3A_211 = tpu.vector_load_idx %arg10[%parallel_loop3A_143, %parallel_loop3A_210] : memref<128x128xf32, #tpu.memory_space<vmem>>[vector<16xi32>, vector<16xi32>], vector<16xf32>,
      %parallel_loop3A_212 = arith.constant 17 : i32
      %parallel_loop3A_213 = vector.broadcast %parallel_loop3A_212 : i32 to vector<16xi32>
      %parallel_loop3A_214 = arith.addi %parallel_loop3A_141, %parallel_loop3A_213 : vector<16xi32>
      %parallel_loop3A_215 = tpu.vector_load_idx %arg10[%parallel_loop3A_143, %parallel_loop3A_214] : memref<128x128xf32, #tpu.memory_space<vmem>>[vector<16xi32>, vector<16xi32>], vector<16xf32>,
      %parallel_loop3A_216 = arith.constant 18 : i32
      %parallel_loop3A_217 = vector.broadcast %parallel_loop3A_216 : i32 to vector<16xi32>
      %parallel_loop3A_218 = arith.addi %parallel_loop3A_141, %parallel_loop3A_217 : vector<16xi32>
      %parallel_loop3A_219 = tpu.vector_load_idx %arg10[%parallel_loop3A_143, %parallel_loop3A_218] : memref<128x128xf32, #tpu.memory_space<vmem>>[vector<16xi32>, vector<16xi32>], vector<16xf32>,
      %parallel_loop3A_220 = arith.constant 19 : i32
      %parallel_loop3A_221 = vector.broadcast %parallel_loop3A_220 : i32 to vector<16xi32>
      %parallel_loop3A_222 = arith.addi %parallel_loop3A_141, %parallel_loop3A_221 : vector<16xi32>
      %parallel_loop3A_223 = tpu.vector_load_idx %arg10[%parallel_loop3A_143, %parallel_loop3A_222] : memref<128x128xf32, #tpu.memory_space<vmem>>[vector<16xi32>, vector<16xi32>], vector<16xf32>,
      %parallel_loop3A_224 = arith.constant 20 : i32
      %parallel_loop3A_225 = vector.broadcast %parallel_loop3A_224 : i32 to vector<16xi32>
      %parallel_loop3A_226 = arith.addi %parallel_loop3A_141, %parallel_loop3A_225 : vector<16xi32>
      %parallel_loop3A_227 = tpu.vector_load_idx %arg10[%parallel_loop3A_143, %parallel_loop3A_226] : memref<128x128xf32, #tpu.memory_space<vmem>>[vector<16xi32>, vector<16xi32>], vector<16xf32>,
      %parallel_loop3A_228 = arith.constant 21 : i32
      %parallel_loop3A_229 = vector.broadcast %parallel_loop3A_228 : i32 to vector<16xi32>
      %parallel_loop3A_230 = arith.addi %parallel_loop3A_141, %parallel_loop3A_229 : vector<16xi32>
      %parallel_loop3A_231 = tpu.vector_load_idx %arg10[%parallel_loop3A_143, %parallel_loop3A_230] : memref<128x128xf32, #tpu.memory_space<vmem>>[vector<16xi32>, vector<16xi32>], vector<16xf32>,
      %parallel_loop3A_232 = arith.constant 22 : i32
      %parallel_loop3A_233 = vector.broadcast %parallel_loop3A_232 : i32 to vector<16xi32>
      %parallel_loop3A_234 = arith.addi %parallel_loop3A_141, %parallel_loop3A_233 : vector<16xi32>
      %parallel_loop3A_235 = tpu.vector_load_idx %arg10[%parallel_loop3A_143, %parallel_loop3A_234] : memref<128x128xf32, #tpu.memory_space<vmem>>[vector<16xi32>, vector<16xi32>], vector<16xf32>,
      %parallel_loop3A_236 = arith.constant 23 : i32
      %parallel_loop3A_237 = vector.broadcast %parallel_loop3A_236 : i32 to vector<16xi32>
      %parallel_loop3A_238 = arith.addi %parallel_loop3A_141, %parallel_loop3A_237 : vector<16xi32>
      %parallel_loop3A_239 = tpu.vector_load_idx %arg10[%parallel_loop3A_143, %parallel_loop3A_238] : memref<128x128xf32, #tpu.memory_space<vmem>>[vector<16xi32>, vector<16xi32>], vector<16xf32>,
      %parallel_loop3A_240 = arith.constant 24 : i32
      %parallel_loop3A_241 = vector.broadcast %parallel_loop3A_240 : i32 to vector<16xi32>
      %parallel_loop3A_242 = arith.addi %parallel_loop3A_141, %parallel_loop3A_241 : vector<16xi32>
      %parallel_loop3A_243 = tpu.vector_load_idx %arg10[%parallel_loop3A_143, %parallel_loop3A_242] : memref<128x128xf32, #tpu.memory_space<vmem>>[vector<16xi32>, vector<16xi32>], vector<16xf32>,
      %parallel_loop3A_244 = arith.constant 25 : i32
      %parallel_loop3A_245 = vector.broadcast %parallel_loop3A_244 : i32 to vector<16xi32>
      %parallel_loop3A_246 = arith.addi %parallel_loop3A_141, %parallel_loop3A_245 : vector<16xi32>
      %parallel_loop3A_247 = tpu.vector_load_idx %arg10[%parallel_loop3A_143, %parallel_loop3A_246] : memref<128x128xf32, #tpu.memory_space<vmem>>[vector<16xi32>, vector<16xi32>], vector<16xf32>,
      %parallel_loop3A_248 = arith.constant 26 : i32
      %parallel_loop3A_249 = vector.broadcast %parallel_loop3A_248 : i32 to vector<16xi32>
      %parallel_loop3A_250 = arith.addi %parallel_loop3A_141, %parallel_loop3A_249 : vector<16xi32>
      %parallel_loop3A_251 = tpu.vector_load_idx %arg10[%parallel_loop3A_143, %parallel_loop3A_250] : memref<128x128xf32, #tpu.memory_space<vmem>>[vector<16xi32>, vector<16xi32>], vector<16xf32>,
      %parallel_loop3A_252 = arith.constant 27 : i32
      %parallel_loop3A_253 = vector.broadcast %parallel_loop3A_252 : i32 to vector<16xi32>
      %parallel_loop3A_254 = arith.addi %parallel_loop3A_141, %parallel_loop3A_253 : vector<16xi32>
      %parallel_loop3A_255 = tpu.vector_load_idx %arg10[%parallel_loop3A_143, %parallel_loop3A_254] : memref<128x128xf32, #tpu.memory_space<vmem>>[vector<16xi32>, vector<16xi32>], vector<16xf32>,
      %parallel_loop3A_256 = arith.constant 28 : i32
      %parallel_loop3A_257 = vector.broadcast %parallel_loop3A_256 : i32 to vector<16xi32>
      %parallel_loop3A_258 = arith.addi %parallel_loop3A_141, %parallel_loop3A_257 : vector<16xi32>
      %parallel_loop3A_259 = tpu.vector_load_idx %arg10[%parallel_loop3A_143, %parallel_loop3A_258] : memref<128x128xf32, #tpu.memory_space<vmem>>[vector<16xi32>, vector<16xi32>], vector<16xf32>,
      %parallel_loop3A_260 = arith.constant 29 : i32
      %parallel_loop3A_261 = vector.broadcast %parallel_loop3A_260 : i32 to vector<16xi32>
      %parallel_loop3A_262 = arith.addi %parallel_loop3A_141, %parallel_loop3A_261 : vector<16xi32>
      %parallel_loop3A_263 = tpu.vector_load_idx %arg10[%parallel_loop3A_143, %parallel_loop3A_262] : memref<128x128xf32, #tpu.memory_space<vmem>>[vector<16xi32>, vector<16xi32>], vector<16xf32>,
      %parallel_loop3A_264 = arith.constant 30 : i32
      %parallel_loop3A_265 = vector.broadcast %parallel_loop3A_264 : i32 to vector<16xi32>
      %parallel_loop3A_266 = arith.addi %parallel_loop3A_141, %parallel_loop3A_265 : vector<16xi32>
      %parallel_loop3A_267 = tpu.vector_load_idx %arg10[%parallel_loop3A_143, %parallel_loop3A_266] : memref<128x128xf32, #tpu.memory_space<vmem>>[vector<16xi32>, vector<16xi32>], vector<16xf32>,
      %parallel_loop3A_268 = arith.constant 31 : i32
      %parallel_loop3A_269 = vector.broadcast %parallel_loop3A_268 : i32 to vector<16xi32>
      %parallel_loop3A_270 = arith.addi %parallel_loop3A_141, %parallel_loop3A_269 : vector<16xi32>
      %parallel_loop3A_271 = tpu.vector_load_idx %arg10[%parallel_loop3A_143, %parallel_loop3A_270] : memref<128x128xf32, #tpu.memory_space<vmem>>[vector<16xi32>, vector<16xi32>], vector<16xf32>,
      %parallel_loop3A_272 = arith.constant 1 : i32
      %parallel_loop3A_273 = arith.constant 0 : i32
      %parallel_loop3A_274 = arith.index_cast %parallel_loop3A_272 : i32 to index
      %parallel_loop3A_275 = arith.index_cast %parallel_loop3A_273 : i32 to index
      %parallel_loop3A_276 = arith.index_cast %parallel_loop3A_131 : i32 to index
      %parallel_loop3A_277 = tpu.vector_load %arg11[%parallel_loop3A_274, %parallel_loop3A_275, %parallel_loop3A_276] {strides = array<i32>} : memref<2x32x128xf32, #tpu.memory_space<vmem>>, vector<16xf32>,
      tpu.vector_store %arg11[%parallel_loop3A_274, %parallel_loop3A_275, %parallel_loop3A_276], %parallel_loop3A_147 {strides = array<i32>} : memref<2x32x128xf32, #tpu.memory_space<vmem>>, vector<16xf32>,
      %parallel_loop3A_278 = arith.constant 1 : i32
      %parallel_loop3A_279 = arith.constant 1 : i32
      %parallel_loop3A_280 = arith.index_cast %parallel_loop3A_278 : i32 to index
      %parallel_loop3A_281 = arith.index_cast %parallel_loop3A_279 : i32 to index
      %parallel_loop3A_282 = arith.index_cast %parallel_loop3A_131 : i32 to index
      %parallel_loop3A_283 = tpu.vector_load %arg11[%parallel_loop3A_280, %parallel_loop3A_281, %parallel_loop3A_282] {strides = array<i32>} : memref<2x32x128xf32, #tpu.memory_space<vmem>>, vector<16xf32>,
      tpu.vector_store %arg11[%parallel_loop3A_280, %parallel_loop3A_281, %parallel_loop3A_282], %parallel_loop3A_151 {strides = array<i32>} : memref<2x32x128xf32, #tpu.memory_space<vmem>>, vector<16xf32>,
      %parallel_loop3A_284 = arith.constant 1 : i32
      %parallel_loop3A_285 = arith.constant 2 : i32
      %parallel_loop3A_286 = arith.index_cast %parallel_loop3A_284 : i32 to index
      %parallel_loop3A_287 = arith.index_cast %parallel_loop3A_285 : i32 to index
      %parallel_loop3A_288 = arith.index_cast %parallel_loop3A_131 : i32 to index
      %parallel_loop3A_289 = tpu.vector_load %arg11[%parallel_loop3A_286, %parallel_loop3A_287, %parallel_loop3A_288] {strides = array<i32>} : memref<2x32x128xf32, #tpu.memory_space<vmem>>, vector<16xf32>,
      tpu.vector_store %arg11[%parallel_loop3A_286, %parallel_loop3A_287, %parallel_loop3A_288], %parallel_loop3A_155 {strides = array<i32>} : memref<2x32x128xf32, #tpu.memory_space<vmem>>, vector<16xf32>,
      %parallel_loop3A_290 = arith.constant 1 : i32
      %parallel_loop3A_291 = arith.constant 3 : i32
      %parallel_loop3A_292 = arith.index_cast %parallel_loop3A_290 : i32 to index
      %parallel_loop3A_293 = arith.index_cast %parallel_loop3A_291 : i32 to index
      %parallel_loop3A_294 = arith.index_cast %parallel_loop3A_131 : i32 to index
      %parallel_loop3A_295 = tpu.vector_load %arg11[%parallel_loop3A_292, %parallel_loop3A_293, %parallel_loop3A_294] {strides = array<i32>} : memref<2x32x128xf32, #tpu.memory_space<vmem>>, vector<16xf32>,
      tpu.vector_store %arg11[%parallel_loop3A_292, %parallel_loop3A_293, %parallel_loop3A_294], %parallel_loop3A_159 {strides = array<i32>} : memref<2x32x128xf32, #tpu.memory_space<vmem>>, vector<16xf32>,
      %parallel_loop3A_296 = arith.constant 1 : i32
      %parallel_loop3A_297 = arith.constant 4 : i32
      %parallel_loop3A_298 = arith.index_cast %parallel_loop3A_296 : i32 to index
      %parallel_loop3A_299 = arith.index_cast %parallel_loop3A_297 : i32 to index
      %parallel_loop3A_300 = arith.index_cast %parallel_loop3A_131 : i32 to index
      %parallel_loop3A_301 = tpu.vector_load %arg11[%parallel_loop3A_298, %parallel_loop3A_299, %parallel_loop3A_300] {strides = array<i32>} : memref<2x32x128xf32, #tpu.memory_space<vmem>>, vector<16xf32>,
      tpu.vector_store %arg11[%parallel_loop3A_298, %parallel_loop3A_299, %parallel_loop3A_300], %parallel_loop3A_163 {strides = array<i32>} : memref<2x32x128xf32, #tpu.memory_space<vmem>>, vector<16xf32>,
      %parallel_loop3A_302 = arith.constant 1 : i32
      %parallel_loop3A_303 = arith.constant 5 : i32
      %parallel_loop3A_304 = arith.index_cast %parallel_loop3A_302 : i32 to index
      %parallel_loop3A_305 = arith.index_cast %parallel_loop3A_303 : i32 to index
      %parallel_loop3A_306 = arith.index_cast %parallel_loop3A_131 : i32 to index
      %parallel_loop3A_307 = tpu.vector_load %arg11[%parallel_loop3A_304, %parallel_loop3A_305, %parallel_loop3A_306] {strides = array<i32>} : memref<2x32x128xf32, #tpu.memory_space<vmem>>, vector<16xf32>,
      tpu.vector_store %arg11[%parallel_loop3A_304, %parallel_loop3A_305, %parallel_loop3A_306], %parallel_loop3A_167 {strides = array<i32>} : memref<2x32x128xf32, #tpu.memory_space<vmem>>, vector<16xf32>,
      %parallel_loop3A_308 = arith.constant 1 : i32
      %parallel_loop3A_309 = arith.constant 6 : i32
      %parallel_loop3A_310 = arith.index_cast %parallel_loop3A_308 : i32 to index
      %parallel_loop3A_311 = arith.index_cast %parallel_loop3A_309 : i32 to index
      %parallel_loop3A_312 = arith.index_cast %parallel_loop3A_131 : i32 to index
      %parallel_loop3A_313 = tpu.vector_load %arg11[%parallel_loop3A_310, %parallel_loop3A_311, %parallel_loop3A_312] {strides = array<i32>} : memref<2x32x128xf32, #tpu.memory_space<vmem>>, vector<16xf32>,
      tpu.vector_store %arg11[%parallel_loop3A_310, %parallel_loop3A_311, %parallel_loop3A_312], %parallel_loop3A_171 {strides = array<i32>} : memref<2x32x128xf32, #tpu.memory_space<vmem>>, vector<16xf32>,
      %parallel_loop3A_314 = arith.constant 1 : i32
      %parallel_loop3A_315 = arith.constant 7 : i32
      %parallel_loop3A_316 = arith.index_cast %parallel_loop3A_314 : i32 to index
      %parallel_loop3A_317 = arith.index_cast %parallel_loop3A_315 : i32 to index
      %parallel_loop3A_318 = arith.index_cast %parallel_loop3A_131 : i32 to index
      %parallel_loop3A_319 = tpu.vector_load %arg11[%parallel_loop3A_316, %parallel_loop3A_317, %parallel_loop3A_318] {strides = array<i32>} : memref<2x32x128xf32, #tpu.memory_space<vmem>>, vector<16xf32>,
      tpu.vector_store %arg11[%parallel_loop3A_316, %parallel_loop3A_317, %parallel_loop3A_318], %parallel_loop3A_175 {strides = array<i32>} : memref<2x32x128xf32, #tpu.memory_space<vmem>>, vector<16xf32>,
      %parallel_loop3A_320 = arith.constant 1 : i32
      %parallel_loop3A_321 = arith.constant 8 : i32
      %parallel_loop3A_322 = arith.index_cast %parallel_loop3A_320 : i32 to index
      %parallel_loop3A_323 = arith.index_cast %parallel_loop3A_321 : i32 to index
      %parallel_loop3A_324 = arith.index_cast %parallel_loop3A_131 : i32 to index
      %parallel_loop3A_325 = tpu.vector_load %arg11[%parallel_loop3A_322, %parallel_loop3A_323, %parallel_loop3A_324] {strides = array<i32>} : memref<2x32x128xf32, #tpu.memory_space<vmem>>, vector<16xf32>,
      tpu.vector_store %arg11[%parallel_loop3A_322, %parallel_loop3A_323, %parallel_loop3A_324], %parallel_loop3A_179 {strides = array<i32>} : memref<2x32x128xf32, #tpu.memory_space<vmem>>, vector<16xf32>,
      %parallel_loop3A_326 = arith.constant 1 : i32
      %parallel_loop3A_327 = arith.constant 9 : i32
      %parallel_loop3A_328 = arith.index_cast %parallel_loop3A_326 : i32 to index
      %parallel_loop3A_329 = arith.index_cast %parallel_loop3A_327 : i32 to index
      %parallel_loop3A_330 = arith.index_cast %parallel_loop3A_131 : i32 to index
      %parallel_loop3A_331 = tpu.vector_load %arg11[%parallel_loop3A_328, %parallel_loop3A_329, %parallel_loop3A_330] {strides = array<i32>} : memref<2x32x128xf32, #tpu.memory_space<vmem>>, vector<16xf32>,
      tpu.vector_store %arg11[%parallel_loop3A_328, %parallel_loop3A_329, %parallel_loop3A_330], %parallel_loop3A_183 {strides = array<i32>} : memref<2x32x128xf32, #tpu.memory_space<vmem>>, vector<16xf32>,
      %parallel_loop3A_332 = arith.constant 1 : i32
      %parallel_loop3A_333 = arith.constant 10 : i32
      %parallel_loop3A_334 = arith.index_cast %parallel_loop3A_332 : i32 to index
      %parallel_loop3A_335 = arith.index_cast %parallel_loop3A_333 : i32 to index
      %parallel_loop3A_336 = arith.index_cast %parallel_loop3A_131 : i32 to index
      %parallel_loop3A_337 = tpu.vector_load %arg11[%parallel_loop3A_334, %parallel_loop3A_335, %parallel_loop3A_336] {strides = array<i32>} : memref<2x32x128xf32, #tpu.memory_space<vmem>>, vector<16xf32>,
      tpu.vector_store %arg11[%parallel_loop3A_334, %parallel_loop3A_335, %parallel_loop3A_336], %parallel_loop3A_187 {strides = array<i32>} : memref<2x32x128xf32, #tpu.memory_space<vmem>>, vector<16xf32>,
      %parallel_loop3A_338 = arith.constant 1 : i32
      %parallel_loop3A_339 = arith.constant 11 : i32
      %parallel_loop3A_340 = arith.index_cast %parallel_loop3A_338 : i32 to index
      %parallel_loop3A_341 = arith.index_cast %parallel_loop3A_339 : i32 to index
      %parallel_loop3A_342 = arith.index_cast %parallel_loop3A_131 : i32 to index
      %parallel_loop3A_343 = tpu.vector_load %arg11[%parallel_loop3A_340, %parallel_loop3A_341, %parallel_loop3A_342] {strides = array<i32>} : memref<2x32x128xf32, #tpu.memory_space<vmem>>, vector<16xf32>,
      tpu.vector_store %arg11[%parallel_loop3A_340, %parallel_loop3A_341, %parallel_loop3A_342], %parallel_loop3A_191 {strides = array<i32>} : memref<2x32x128xf32, #tpu.memory_space<vmem>>, vector<16xf32>,
      %parallel_loop3A_344 = arith.constant 1 : i32
      %parallel_loop3A_345 = arith.constant 12 : i32
      %parallel_loop3A_346 = arith.index_cast %parallel_loop3A_344 : i32 to index
      %parallel_loop3A_347 = arith.index_cast %parallel_loop3A_345 : i32 to index
      %parallel_loop3A_348 = arith.index_cast %parallel_loop3A_131 : i32 to index
      %parallel_loop3A_349 = tpu.vector_load %arg11[%parallel_loop3A_346, %parallel_loop3A_347, %parallel_loop3A_348] {strides = array<i32>} : memref<2x32x128xf32, #tpu.memory_space<vmem>>, vector<16xf32>,
      tpu.vector_store %arg11[%parallel_loop3A_346, %parallel_loop3A_347, %parallel_loop3A_348], %parallel_loop3A_195 {strides = array<i32>} : memref<2x32x128xf32, #tpu.memory_space<vmem>>, vector<16xf32>,
      %parallel_loop3A_350 = arith.constant 1 : i32
      %parallel_loop3A_351 = arith.constant 13 : i32
      %parallel_loop3A_352 = arith.index_cast %parallel_loop3A_350 : i32 to index
      %parallel_loop3A_353 = arith.index_cast %parallel_loop3A_351 : i32 to index
      %parallel_loop3A_354 = arith.index_cast %parallel_loop3A_131 : i32 to index
      %parallel_loop3A_355 = tpu.vector_load %arg11[%parallel_loop3A_352, %parallel_loop3A_353, %parallel_loop3A_354] {strides = array<i32>} : memref<2x32x128xf32, #tpu.memory_space<vmem>>, vector<16xf32>,
      tpu.vector_store %arg11[%parallel_loop3A_352, %parallel_loop3A_353, %parallel_loop3A_354], %parallel_loop3A_199 {strides = array<i32>} : memref<2x32x128xf32, #tpu.memory_space<vmem>>, vector<16xf32>,
      %parallel_loop3A_356 = arith.constant 1 : i32
      %parallel_loop3A_357 = arith.constant 14 : i32
      %parallel_loop3A_358 = arith.index_cast %parallel_loop3A_356 : i32 to index
      %parallel_loop3A_359 = arith.index_cast %parallel_loop3A_357 : i32 to index
      %parallel_loop3A_360 = arith.index_cast %parallel_loop3A_131 : i32 to index
      %parallel_loop3A_361 = tpu.vector_load %arg11[%parallel_loop3A_358, %parallel_loop3A_359, %parallel_loop3A_360] {strides = array<i32>} : memref<2x32x128xf32, #tpu.memory_space<vmem>>, vector<16xf32>,
      tpu.vector_store %arg11[%parallel_loop3A_358, %parallel_loop3A_359, %parallel_loop3A_360], %parallel_loop3A_203 {strides = array<i32>} : memref<2x32x128xf32, #tpu.memory_space<vmem>>, vector<16xf32>,
      %parallel_loop3A_362 = arith.constant 1 : i32
      %parallel_loop3A_363 = arith.constant 15 : i32
      %parallel_loop3A_364 = arith.index_cast %parallel_loop3A_362 : i32 to index
      %parallel_loop3A_365 = arith.index_cast %parallel_loop3A_363 : i32 to index
      %parallel_loop3A_366 = arith.index_cast %parallel_loop3A_131 : i32 to index
      %parallel_loop3A_367 = tpu.vector_load %arg11[%parallel_loop3A_364, %parallel_loop3A_365, %parallel_loop3A_366] {strides = array<i32>} : memref<2x32x128xf32, #tpu.memory_space<vmem>>, vector<16xf32>,
      tpu.vector_store %arg11[%parallel_loop3A_364, %parallel_loop3A_365, %parallel_loop3A_366], %parallel_loop3A_207 {strides = array<i32>} : memref<2x32x128xf32, #tpu.memory_space<vmem>>, vector<16xf32>,
      %parallel_loop3A_368 = arith.constant 1 : i32
      %parallel_loop3A_369 = arith.constant 16 : i32
      %parallel_loop3A_370 = arith.index_cast %parallel_loop3A_368 : i32 to index
      %parallel_loop3A_371 = arith.index_cast %parallel_loop3A_369 : i32 to index
      %parallel_loop3A_372 = arith.index_cast %parallel_loop3A_131 : i32 to index
      %parallel_loop3A_373 = tpu.vector_load %arg11[%parallel_loop3A_370, %parallel_loop3A_371, %parallel_loop3A_372] {strides = array<i32>} : memref<2x32x128xf32, #tpu.memory_space<vmem>>, vector<16xf32>,
      tpu.vector_store %arg11[%parallel_loop3A_370, %parallel_loop3A_371, %parallel_loop3A_372], %parallel_loop3A_211 {strides = array<i32>} : memref<2x32x128xf32, #tpu.memory_space<vmem>>, vector<16xf32>,
      %parallel_loop3A_374 = arith.constant 1 : i32
      %parallel_loop3A_375 = arith.constant 17 : i32
      %parallel_loop3A_376 = arith.index_cast %parallel_loop3A_374 : i32 to index
      %parallel_loop3A_377 = arith.index_cast %parallel_loop3A_375 : i32 to index
      %parallel_loop3A_378 = arith.index_cast %parallel_loop3A_131 : i32 to index
      %parallel_loop3A_379 = tpu.vector_load %arg11[%parallel_loop3A_376, %parallel_loop3A_377, %parallel_loop3A_378] {strides = array<i32>} : memref<2x32x128xf32, #tpu.memory_space<vmem>>, vector<16xf32>,
      tpu.vector_store %arg11[%parallel_loop3A_376, %parallel_loop3A_377, %parallel_loop3A_378], %parallel_loop3A_215 {strides = array<i32>} : memref<2x32x128xf32, #tpu.memory_space<vmem>>, vector<16xf32>,
      %parallel_loop3A_380 = arith.constant 1 : i32
      %parallel_loop3A_381 = arith.constant 18 : i32
      %parallel_loop3A_382 = arith.index_cast %parallel_loop3A_380 : i32 to index
      %parallel_loop3A_383 = arith.index_cast %parallel_loop3A_381 : i32 to index
      %parallel_loop3A_384 = arith.index_cast %parallel_loop3A_131 : i32 to index
      %parallel_loop3A_385 = tpu.vector_load %arg11[%parallel_loop3A_382, %parallel_loop3A_383, %parallel_loop3A_384] {strides = array<i32>} : memref<2x32x128xf32, #tpu.memory_space<vmem>>, vector<16xf32>,
      tpu.vector_store %arg11[%parallel_loop3A_382, %parallel_loop3A_383, %parallel_loop3A_384], %parallel_loop3A_219 {strides = array<i32>} : memref<2x32x128xf32, #tpu.memory_space<vmem>>, vector<16xf32>,
      %parallel_loop3A_386 = arith.constant 1 : i32
      %parallel_loop3A_387 = arith.constant 19 : i32
      %parallel_loop3A_388 = arith.index_cast %parallel_loop3A_386 : i32 to index
      %parallel_loop3A_389 = arith.index_cast %parallel_loop3A_387 : i32 to index
      %parallel_loop3A_390 = arith.index_cast %parallel_loop3A_131 : i32 to index
      %parallel_loop3A_391 = tpu.vector_load %arg11[%parallel_loop3A_388, %parallel_loop3A_389, %parallel_loop3A_390] {strides = array<i32>} : memref<2x32x128xf32, #tpu.memory_space<vmem>>, vector<16xf32>,
      tpu.vector_store %arg11[%parallel_loop3A_388, %parallel_loop3A_389, %parallel_loop3A_390], %parallel_loop3A_223 {strides = array<i32>} : memref<2x32x128xf32, #tpu.memory_space<vmem>>, vector<16xf32>,
      %parallel_loop3A_392 = arith.constant 1 : i32
      %parallel_loop3A_393 = arith.constant 20 : i32
      %parallel_loop3A_394 = arith.index_cast %parallel_loop3A_392 : i32 to index
      %parallel_loop3A_395 = arith.index_cast %parallel_loop3A_393 : i32 to index
      %parallel_loop3A_396 = arith.index_cast %parallel_loop3A_131 : i32 to index
      %parallel_loop3A_397 = tpu.vector_load %arg11[%parallel_loop3A_394, %parallel_loop3A_395, %parallel_loop3A_396] {strides = array<i32>} : memref<2x32x128xf32, #tpu.memory_space<vmem>>, vector<16xf32>,
      tpu.vector_store %arg11[%parallel_loop3A_394, %parallel_loop3A_395, %parallel_loop3A_396], %parallel_loop3A_227 {strides = array<i32>} : memref<2x32x128xf32, #tpu.memory_space<vmem>>, vector<16xf32>,
      %parallel_loop3A_398 = arith.constant 1 : i32
      %parallel_loop3A_399 = arith.constant 21 : i32
      %parallel_loop3A_400 = arith.index_cast %parallel_loop3A_398 : i32 to index
      %parallel_loop3A_401 = arith.index_cast %parallel_loop3A_399 : i32 to index
      %parallel_loop3A_402 = arith.index_cast %parallel_loop3A_131 : i32 to index
      %parallel_loop3A_403 = tpu.vector_load %arg11[%parallel_loop3A_400, %parallel_loop3A_401, %parallel_loop3A_402] {strides = array<i32>} : memref<2x32x128xf32, #tpu.memory_space<vmem>>, vector<16xf32>,
      tpu.vector_store %arg11[%parallel_loop3A_400, %parallel_loop3A_401, %parallel_loop3A_402], %parallel_loop3A_231 {strides = array<i32>} : memref<2x32x128xf32, #tpu.memory_space<vmem>>, vector<16xf32>,
      %parallel_loop3A_404 = arith.constant 1 : i32
      %parallel_loop3A_405 = arith.constant 22 : i32
      %parallel_loop3A_406 = arith.index_cast %parallel_loop3A_404 : i32 to index
      %parallel_loop3A_407 = arith.index_cast %parallel_loop3A_405 : i32 to index
      %parallel_loop3A_408 = arith.index_cast %parallel_loop3A_131 : i32 to index
      %parallel_loop3A_409 = tpu.vector_load %arg11[%parallel_loop3A_406, %parallel_loop3A_407, %parallel_loop3A_408] {strides = array<i32>} : memref<2x32x128xf32, #tpu.memory_space<vmem>>, vector<16xf32>,
      tpu.vector_store %arg11[%parallel_loop3A_406, %parallel_loop3A_407, %parallel_loop3A_408], %parallel_loop3A_235 {strides = array<i32>} : memref<2x32x128xf32, #tpu.memory_space<vmem>>, vector<16xf32>,
      %parallel_loop3A_410 = arith.constant 1 : i32
      %parallel_loop3A_411 = arith.constant 23 : i32
      %parallel_loop3A_412 = arith.index_cast %parallel_loop3A_410 : i32 to index
      %parallel_loop3A_413 = arith.index_cast %parallel_loop3A_411 : i32 to index
      %parallel_loop3A_414 = arith.index_cast %parallel_loop3A_131 : i32 to index
      %parallel_loop3A_415 = tpu.vector_load %arg11[%parallel_loop3A_412, %parallel_loop3A_413, %parallel_loop3A_414] {strides = array<i32>} : memref<2x32x128xf32, #tpu.memory_space<vmem>>, vector<16xf32>,
      tpu.vector_store %arg11[%parallel_loop3A_412, %parallel_loop3A_413, %parallel_loop3A_414], %parallel_loop3A_239 {strides = array<i32>} : memref<2x32x128xf32, #tpu.memory_space<vmem>>, vector<16xf32>,
      %parallel_loop3A_416 = arith.constant 1 : i32
      %parallel_loop3A_417 = arith.constant 24 : i32
      %parallel_loop3A_418 = arith.index_cast %parallel_loop3A_416 : i32 to index
      %parallel_loop3A_419 = arith.index_cast %parallel_loop3A_417 : i32 to index
      %parallel_loop3A_420 = arith.index_cast %parallel_loop3A_131 : i32 to index
      %parallel_loop3A_421 = tpu.vector_load %arg11[%parallel_loop3A_418, %parallel_loop3A_419, %parallel_loop3A_420] {strides = array<i32>} : memref<2x32x128xf32, #tpu.memory_space<vmem>>, vector<16xf32>,
      tpu.vector_store %arg11[%parallel_loop3A_418, %parallel_loop3A_419, %parallel_loop3A_420], %parallel_loop3A_243 {strides = array<i32>} : memref<2x32x128xf32, #tpu.memory_space<vmem>>, vector<16xf32>,
      %parallel_loop3A_422 = arith.constant 1 : i32
      %parallel_loop3A_423 = arith.constant 25 : i32
      %parallel_loop3A_424 = arith.index_cast %parallel_loop3A_422 : i32 to index
      %parallel_loop3A_425 = arith.index_cast %parallel_loop3A_423 : i32 to index
      %parallel_loop3A_426 = arith.index_cast %parallel_loop3A_131 : i32 to index
      %parallel_loop3A_427 = tpu.vector_load %arg11[%parallel_loop3A_424, %parallel_loop3A_425, %parallel_loop3A_426] {strides = array<i32>} : memref<2x32x128xf32, #tpu.memory_space<vmem>>, vector<16xf32>,
      tpu.vector_store %arg11[%parallel_loop3A_424, %parallel_loop3A_425, %parallel_loop3A_426], %parallel_loop3A_247 {strides = array<i32>} : memref<2x32x128xf32, #tpu.memory_space<vmem>>, vector<16xf32>,
      %parallel_loop3A_428 = arith.constant 1 : i32
      %parallel_loop3A_429 = arith.constant 26 : i32
      %parallel_loop3A_430 = arith.index_cast %parallel_loop3A_428 : i32 to index
      %parallel_loop3A_431 = arith.index_cast %parallel_loop3A_429 : i32 to index
      %parallel_loop3A_432 = arith.index_cast %parallel_loop3A_131 : i32 to index
      %parallel_loop3A_433 = tpu.vector_load %arg11[%parallel_loop3A_430, %parallel_loop3A_431, %parallel_loop3A_432] {strides = array<i32>} : memref<2x32x128xf32, #tpu.memory_space<vmem>>, vector<16xf32>,
      tpu.vector_store %arg11[%parallel_loop3A_430, %parallel_loop3A_431, %parallel_loop3A_432], %parallel_loop3A_251 {strides = array<i32>} : memref<2x32x128xf32, #tpu.memory_space<vmem>>, vector<16xf32>,
      %parallel_loop3A_434 = arith.constant 1 : i32
      %parallel_loop3A_435 = arith.constant 27 : i32
      %parallel_loop3A_436 = arith.index_cast %parallel_loop3A_434 : i32 to index
      %parallel_loop3A_437 = arith.index_cast %parallel_loop3A_435 : i32 to index
      %parallel_loop3A_438 = arith.index_cast %parallel_loop3A_131 : i32 to index
      %parallel_loop3A_439 = tpu.vector_load %arg11[%parallel_loop3A_436, %parallel_loop3A_437, %parallel_loop3A_438] {strides = array<i32>} : memref<2x32x128xf32, #tpu.memory_space<vmem>>, vector<16xf32>,
      tpu.vector_store %arg11[%parallel_loop3A_436, %parallel_loop3A_437, %parallel_loop3A_438], %parallel_loop3A_255 {strides = array<i32>} : memref<2x32x128xf32, #tpu.memory_space<vmem>>, vector<16xf32>,
      %parallel_loop3A_440 = arith.constant 1 : i32
      %parallel_loop3A_441 = arith.constant 28 : i32
      %parallel_loop3A_442 = arith.index_cast %parallel_loop3A_440 : i32 to index
      %parallel_loop3A_443 = arith.index_cast %parallel_loop3A_441 : i32 to index
      %parallel_loop3A_444 = arith.index_cast %parallel_loop3A_131 : i32 to index
      %parallel_loop3A_445 = tpu.vector_load %arg11[%parallel_loop3A_442, %parallel_loop3A_443, %parallel_loop3A_444] {strides = array<i32>} : memref<2x32x128xf32, #tpu.memory_space<vmem>>, vector<16xf32>,
      tpu.vector_store %arg11[%parallel_loop3A_442, %parallel_loop3A_443, %parallel_loop3A_444], %parallel_loop3A_259 {strides = array<i32>} : memref<2x32x128xf32, #tpu.memory_space<vmem>>, vector<16xf32>,
      %parallel_loop3A_446 = arith.constant 1 : i32
      %parallel_loop3A_447 = arith.constant 29 : i32
      %parallel_loop3A_448 = arith.index_cast %parallel_loop3A_446 : i32 to index
      %parallel_loop3A_449 = arith.index_cast %parallel_loop3A_447 : i32 to index
      %parallel_loop3A_450 = arith.index_cast %parallel_loop3A_131 : i32 to index
      %parallel_loop3A_451 = tpu.vector_load %arg11[%parallel_loop3A_448, %parallel_loop3A_449, %parallel_loop3A_450] {strides = array<i32>} : memref<2x32x128xf32, #tpu.memory_space<vmem>>, vector<16xf32>,
      tpu.vector_store %arg11[%parallel_loop3A_448, %parallel_loop3A_449, %parallel_loop3A_450], %parallel_loop3A_263 {strides = array<i32>} : memref<2x32x128xf32, #tpu.memory_space<vmem>>, vector<16xf32>,
      %parallel_loop3A_452 = arith.constant 1 : i32
      %parallel_loop3A_453 = arith.constant 30 : i32
      %parallel_loop3A_454 = arith.index_cast %parallel_loop3A_452 : i32 to index
      %parallel_loop3A_455 = arith.index_cast %parallel_loop3A_453 : i32 to index
      %parallel_loop3A_456 = arith.index_cast %parallel_loop3A_131 : i32 to index
      %parallel_loop3A_457 = tpu.vector_load %arg11[%parallel_loop3A_454, %parallel_loop3A_455, %parallel_loop3A_456] {strides = array<i32>} : memref<2x32x128xf32, #tpu.memory_space<vmem>>, vector<16xf32>,
      tpu.vector_store %arg11[%parallel_loop3A_454, %parallel_loop3A_455, %parallel_loop3A_456], %parallel_loop3A_267 {strides = array<i32>} : memref<2x32x128xf32, #tpu.memory_space<vmem>>, vector<16xf32>,
      %parallel_loop3A_458 = arith.constant 1 : i32
      %parallel_loop3A_459 = arith.constant 31 : i32
      %parallel_loop3A_460 = arith.index_cast %parallel_loop3A_458 : i32 to index
      %parallel_loop3A_461 = arith.index_cast %parallel_loop3A_459 : i32 to index
      %parallel_loop3A_462 = arith.index_cast %parallel_loop3A_131 : i32 to index
      %parallel_loop3A_463 = tpu.vector_load %arg11[%parallel_loop3A_460, %parallel_loop3A_461, %parallel_loop3A_462] {strides = array<i32>} : memref<2x32x128xf32, #tpu.memory_space<vmem>>, vector<16xf32>,
      tpu.vector_store %arg11[%parallel_loop3A_460, %parallel_loop3A_461, %parallel_loop3A_462], %parallel_loop3A_271 {strides = array<i32>} : memref<2x32x128xf32, #tpu.memory_space<vmem>>, vector<16xf32>,
    } {sc.loop_unroll_factor = 4 : i64, sc.parallel_access}
    %dma_start3A_72 = arith.constant 196 : i32
    %dma_start3A_73 = arith.constant 0 : i32
    %dma_start3A_74 = tpu.memref_slice %arg5[%dma_start3A_72, %dma_start3A_73, %mul3A_2] : memref<200x32x4096xf32, #tpu.memory_space<hbm>> -> memref<2x32x128xf32, #tpu.memory_space<hbm>>
    %dma_start3A_75 = arith.constant 196 : i32
    %dma_start3A_76 = arith.constant 0 : i32
    %dma_start3A_77 = tpu.memref_slice %arg5[%dma_start3A_75, %dma_start3A_76, %mul3A_2] : memref<200x32x4096xf32, #tpu.memory_space<hbm>> -> memref<2x32x128xf32, #tpu.memory_space<hbm>>
    tpu.enqueue_dma source(%arg11 : memref<2x32x128xf32, #tpu.memory_space<vmem>>) target(%dma_start3A_77 : memref<2x32x128xf32, #tpu.memory_space<hbm>>) target_semaphore(%arg14 : memref<!tpu.dma_semaphore, #tpu.memory_space<semaphore_mem>>)
    %dma_wait3A_78 = arith.constant 0 : i32
    %dma_wait3A_79 = arith.constant 0 : i32
    %dma_wait3A_80 = tpu.memref_slice %arg5[%dma_wait3A_78, %dma_wait3A_79, %mul3A_2] : memref<200x32x4096xf32, #tpu.memory_space<hbm>> -> memref<2x32x128xf32, #tpu.memory_space<hbm>>
    %dma_wait3A_81 = arith.constant 0 : i32
    %dma_wait3A_82 = arith.constant 0 : i32
    %dma_wait3A_83 = tpu.memref_slice %arg5[%dma_wait3A_81, %dma_wait3A_82, %mul3A_2] : memref<200x32x4096xf32, #tpu.memory_space<hbm>> -> memref<2x32x128xf32, #tpu.memory_space<hbm>>
    tpu.wait_dma2 semaphore(%arg15 : memref<!tpu.dma_semaphore, #tpu.memory_space<semaphore_mem>>) src(%arg12 : memref<2x32x128xf32, #tpu.memory_space<vmem>>) dst(%dma_wait3A_83 : memref<2x32x128xf32, #tpu.memory_space<hbm>>)
    %dma_start3A_84 = arith.constant 199 : i32
    %dma_start3A_85 = arith.constant 0 : i32
    %dma_start3A_86 = tpu.memref_slice %arg8[%dma_start3A_84, %dma_start3A_85] : memref<200x128xi32, #tpu.memory_space<vmem>> -> memref<1x128xi32, #tpu.memory_space<vmem>>
    %dma_start3A_87 = tpu.memref_squeeze %dma_start3A_86 : memref<1x128xi32, #tpu.memory_space<vmem>> -> memref<128xi32, #tpu.memory_space<vmem>>
    %dma_start3A_88 = arith.constant 0 : i32
    %dma_start3A_89 = arith.constant 0 : i32
    %dma_start3A_90 = tpu.memref_slice %arg4[%dma_start3A_88, %dma_start3A_89] : memref<250000x128xf32, #tpu.memory_space<hbm>> -> memref<250000x128xf32, #tpu.memory_space<hbm>>
    tpu.enqueue_indirect_dma source(%dma_start3A_90 : memref<250000x128xf32, #tpu.memory_space<hbm>>) target(%arg10 : memref<128x128xf32, #tpu.memory_space<vmem>>) offsets(%dma_start3A_87 : memref<128xi32, #tpu.memory_space<vmem>>) semaphore(%arg13 : memref<!tpu.dma_semaphore, #tpu.memory_space<semaphore_mem>>)
    %dma_wait3A_91 = arith.constant 0 : i32
    %dma_wait3A_92 = arith.constant 0 : i32
    %dma_wait3A_93 = tpu.memref_slice %arg8[%dma_wait3A_91, %dma_wait3A_92] : memref<200x128xi32, #tpu.memory_space<vmem>> -> memref<1x128xi32, #tpu.memory_space<vmem>>
    %dma_wait3A_94 = tpu.memref_squeeze %dma_wait3A_93 : memref<1x128xi32, #tpu.memory_space<vmem>> -> memref<128xi32, #tpu.memory_space<vmem>>
    %dma_wait3A_95 = arith.constant 0 : i32
    %dma_wait3A_96 = arith.constant 0 : i32
    %dma_wait3A_97 = tpu.memref_slice %arg4[%dma_wait3A_95, %dma_wait3A_96] : memref<250000x128xf32, #tpu.memory_space<hbm>> -> memref<250000x128xf32, #tpu.memory_space<hbm>>
    tpu.wait_indirect_dma semaphore(%arg13 : memref<!tpu.dma_semaphore, #tpu.memory_space<semaphore_mem>>) src(%dma_wait3A_97 : memref<250000x128xf32, #tpu.memory_space<hbm>>) dst(%arg9 : memref<128x128xf32, #tpu.memory_space<vmem>>)
    %parallel_loop3A_98 = arith.constant 0 : i32
    %parallel_loop3A_99 = arith.constant 8 : i32
    %parallel_loop3A_100 = arith.constant 1 : i32
    scf.for %parallel_loop3A_129 = %parallel_loop3A_98 to %parallel_loop3A_99 step %parallel_loop3A_100  : i32 {
      %parallel_loop3A_130 = arith.constant 16 : i32
      %parallel_loop3A_131 = arith.muli %parallel_loop3A_129, %parallel_loop3A_130 : i32
      %parallel_loop3A_132 = arith.constant 198 : i32
      %parallel_loop3A_133 = arith.index_cast %parallel_loop3A_132 : i32 to index
      %parallel_loop3A_134 = arith.index_cast %parallel_loop3A_131 : i32 to index
      %parallel_loop3A_135 = tpu.vector_load %arg7[%parallel_loop3A_133, %parallel_loop3A_134] {strides = array<i32>} : memref<200x128xi32, #tpu.memory_space<vmem>>, vector<16xi32>,
      %parallel_loop3A_136 = arith.constant 3 : i32
      %parallel_loop3A_137 = vector.broadcast %parallel_loop3A_136 : i32 to vector<16xi32>
      %parallel_loop3A_138 = arith.andi %parallel_loop3A_135, %parallel_loop3A_137 : vector<16xi32>
      %parallel_loop3A_139 = arith.constant 5 : i32
      %parallel_loop3A_140 = vector.broadcast %parallel_loop3A_139 : i32 to vector<16xi32>
      %parallel_loop3A_141 = arith.shli %parallel_loop3A_138, %parallel_loop3A_140 : vector<16xi32>
      %parallel_loop3A_142 = vector.broadcast %parallel_loop3A_131 : i32 to vector<16xi32>
      %parallel_loop3A_143 = arith.addi %iota3A, %parallel_loop3A_142 : vector<16xi32>
      %parallel_loop3A_144 = arith.constant 0 : i32
      %parallel_loop3A_145 = vector.broadcast %parallel_loop3A_144 : i32 to vector<16xi32>
      %parallel_loop3A_146 = arith.addi %parallel_loop3A_141, %parallel_loop3A_145 : vector<16xi32>
      %parallel_loop3A_147 = tpu.vector_load_idx %arg9[%parallel_loop3A_143, %parallel_loop3A_146] : memref<128x128xf32, #tpu.memory_space<vmem>>[vector<16xi32>, vector<16xi32>], vector<16xf32>,
      %parallel_loop3A_148 = arith.constant 1 : i32
      %parallel_loop3A_149 = vector.broadcast %parallel_loop3A_148 : i32 to vector<16xi32>
      %parallel_loop3A_150 = arith.addi %parallel_loop3A_141, %parallel_loop3A_149 : vector<16xi32>
      %parallel_loop3A_151 = tpu.vector_load_idx %arg9[%parallel_loop3A_143, %parallel_loop3A_150] : memref<128x128xf32, #tpu.memory_space<vmem>>[vector<16xi32>, vector<16xi32>], vector<16xf32>,
      %parallel_loop3A_152 = arith.constant 2 : i32
      %parallel_loop3A_153 = vector.broadcast %parallel_loop3A_152 : i32 to vector<16xi32>
      %parallel_loop3A_154 = arith.addi %parallel_loop3A_141, %parallel_loop3A_153 : vector<16xi32>
      %parallel_loop3A_155 = tpu.vector_load_idx %arg9[%parallel_loop3A_143, %parallel_loop3A_154] : memref<128x128xf32, #tpu.memory_space<vmem>>[vector<16xi32>, vector<16xi32>], vector<16xf32>,
      %parallel_loop3A_156 = arith.constant 3 : i32
      %parallel_loop3A_157 = vector.broadcast %parallel_loop3A_156 : i32 to vector<16xi32>
      %parallel_loop3A_158 = arith.addi %parallel_loop3A_141, %parallel_loop3A_157 : vector<16xi32>
      %parallel_loop3A_159 = tpu.vector_load_idx %arg9[%parallel_loop3A_143, %parallel_loop3A_158] : memref<128x128xf32, #tpu.memory_space<vmem>>[vector<16xi32>, vector<16xi32>], vector<16xf32>,
      %parallel_loop3A_160 = arith.constant 4 : i32
      %parallel_loop3A_161 = vector.broadcast %parallel_loop3A_160 : i32 to vector<16xi32>
      %parallel_loop3A_162 = arith.addi %parallel_loop3A_141, %parallel_loop3A_161 : vector<16xi32>
      %parallel_loop3A_163 = tpu.vector_load_idx %arg9[%parallel_loop3A_143, %parallel_loop3A_162] : memref<128x128xf32, #tpu.memory_space<vmem>>[vector<16xi32>, vector<16xi32>], vector<16xf32>,
      %parallel_loop3A_164 = arith.constant 5 : i32
      %parallel_loop3A_165 = vector.broadcast %parallel_loop3A_164 : i32 to vector<16xi32>
      %parallel_loop3A_166 = arith.addi %parallel_loop3A_141, %parallel_loop3A_165 : vector<16xi32>
      %parallel_loop3A_167 = tpu.vector_load_idx %arg9[%parallel_loop3A_143, %parallel_loop3A_166] : memref<128x128xf32, #tpu.memory_space<vmem>>[vector<16xi32>, vector<16xi32>], vector<16xf32>,
      %parallel_loop3A_168 = arith.constant 6 : i32
      %parallel_loop3A_169 = vector.broadcast %parallel_loop3A_168 : i32 to vector<16xi32>
      %parallel_loop3A_170 = arith.addi %parallel_loop3A_141, %parallel_loop3A_169 : vector<16xi32>
      %parallel_loop3A_171 = tpu.vector_load_idx %arg9[%parallel_loop3A_143, %parallel_loop3A_170] : memref<128x128xf32, #tpu.memory_space<vmem>>[vector<16xi32>, vector<16xi32>], vector<16xf32>,
      %parallel_loop3A_172 = arith.constant 7 : i32
      %parallel_loop3A_173 = vector.broadcast %parallel_loop3A_172 : i32 to vector<16xi32>
      %parallel_loop3A_174 = arith.addi %parallel_loop3A_141, %parallel_loop3A_173 : vector<16xi32>
      %parallel_loop3A_175 = tpu.vector_load_idx %arg9[%parallel_loop3A_143, %parallel_loop3A_174] : memref<128x128xf32, #tpu.memory_space<vmem>>[vector<16xi32>, vector<16xi32>], vector<16xf32>,
      %parallel_loop3A_176 = arith.constant 8 : i32
      %parallel_loop3A_177 = vector.broadcast %parallel_loop3A_176 : i32 to vector<16xi32>
      %parallel_loop3A_178 = arith.addi %parallel_loop3A_141, %parallel_loop3A_177 : vector<16xi32>
      %parallel_loop3A_179 = tpu.vector_load_idx %arg9[%parallel_loop3A_143, %parallel_loop3A_178] : memref<128x128xf32, #tpu.memory_space<vmem>>[vector<16xi32>, vector<16xi32>], vector<16xf32>,
      %parallel_loop3A_180 = arith.constant 9 : i32
      %parallel_loop3A_181 = vector.broadcast %parallel_loop3A_180 : i32 to vector<16xi32>
      %parallel_loop3A_182 = arith.addi %parallel_loop3A_141, %parallel_loop3A_181 : vector<16xi32>
      %parallel_loop3A_183 = tpu.vector_load_idx %arg9[%parallel_loop3A_143, %parallel_loop3A_182] : memref<128x128xf32, #tpu.memory_space<vmem>>[vector<16xi32>, vector<16xi32>], vector<16xf32>,
      %parallel_loop3A_184 = arith.constant 10 : i32
      %parallel_loop3A_185 = vector.broadcast %parallel_loop3A_184 : i32 to vector<16xi32>
      %parallel_loop3A_186 = arith.addi %parallel_loop3A_141, %parallel_loop3A_185 : vector<16xi32>
      %parallel_loop3A_187 = tpu.vector_load_idx %arg9[%parallel_loop3A_143, %parallel_loop3A_186] : memref<128x128xf32, #tpu.memory_space<vmem>>[vector<16xi32>, vector<16xi32>], vector<16xf32>,
      %parallel_loop3A_188 = arith.constant 11 : i32
      %parallel_loop3A_189 = vector.broadcast %parallel_loop3A_188 : i32 to vector<16xi32>
      %parallel_loop3A_190 = arith.addi %parallel_loop3A_141, %parallel_loop3A_189 : vector<16xi32>
      %parallel_loop3A_191 = tpu.vector_load_idx %arg9[%parallel_loop3A_143, %parallel_loop3A_190] : memref<128x128xf32, #tpu.memory_space<vmem>>[vector<16xi32>, vector<16xi32>], vector<16xf32>,
      %parallel_loop3A_192 = arith.constant 12 : i32
      %parallel_loop3A_193 = vector.broadcast %parallel_loop3A_192 : i32 to vector<16xi32>
      %parallel_loop3A_194 = arith.addi %parallel_loop3A_141, %parallel_loop3A_193 : vector<16xi32>
      %parallel_loop3A_195 = tpu.vector_load_idx %arg9[%parallel_loop3A_143, %parallel_loop3A_194] : memref<128x128xf32, #tpu.memory_space<vmem>>[vector<16xi32>, vector<16xi32>], vector<16xf32>,
      %parallel_loop3A_196 = arith.constant 13 : i32
      %parallel_loop3A_197 = vector.broadcast %parallel_loop3A_196 : i32 to vector<16xi32>
      %parallel_loop3A_198 = arith.addi %parallel_loop3A_141, %parallel_loop3A_197 : vector<16xi32>
      %parallel_loop3A_199 = tpu.vector_load_idx %arg9[%parallel_loop3A_143, %parallel_loop3A_198] : memref<128x128xf32, #tpu.memory_space<vmem>>[vector<16xi32>, vector<16xi32>], vector<16xf32>,
      %parallel_loop3A_200 = arith.constant 14 : i32
      %parallel_loop3A_201 = vector.broadcast %parallel_loop3A_200 : i32 to vector<16xi32>
      %parallel_loop3A_202 = arith.addi %parallel_loop3A_141, %parallel_loop3A_201 : vector<16xi32>
      %parallel_loop3A_203 = tpu.vector_load_idx %arg9[%parallel_loop3A_143, %parallel_loop3A_202] : memref<128x128xf32, #tpu.memory_space<vmem>>[vector<16xi32>, vector<16xi32>], vector<16xf32>,
      %parallel_loop3A_204 = arith.constant 15 : i32
      %parallel_loop3A_205 = vector.broadcast %parallel_loop3A_204 : i32 to vector<16xi32>
      %parallel_loop3A_206 = arith.addi %parallel_loop3A_141, %parallel_loop3A_205 : vector<16xi32>
      %parallel_loop3A_207 = tpu.vector_load_idx %arg9[%parallel_loop3A_143, %parallel_loop3A_206] : memref<128x128xf32, #tpu.memory_space<vmem>>[vector<16xi32>, vector<16xi32>], vector<16xf32>,
      %parallel_loop3A_208 = arith.constant 16 : i32
      %parallel_loop3A_209 = vector.broadcast %parallel_loop3A_208 : i32 to vector<16xi32>
      %parallel_loop3A_210 = arith.addi %parallel_loop3A_141, %parallel_loop3A_209 : vector<16xi32>
      %parallel_loop3A_211 = tpu.vector_load_idx %arg9[%parallel_loop3A_143, %parallel_loop3A_210] : memref<128x128xf32, #tpu.memory_space<vmem>>[vector<16xi32>, vector<16xi32>], vector<16xf32>,
      %parallel_loop3A_212 = arith.constant 17 : i32
      %parallel_loop3A_213 = vector.broadcast %parallel_loop3A_212 : i32 to vector<16xi32>
      %parallel_loop3A_214 = arith.addi %parallel_loop3A_141, %parallel_loop3A_213 : vector<16xi32>
      %parallel_loop3A_215 = tpu.vector_load_idx %arg9[%parallel_loop3A_143, %parallel_loop3A_214] : memref<128x128xf32, #tpu.memory_space<vmem>>[vector<16xi32>, vector<16xi32>], vector<16xf32>,
      %parallel_loop3A_216 = arith.constant 18 : i32
      %parallel_loop3A_217 = vector.broadcast %parallel_loop3A_216 : i32 to vector<16xi32>
      %parallel_loop3A_218 = arith.addi %parallel_loop3A_141, %parallel_loop3A_217 : vector<16xi32>
      %parallel_loop3A_219 = tpu.vector_load_idx %arg9[%parallel_loop3A_143, %parallel_loop3A_218] : memref<128x128xf32, #tpu.memory_space<vmem>>[vector<16xi32>, vector<16xi32>], vector<16xf32>,
      %parallel_loop3A_220 = arith.constant 19 : i32
      %parallel_loop3A_221 = vector.broadcast %parallel_loop3A_220 : i32 to vector<16xi32>
      %parallel_loop3A_222 = arith.addi %parallel_loop3A_141, %parallel_loop3A_221 : vector<16xi32>
      %parallel_loop3A_223 = tpu.vector_load_idx %arg9[%parallel_loop3A_143, %parallel_loop3A_222] : memref<128x128xf32, #tpu.memory_space<vmem>>[vector<16xi32>, vector<16xi32>], vector<16xf32>,
      %parallel_loop3A_224 = arith.constant 20 : i32
      %parallel_loop3A_225 = vector.broadcast %parallel_loop3A_224 : i32 to vector<16xi32>
      %parallel_loop3A_226 = arith.addi %parallel_loop3A_141, %parallel_loop3A_225 : vector<16xi32>
      %parallel_loop3A_227 = tpu.vector_load_idx %arg9[%parallel_loop3A_143, %parallel_loop3A_226] : memref<128x128xf32, #tpu.memory_space<vmem>>[vector<16xi32>, vector<16xi32>], vector<16xf32>,
      %parallel_loop3A_228 = arith.constant 21 : i32
      %parallel_loop3A_229 = vector.broadcast %parallel_loop3A_228 : i32 to vector<16xi32>
      %parallel_loop3A_230 = arith.addi %parallel_loop3A_141, %parallel_loop3A_229 : vector<16xi32>
      %parallel_loop3A_231 = tpu.vector_load_idx %arg9[%parallel_loop3A_143, %parallel_loop3A_230] : memref<128x128xf32, #tpu.memory_space<vmem>>[vector<16xi32>, vector<16xi32>], vector<16xf32>,
      %parallel_loop3A_232 = arith.constant 22 : i32
      %parallel_loop3A_233 = vector.broadcast %parallel_loop3A_232 : i32 to vector<16xi32>
      %parallel_loop3A_234 = arith.addi %parallel_loop3A_141, %parallel_loop3A_233 : vector<16xi32>
      %parallel_loop3A_235 = tpu.vector_load_idx %arg9[%parallel_loop3A_143, %parallel_loop3A_234] : memref<128x128xf32, #tpu.memory_space<vmem>>[vector<16xi32>, vector<16xi32>], vector<16xf32>,
      %parallel_loop3A_236 = arith.constant 23 : i32
      %parallel_loop3A_237 = vector.broadcast %parallel_loop3A_236 : i32 to vector<16xi32>
      %parallel_loop3A_238 = arith.addi %parallel_loop3A_141, %parallel_loop3A_237 : vector<16xi32>
      %parallel_loop3A_239 = tpu.vector_load_idx %arg9[%parallel_loop3A_143, %parallel_loop3A_238] : memref<128x128xf32, #tpu.memory_space<vmem>>[vector<16xi32>, vector<16xi32>], vector<16xf32>,
      %parallel_loop3A_240 = arith.constant 24 : i32
      %parallel_loop3A_241 = vector.broadcast %parallel_loop3A_240 : i32 to vector<16xi32>
      %parallel_loop3A_242 = arith.addi %parallel_loop3A_141, %parallel_loop3A_241 : vector<16xi32>
      %parallel_loop3A_243 = tpu.vector_load_idx %arg9[%parallel_loop3A_143, %parallel_loop3A_242] : memref<128x128xf32, #tpu.memory_space<vmem>>[vector<16xi32>, vector<16xi32>], vector<16xf32>,
      %parallel_loop3A_244 = arith.constant 25 : i32
      %parallel_loop3A_245 = vector.broadcast %parallel_loop3A_244 : i32 to vector<16xi32>
      %parallel_loop3A_246 = arith.addi %parallel_loop3A_141, %parallel_loop3A_245 : vector<16xi32>
      %parallel_loop3A_247 = tpu.vector_load_idx %arg9[%parallel_loop3A_143, %parallel_loop3A_246] : memref<128x128xf32, #tpu.memory_space<vmem>>[vector<16xi32>, vector<16xi32>], vector<16xf32>,
      %parallel_loop3A_248 = arith.constant 26 : i32
      %parallel_loop3A_249 = vector.broadcast %parallel_loop3A_248 : i32 to vector<16xi32>
      %parallel_loop3A_250 = arith.addi %parallel_loop3A_141, %parallel_loop3A_249 : vector<16xi32>
      %parallel_loop3A_251 = tpu.vector_load_idx %arg9[%parallel_loop3A_143, %parallel_loop3A_250] : memref<128x128xf32, #tpu.memory_space<vmem>>[vector<16xi32>, vector<16xi32>], vector<16xf32>,
      %parallel_loop3A_252 = arith.constant 27 : i32
      %parallel_loop3A_253 = vector.broadcast %parallel_loop3A_252 : i32 to vector<16xi32>
      %parallel_loop3A_254 = arith.addi %parallel_loop3A_141, %parallel_loop3A_253 : vector<16xi32>
      %parallel_loop3A_255 = tpu.vector_load_idx %arg9[%parallel_loop3A_143, %parallel_loop3A_254] : memref<128x128xf32, #tpu.memory_space<vmem>>[vector<16xi32>, vector<16xi32>], vector<16xf32>,
      %parallel_loop3A_256 = arith.constant 28 : i32
      %parallel_loop3A_257 = vector.broadcast %parallel_loop3A_256 : i32 to vector<16xi32>
      %parallel_loop3A_258 = arith.addi %parallel_loop3A_141, %parallel_loop3A_257 : vector<16xi32>
      %parallel_loop3A_259 = tpu.vector_load_idx %arg9[%parallel_loop3A_143, %parallel_loop3A_258] : memref<128x128xf32, #tpu.memory_space<vmem>>[vector<16xi32>, vector<16xi32>], vector<16xf32>,
      %parallel_loop3A_260 = arith.constant 29 : i32
      %parallel_loop3A_261 = vector.broadcast %parallel_loop3A_260 : i32 to vector<16xi32>
      %parallel_loop3A_262 = arith.addi %parallel_loop3A_141, %parallel_loop3A_261 : vector<16xi32>
      %parallel_loop3A_263 = tpu.vector_load_idx %arg9[%parallel_loop3A_143, %parallel_loop3A_262] : memref<128x128xf32, #tpu.memory_space<vmem>>[vector<16xi32>, vector<16xi32>], vector<16xf32>,
      %parallel_loop3A_264 = arith.constant 30 : i32
      %parallel_loop3A_265 = vector.broadcast %parallel_loop3A_264 : i32 to vector<16xi32>
      %parallel_loop3A_266 = arith.addi %parallel_loop3A_141, %parallel_loop3A_265 : vector<16xi32>
      %parallel_loop3A_267 = tpu.vector_load_idx %arg9[%parallel_loop3A_143, %parallel_loop3A_266] : memref<128x128xf32, #tpu.memory_space<vmem>>[vector<16xi32>, vector<16xi32>], vector<16xf32>,
      %parallel_loop3A_268 = arith.constant 31 : i32
      %parallel_loop3A_269 = vector.broadcast %parallel_loop3A_268 : i32 to vector<16xi32>
      %parallel_loop3A_270 = arith.addi %parallel_loop3A_141, %parallel_loop3A_269 : vector<16xi32>
      %parallel_loop3A_271 = tpu.vector_load_idx %arg9[%parallel_loop3A_143, %parallel_loop3A_270] : memref<128x128xf32, #tpu.memory_space<vmem>>[vector<16xi32>, vector<16xi32>], vector<16xf32>,
      %parallel_loop3A_272 = arith.constant 0 : i32
      %parallel_loop3A_273 = arith.constant 0 : i32
      %parallel_loop3A_274 = arith.index_cast %parallel_loop3A_272 : i32 to index
      %parallel_loop3A_275 = arith.index_cast %parallel_loop3A_273 : i32 to index
      %parallel_loop3A_276 = arith.index_cast %parallel_loop3A_131 : i32 to index
      %parallel_loop3A_277 = tpu.vector_load %arg12[%parallel_loop3A_274, %parallel_loop3A_275, %parallel_loop3A_276] {strides = array<i32>} : memref<2x32x128xf32, #tpu.memory_space<vmem>>, vector<16xf32>,
      tpu.vector_store %arg12[%parallel_loop3A_274, %parallel_loop3A_275, %parallel_loop3A_276], %parallel_loop3A_147 {strides = array<i32>} : memref<2x32x128xf32, #tpu.memory_space<vmem>>, vector<16xf32>,
      %parallel_loop3A_278 = arith.constant 0 : i32
      %parallel_loop3A_279 = arith.constant 1 : i32
      %parallel_loop3A_280 = arith.index_cast %parallel_loop3A_278 : i32 to index
      %parallel_loop3A_281 = arith.index_cast %parallel_loop3A_279 : i32 to index
      %parallel_loop3A_282 = arith.index_cast %parallel_loop3A_131 : i32 to index
      %parallel_loop3A_283 = tpu.vector_load %arg12[%parallel_loop3A_280, %parallel_loop3A_281, %parallel_loop3A_282] {strides = array<i32>} : memref<2x32x128xf32, #tpu.memory_space<vmem>>, vector<16xf32>,
      tpu.vector_store %arg12[%parallel_loop3A_280, %parallel_loop3A_281, %parallel_loop3A_282], %parallel_loop3A_151 {strides = array<i32>} : memref<2x32x128xf32, #tpu.memory_space<vmem>>, vector<16xf32>,
      %parallel_loop3A_284 = arith.constant 0 : i32
      %parallel_loop3A_285 = arith.constant 2 : i32
      %parallel_loop3A_286 = arith.index_cast %parallel_loop3A_284 : i32 to index
      %parallel_loop3A_287 = arith.index_cast %parallel_loop3A_285 : i32 to index
      %parallel_loop3A_288 = arith.index_cast %parallel_loop3A_131 : i32 to index
      %parallel_loop3A_289 = tpu.vector_load %arg12[%parallel_loop3A_286, %parallel_loop3A_287, %parallel_loop3A_288] {strides = array<i32>} : memref<2x32x128xf32, #tpu.memory_space<vmem>>, vector<16xf32>,
      tpu.vector_store %arg12[%parallel_loop3A_286, %parallel_loop3A_287, %parallel_loop3A_288], %parallel_loop3A_155 {strides = array<i32>} : memref<2x32x128xf32, #tpu.memory_space<vmem>>, vector<16xf32>,
      %parallel_loop3A_290 = arith.constant 0 : i32
      %parallel_loop3A_291 = arith.constant 3 : i32
      %parallel_loop3A_292 = arith.index_cast %parallel_loop3A_290 : i32 to index
      %parallel_loop3A_293 = arith.index_cast %parallel_loop3A_291 : i32 to index
      %parallel_loop3A_294 = arith.index_cast %parallel_loop3A_131 : i32 to index
      %parallel_loop3A_295 = tpu.vector_load %arg12[%parallel_loop3A_292, %parallel_loop3A_293, %parallel_loop3A_294] {strides = array<i32>} : memref<2x32x128xf32, #tpu.memory_space<vmem>>, vector<16xf32>,
      tpu.vector_store %arg12[%parallel_loop3A_292, %parallel_loop3A_293, %parallel_loop3A_294], %parallel_loop3A_159 {strides = array<i32>} : memref<2x32x128xf32, #tpu.memory_space<vmem>>, vector<16xf32>,
      %parallel_loop3A_296 = arith.constant 0 : i32
      %parallel_loop3A_297 = arith.constant 4 : i32
      %parallel_loop3A_298 = arith.index_cast %parallel_loop3A_296 : i32 to index
      %parallel_loop3A_299 = arith.index_cast %parallel_loop3A_297 : i32 to index
      %parallel_loop3A_300 = arith.index_cast %parallel_loop3A_131 : i32 to index
      %parallel_loop3A_301 = tpu.vector_load %arg12[%parallel_loop3A_298, %parallel_loop3A_299, %parallel_loop3A_300] {strides = array<i32>} : memref<2x32x128xf32, #tpu.memory_space<vmem>>, vector<16xf32>,
      tpu.vector_store %arg12[%parallel_loop3A_298, %parallel_loop3A_299, %parallel_loop3A_300], %parallel_loop3A_163 {strides = array<i32>} : memref<2x32x128xf32, #tpu.memory_space<vmem>>, vector<16xf32>,
      %parallel_loop3A_302 = arith.constant 0 : i32
      %parallel_loop3A_303 = arith.constant 5 : i32
      %parallel_loop3A_304 = arith.index_cast %parallel_loop3A_302 : i32 to index
      %parallel_loop3A_305 = arith.index_cast %parallel_loop3A_303 : i32 to index
      %parallel_loop3A_306 = arith.index_cast %parallel_loop3A_131 : i32 to index
      %parallel_loop3A_307 = tpu.vector_load %arg12[%parallel_loop3A_304, %parallel_loop3A_305, %parallel_loop3A_306] {strides = array<i32>} : memref<2x32x128xf32, #tpu.memory_space<vmem>>, vector<16xf32>,
      tpu.vector_store %arg12[%parallel_loop3A_304, %parallel_loop3A_305, %parallel_loop3A_306], %parallel_loop3A_167 {strides = array<i32>} : memref<2x32x128xf32, #tpu.memory_space<vmem>>, vector<16xf32>,
      %parallel_loop3A_308 = arith.constant 0 : i32
      %parallel_loop3A_309 = arith.constant 6 : i32
      %parallel_loop3A_310 = arith.index_cast %parallel_loop3A_308 : i32 to index
      %parallel_loop3A_311 = arith.index_cast %parallel_loop3A_309 : i32 to index
      %parallel_loop3A_312 = arith.index_cast %parallel_loop3A_131 : i32 to index
      %parallel_loop3A_313 = tpu.vector_load %arg12[%parallel_loop3A_310, %parallel_loop3A_311, %parallel_loop3A_312] {strides = array<i32>} : memref<2x32x128xf32, #tpu.memory_space<vmem>>, vector<16xf32>,
      tpu.vector_store %arg12[%parallel_loop3A_310, %parallel_loop3A_311, %parallel_loop3A_312], %parallel_loop3A_171 {strides = array<i32>} : memref<2x32x128xf32, #tpu.memory_space<vmem>>, vector<16xf32>,
      %parallel_loop3A_314 = arith.constant 0 : i32
      %parallel_loop3A_315 = arith.constant 7 : i32
      %parallel_loop3A_316 = arith.index_cast %parallel_loop3A_314 : i32 to index
      %parallel_loop3A_317 = arith.index_cast %parallel_loop3A_315 : i32 to index
      %parallel_loop3A_318 = arith.index_cast %parallel_loop3A_131 : i32 to index
      %parallel_loop3A_319 = tpu.vector_load %arg12[%parallel_loop3A_316, %parallel_loop3A_317, %parallel_loop3A_318] {strides = array<i32>} : memref<2x32x128xf32, #tpu.memory_space<vmem>>, vector<16xf32>,
      tpu.vector_store %arg12[%parallel_loop3A_316, %parallel_loop3A_317, %parallel_loop3A_318], %parallel_loop3A_175 {strides = array<i32>} : memref<2x32x128xf32, #tpu.memory_space<vmem>>, vector<16xf32>,
      %parallel_loop3A_320 = arith.constant 0 : i32
      %parallel_loop3A_321 = arith.constant 8 : i32
      %parallel_loop3A_322 = arith.index_cast %parallel_loop3A_320 : i32 to index
      %parallel_loop3A_323 = arith.index_cast %parallel_loop3A_321 : i32 to index
      %parallel_loop3A_324 = arith.index_cast %parallel_loop3A_131 : i32 to index
      %parallel_loop3A_325 = tpu.vector_load %arg12[%parallel_loop3A_322, %parallel_loop3A_323, %parallel_loop3A_324] {strides = array<i32>} : memref<2x32x128xf32, #tpu.memory_space<vmem>>, vector<16xf32>,
      tpu.vector_store %arg12[%parallel_loop3A_322, %parallel_loop3A_323, %parallel_loop3A_324], %parallel_loop3A_179 {strides = array<i32>} : memref<2x32x128xf32, #tpu.memory_space<vmem>>, vector<16xf32>,
      %parallel_loop3A_326 = arith.constant 0 : i32
      %parallel_loop3A_327 = arith.constant 9 : i32
      %parallel_loop3A_328 = arith.index_cast %parallel_loop3A_326 : i32 to index
      %parallel_loop3A_329 = arith.index_cast %parallel_loop3A_327 : i32 to index
      %parallel_loop3A_330 = arith.index_cast %parallel_loop3A_131 : i32 to index
      %parallel_loop3A_331 = tpu.vector_load %arg12[%parallel_loop3A_328, %parallel_loop3A_329, %parallel_loop3A_330] {strides = array<i32>} : memref<2x32x128xf32, #tpu.memory_space<vmem>>, vector<16xf32>,
      tpu.vector_store %arg12[%parallel_loop3A_328, %parallel_loop3A_329, %parallel_loop3A_330], %parallel_loop3A_183 {strides = array<i32>} : memref<2x32x128xf32, #tpu.memory_space<vmem>>, vector<16xf32>,
      %parallel_loop3A_332 = arith.constant 0 : i32
      %parallel_loop3A_333 = arith.constant 10 : i32
      %parallel_loop3A_334 = arith.index_cast %parallel_loop3A_332 : i32 to index
      %parallel_loop3A_335 = arith.index_cast %parallel_loop3A_333 : i32 to index
      %parallel_loop3A_336 = arith.index_cast %parallel_loop3A_131 : i32 to index
      %parallel_loop3A_337 = tpu.vector_load %arg12[%parallel_loop3A_334, %parallel_loop3A_335, %parallel_loop3A_336] {strides = array<i32>} : memref<2x32x128xf32, #tpu.memory_space<vmem>>, vector<16xf32>,
      tpu.vector_store %arg12[%parallel_loop3A_334, %parallel_loop3A_335, %parallel_loop3A_336], %parallel_loop3A_187 {strides = array<i32>} : memref<2x32x128xf32, #tpu.memory_space<vmem>>, vector<16xf32>,
      %parallel_loop3A_338 = arith.constant 0 : i32
      %parallel_loop3A_339 = arith.constant 11 : i32
      %parallel_loop3A_340 = arith.index_cast %parallel_loop3A_338 : i32 to index
      %parallel_loop3A_341 = arith.index_cast %parallel_loop3A_339 : i32 to index
      %parallel_loop3A_342 = arith.index_cast %parallel_loop3A_131 : i32 to index
      %parallel_loop3A_343 = tpu.vector_load %arg12[%parallel_loop3A_340, %parallel_loop3A_341, %parallel_loop3A_342] {strides = array<i32>} : memref<2x32x128xf32, #tpu.memory_space<vmem>>, vector<16xf32>,
      tpu.vector_store %arg12[%parallel_loop3A_340, %parallel_loop3A_341, %parallel_loop3A_342], %parallel_loop3A_191 {strides = array<i32>} : memref<2x32x128xf32, #tpu.memory_space<vmem>>, vector<16xf32>,
      %parallel_loop3A_344 = arith.constant 0 : i32
      %parallel_loop3A_345 = arith.constant 12 : i32
      %parallel_loop3A_346 = arith.index_cast %parallel_loop3A_344 : i32 to index
      %parallel_loop3A_347 = arith.index_cast %parallel_loop3A_345 : i32 to index
      %parallel_loop3A_348 = arith.index_cast %parallel_loop3A_131 : i32 to index
      %parallel_loop3A_349 = tpu.vector_load %arg12[%parallel_loop3A_346, %parallel_loop3A_347, %parallel_loop3A_348] {strides = array<i32>} : memref<2x32x128xf32, #tpu.memory_space<vmem>>, vector<16xf32>,
      tpu.vector_store %arg12[%parallel_loop3A_346, %parallel_loop3A_347, %parallel_loop3A_348], %parallel_loop3A_195 {strides = array<i32>} : memref<2x32x128xf32, #tpu.memory_space<vmem>>, vector<16xf32>,
      %parallel_loop3A_350 = arith.constant 0 : i32
      %parallel_loop3A_351 = arith.constant 13 : i32
      %parallel_loop3A_352 = arith.index_cast %parallel_loop3A_350 : i32 to index
      %parallel_loop3A_353 = arith.index_cast %parallel_loop3A_351 : i32 to index
      %parallel_loop3A_354 = arith.index_cast %parallel_loop3A_131 : i32 to index
      %parallel_loop3A_355 = tpu.vector_load %arg12[%parallel_loop3A_352, %parallel_loop3A_353, %parallel_loop3A_354] {strides = array<i32>} : memref<2x32x128xf32, #tpu.memory_space<vmem>>, vector<16xf32>,
      tpu.vector_store %arg12[%parallel_loop3A_352, %parallel_loop3A_353, %parallel_loop3A_354], %parallel_loop3A_199 {strides = array<i32>} : memref<2x32x128xf32, #tpu.memory_space<vmem>>, vector<16xf32>,
      %parallel_loop3A_356 = arith.constant 0 : i32
      %parallel_loop3A_357 = arith.constant 14 : i32
      %parallel_loop3A_358 = arith.index_cast %parallel_loop3A_356 : i32 to index
      %parallel_loop3A_359 = arith.index_cast %parallel_loop3A_357 : i32 to index
      %parallel_loop3A_360 = arith.index_cast %parallel_loop3A_131 : i32 to index
      %parallel_loop3A_361 = tpu.vector_load %arg12[%parallel_loop3A_358, %parallel_loop3A_359, %parallel_loop3A_360] {strides = array<i32>} : memref<2x32x128xf32, #tpu.memory_space<vmem>>, vector<16xf32>,
      tpu.vector_store %arg12[%parallel_loop3A_358, %parallel_loop3A_359, %parallel_loop3A_360], %parallel_loop3A_203 {strides = array<i32>} : memref<2x32x128xf32, #tpu.memory_space<vmem>>, vector<16xf32>,
      %parallel_loop3A_362 = arith.constant 0 : i32
      %parallel_loop3A_363 = arith.constant 15 : i32
      %parallel_loop3A_364 = arith.index_cast %parallel_loop3A_362 : i32 to index
      %parallel_loop3A_365 = arith.index_cast %parallel_loop3A_363 : i32 to index
      %parallel_loop3A_366 = arith.index_cast %parallel_loop3A_131 : i32 to index
      %parallel_loop3A_367 = tpu.vector_load %arg12[%parallel_loop3A_364, %parallel_loop3A_365, %parallel_loop3A_366] {strides = array<i32>} : memref<2x32x128xf32, #tpu.memory_space<vmem>>, vector<16xf32>,
      tpu.vector_store %arg12[%parallel_loop3A_364, %parallel_loop3A_365, %parallel_loop3A_366], %parallel_loop3A_207 {strides = array<i32>} : memref<2x32x128xf32, #tpu.memory_space<vmem>>, vector<16xf32>,
      %parallel_loop3A_368 = arith.constant 0 : i32
      %parallel_loop3A_369 = arith.constant 16 : i32
      %parallel_loop3A_370 = arith.index_cast %parallel_loop3A_368 : i32 to index
      %parallel_loop3A_371 = arith.index_cast %parallel_loop3A_369 : i32 to index
      %parallel_loop3A_372 = arith.index_cast %parallel_loop3A_131 : i32 to index
      %parallel_loop3A_373 = tpu.vector_load %arg12[%parallel_loop3A_370, %parallel_loop3A_371, %parallel_loop3A_372] {strides = array<i32>} : memref<2x32x128xf32, #tpu.memory_space<vmem>>, vector<16xf32>,
      tpu.vector_store %arg12[%parallel_loop3A_370, %parallel_loop3A_371, %parallel_loop3A_372], %parallel_loop3A_211 {strides = array<i32>} : memref<2x32x128xf32, #tpu.memory_space<vmem>>, vector<16xf32>,
      %parallel_loop3A_374 = arith.constant 0 : i32
      %parallel_loop3A_375 = arith.constant 17 : i32
      %parallel_loop3A_376 = arith.index_cast %parallel_loop3A_374 : i32 to index
      %parallel_loop3A_377 = arith.index_cast %parallel_loop3A_375 : i32 to index
      %parallel_loop3A_378 = arith.index_cast %parallel_loop3A_131 : i32 to index
      %parallel_loop3A_379 = tpu.vector_load %arg12[%parallel_loop3A_376, %parallel_loop3A_377, %parallel_loop3A_378] {strides = array<i32>} : memref<2x32x128xf32, #tpu.memory_space<vmem>>, vector<16xf32>,
      tpu.vector_store %arg12[%parallel_loop3A_376, %parallel_loop3A_377, %parallel_loop3A_378], %parallel_loop3A_215 {strides = array<i32>} : memref<2x32x128xf32, #tpu.memory_space<vmem>>, vector<16xf32>,
      %parallel_loop3A_380 = arith.constant 0 : i32
      %parallel_loop3A_381 = arith.constant 18 : i32
      %parallel_loop3A_382 = arith.index_cast %parallel_loop3A_380 : i32 to index
      %parallel_loop3A_383 = arith.index_cast %parallel_loop3A_381 : i32 to index
      %parallel_loop3A_384 = arith.index_cast %parallel_loop3A_131 : i32 to index
      %parallel_loop3A_385 = tpu.vector_load %arg12[%parallel_loop3A_382, %parallel_loop3A_383, %parallel_loop3A_384] {strides = array<i32>} : memref<2x32x128xf32, #tpu.memory_space<vmem>>, vector<16xf32>,
      tpu.vector_store %arg12[%parallel_loop3A_382, %parallel_loop3A_383, %parallel_loop3A_384], %parallel_loop3A_219 {strides = array<i32>} : memref<2x32x128xf32, #tpu.memory_space<vmem>>, vector<16xf32>,
      %parallel_loop3A_386 = arith.constant 0 : i32
      %parallel_loop3A_387 = arith.constant 19 : i32
      %parallel_loop3A_388 = arith.index_cast %parallel_loop3A_386 : i32 to index
      %parallel_loop3A_389 = arith.index_cast %parallel_loop3A_387 : i32 to index
      %parallel_loop3A_390 = arith.index_cast %parallel_loop3A_131 : i32 to index
      %parallel_loop3A_391 = tpu.vector_load %arg12[%parallel_loop3A_388, %parallel_loop3A_389, %parallel_loop3A_390] {strides = array<i32>} : memref<2x32x128xf32, #tpu.memory_space<vmem>>, vector<16xf32>,
      tpu.vector_store %arg12[%parallel_loop3A_388, %parallel_loop3A_389, %parallel_loop3A_390], %parallel_loop3A_223 {strides = array<i32>} : memref<2x32x128xf32, #tpu.memory_space<vmem>>, vector<16xf32>,
      %parallel_loop3A_392 = arith.constant 0 : i32
      %parallel_loop3A_393 = arith.constant 20 : i32
      %parallel_loop3A_394 = arith.index_cast %parallel_loop3A_392 : i32 to index
      %parallel_loop3A_395 = arith.index_cast %parallel_loop3A_393 : i32 to index
      %parallel_loop3A_396 = arith.index_cast %parallel_loop3A_131 : i32 to index
      %parallel_loop3A_397 = tpu.vector_load %arg12[%parallel_loop3A_394, %parallel_loop3A_395, %parallel_loop3A_396] {strides = array<i32>} : memref<2x32x128xf32, #tpu.memory_space<vmem>>, vector<16xf32>,
      tpu.vector_store %arg12[%parallel_loop3A_394, %parallel_loop3A_395, %parallel_loop3A_396], %parallel_loop3A_227 {strides = array<i32>} : memref<2x32x128xf32, #tpu.memory_space<vmem>>, vector<16xf32>,
      %parallel_loop3A_398 = arith.constant 0 : i32
      %parallel_loop3A_399 = arith.constant 21 : i32
      %parallel_loop3A_400 = arith.index_cast %parallel_loop3A_398 : i32 to index
      %parallel_loop3A_401 = arith.index_cast %parallel_loop3A_399 : i32 to index
      %parallel_loop3A_402 = arith.index_cast %parallel_loop3A_131 : i32 to index
      %parallel_loop3A_403 = tpu.vector_load %arg12[%parallel_loop3A_400, %parallel_loop3A_401, %parallel_loop3A_402] {strides = array<i32>} : memref<2x32x128xf32, #tpu.memory_space<vmem>>, vector<16xf32>,
      tpu.vector_store %arg12[%parallel_loop3A_400, %parallel_loop3A_401, %parallel_loop3A_402], %parallel_loop3A_231 {strides = array<i32>} : memref<2x32x128xf32, #tpu.memory_space<vmem>>, vector<16xf32>,
      %parallel_loop3A_404 = arith.constant 0 : i32
      %parallel_loop3A_405 = arith.constant 22 : i32
      %parallel_loop3A_406 = arith.index_cast %parallel_loop3A_404 : i32 to index
      %parallel_loop3A_407 = arith.index_cast %parallel_loop3A_405 : i32 to index
      %parallel_loop3A_408 = arith.index_cast %parallel_loop3A_131 : i32 to index
      %parallel_loop3A_409 = tpu.vector_load %arg12[%parallel_loop3A_406, %parallel_loop3A_407, %parallel_loop3A_408] {strides = array<i32>} : memref<2x32x128xf32, #tpu.memory_space<vmem>>, vector<16xf32>,
      tpu.vector_store %arg12[%parallel_loop3A_406, %parallel_loop3A_407, %parallel_loop3A_408], %parallel_loop3A_235 {strides = array<i32>} : memref<2x32x128xf32, #tpu.memory_space<vmem>>, vector<16xf32>,
      %parallel_loop3A_410 = arith.constant 0 : i32
      %parallel_loop3A_411 = arith.constant 23 : i32
      %parallel_loop3A_412 = arith.index_cast %parallel_loop3A_410 : i32 to index
      %parallel_loop3A_413 = arith.index_cast %parallel_loop3A_411 : i32 to index
      %parallel_loop3A_414 = arith.index_cast %parallel_loop3A_131 : i32 to index
      %parallel_loop3A_415 = tpu.vector_load %arg12[%parallel_loop3A_412, %parallel_loop3A_413, %parallel_loop3A_414] {strides = array<i32>} : memref<2x32x128xf32, #tpu.memory_space<vmem>>, vector<16xf32>,
      tpu.vector_store %arg12[%parallel_loop3A_412, %parallel_loop3A_413, %parallel_loop3A_414], %parallel_loop3A_239 {strides = array<i32>} : memref<2x32x128xf32, #tpu.memory_space<vmem>>, vector<16xf32>,
      %parallel_loop3A_416 = arith.constant 0 : i32
      %parallel_loop3A_417 = arith.constant 24 : i32
      %parallel_loop3A_418 = arith.index_cast %parallel_loop3A_416 : i32 to index
      %parallel_loop3A_419 = arith.index_cast %parallel_loop3A_417 : i32 to index
      %parallel_loop3A_420 = arith.index_cast %parallel_loop3A_131 : i32 to index
      %parallel_loop3A_421 = tpu.vector_load %arg12[%parallel_loop3A_418, %parallel_loop3A_419, %parallel_loop3A_420] {strides = array<i32>} : memref<2x32x128xf32, #tpu.memory_space<vmem>>, vector<16xf32>,
      tpu.vector_store %arg12[%parallel_loop3A_418, %parallel_loop3A_419, %parallel_loop3A_420], %parallel_loop3A_243 {strides = array<i32>} : memref<2x32x128xf32, #tpu.memory_space<vmem>>, vector<16xf32>,
      %parallel_loop3A_422 = arith.constant 0 : i32
      %parallel_loop3A_423 = arith.constant 25 : i32
      %parallel_loop3A_424 = arith.index_cast %parallel_loop3A_422 : i32 to index
      %parallel_loop3A_425 = arith.index_cast %parallel_loop3A_423 : i32 to index
      %parallel_loop3A_426 = arith.index_cast %parallel_loop3A_131 : i32 to index
      %parallel_loop3A_427 = tpu.vector_load %arg12[%parallel_loop3A_424, %parallel_loop3A_425, %parallel_loop3A_426] {strides = array<i32>} : memref<2x32x128xf32, #tpu.memory_space<vmem>>, vector<16xf32>,
      tpu.vector_store %arg12[%parallel_loop3A_424, %parallel_loop3A_425, %parallel_loop3A_426], %parallel_loop3A_247 {strides = array<i32>} : memref<2x32x128xf32, #tpu.memory_space<vmem>>, vector<16xf32>,
      %parallel_loop3A_428 = arith.constant 0 : i32
      %parallel_loop3A_429 = arith.constant 26 : i32
      %parallel_loop3A_430 = arith.index_cast %parallel_loop3A_428 : i32 to index
      %parallel_loop3A_431 = arith.index_cast %parallel_loop3A_429 : i32 to index
      %parallel_loop3A_432 = arith.index_cast %parallel_loop3A_131 : i32 to index
      %parallel_loop3A_433 = tpu.vector_load %arg12[%parallel_loop3A_430, %parallel_loop3A_431, %parallel_loop3A_432] {strides = array<i32>} : memref<2x32x128xf32, #tpu.memory_space<vmem>>, vector<16xf32>,
      tpu.vector_store %arg12[%parallel_loop3A_430, %parallel_loop3A_431, %parallel_loop3A_432], %parallel_loop3A_251 {strides = array<i32>} : memref<2x32x128xf32, #tpu.memory_space<vmem>>, vector<16xf32>,
      %parallel_loop3A_434 = arith.constant 0 : i32
      %parallel_loop3A_435 = arith.constant 27 : i32
      %parallel_loop3A_436 = arith.index_cast %parallel_loop3A_434 : i32 to index
      %parallel_loop3A_437 = arith.index_cast %parallel_loop3A_435 : i32 to index
      %parallel_loop3A_438 = arith.index_cast %parallel_loop3A_131 : i32 to index
      %parallel_loop3A_439 = tpu.vector_load %arg12[%parallel_loop3A_436, %parallel_loop3A_437, %parallel_loop3A_438] {strides = array<i32>} : memref<2x32x128xf32, #tpu.memory_space<vmem>>, vector<16xf32>,
      tpu.vector_store %arg12[%parallel_loop3A_436, %parallel_loop3A_437, %parallel_loop3A_438], %parallel_loop3A_255 {strides = array<i32>} : memref<2x32x128xf32, #tpu.memory_space<vmem>>, vector<16xf32>,
      %parallel_loop3A_440 = arith.constant 0 : i32
      %parallel_loop3A_441 = arith.constant 28 : i32
      %parallel_loop3A_442 = arith.index_cast %parallel_loop3A_440 : i32 to index
      %parallel_loop3A_443 = arith.index_cast %parallel_loop3A_441 : i32 to index
      %parallel_loop3A_444 = arith.index_cast %parallel_loop3A_131 : i32 to index
      %parallel_loop3A_445 = tpu.vector_load %arg12[%parallel_loop3A_442, %parallel_loop3A_443, %parallel_loop3A_444] {strides = array<i32>} : memref<2x32x128xf32, #tpu.memory_space<vmem>>, vector<16xf32>,
      tpu.vector_store %arg12[%parallel_loop3A_442, %parallel_loop3A_443, %parallel_loop3A_444], %parallel_loop3A_259 {strides = array<i32>} : memref<2x32x128xf32, #tpu.memory_space<vmem>>, vector<16xf32>,
      %parallel_loop3A_446 = arith.constant 0 : i32
      %parallel_loop3A_447 = arith.constant 29 : i32
      %parallel_loop3A_448 = arith.index_cast %parallel_loop3A_446 : i32 to index
      %parallel_loop3A_449 = arith.index_cast %parallel_loop3A_447 : i32 to index
      %parallel_loop3A_450 = arith.index_cast %parallel_loop3A_131 : i32 to index
      %parallel_loop3A_451 = tpu.vector_load %arg12[%parallel_loop3A_448, %parallel_loop3A_449, %parallel_loop3A_450] {strides = array<i32>} : memref<2x32x128xf32, #tpu.memory_space<vmem>>, vector<16xf32>,
      tpu.vector_store %arg12[%parallel_loop3A_448, %parallel_loop3A_449, %parallel_loop3A_450], %parallel_loop3A_263 {strides = array<i32>} : memref<2x32x128xf32, #tpu.memory_space<vmem>>, vector<16xf32>,
      %parallel_loop3A_452 = arith.constant 0 : i32
      %parallel_loop3A_453 = arith.constant 30 : i32
      %parallel_loop3A_454 = arith.index_cast %parallel_loop3A_452 : i32 to index
      %parallel_loop3A_455 = arith.index_cast %parallel_loop3A_453 : i32 to index
      %parallel_loop3A_456 = arith.index_cast %parallel_loop3A_131 : i32 to index
      %parallel_loop3A_457 = tpu.vector_load %arg12[%parallel_loop3A_454, %parallel_loop3A_455, %parallel_loop3A_456] {strides = array<i32>} : memref<2x32x128xf32, #tpu.memory_space<vmem>>, vector<16xf32>,
      tpu.vector_store %arg12[%parallel_loop3A_454, %parallel_loop3A_455, %parallel_loop3A_456], %parallel_loop3A_267 {strides = array<i32>} : memref<2x32x128xf32, #tpu.memory_space<vmem>>, vector<16xf32>,
      %parallel_loop3A_458 = arith.constant 0 : i32
      %parallel_loop3A_459 = arith.constant 31 : i32
      %parallel_loop3A_460 = arith.index_cast %parallel_loop3A_458 : i32 to index
      %parallel_loop3A_461 = arith.index_cast %parallel_loop3A_459 : i32 to index
      %parallel_loop3A_462 = arith.index_cast %parallel_loop3A_131 : i32 to index
      %parallel_loop3A_463 = tpu.vector_load %arg12[%parallel_loop3A_460, %parallel_loop3A_461, %parallel_loop3A_462] {strides = array<i32>} : memref<2x32x128xf32, #tpu.memory_space<vmem>>, vector<16xf32>,
      tpu.vector_store %arg12[%parallel_loop3A_460, %parallel_loop3A_461, %parallel_loop3A_462], %parallel_loop3A_271 {strides = array<i32>} : memref<2x32x128xf32, #tpu.memory_space<vmem>>, vector<16xf32>,
    } {sc.loop_unroll_factor = 4 : i64, sc.parallel_access}
    %dma_wait3A_101 = arith.constant 0 : i32
    %dma_wait3A_102 = arith.constant 0 : i32
    %dma_wait3A_103 = tpu.memref_slice %arg8[%dma_wait3A_101, %dma_wait3A_102] : memref<200x128xi32, #tpu.memory_space<vmem>> -> memref<1x128xi32, #tpu.memory_space<vmem>>
    %dma_wait3A_104 = tpu.memref_squeeze %dma_wait3A_103 : memref<1x128xi32, #tpu.memory_space<vmem>> -> memref<128xi32, #tpu.memory_space<vmem>>
    %dma_wait3A_105 = arith.constant 0 : i32
    %dma_wait3A_106 = arith.constant 0 : i32
    %dma_wait3A_107 = tpu.memref_slice %arg4[%dma_wait3A_105, %dma_wait3A_106] : memref<250000x128xf32, #tpu.memory_space<hbm>> -> memref<250000x128xf32, #tpu.memory_space<hbm>>
    tpu.wait_indirect_dma semaphore(%arg13 : memref<!tpu.dma_semaphore, #tpu.memory_space<semaphore_mem>>) src(%dma_wait3A_107 : memref<250000x128xf32, #tpu.memory_space<hbm>>) dst(%arg10 : memref<128x128xf32, #tpu.memory_space<vmem>>)
    %parallel_loop3A_108 = arith.constant 0 : i32
    %parallel_loop3A_109 = arith.constant 8 : i32
    %parallel_loop3A_110 = arith.constant 1 : i32
    scf.for %parallel_loop3A_129 = %parallel_loop3A_108 to %parallel_loop3A_109 step %parallel_loop3A_110  : i32 {
      %parallel_loop3A_130 = arith.constant 16 : i32
      %parallel_loop3A_131 = arith.muli %parallel_loop3A_129, %parallel_loop3A_130 : i32
      %parallel_loop3A_132 = arith.constant 199 : i32
      %parallel_loop3A_133 = arith.index_cast %parallel_loop3A_132 : i32 to index
      %parallel_loop3A_134 = arith.index_cast %parallel_loop3A_131 : i32 to index
      %parallel_loop3A_135 = tpu.vector_load %arg7[%parallel_loop3A_133, %parallel_loop3A_134] {strides = array<i32>} : memref<200x128xi32, #tpu.memory_space<vmem>>, vector<16xi32>,
      %parallel_loop3A_136 = arith.constant 3 : i32
      %parallel_loop3A_137 = vector.broadcast %parallel_loop3A_136 : i32 to vector<16xi32>
      %parallel_loop3A_138 = arith.andi %parallel_loop3A_135, %parallel_loop3A_137 : vector<16xi32>
      %parallel_loop3A_139 = arith.constant 5 : i32
      %parallel_loop3A_140 = vector.broadcast %parallel_loop3A_139 : i32 to vector<16xi32>
      %parallel_loop3A_141 = arith.shli %parallel_loop3A_138, %parallel_loop3A_140 : vector<16xi32>
      %parallel_loop3A_142 = vector.broadcast %parallel_loop3A_131 : i32 to vector<16xi32>
      %parallel_loop3A_143 = arith.addi %iota3A, %parallel_loop3A_142 : vector<16xi32>
      %parallel_loop3A_144 = arith.constant 0 : i32
      %parallel_loop3A_145 = vector.broadcast %parallel_loop3A_144 : i32 to vector<16xi32>
      %parallel_loop3A_146 = arith.addi %parallel_loop3A_141, %parallel_loop3A_145 : vector<16xi32>
      %parallel_loop3A_147 = tpu.vector_load_idx %arg10[%parallel_loop3A_143, %parallel_loop3A_146] : memref<128x128xf32, #tpu.memory_space<vmem>>[vector<16xi32>, vector<16xi32>], vector<16xf32>,
      %parallel_loop3A_148 = arith.constant 1 : i32
      %parallel_loop3A_149 = vector.broadcast %parallel_loop3A_148 : i32 to vector<16xi32>
      %parallel_loop3A_150 = arith.addi %parallel_loop3A_141, %parallel_loop3A_149 : vector<16xi32>
      %parallel_loop3A_151 = tpu.vector_load_idx %arg10[%parallel_loop3A_143, %parallel_loop3A_150] : memref<128x128xf32, #tpu.memory_space<vmem>>[vector<16xi32>, vector<16xi32>], vector<16xf32>,
      %parallel_loop3A_152 = arith.constant 2 : i32
      %parallel_loop3A_153 = vector.broadcast %parallel_loop3A_152 : i32 to vector<16xi32>
      %parallel_loop3A_154 = arith.addi %parallel_loop3A_141, %parallel_loop3A_153 : vector<16xi32>
      %parallel_loop3A_155 = tpu.vector_load_idx %arg10[%parallel_loop3A_143, %parallel_loop3A_154] : memref<128x128xf32, #tpu.memory_space<vmem>>[vector<16xi32>, vector<16xi32>], vector<16xf32>,
      %parallel_loop3A_156 = arith.constant 3 : i32
      %parallel_loop3A_157 = vector.broadcast %parallel_loop3A_156 : i32 to vector<16xi32>
      %parallel_loop3A_158 = arith.addi %parallel_loop3A_141, %parallel_loop3A_157 : vector<16xi32>
      %parallel_loop3A_159 = tpu.vector_load_idx %arg10[%parallel_loop3A_143, %parallel_loop3A_158] : memref<128x128xf32, #tpu.memory_space<vmem>>[vector<16xi32>, vector<16xi32>], vector<16xf32>,
      %parallel_loop3A_160 = arith.constant 4 : i32
      %parallel_loop3A_161 = vector.broadcast %parallel_loop3A_160 : i32 to vector<16xi32>
      %parallel_loop3A_162 = arith.addi %parallel_loop3A_141, %parallel_loop3A_161 : vector<16xi32>
      %parallel_loop3A_163 = tpu.vector_load_idx %arg10[%parallel_loop3A_143, %parallel_loop3A_162] : memref<128x128xf32, #tpu.memory_space<vmem>>[vector<16xi32>, vector<16xi32>], vector<16xf32>,
      %parallel_loop3A_164 = arith.constant 5 : i32
      %parallel_loop3A_165 = vector.broadcast %parallel_loop3A_164 : i32 to vector<16xi32>
      %parallel_loop3A_166 = arith.addi %parallel_loop3A_141, %parallel_loop3A_165 : vector<16xi32>
      %parallel_loop3A_167 = tpu.vector_load_idx %arg10[%parallel_loop3A_143, %parallel_loop3A_166] : memref<128x128xf32, #tpu.memory_space<vmem>>[vector<16xi32>, vector<16xi32>], vector<16xf32>,
      %parallel_loop3A_168 = arith.constant 6 : i32
      %parallel_loop3A_169 = vector.broadcast %parallel_loop3A_168 : i32 to vector<16xi32>
      %parallel_loop3A_170 = arith.addi %parallel_loop3A_141, %parallel_loop3A_169 : vector<16xi32>
      %parallel_loop3A_171 = tpu.vector_load_idx %arg10[%parallel_loop3A_143, %parallel_loop3A_170] : memref<128x128xf32, #tpu.memory_space<vmem>>[vector<16xi32>, vector<16xi32>], vector<16xf32>,
      %parallel_loop3A_172 = arith.constant 7 : i32
      %parallel_loop3A_173 = vector.broadcast %parallel_loop3A_172 : i32 to vector<16xi32>
      %parallel_loop3A_174 = arith.addi %parallel_loop3A_141, %parallel_loop3A_173 : vector<16xi32>
      %parallel_loop3A_175 = tpu.vector_load_idx %arg10[%parallel_loop3A_143, %parallel_loop3A_174] : memref<128x128xf32, #tpu.memory_space<vmem>>[vector<16xi32>, vector<16xi32>], vector<16xf32>,
      %parallel_loop3A_176 = arith.constant 8 : i32
      %parallel_loop3A_177 = vector.broadcast %parallel_loop3A_176 : i32 to vector<16xi32>
      %parallel_loop3A_178 = arith.addi %parallel_loop3A_141, %parallel_loop3A_177 : vector<16xi32>
      %parallel_loop3A_179 = tpu.vector_load_idx %arg10[%parallel_loop3A_143, %parallel_loop3A_178] : memref<128x128xf32, #tpu.memory_space<vmem>>[vector<16xi32>, vector<16xi32>], vector<16xf32>,
      %parallel_loop3A_180 = arith.constant 9 : i32
      %parallel_loop3A_181 = vector.broadcast %parallel_loop3A_180 : i32 to vector<16xi32>
      %parallel_loop3A_182 = arith.addi %parallel_loop3A_141, %parallel_loop3A_181 : vector<16xi32>
      %parallel_loop3A_183 = tpu.vector_load_idx %arg10[%parallel_loop3A_143, %parallel_loop3A_182] : memref<128x128xf32, #tpu.memory_space<vmem>>[vector<16xi32>, vector<16xi32>], vector<16xf32>,
      %parallel_loop3A_184 = arith.constant 10 : i32
      %parallel_loop3A_185 = vector.broadcast %parallel_loop3A_184 : i32 to vector<16xi32>
      %parallel_loop3A_186 = arith.addi %parallel_loop3A_141, %parallel_loop3A_185 : vector<16xi32>
      %parallel_loop3A_187 = tpu.vector_load_idx %arg10[%parallel_loop3A_143, %parallel_loop3A_186] : memref<128x128xf32, #tpu.memory_space<vmem>>[vector<16xi32>, vector<16xi32>], vector<16xf32>,
      %parallel_loop3A_188 = arith.constant 11 : i32
      %parallel_loop3A_189 = vector.broadcast %parallel_loop3A_188 : i32 to vector<16xi32>
      %parallel_loop3A_190 = arith.addi %parallel_loop3A_141, %parallel_loop3A_189 : vector<16xi32>
      %parallel_loop3A_191 = tpu.vector_load_idx %arg10[%parallel_loop3A_143, %parallel_loop3A_190] : memref<128x128xf32, #tpu.memory_space<vmem>>[vector<16xi32>, vector<16xi32>], vector<16xf32>,
      %parallel_loop3A_192 = arith.constant 12 : i32
      %parallel_loop3A_193 = vector.broadcast %parallel_loop3A_192 : i32 to vector<16xi32>
      %parallel_loop3A_194 = arith.addi %parallel_loop3A_141, %parallel_loop3A_193 : vector<16xi32>
      %parallel_loop3A_195 = tpu.vector_load_idx %arg10[%parallel_loop3A_143, %parallel_loop3A_194] : memref<128x128xf32, #tpu.memory_space<vmem>>[vector<16xi32>, vector<16xi32>], vector<16xf32>,
      %parallel_loop3A_196 = arith.constant 13 : i32
      %parallel_loop3A_197 = vector.broadcast %parallel_loop3A_196 : i32 to vector<16xi32>
      %parallel_loop3A_198 = arith.addi %parallel_loop3A_141, %parallel_loop3A_197 : vector<16xi32>
      %parallel_loop3A_199 = tpu.vector_load_idx %arg10[%parallel_loop3A_143, %parallel_loop3A_198] : memref<128x128xf32, #tpu.memory_space<vmem>>[vector<16xi32>, vector<16xi32>], vector<16xf32>,
      %parallel_loop3A_200 = arith.constant 14 : i32
      %parallel_loop3A_201 = vector.broadcast %parallel_loop3A_200 : i32 to vector<16xi32>
      %parallel_loop3A_202 = arith.addi %parallel_loop3A_141, %parallel_loop3A_201 : vector<16xi32>
      %parallel_loop3A_203 = tpu.vector_load_idx %arg10[%parallel_loop3A_143, %parallel_loop3A_202] : memref<128x128xf32, #tpu.memory_space<vmem>>[vector<16xi32>, vector<16xi32>], vector<16xf32>,
      %parallel_loop3A_204 = arith.constant 15 : i32
      %parallel_loop3A_205 = vector.broadcast %parallel_loop3A_204 : i32 to vector<16xi32>
      %parallel_loop3A_206 = arith.addi %parallel_loop3A_141, %parallel_loop3A_205 : vector<16xi32>
      %parallel_loop3A_207 = tpu.vector_load_idx %arg10[%parallel_loop3A_143, %parallel_loop3A_206] : memref<128x128xf32, #tpu.memory_space<vmem>>[vector<16xi32>, vector<16xi32>], vector<16xf32>,
      %parallel_loop3A_208 = arith.constant 16 : i32
      %parallel_loop3A_209 = vector.broadcast %parallel_loop3A_208 : i32 to vector<16xi32>
      %parallel_loop3A_210 = arith.addi %parallel_loop3A_141, %parallel_loop3A_209 : vector<16xi32>
      %parallel_loop3A_211 = tpu.vector_load_idx %arg10[%parallel_loop3A_143, %parallel_loop3A_210] : memref<128x128xf32, #tpu.memory_space<vmem>>[vector<16xi32>, vector<16xi32>], vector<16xf32>,
      %parallel_loop3A_212 = arith.constant 17 : i32
      %parallel_loop3A_213 = vector.broadcast %parallel_loop3A_212 : i32 to vector<16xi32>
      %parallel_loop3A_214 = arith.addi %parallel_loop3A_141, %parallel_loop3A_213 : vector<16xi32>
      %parallel_loop3A_215 = tpu.vector_load_idx %arg10[%parallel_loop3A_143, %parallel_loop3A_214] : memref<128x128xf32, #tpu.memory_space<vmem>>[vector<16xi32>, vector<16xi32>], vector<16xf32>,
      %parallel_loop3A_216 = arith.constant 18 : i32
      %parallel_loop3A_217 = vector.broadcast %parallel_loop3A_216 : i32 to vector<16xi32>
      %parallel_loop3A_218 = arith.addi %parallel_loop3A_141, %parallel_loop3A_217 : vector<16xi32>
      %parallel_loop3A_219 = tpu.vector_load_idx %arg10[%parallel_loop3A_143, %parallel_loop3A_218] : memref<128x128xf32, #tpu.memory_space<vmem>>[vector<16xi32>, vector<16xi32>], vector<16xf32>,
      %parallel_loop3A_220 = arith.constant 19 : i32
      %parallel_loop3A_221 = vector.broadcast %parallel_loop3A_220 : i32 to vector<16xi32>
      %parallel_loop3A_222 = arith.addi %parallel_loop3A_141, %parallel_loop3A_221 : vector<16xi32>
      %parallel_loop3A_223 = tpu.vector_load_idx %arg10[%parallel_loop3A_143, %parallel_loop3A_222] : memref<128x128xf32, #tpu.memory_space<vmem>>[vector<16xi32>, vector<16xi32>], vector<16xf32>,
      %parallel_loop3A_224 = arith.constant 20 : i32
      %parallel_loop3A_225 = vector.broadcast %parallel_loop3A_224 : i32 to vector<16xi32>
      %parallel_loop3A_226 = arith.addi %parallel_loop3A_141, %parallel_loop3A_225 : vector<16xi32>
      %parallel_loop3A_227 = tpu.vector_load_idx %arg10[%parallel_loop3A_143, %parallel_loop3A_226] : memref<128x128xf32, #tpu.memory_space<vmem>>[vector<16xi32>, vector<16xi32>], vector<16xf32>,
      %parallel_loop3A_228 = arith.constant 21 : i32
      %parallel_loop3A_229 = vector.broadcast %parallel_loop3A_228 : i32 to vector<16xi32>
      %parallel_loop3A_230 = arith.addi %parallel_loop3A_141, %parallel_loop3A_229 : vector<16xi32>
      %parallel_loop3A_231 = tpu.vector_load_idx %arg10[%parallel_loop3A_143, %parallel_loop3A_230] : memref<128x128xf32, #tpu.memory_space<vmem>>[vector<16xi32>, vector<16xi32>], vector<16xf32>,
      %parallel_loop3A_232 = arith.constant 22 : i32
      %parallel_loop3A_233 = vector.broadcast %parallel_loop3A_232 : i32 to vector<16xi32>
      %parallel_loop3A_234 = arith.addi %parallel_loop3A_141, %parallel_loop3A_233 : vector<16xi32>
      %parallel_loop3A_235 = tpu.vector_load_idx %arg10[%parallel_loop3A_143, %parallel_loop3A_234] : memref<128x128xf32, #tpu.memory_space<vmem>>[vector<16xi32>, vector<16xi32>], vector<16xf32>,
      %parallel_loop3A_236 = arith.constant 23 : i32
      %parallel_loop3A_237 = vector.broadcast %parallel_loop3A_236 : i32 to vector<16xi32>
      %parallel_loop3A_238 = arith.addi %parallel_loop3A_141, %parallel_loop3A_237 : vector<16xi32>
      %parallel_loop3A_239 = tpu.vector_load_idx %arg10[%parallel_loop3A_143, %parallel_loop3A_238] : memref<128x128xf32, #tpu.memory_space<vmem>>[vector<16xi32>, vector<16xi32>], vector<16xf32>,
      %parallel_loop3A_240 = arith.constant 24 : i32
      %parallel_loop3A_241 = vector.broadcast %parallel_loop3A_240 : i32 to vector<16xi32>
      %parallel_loop3A_242 = arith.addi %parallel_loop3A_141, %parallel_loop3A_241 : vector<16xi32>
      %parallel_loop3A_243 = tpu.vector_load_idx %arg10[%parallel_loop3A_143, %parallel_loop3A_242] : memref<128x128xf32, #tpu.memory_space<vmem>>[vector<16xi32>, vector<16xi32>], vector<16xf32>,
      %parallel_loop3A_244 = arith.constant 25 : i32
      %parallel_loop3A_245 = vector.broadcast %parallel_loop3A_244 : i32 to vector<16xi32>
      %parallel_loop3A_246 = arith.addi %parallel_loop3A_141, %parallel_loop3A_245 : vector<16xi32>
      %parallel_loop3A_247 = tpu.vector_load_idx %arg10[%parallel_loop3A_143, %parallel_loop3A_246] : memref<128x128xf32, #tpu.memory_space<vmem>>[vector<16xi32>, vector<16xi32>], vector<16xf32>,
      %parallel_loop3A_248 = arith.constant 26 : i32
      %parallel_loop3A_249 = vector.broadcast %parallel_loop3A_248 : i32 to vector<16xi32>
      %parallel_loop3A_250 = arith.addi %parallel_loop3A_141, %parallel_loop3A_249 : vector<16xi32>
      %parallel_loop3A_251 = tpu.vector_load_idx %arg10[%parallel_loop3A_143, %parallel_loop3A_250] : memref<128x128xf32, #tpu.memory_space<vmem>>[vector<16xi32>, vector<16xi32>], vector<16xf32>,
      %parallel_loop3A_252 = arith.constant 27 : i32
      %parallel_loop3A_253 = vector.broadcast %parallel_loop3A_252 : i32 to vector<16xi32>
      %parallel_loop3A_254 = arith.addi %parallel_loop3A_141, %parallel_loop3A_253 : vector<16xi32>
      %parallel_loop3A_255 = tpu.vector_load_idx %arg10[%parallel_loop3A_143, %parallel_loop3A_254] : memref<128x128xf32, #tpu.memory_space<vmem>>[vector<16xi32>, vector<16xi32>], vector<16xf32>,
      %parallel_loop3A_256 = arith.constant 28 : i32
      %parallel_loop3A_257 = vector.broadcast %parallel_loop3A_256 : i32 to vector<16xi32>
      %parallel_loop3A_258 = arith.addi %parallel_loop3A_141, %parallel_loop3A_257 : vector<16xi32>
      %parallel_loop3A_259 = tpu.vector_load_idx %arg10[%parallel_loop3A_143, %parallel_loop3A_258] : memref<128x128xf32, #tpu.memory_space<vmem>>[vector<16xi32>, vector<16xi32>], vector<16xf32>,
      %parallel_loop3A_260 = arith.constant 29 : i32
      %parallel_loop3A_261 = vector.broadcast %parallel_loop3A_260 : i32 to vector<16xi32>
      %parallel_loop3A_262 = arith.addi %parallel_loop3A_141, %parallel_loop3A_261 : vector<16xi32>
      %parallel_loop3A_263 = tpu.vector_load_idx %arg10[%parallel_loop3A_143, %parallel_loop3A_262] : memref<128x128xf32, #tpu.memory_space<vmem>>[vector<16xi32>, vector<16xi32>], vector<16xf32>,
      %parallel_loop3A_264 = arith.constant 30 : i32
      %parallel_loop3A_265 = vector.broadcast %parallel_loop3A_264 : i32 to vector<16xi32>
      %parallel_loop3A_266 = arith.addi %parallel_loop3A_141, %parallel_loop3A_265 : vector<16xi32>
      %parallel_loop3A_267 = tpu.vector_load_idx %arg10[%parallel_loop3A_143, %parallel_loop3A_266] : memref<128x128xf32, #tpu.memory_space<vmem>>[vector<16xi32>, vector<16xi32>], vector<16xf32>,
      %parallel_loop3A_268 = arith.constant 31 : i32
      %parallel_loop3A_269 = vector.broadcast %parallel_loop3A_268 : i32 to vector<16xi32>
      %parallel_loop3A_270 = arith.addi %parallel_loop3A_141, %parallel_loop3A_269 : vector<16xi32>
      %parallel_loop3A_271 = tpu.vector_load_idx %arg10[%parallel_loop3A_143, %parallel_loop3A_270] : memref<128x128xf32, #tpu.memory_space<vmem>>[vector<16xi32>, vector<16xi32>], vector<16xf32>,
      %parallel_loop3A_272 = arith.constant 1 : i32
      %parallel_loop3A_273 = arith.constant 0 : i32
      %parallel_loop3A_274 = arith.index_cast %parallel_loop3A_272 : i32 to index
      %parallel_loop3A_275 = arith.index_cast %parallel_loop3A_273 : i32 to index
      %parallel_loop3A_276 = arith.index_cast %parallel_loop3A_131 : i32 to index
      %parallel_loop3A_277 = tpu.vector_load %arg12[%parallel_loop3A_274, %parallel_loop3A_275, %parallel_loop3A_276] {strides = array<i32>} : memref<2x32x128xf32, #tpu.memory_space<vmem>>, vector<16xf32>,
      tpu.vector_store %arg12[%parallel_loop3A_274, %parallel_loop3A_275, %parallel_loop3A_276], %parallel_loop3A_147 {strides = array<i32>} : memref<2x32x128xf32, #tpu.memory_space<vmem>>, vector<16xf32>,
      %parallel_loop3A_278 = arith.constant 1 : i32
      %parallel_loop3A_279 = arith.constant 1 : i32
      %parallel_loop3A_280 = arith.index_cast %parallel_loop3A_278 : i32 to index
      %parallel_loop3A_281 = arith.index_cast %parallel_loop3A_279 : i32 to index
      %parallel_loop3A_282 = arith.index_cast %parallel_loop3A_131 : i32 to index
      %parallel_loop3A_283 = tpu.vector_load %arg12[%parallel_loop3A_280, %parallel_loop3A_281, %parallel_loop3A_282] {strides = array<i32>} : memref<2x32x128xf32, #tpu.memory_space<vmem>>, vector<16xf32>,
      tpu.vector_store %arg12[%parallel_loop3A_280, %parallel_loop3A_281, %parallel_loop3A_282], %parallel_loop3A_151 {strides = array<i32>} : memref<2x32x128xf32, #tpu.memory_space<vmem>>, vector<16xf32>,
      %parallel_loop3A_284 = arith.constant 1 : i32
      %parallel_loop3A_285 = arith.constant 2 : i32
      %parallel_loop3A_286 = arith.index_cast %parallel_loop3A_284 : i32 to index
      %parallel_loop3A_287 = arith.index_cast %parallel_loop3A_285 : i32 to index
      %parallel_loop3A_288 = arith.index_cast %parallel_loop3A_131 : i32 to index
      %parallel_loop3A_289 = tpu.vector_load %arg12[%parallel_loop3A_286, %parallel_loop3A_287, %parallel_loop3A_288] {strides = array<i32>} : memref<2x32x128xf32, #tpu.memory_space<vmem>>, vector<16xf32>,
      tpu.vector_store %arg12[%parallel_loop3A_286, %parallel_loop3A_287, %parallel_loop3A_288], %parallel_loop3A_155 {strides = array<i32>} : memref<2x32x128xf32, #tpu.memory_space<vmem>>, vector<16xf32>,
      %parallel_loop3A_290 = arith.constant 1 : i32
      %parallel_loop3A_291 = arith.constant 3 : i32
      %parallel_loop3A_292 = arith.index_cast %parallel_loop3A_290 : i32 to index
      %parallel_loop3A_293 = arith.index_cast %parallel_loop3A_291 : i32 to index
      %parallel_loop3A_294 = arith.index_cast %parallel_loop3A_131 : i32 to index
      %parallel_loop3A_295 = tpu.vector_load %arg12[%parallel_loop3A_292, %parallel_loop3A_293, %parallel_loop3A_294] {strides = array<i32>} : memref<2x32x128xf32, #tpu.memory_space<vmem>>, vector<16xf32>,
      tpu.vector_store %arg12[%parallel_loop3A_292, %parallel_loop3A_293, %parallel_loop3A_294], %parallel_loop3A_159 {strides = array<i32>} : memref<2x32x128xf32, #tpu.memory_space<vmem>>, vector<16xf32>,
      %parallel_loop3A_296 = arith.constant 1 : i32
      %parallel_loop3A_297 = arith.constant 4 : i32
      %parallel_loop3A_298 = arith.index_cast %parallel_loop3A_296 : i32 to index
      %parallel_loop3A_299 = arith.index_cast %parallel_loop3A_297 : i32 to index
      %parallel_loop3A_300 = arith.index_cast %parallel_loop3A_131 : i32 to index
      %parallel_loop3A_301 = tpu.vector_load %arg12[%parallel_loop3A_298, %parallel_loop3A_299, %parallel_loop3A_300] {strides = array<i32>} : memref<2x32x128xf32, #tpu.memory_space<vmem>>, vector<16xf32>,
      tpu.vector_store %arg12[%parallel_loop3A_298, %parallel_loop3A_299, %parallel_loop3A_300], %parallel_loop3A_163 {strides = array<i32>} : memref<2x32x128xf32, #tpu.memory_space<vmem>>, vector<16xf32>,
      %parallel_loop3A_302 = arith.constant 1 : i32
      %parallel_loop3A_303 = arith.constant 5 : i32
      %parallel_loop3A_304 = arith.index_cast %parallel_loop3A_302 : i32 to index
      %parallel_loop3A_305 = arith.index_cast %parallel_loop3A_303 : i32 to index
      %parallel_loop3A_306 = arith.index_cast %parallel_loop3A_131 : i32 to index
      %parallel_loop3A_307 = tpu.vector_load %arg12[%parallel_loop3A_304, %parallel_loop3A_305, %parallel_loop3A_306] {strides = array<i32>} : memref<2x32x128xf32, #tpu.memory_space<vmem>>, vector<16xf32>,
      tpu.vector_store %arg12[%parallel_loop3A_304, %parallel_loop3A_305, %parallel_loop3A_306], %parallel_loop3A_167 {strides = array<i32>} : memref<2x32x128xf32, #tpu.memory_space<vmem>>, vector<16xf32>,
      %parallel_loop3A_308 = arith.constant 1 : i32
      %parallel_loop3A_309 = arith.constant 6 : i32
      %parallel_loop3A_310 = arith.index_cast %parallel_loop3A_308 : i32 to index
      %parallel_loop3A_311 = arith.index_cast %parallel_loop3A_309 : i32 to index
      %parallel_loop3A_312 = arith.index_cast %parallel_loop3A_131 : i32 to index
      %parallel_loop3A_313 = tpu.vector_load %arg12[%parallel_loop3A_310, %parallel_loop3A_311, %parallel_loop3A_312] {strides = array<i32>} : memref<2x32x128xf32, #tpu.memory_space<vmem>>, vector<16xf32>,
      tpu.vector_store %arg12[%parallel_loop3A_310, %parallel_loop3A_311, %parallel_loop3A_312], %parallel_loop3A_171 {strides = array<i32>} : memref<2x32x128xf32, #tpu.memory_space<vmem>>, vector<16xf32>,
      %parallel_loop3A_314 = arith.constant 1 : i32
      %parallel_loop3A_315 = arith.constant 7 : i32
      %parallel_loop3A_316 = arith.index_cast %parallel_loop3A_314 : i32 to index
      %parallel_loop3A_317 = arith.index_cast %parallel_loop3A_315 : i32 to index
      %parallel_loop3A_318 = arith.index_cast %parallel_loop3A_131 : i32 to index
      %parallel_loop3A_319 = tpu.vector_load %arg12[%parallel_loop3A_316, %parallel_loop3A_317, %parallel_loop3A_318] {strides = array<i32>} : memref<2x32x128xf32, #tpu.memory_space<vmem>>, vector<16xf32>,
      tpu.vector_store %arg12[%parallel_loop3A_316, %parallel_loop3A_317, %parallel_loop3A_318], %parallel_loop3A_175 {strides = array<i32>} : memref<2x32x128xf32, #tpu.memory_space<vmem>>, vector<16xf32>,
      %parallel_loop3A_320 = arith.constant 1 : i32
      %parallel_loop3A_321 = arith.constant 8 : i32
      %parallel_loop3A_322 = arith.index_cast %parallel_loop3A_320 : i32 to index
      %parallel_loop3A_323 = arith.index_cast %parallel_loop3A_321 : i32 to index
      %parallel_loop3A_324 = arith.index_cast %parallel_loop3A_131 : i32 to index
      %parallel_loop3A_325 = tpu.vector_load %arg12[%parallel_loop3A_322, %parallel_loop3A_323, %parallel_loop3A_324] {strides = array<i32>} : memref<2x32x128xf32, #tpu.memory_space<vmem>>, vector<16xf32>,
      tpu.vector_store %arg12[%parallel_loop3A_322, %parallel_loop3A_323, %parallel_loop3A_324], %parallel_loop3A_179 {strides = array<i32>} : memref<2x32x128xf32, #tpu.memory_space<vmem>>, vector<16xf32>,
      %parallel_loop3A_326 = arith.constant 1 : i32
      %parallel_loop3A_327 = arith.constant 9 : i32
      %parallel_loop3A_328 = arith.index_cast %parallel_loop3A_326 : i32 to index
      %parallel_loop3A_329 = arith.index_cast %parallel_loop3A_327 : i32 to index
      %parallel_loop3A_330 = arith.index_cast %parallel_loop3A_131 : i32 to index
      %parallel_loop3A_331 = tpu.vector_load %arg12[%parallel_loop3A_328, %parallel_loop3A_329, %parallel_loop3A_330] {strides = array<i32>} : memref<2x32x128xf32, #tpu.memory_space<vmem>>, vector<16xf32>,
      tpu.vector_store %arg12[%parallel_loop3A_328, %parallel_loop3A_329, %parallel_loop3A_330], %parallel_loop3A_183 {strides = array<i32>} : memref<2x32x128xf32, #tpu.memory_space<vmem>>, vector<16xf32>,
      %parallel_loop3A_332 = arith.constant 1 : i32
      %parallel_loop3A_333 = arith.constant 10 : i32
      %parallel_loop3A_334 = arith.index_cast %parallel_loop3A_332 : i32 to index
      %parallel_loop3A_335 = arith.index_cast %parallel_loop3A_333 : i32 to index
      %parallel_loop3A_336 = arith.index_cast %parallel_loop3A_131 : i32 to index
      %parallel_loop3A_337 = tpu.vector_load %arg12[%parallel_loop3A_334, %parallel_loop3A_335, %parallel_loop3A_336] {strides = array<i32>} : memref<2x32x128xf32, #tpu.memory_space<vmem>>, vector<16xf32>,
      tpu.vector_store %arg12[%parallel_loop3A_334, %parallel_loop3A_335, %parallel_loop3A_336], %parallel_loop3A_187 {strides = array<i32>} : memref<2x32x128xf32, #tpu.memory_space<vmem>>, vector<16xf32>,
      %parallel_loop3A_338 = arith.constant 1 : i32
      %parallel_loop3A_339 = arith.constant 11 : i32
      %parallel_loop3A_340 = arith.index_cast %parallel_loop3A_338 : i32 to index
      %parallel_loop3A_341 = arith.index_cast %parallel_loop3A_339 : i32 to index
      %parallel_loop3A_342 = arith.index_cast %parallel_loop3A_131 : i32 to index
      %parallel_loop3A_343 = tpu.vector_load %arg12[%parallel_loop3A_340, %parallel_loop3A_341, %parallel_loop3A_342] {strides = array<i32>} : memref<2x32x128xf32, #tpu.memory_space<vmem>>, vector<16xf32>,
      tpu.vector_store %arg12[%parallel_loop3A_340, %parallel_loop3A_341, %parallel_loop3A_342], %parallel_loop3A_191 {strides = array<i32>} : memref<2x32x128xf32, #tpu.memory_space<vmem>>, vector<16xf32>,
      %parallel_loop3A_344 = arith.constant 1 : i32
      %parallel_loop3A_345 = arith.constant 12 : i32
      %parallel_loop3A_346 = arith.index_cast %parallel_loop3A_344 : i32 to index
      %parallel_loop3A_347 = arith.index_cast %parallel_loop3A_345 : i32 to index
      %parallel_loop3A_348 = arith.index_cast %parallel_loop3A_131 : i32 to index
      %parallel_loop3A_349 = tpu.vector_load %arg12[%parallel_loop3A_346, %parallel_loop3A_347, %parallel_loop3A_348] {strides = array<i32>} : memref<2x32x128xf32, #tpu.memory_space<vmem>>, vector<16xf32>,
      tpu.vector_store %arg12[%parallel_loop3A_346, %parallel_loop3A_347, %parallel_loop3A_348], %parallel_loop3A_195 {strides = array<i32>} : memref<2x32x128xf32, #tpu.memory_space<vmem>>, vector<16xf32>,
      %parallel_loop3A_350 = arith.constant 1 : i32
      %parallel_loop3A_351 = arith.constant 13 : i32
      %parallel_loop3A_352 = arith.index_cast %parallel_loop3A_350 : i32 to index
      %parallel_loop3A_353 = arith.index_cast %parallel_loop3A_351 : i32 to index
      %parallel_loop3A_354 = arith.index_cast %parallel_loop3A_131 : i32 to index
      %parallel_loop3A_355 = tpu.vector_load %arg12[%parallel_loop3A_352, %parallel_loop3A_353, %parallel_loop3A_354] {strides = array<i32>} : memref<2x32x128xf32, #tpu.memory_space<vmem>>, vector<16xf32>,
      tpu.vector_store %arg12[%parallel_loop3A_352, %parallel_loop3A_353, %parallel_loop3A_354], %parallel_loop3A_199 {strides = array<i32>} : memref<2x32x128xf32, #tpu.memory_space<vmem>>, vector<16xf32>,
      %parallel_loop3A_356 = arith.constant 1 : i32
      %parallel_loop3A_357 = arith.constant 14 : i32
      %parallel_loop3A_358 = arith.index_cast %parallel_loop3A_356 : i32 to index
      %parallel_loop3A_359 = arith.index_cast %parallel_loop3A_357 : i32 to index
      %parallel_loop3A_360 = arith.index_cast %parallel_loop3A_131 : i32 to index
      %parallel_loop3A_361 = tpu.vector_load %arg12[%parallel_loop3A_358, %parallel_loop3A_359, %parallel_loop3A_360] {strides = array<i32>} : memref<2x32x128xf32, #tpu.memory_space<vmem>>, vector<16xf32>,
      tpu.vector_store %arg12[%parallel_loop3A_358, %parallel_loop3A_359, %parallel_loop3A_360], %parallel_loop3A_203 {strides = array<i32>} : memref<2x32x128xf32, #tpu.memory_space<vmem>>, vector<16xf32>,
      %parallel_loop3A_362 = arith.constant 1 : i32
      %parallel_loop3A_363 = arith.constant 15 : i32
      %parallel_loop3A_364 = arith.index_cast %parallel_loop3A_362 : i32 to index
      %parallel_loop3A_365 = arith.index_cast %parallel_loop3A_363 : i32 to index
      %parallel_loop3A_366 = arith.index_cast %parallel_loop3A_131 : i32 to index
      %parallel_loop3A_367 = tpu.vector_load %arg12[%parallel_loop3A_364, %parallel_loop3A_365, %parallel_loop3A_366] {strides = array<i32>} : memref<2x32x128xf32, #tpu.memory_space<vmem>>, vector<16xf32>,
      tpu.vector_store %arg12[%parallel_loop3A_364, %parallel_loop3A_365, %parallel_loop3A_366], %parallel_loop3A_207 {strides = array<i32>} : memref<2x32x128xf32, #tpu.memory_space<vmem>>, vector<16xf32>,
      %parallel_loop3A_368 = arith.constant 1 : i32
      %parallel_loop3A_369 = arith.constant 16 : i32
      %parallel_loop3A_370 = arith.index_cast %parallel_loop3A_368 : i32 to index
      %parallel_loop3A_371 = arith.index_cast %parallel_loop3A_369 : i32 to index
      %parallel_loop3A_372 = arith.index_cast %parallel_loop3A_131 : i32 to index
      %parallel_loop3A_373 = tpu.vector_load %arg12[%parallel_loop3A_370, %parallel_loop3A_371, %parallel_loop3A_372] {strides = array<i32>} : memref<2x32x128xf32, #tpu.memory_space<vmem>>, vector<16xf32>,
      tpu.vector_store %arg12[%parallel_loop3A_370, %parallel_loop3A_371, %parallel_loop3A_372], %parallel_loop3A_211 {strides = array<i32>} : memref<2x32x128xf32, #tpu.memory_space<vmem>>, vector<16xf32>,
      %parallel_loop3A_374 = arith.constant 1 : i32
      %parallel_loop3A_375 = arith.constant 17 : i32
      %parallel_loop3A_376 = arith.index_cast %parallel_loop3A_374 : i32 to index
      %parallel_loop3A_377 = arith.index_cast %parallel_loop3A_375 : i32 to index
      %parallel_loop3A_378 = arith.index_cast %parallel_loop3A_131 : i32 to index
      %parallel_loop3A_379 = tpu.vector_load %arg12[%parallel_loop3A_376, %parallel_loop3A_377, %parallel_loop3A_378] {strides = array<i32>} : memref<2x32x128xf32, #tpu.memory_space<vmem>>, vector<16xf32>,
      tpu.vector_store %arg12[%parallel_loop3A_376, %parallel_loop3A_377, %parallel_loop3A_378], %parallel_loop3A_215 {strides = array<i32>} : memref<2x32x128xf32, #tpu.memory_space<vmem>>, vector<16xf32>,
      %parallel_loop3A_380 = arith.constant 1 : i32
      %parallel_loop3A_381 = arith.constant 18 : i32
      %parallel_loop3A_382 = arith.index_cast %parallel_loop3A_380 : i32 to index
      %parallel_loop3A_383 = arith.index_cast %parallel_loop3A_381 : i32 to index
      %parallel_loop3A_384 = arith.index_cast %parallel_loop3A_131 : i32 to index
      %parallel_loop3A_385 = tpu.vector_load %arg12[%parallel_loop3A_382, %parallel_loop3A_383, %parallel_loop3A_384] {strides = array<i32>} : memref<2x32x128xf32, #tpu.memory_space<vmem>>, vector<16xf32>,
      tpu.vector_store %arg12[%parallel_loop3A_382, %parallel_loop3A_383, %parallel_loop3A_384], %parallel_loop3A_219 {strides = array<i32>} : memref<2x32x128xf32, #tpu.memory_space<vmem>>, vector<16xf32>,
      %parallel_loop3A_386 = arith.constant 1 : i32
      %parallel_loop3A_387 = arith.constant 19 : i32
      %parallel_loop3A_388 = arith.index_cast %parallel_loop3A_386 : i32 to index
      %parallel_loop3A_389 = arith.index_cast %parallel_loop3A_387 : i32 to index
      %parallel_loop3A_390 = arith.index_cast %parallel_loop3A_131 : i32 to index
      %parallel_loop3A_391 = tpu.vector_load %arg12[%parallel_loop3A_388, %parallel_loop3A_389, %parallel_loop3A_390] {strides = array<i32>} : memref<2x32x128xf32, #tpu.memory_space<vmem>>, vector<16xf32>,
      tpu.vector_store %arg12[%parallel_loop3A_388, %parallel_loop3A_389, %parallel_loop3A_390], %parallel_loop3A_223 {strides = array<i32>} : memref<2x32x128xf32, #tpu.memory_space<vmem>>, vector<16xf32>,
      %parallel_loop3A_392 = arith.constant 1 : i32
      %parallel_loop3A_393 = arith.constant 20 : i32
      %parallel_loop3A_394 = arith.index_cast %parallel_loop3A_392 : i32 to index
      %parallel_loop3A_395 = arith.index_cast %parallel_loop3A_393 : i32 to index
      %parallel_loop3A_396 = arith.index_cast %parallel_loop3A_131 : i32 to index
      %parallel_loop3A_397 = tpu.vector_load %arg12[%parallel_loop3A_394, %parallel_loop3A_395, %parallel_loop3A_396] {strides = array<i32>} : memref<2x32x128xf32, #tpu.memory_space<vmem>>, vector<16xf32>,
      tpu.vector_store %arg12[%parallel_loop3A_394, %parallel_loop3A_395, %parallel_loop3A_396], %parallel_loop3A_227 {strides = array<i32>} : memref<2x32x128xf32, #tpu.memory_space<vmem>>, vector<16xf32>,
      %parallel_loop3A_398 = arith.constant 1 : i32
      %parallel_loop3A_399 = arith.constant 21 : i32
      %parallel_loop3A_400 = arith.index_cast %parallel_loop3A_398 : i32 to index
      %parallel_loop3A_401 = arith.index_cast %parallel_loop3A_399 : i32 to index
      %parallel_loop3A_402 = arith.index_cast %parallel_loop3A_131 : i32 to index
      %parallel_loop3A_403 = tpu.vector_load %arg12[%parallel_loop3A_400, %parallel_loop3A_401, %parallel_loop3A_402] {strides = array<i32>} : memref<2x32x128xf32, #tpu.memory_space<vmem>>, vector<16xf32>,
      tpu.vector_store %arg12[%parallel_loop3A_400, %parallel_loop3A_401, %parallel_loop3A_402], %parallel_loop3A_231 {strides = array<i32>} : memref<2x32x128xf32, #tpu.memory_space<vmem>>, vector<16xf32>,
      %parallel_loop3A_404 = arith.constant 1 : i32
      %parallel_loop3A_405 = arith.constant 22 : i32
      %parallel_loop3A_406 = arith.index_cast %parallel_loop3A_404 : i32 to index
      %parallel_loop3A_407 = arith.index_cast %parallel_loop3A_405 : i32 to index
      %parallel_loop3A_408 = arith.index_cast %parallel_loop3A_131 : i32 to index
      %parallel_loop3A_409 = tpu.vector_load %arg12[%parallel_loop3A_406, %parallel_loop3A_407, %parallel_loop3A_408] {strides = array<i32>} : memref<2x32x128xf32, #tpu.memory_space<vmem>>, vector<16xf32>,
      tpu.vector_store %arg12[%parallel_loop3A_406, %parallel_loop3A_407, %parallel_loop3A_408], %parallel_loop3A_235 {strides = array<i32>} : memref<2x32x128xf32, #tpu.memory_space<vmem>>, vector<16xf32>,
      %parallel_loop3A_410 = arith.constant 1 : i32
      %parallel_loop3A_411 = arith.constant 23 : i32
      %parallel_loop3A_412 = arith.index_cast %parallel_loop3A_410 : i32 to index
      %parallel_loop3A_413 = arith.index_cast %parallel_loop3A_411 : i32 to index
      %parallel_loop3A_414 = arith.index_cast %parallel_loop3A_131 : i32 to index
      %parallel_loop3A_415 = tpu.vector_load %arg12[%parallel_loop3A_412, %parallel_loop3A_413, %parallel_loop3A_414] {strides = array<i32>} : memref<2x32x128xf32, #tpu.memory_space<vmem>>, vector<16xf32>,
      tpu.vector_store %arg12[%parallel_loop3A_412, %parallel_loop3A_413, %parallel_loop3A_414], %parallel_loop3A_239 {strides = array<i32>} : memref<2x32x128xf32, #tpu.memory_space<vmem>>, vector<16xf32>,
      %parallel_loop3A_416 = arith.constant 1 : i32
      %parallel_loop3A_417 = arith.constant 24 : i32
      %parallel_loop3A_418 = arith.index_cast %parallel_loop3A_416 : i32 to index
      %parallel_loop3A_419 = arith.index_cast %parallel_loop3A_417 : i32 to index
      %parallel_loop3A_420 = arith.index_cast %parallel_loop3A_131 : i32 to index
      %parallel_loop3A_421 = tpu.vector_load %arg12[%parallel_loop3A_418, %parallel_loop3A_419, %parallel_loop3A_420] {strides = array<i32>} : memref<2x32x128xf32, #tpu.memory_space<vmem>>, vector<16xf32>,
      tpu.vector_store %arg12[%parallel_loop3A_418, %parallel_loop3A_419, %parallel_loop3A_420], %parallel_loop3A_243 {strides = array<i32>} : memref<2x32x128xf32, #tpu.memory_space<vmem>>, vector<16xf32>,
      %parallel_loop3A_422 = arith.constant 1 : i32
      %parallel_loop3A_423 = arith.constant 25 : i32
      %parallel_loop3A_424 = arith.index_cast %parallel_loop3A_422 : i32 to index
      %parallel_loop3A_425 = arith.index_cast %parallel_loop3A_423 : i32 to index
      %parallel_loop3A_426 = arith.index_cast %parallel_loop3A_131 : i32 to index
      %parallel_loop3A_427 = tpu.vector_load %arg12[%parallel_loop3A_424, %parallel_loop3A_425, %parallel_loop3A_426] {strides = array<i32>} : memref<2x32x128xf32, #tpu.memory_space<vmem>>, vector<16xf32>,
      tpu.vector_store %arg12[%parallel_loop3A_424, %parallel_loop3A_425, %parallel_loop3A_426], %parallel_loop3A_247 {strides = array<i32>} : memref<2x32x128xf32, #tpu.memory_space<vmem>>, vector<16xf32>,
      %parallel_loop3A_428 = arith.constant 1 : i32
      %parallel_loop3A_429 = arith.constant 26 : i32
      %parallel_loop3A_430 = arith.index_cast %parallel_loop3A_428 : i32 to index
      %parallel_loop3A_431 = arith.index_cast %parallel_loop3A_429 : i32 to index
      %parallel_loop3A_432 = arith.index_cast %parallel_loop3A_131 : i32 to index
      %parallel_loop3A_433 = tpu.vector_load %arg12[%parallel_loop3A_430, %parallel_loop3A_431, %parallel_loop3A_432] {strides = array<i32>} : memref<2x32x128xf32, #tpu.memory_space<vmem>>, vector<16xf32>,
      tpu.vector_store %arg12[%parallel_loop3A_430, %parallel_loop3A_431, %parallel_loop3A_432], %parallel_loop3A_251 {strides = array<i32>} : memref<2x32x128xf32, #tpu.memory_space<vmem>>, vector<16xf32>,
      %parallel_loop3A_434 = arith.constant 1 : i32
      %parallel_loop3A_435 = arith.constant 27 : i32
      %parallel_loop3A_436 = arith.index_cast %parallel_loop3A_434 : i32 to index
      %parallel_loop3A_437 = arith.index_cast %parallel_loop3A_435 : i32 to index
      %parallel_loop3A_438 = arith.index_cast %parallel_loop3A_131 : i32 to index
      %parallel_loop3A_439 = tpu.vector_load %arg12[%parallel_loop3A_436, %parallel_loop3A_437, %parallel_loop3A_438] {strides = array<i32>} : memref<2x32x128xf32, #tpu.memory_space<vmem>>, vector<16xf32>,
      tpu.vector_store %arg12[%parallel_loop3A_436, %parallel_loop3A_437, %parallel_loop3A_438], %parallel_loop3A_255 {strides = array<i32>} : memref<2x32x128xf32, #tpu.memory_space<vmem>>, vector<16xf32>,
      %parallel_loop3A_440 = arith.constant 1 : i32
      %parallel_loop3A_441 = arith.constant 28 : i32
      %parallel_loop3A_442 = arith.index_cast %parallel_loop3A_440 : i32 to index
      %parallel_loop3A_443 = arith.index_cast %parallel_loop3A_441 : i32 to index
      %parallel_loop3A_444 = arith.index_cast %parallel_loop3A_131 : i32 to index
      %parallel_loop3A_445 = tpu.vector_load %arg12[%parallel_loop3A_442, %parallel_loop3A_443, %parallel_loop3A_444] {strides = array<i32>} : memref<2x32x128xf32, #tpu.memory_space<vmem>>, vector<16xf32>,
      tpu.vector_store %arg12[%parallel_loop3A_442, %parallel_loop3A_443, %parallel_loop3A_444], %parallel_loop3A_259 {strides = array<i32>} : memref<2x32x128xf32, #tpu.memory_space<vmem>>, vector<16xf32>,
      %parallel_loop3A_446 = arith.constant 1 : i32
      %parallel_loop3A_447 = arith.constant 29 : i32
      %parallel_loop3A_448 = arith.index_cast %parallel_loop3A_446 : i32 to index
      %parallel_loop3A_449 = arith.index_cast %parallel_loop3A_447 : i32 to index
      %parallel_loop3A_450 = arith.index_cast %parallel_loop3A_131 : i32 to index
      %parallel_loop3A_451 = tpu.vector_load %arg12[%parallel_loop3A_448, %parallel_loop3A_449, %parallel_loop3A_450] {strides = array<i32>} : memref<2x32x128xf32, #tpu.memory_space<vmem>>, vector<16xf32>,
      tpu.vector_store %arg12[%parallel_loop3A_448, %parallel_loop3A_449, %parallel_loop3A_450], %parallel_loop3A_263 {strides = array<i32>} : memref<2x32x128xf32, #tpu.memory_space<vmem>>, vector<16xf32>,
      %parallel_loop3A_452 = arith.constant 1 : i32
      %parallel_loop3A_453 = arith.constant 30 : i32
      %parallel_loop3A_454 = arith.index_cast %parallel_loop3A_452 : i32 to index
      %parallel_loop3A_455 = arith.index_cast %parallel_loop3A_453 : i32 to index
      %parallel_loop3A_456 = arith.index_cast %parallel_loop3A_131 : i32 to index
      %parallel_loop3A_457 = tpu.vector_load %arg12[%parallel_loop3A_454, %parallel_loop3A_455, %parallel_loop3A_456] {strides = array<i32>} : memref<2x32x128xf32, #tpu.memory_space<vmem>>, vector<16xf32>,
      tpu.vector_store %arg12[%parallel_loop3A_454, %parallel_loop3A_455, %parallel_loop3A_456], %parallel_loop3A_267 {strides = array<i32>} : memref<2x32x128xf32, #tpu.memory_space<vmem>>, vector<16xf32>,
      %parallel_loop3A_458 = arith.constant 1 : i32
      %parallel_loop3A_459 = arith.constant 31 : i32
      %parallel_loop3A_460 = arith.index_cast %parallel_loop3A_458 : i32 to index
      %parallel_loop3A_461 = arith.index_cast %parallel_loop3A_459 : i32 to index
      %parallel_loop3A_462 = arith.index_cast %parallel_loop3A_131 : i32 to index
      %parallel_loop3A_463 = tpu.vector_load %arg12[%parallel_loop3A_460, %parallel_loop3A_461, %parallel_loop3A_462] {strides = array<i32>} : memref<2x32x128xf32, #tpu.memory_space<vmem>>, vector<16xf32>,
      tpu.vector_store %arg12[%parallel_loop3A_460, %parallel_loop3A_461, %parallel_loop3A_462], %parallel_loop3A_271 {strides = array<i32>} : memref<2x32x128xf32, #tpu.memory_space<vmem>>, vector<16xf32>,
    } {sc.loop_unroll_factor = 4 : i64, sc.parallel_access}
    %dma_start3A_111 = arith.constant 198 : i32
    %dma_start3A_112 = arith.constant 0 : i32
    %dma_start3A_113 = tpu.memref_slice %arg5[%dma_start3A_111, %dma_start3A_112, %mul3A_2] : memref<200x32x4096xf32, #tpu.memory_space<hbm>> -> memref<2x32x128xf32, #tpu.memory_space<hbm>>
    %dma_start3A_114 = arith.constant 198 : i32
    %dma_start3A_115 = arith.constant 0 : i32
    %dma_start3A_116 = tpu.memref_slice %arg5[%dma_start3A_114, %dma_start3A_115, %mul3A_2] : memref<200x32x4096xf32, #tpu.memory_space<hbm>> -> memref<2x32x128xf32, #tpu.memory_space<hbm>>
    tpu.enqueue_dma source(%arg12 : memref<2x32x128xf32, #tpu.memory_space<vmem>>) target(%dma_start3A_116 : memref<2x32x128xf32, #tpu.memory_space<hbm>>) target_semaphore(%arg15 : memref<!tpu.dma_semaphore, #tpu.memory_space<semaphore_mem>>)
    %dma_wait3A_117 = arith.constant 0 : i32
    %dma_wait3A_118 = arith.constant 0 : i32
    %dma_wait3A_119 = tpu.memref_slice %arg5[%dma_wait3A_117, %dma_wait3A_118, %mul3A_2] : memref<200x32x4096xf32, #tpu.memory_space<hbm>> -> memref<2x32x128xf32, #tpu.memory_space<hbm>>
    %dma_wait3A_120 = arith.constant 0 : i32
    %dma_wait3A_121 = arith.constant 0 : i32
    %dma_wait3A_122 = tpu.memref_slice %arg5[%dma_wait3A_120, %dma_wait3A_121, %mul3A_2] : memref<200x32x4096xf32, #tpu.memory_space<hbm>> -> memref<2x32x128xf32, #tpu.memory_space<hbm>>
    tpu.wait_dma2 semaphore(%arg14 : memref<!tpu.dma_semaphore, #tpu.memory_space<semaphore_mem>>) src(%arg11 : memref<2x32x128xf32, #tpu.memory_space<vmem>>) dst(%dma_wait3A_122 : memref<2x32x128xf32, #tpu.memory_space<hbm>>)
    %dma_wait3A_123 = arith.constant 0 : i32
    %dma_wait3A_124 = arith.constant 0 : i32
    %dma_wait3A_125 = tpu.memref_slice %arg5[%dma_wait3A_123, %dma_wait3A_124, %mul3A_2] : memref<200x32x4096xf32, #tpu.memory_space<hbm>> -> memref<2x32x128xf32, #tpu.memory_space<hbm>>
    %dma_wait3A_126 = arith.constant 0 : i32
    %dma_wait3A_127 = arith.constant 0 : i32
    %dma_wait3A_128 = tpu.memref_slice %arg5[%dma_wait3A_126, %dma_wait3A_127, %mul3A_2] : memref<200x32x4096xf32, #tpu.memory_space<hbm>> -> memref<2x32x128xf32, #tpu.memory_space<hbm>>
    tpu.wait_dma2 semaphore(%arg15 : memref<!tpu.dma_semaphore, #tpu.memory_space<semaphore_mem>>) src(%arg12 : memref<2x32x128xf32, #tpu.memory_space<vmem>>) dst(%dma_wait3A_128 : memref<2x32x128xf32, #tpu.memory_space<hbm>>)
    return
  }
}

</mosaic_0001>

<sc_bundles>
// kernel: kernel.3.cloned.1.call-start
scs
__scs_entry_jumppad:
0x0: {  	(pc) =	sbr.rel $0x88, $3  }
0x1: {  	(tag) =	ssettag $0x0;
	lr =	simm.s32 $0x1  }
0x2: {  	[smem:$0x3F9F] =	sst lr;
	_ =	strace $0xD0000000  }
0x3: {  	_ = 	snop  }
0x4: {  	_ = 	snop  }
0x5: {  	_ = 	snop  }
0x6: {  	_ = 	snop  }
0x7: {  	_ = 	snop  }
__scs_overlays_trampoline_lowered:
0x8: {  	[smem:$0x3FAE] =	sst s0  }
0x9: {  	[smem:$0x3FAF] =	sst s1  }
0xa: {  	[smem:$0x3FB0] =	sst s2  }
0xb: {  	[smem:$0x3FB1] =	sst s3  }
0xc: {  	[smem:$0x3FB2] =	sst s4  }
0xd: {  	[smem:$0x3FB3] =	sst s5  }
0xe: {  	[smem:$0x3FB4] =	sst s6  }
0xf: {  	[smem:$0x3FB5] =	sst s7  }
0x10: {  	[smem:$0x3FB6] =	sst s8  }
0x11: {  	[smem:$0x3FB7] =	sst s9;
	s0 =	simm.s32 @!p0 $0x0  }
0x12: {  	s1 =	sld [smem:$0x3F9D];
	s0 =	simm.s32 @p0 $0x1  }
0x13: {  	[smem:$0x3FB8] =	sst s0;
	s0 =	simm.s32 @!p1 $0x0  }
0x14: {  	s2 =	sld [smem:$0x3F9C];
	s0 =	simm.s32 @p1 $0x1  }
0x15: {  	[smem:$0x3FB9] =	sst s0;
	s0 =	simm.s32 @!p2 $0x0  }
0x16: {  	s3 =	sld [smem:$0x3FDB];
	s0 =	simm.s32 @p2 $0x1  }
0x17: {  	s4 =	simm.s32 $0x1BF5;
	[smem:$0x3FBB] =	sst s0  }
0x18: {  	s0 =	sld [smem:$0x3F9E];
	_ =	swait.ge [sflag:s4], $0x0  }
0x19: {  	s7 =	sld [smem:$0x3F9F]  }
0x1a: {  	s8 =	sadd.s32 $0xFFFFE003, lr  }
0x1b: {  	s9 =	sadd.s32 $0xFFFFFEF7, lr;
	s5 =	simm.s32 $0xFFFFFFFF;
	p2 =	slt.u32 s8, $0xFFFFF086  }
0x1c: {  	p1 =	slt.u32 s9, $0xF7A;
	s5 =	simm.s32 @!p2 $0x0  }
0x1d: {  	s5 =	simm.s32 @p1 $0x1;
	p0 =	seq.s32 s7, s2  }
0x1e: {  	s7 =	smul.u32 @!p0 $0xF7A, s2;
	p2 =	seq.s32 @!p0 s5, $0x0  }
0x1f: {  	s9 =	smul.u32 $0xF7A, s1;
	s8 =	simm.s32 @!p0 $0x1BF5;
	p2 =	por !p2, p0  }
0x20: {  	[sflag:s8] =	ssyncset.s32 @!p0 $0xFFFFF086;
	s6 =	sadd.s32 @!p0 s3, s7;
	s7 =	simm.s32 @!p0 $0x108  }
0x21: {  	s3 =	sadd.s32 s3, s9;
	s6 =	sadd.s32 @!p0 $0x88, s6;
	s7 =	simm.s32 @p2 $0x1082  }
0x22: {  	[simem:s7], [sflag:s8] =	dma.local @!p0 [hbm:s6], $0xF7A  }
0x23: {  	s9 =	sor.u32 $0xD0000000, s2;
	s6 =	simm.s32 $0x108;
	_ =	swait.ge @!p0 [sflag:s8], $0x0  }
0x24: {  	s3 =	sadd.s32 $0x88, s3;
	s6 =	simm.s32 @!p1 $0x1082;
	[sflag:s4] =	ssyncset.s32 $0xFFFFF086  }
0x25: {  	[simem:s6], [sflag:s4] =	dma.local [hbm:s3], $0xF7A  }
0x26: {  	[smem:$0x3F9F] =	sst s1;
	(tag) =	ssettag s2;
	_ =	strace s9  }
0x27: {  	s1 =	sld [smem:$0x3FAF]  }
0x28: {  	s2 =	sld [smem:$0x3FB0]  }
0x29: {  	s4 =	sld [smem:$0x3FB2]  }
0x2a: {  	p0 =	seq.s32 s5, $0x0;
	s5 =	sld [smem:$0x3FB3]  }
0x2b: {  	s6 =	sld [smem:$0x3FB4]  }
0x2c: {  	s7 =	sld [smem:$0x3FB5]  }
0x2d: {  	s3 =	simm.s32 $0x108;
	s8 =	sld [smem:$0x3FB6]  }
0x2e: {  	s3 =	simm.s32 @!p0 $0x1082;
	s9 =	sld [smem:$0x3FB7]  }
0x2f: {  	lr =	sadd.s32 s0, s3;
	s0 =	sld [smem:$0x3FAE]  }
0x30: {  	s3 =	sld [smem:$0x3FB1]  }
0x31: {  	[smem:$0x3FBA] =	sst s10  }
0x32: {  	s10 =	sld [smem:$0x3FB8];
	_ =	sdelay $0x3  }
0x33: {  	p0 =	seq.s32 s10, $0x1;
	s10 =	sld [smem:$0x3FBA];
	_ =	sdelay $0x3  }
0x34: {  	[smem:$0x3FBA] =	sst s10  }
0x35: {  	s10 =	sld [smem:$0x3FB9];
	_ =	sdelay $0x3  }
0x36: {  	p1 =	seq.s32 s10, $0x1;
	s10 =	sld [smem:$0x3FBA];
	_ =	sdelay $0x3  }
0x37: {  	[smem:$0x3FBA] =	sst s10  }
0x38: {  	s10 =	sld [smem:$0x3FBB]  }
0x39: {  	_ = 	snop;
	(pc) =	sbr.ind lr, $3  }
0x3a: {  	_ = 	snop  }
0x3b: {  	_ = 	snop  }
0x3c: {  	p2 =	seq.s32 s10, $0x1;
	s10 =	sld [smem:$0x3FBA]  }
0x3d: {  	_ =	shalt  }
0x3e: {  	_ =	shalt  }
0x3f: {  	_ =	shalt  }
0x40: {  	_ =	shalt  }
0x41: {  	_ =	shalt  }
0x42: {  	_ =	shalt  }
0x43: {  	_ =	shalt  }
0x44: {  	_ =	shalt  }
0x45: {  	_ =	shalt  }
0x46: {  	_ =	shalt  }
0x47: {  	_ =	shalt  }
0x48: {  	_ =	shalt  }
0x49: {  	_ =	shalt  }
0x4a: {  	_ =	shalt  }
0x4b: {  	_ =	shalt  }
0x4c: {  	_ =	shalt  }
0x4d: {  	_ =	shalt  }
0x4e: {  	_ =	shalt  }
0x4f: {  	_ =	shalt  }
0x50: {  	_ =	shalt  }
0x51: {  	_ =	shalt  }
0x52: {  	_ =	shalt  }
0x53: {  	_ =	shalt  }
0x54: {  	_ =	shalt  }
0x55: {  	_ =	shalt  }
0x56: {  	_ =	shalt  }
0x57: {  	_ =	shalt  }
0x58: {  	_ =	shalt  }
0x59: {  	_ =	shalt  }
0x5a: {  	_ =	shalt  }
0x5b: {  	_ =	shalt  }
0x5c: {  	_ =	shalt  }
0x5d: {  	_ =	shalt  }
0x5e: {  	_ =	shalt  }
0x5f: {  	_ =	shalt  }
0x60: {  	_ =	shalt  }
0x61: {  	_ =	shalt  }
0x62: {  	_ =	shalt  }
0x63: {  	_ =	shalt  }
0x64: {  	_ =	shalt  }
0x65: {  	_ =	shalt  }
0x66: {  	_ =	shalt  }
0x67: {  	_ =	shalt  }
0x68: {  	_ =	shalt  }
0x69: {  	_ =	shalt  }
0x6a: {  	_ =	shalt  }
0x6b: {  	_ =	shalt  }
0x6c: {  	_ =	shalt  }
0x6d: {  	_ =	shalt  }
0x6e: {  	_ =	shalt  }
0x6f: {  	_ =	shalt  }
0x70: {  	_ =	shalt  }
0x71: {  	_ =	shalt  }
0x72: {  	_ =	shalt  }
0x73: {  	_ =	shalt  }
0x74: {  	_ =	shalt  }
0x75: {  	_ =	shalt  }
0x76: {  	_ =	shalt  }
0x77: {  	_ =	shalt  }
0x78: {  	_ =	shalt  }
0x79: {  	_ =	shalt  }
0x7a: {  	_ =	shalt  }
0x7b: {  	_ =	shalt  }
0x7c: {  	_ =	shalt  }
0x7d: {  	_ =	shalt  }
0x7e: {  	_ =	shalt  }
0x7f: {  	_ =	shalt  }
0x80: {  	_ =	shalt  }
0x81: {  	_ =	shalt  }
0x82: {  	_ =	shalt  }
0x83: {  	_ =	shalt  }
0x84: {  	_ =	shalt  }
0x85: {  	_ =	shalt  }
0x86: {  	_ =	shalt  }
0x87: {  	_ =	shalt  }
.Lfunc_end0:
.L_simem_size_0:
called_computation_lowered:
.L_overlay_start_0:
0x88: {  	s2 =	sld [smem:$0x3FD9]  }
0x89: {  	s3 =	sld [smem:$0x3FFE];
	_ =	sdelay $0x1  }
0x8a: {  	s1 =	srdreg.scid  }
0x8b: {  	s0 =	sand.u32 $0x1, s1  }
0x8c: {  	s17 =	sshll.u32 s0, $0xA;
	s2 =	sadd.s32 s3, s2  }
0x8d: {  	s2 =	sadd.s32 s2, s17  }
0x8e: {  	[smem:$0x3FC6] =	sst s2  }
0x8f: {  	_ = 	snop  }
0x90: {  	s2 =	sld [smem:$0x3FD0];
	(tm) =	ssettm $0x1  }
0x91: {  	s18 =	sld [smem:$0x3FFB];
	_ =	sdelay $0x3  }
0x92: {  	_ =	strace s18  }
0x93: {  	s3 =	sld [smem:$0x3FFC];
	_ =	sdelay $0x3  }
0x94: {  	_ =	strace s3  }
0x95: {  	s3 =	sld [smem:$0x3FFD];
	_ =	sdelay $0x3  }
0x96: {  	_ =	strace s3  }
0x97: {  	_ =	strace $0x8FFFFFFF  }
0x98: {  	s19 =	sld [smem:$0x3FDB];
	_ =	sdelay $0x1  }
0x99: {  	s4 =	simm.s32 $_scs_section_size  }
0x9a: {  	s5 =	simm.s32 $_size__tile_overlayer_lowered;
	s6 =	simm.s32 $_tile_overlayer_lowered  }
0x9b: {  	s22 =	simm.s32 $0x1BFF;
	s21 =	sshll.u32 s6, $0x1;
	s3 =	sadd.s32 s4, s19  }
0x9c: {  	s7 =	simm.s32 $0x0;
	s20 =	sshll.u32 s5, $0x1;
	s5 =	sadd.s32 s21, s3  }
0x9d: {  	[timem:s7], [sflag:s22] =	dma.local [hbm:s5], s20  }
0x9e: {  	_ =	swait.ge [sflag:s22], s20  }
0x9f: {  	s4 =	ssub.s32 $0x0, s20;
	[sflag:s22] =	ssyncset.done $0x0  }
0xa0: {  	[sflag:s22] =	ssyncadd.s32 s4;
	_ =	sdelay $0x1  }
0xa1: {  	s23 =	simm.s32 $0x1B8B  }
0xa2: {  	_ =	swait.ge [sflag:s23], $0x1  }
0xa3: {  	[sflag:s23] =	ssyncset.done $0x0  }
0xa4: {  	s25 =	simm.s32 $0x1B8E;
	s24 =	sld [smem:$0x3FFE];
	[sflag:s23] =	ssyncadd.s32 $0xFFFFFFFF  }
0xa5: {  	s26 =	simm.s32 $execute0_lowered;
	[smem:$0x3FD2] =	sst s25  }
0xa6: {  	s5 =	sshll.u32 s26, $0x1;
	_ =	strace $0x80000046;
	[dreg:$0x1] =	wrdreg $0xFFFFFFFF  }
0xa7: {  	s28 =	simm.s32 $_size_execute0_lowered;
	s3 =	sadd.s32 s3, s5;
	[dreg:$0x0] =	wrdreg $0x0  }
0xa8: {  	s5 =	sshll.u32 s28, $0x1;
	[dreg:$0x2] =	wrdreg s3  }
0xa9: {  	[dreg:$0x3] =	wrdreg s5  }
0xaa: {  	[dreg:$0x4] =	wrdreg $0xC0  }
0xab: {  	_ =	task [dreg:s7], $0x5FFFF  }
0xac: {  	[dreg:$0x1] =	wrdreg $0xFFFFFFFF  }
0xad: {  	[dreg:$0x0] =	wrdreg $0x60  }
0xae: {  	[dreg:$0x2] =	wrdreg s24  }
0xaf: {  	[dreg:$0x3] =	wrdreg s2  }
0xb0: {  	[dreg:$0x4] =	wrdreg $0x9  }
0xb1: {  	_ =	task.clear_ibuf [dreg:s7], $0x5FFFF;
	_ =	strace $0x90000046  }
0xb2: {  	s29 =	simm.s32 $0x9;
	_ =	strace $0x80000048  }
0xb3: {  	_ =	swait.ge [sflag:s29], $0x1  }
0xb4: {  	[sflag:s29] =	ssyncadd.s32 $0xFFFFFFFF  }
0xb5: {  	_ =	strace $0x90000048  }
0xb6: {  	_ =	sfence  }
0xb7: {  	s30 =	sld [smem:$0x0];
	_ =	sdelay $0x2  }
0xb8: {  	s31 =	sshll.u32 s1, $0xD;
	s1 =	sshrl.u32 s1, $0x2  }
0xb9: {  	s3 =	sand.u32 $0x4000, s31;
	s1 =	sadd.s32 s1, s30  }
0xba: {  	s0 =	sor.u32 s3, s0;
	s1 =	sshll.u32 s1, $0x11  }
0xbb: {  	s0 =	sor.u32 s1, s0  }
0xbc: {  	s0 =	sadd.s32 $0x8F2B, s0  }
0xbd: {  	[sflag:s0] =	ssyncadd.remote.s32 $0x1  }
0xbe: {  	_ =	sfence.sel $0xFFFF  }
0xbf: {  	[dreg:$0x0] =	wrdreg $0xFFFFFFFF;
	(pc) =	sbr.abs _section_cstart, $3  }
0xc0: {  	[dreg:$0x1] =	wrdreg $0xFFFFFFFF  }
0xc1: {  	_ =	task.clear_ibuf [dreg:s7], $0x2FFFF;
	_ =	strace $0x9FFFFFFF  }
0xc2: {  	(tm) =	ssettm $0x7FFFFFFF  }
0xc3: {  	_ =	shalt  }
tec
execute0_lowered:
.L_overlay_start_1:
0x0: {  	(tag) =	ssettag $0x1  }
0x1: {  	s0 =	srdreg.scid;
	s2 =	stileid.u32  }
0x2: {  	s1 =	rddreg [dreg:$0x0];
	s12 =	simm.s32 $0x4;
	s13 =	simm.s32 $0x6400  }
0x3: {  	s14 =	simm.s32 $0x14800;
	s15 =	simm.s32 $0x16800;
	s16 =	simm.s32 $0x80  }
0x4: {  	s17 =	simm.s32 $0xC800;
	s18 =	simm.s32 $0x2;
	s19 =	simm.s32 $0x10800  }
0x5: {  	s20 =	simm.s32 $0x1;
	s21 =	simm.s32 $0x400;
	s22 =	simm.s32 $0x8000  }
0x6: {  	s23 =	simm.s32 $0x3;
	s25 =	simm.s32 $0xC700;
	s26 =	simm.s32 $0xC780  }
0x7: {  	s28 =	simm.s32 $0x0;
	s0 =	sand.u32 $0x1, s0;
	s3 =	sshll.u32 s2, $0x1  }
0x8: {  	s2 =	rddreg [dreg:$0x1];
	s6 =	sor.u32 s0, s3;
	s3 =	simm.s32 $0x0  }
0x9: {  	s0 =	ssub.s32 $0x2, s0;
	s4 =	smul.u32 $0xC80, s6;
	[smem:$0x7FF] =	sst s3  }
0xa: {  	s5 =	sshll.u32 s6, $0xA;
	s8 =	sshrl.u32 s0, $0x1;
	s9 =	sshll.u32 s6, $0x7  }
0xb: {  	_ =	strace $0x80000047;
	s0 =	ssub.s32 s0, s8;
	s10 =	sadd.s32 s9, s2  }
0xc: {  	s7 =	sadd.s32 s4, s1;
	s4 =	sadd.s32 $0xF74E00, s1;
	s1 =	sadd.s32 s5, s1  }
0xd: {  	v0 =	vlaneseq.u32;
	s9 =	sadd.s32 $0x310000, s10;
	s10 =	sadd.s32 $0x318000, s10;
	s11 =	smax.u32 s0, $0x1  }
0xe: {  	v0 =	vmul.u32 $0x80, v0;
	s6 =	sadd.s32 $0xA00, s7;
	s7 =	sadd.s32 $0x19A00, s7;
	s8 =	sadd.s32 $0x32A00, s1  }
.LBB2_1:
0xf: {  	[tilespmem:s3], [sflag:$0x4] =	stream.linear.gather [hbm4b:s6+s3], $0x6400, $0x38;
	[tilespmem:$0x18800] =	vst v63  }
0x10: {  	_ =	swait.ge [sflag:s12], $0x6400  }
0x11: {  	[sflag:s12] =	ssyncset.done $0x0  }
0x12: {  	[sflag:s12] =	ssyncadd.s32 $0xFFFF9C00  }
0x13: {  	[tilespmem:s13], [sflag:$0x4] =	stream.linear.gather [hbm4b:s7+s3], $0x6400, $0x38;
	[tilespmem:$0x18800] =	vst v63  }
0x14: {  	_ =	swait.ge [sflag:s12], $0x6400  }
0x15: {  	[sflag:s12] =	ssyncset.done $0x0  }
0x16: {  	[sflag:s12] =	ssyncadd.s32 $0xFFFF9C00  }
0x17: {  	[hbm4b:s8+s3] =	stream.linear.scatter [tilespmem:s14], [sflag:$0x2], $0x2000, $0x38;
	[tilespmem:$0x18800] =	vst v63  }
0x18: {  	_ = 	snop  }
0x19: {  	[hbm4b:s8+s3] =	stream.linear.scatter [tilespmem:s15], [sflag:$0x3], $0x2000, $0x38;
	[tilespmem:$0x18800] =	vst v63  }
0x1a: {  	s29 =	simm.s32 $0x0  }
0x1b: {  	[tilespmem:s17], [sflag:$0x1] =	stream.indirect.gather [hbm4b:s4+s16], $0x80, s13, s16, $0xb8;
	[tilespmem:$0x18800] =	vst v63  }
.LBB2_2:
0x1c: {  	_ =	swait.ge [sflag:s18], $0x2000  }
0x1d: {  	s30 =	sshll.u32 s29, $0x9;
	[sflag:s18] =	ssyncset.done $0x0  }
0x1e: {  	s0 =	sadd.s32 $0x6480, s30;
	v1 =	vmov s30;
	[sflag:s18] =	ssyncadd.s32 $0xFFFFE000  }
0x1f: {  	[tilespmem:s19], [sflag:$0x1] =	stream.indirect.gather [hbm4b:s4+s16], $0x80, s0, s16, $0xb8;
	[tilespmem:$0x18800] =	vst v63  }
0x20: {  	_ =	swait.ge [sflag:s20], $0x4000  }
0x21: {  	s31 =	simm.s32 $0x0;
	[sflag:s20] =	ssyncset.done $0x0  }
0x22: {  	p0 =	por $0x1, $0x1;
	s1 =	sor.u32 $0x80, s30;
	[sflag:s20] =	ssyncadd.s32 $0xFFFFC000  }
.LBB2_3:
0x23: {  	v2 =	vld.idx.msk [tilespmem:v1+s31+$0x0 ss:$0x1], $0xffff;
	_ =	sdelay $0x3  }
0x24: {  	v3 =	vmov s31  }
0x25: {  	v3 =	vshll.u32 v3, $0x7;
	v2 =	vshll.u32 v2, $0x5  }
0x26: {  	v3 =	vor.u32 v0, v3;
	v2 =	vand.u32 $0x60, v2  }
0x27: {  	v2 =	vor.u32 v3, v2  }
0x28: {  	v3 =	vor.u32 $0x1, v2  }
0x29: {  	s0 =	sor.u32 $0x10, s31;
	v4 =	vor.u32 $0x2, v2  }
0x2a: {  	s24 =	sor.u32 $0x20, s31;
	v29 =	vld.idx.msk [tilespmem:v1+s0+$0x0 ss:$0x1], $0xffff;
	v5 =	vor.u32 $0x3, v2  }
0x2b: {  	v61 =	vld.idx.msk [tilespmem:v1+s24+$0x0 ss:$0x1], $0xffff;
	v6 =	vor.u32 $0x4, v2  }
0x2c: {  	v8 =	vor.u32 $0x5, v2;
	v7 =	vld.idx.msk [tilespmem:v2+s17+$0x0], $0xffff  }
0x2d: {  	v9 =	vor.u32 $0x6, v2;
	v3 =	vld.idx.msk [tilespmem:v3+s17+$0x0], $0xffff  }
0x2e: {  	v10 =	vor.u32 $0x7, v2;
	v4 =	vld.idx.msk [tilespmem:v4+s17+$0x0], $0xffff  }
0x2f: {  	v11 =	vor.u32 $0x8, v2;
	v5 =	vld.idx.msk [tilespmem:v5+s17+$0x0], $0xffff  }
0x30: {  	v12 =	vor.u32 $0x9, v2;
	v6 =	vld.idx.msk [tilespmem:v6+s17+$0x0], $0xffff  }
0x31: {  	v13 =	vor.u32 $0xA, v2;
	v8 =	vld.idx.msk [tilespmem:v8+s17+$0x0], $0xffff  }
0x32: {  	v14 =	vor.u32 $0xB, v2;
	v9 =	vld.idx.msk [tilespmem:v9+s17+$0x0], $0xffff  }
0x33: {  	v15 =	vor.u32 $0xC, v2;
	v10 =	vld.idx.msk [tilespmem:v10+s17+$0x0], $0xffff  }
0x34: {  	v16 =	vor.u32 $0xD, v2;
	v11 =	vld.idx.msk [tilespmem:v11+s17+$0x0], $0xffff  }
0x35: {  	v17 =	vor.u32 $0xE, v2;
	v12 =	vld.idx.msk [tilespmem:v12+s17+$0x0], $0xffff  }
0x36: {  	v18 =	vor.u32 $0xF, v2;
	v13 =	vld.idx.msk [tilespmem:v13+s17+$0x0], $0xffff  }
0x37: {  	v19 =	vor.u32 $0x10, v2;
	v14 =	vld.idx.msk [tilespmem:v14+s17+$0x0], $0xffff  }
0x38: {  	v20 =	vor.u32 $0x11, v2;
	v15 =	vld.idx.msk [tilespmem:v15+s17+$0x0], $0xffff  }
0x39: {  	v21 =	vor.u32 $0x12, v2;
	v16 =	vld.idx.msk [tilespmem:v16+s17+$0x0], $0xffff  }
0x3a: {  	v22 =	vor.u32 $0x13, v2;
	v17 =	vld.idx.msk [tilespmem:v17+s17+$0x0], $0xffff  }
0x3b: {  	v23 =	vor.u32 $0x14, v2;
	v18 =	vld.idx.msk [tilespmem:v18+s17+$0x0], $0xffff  }
0x3c: {  	v24 =	vor.u32 $0x15, v2;
	v19 =	vld.idx.msk [tilespmem:v19+s17+$0x0], $0xffff  }
0x3d: {  	v25 =	vor.u32 $0x16, v2;
	v20 =	vld.idx.msk [tilespmem:v20+s17+$0x0], $0xffff  }
0x3e: {  	v26 =	vor.u32 $0x17, v2;
	v21 =	vld.idx.msk [tilespmem:v21+s17+$0x0], $0xffff  }
0x3f: {  	v27 =	vor.u32 $0x18, v2;
	v22 =	vld.idx.msk [tilespmem:v22+s17+$0x0], $0xffff  }
0x40: {  	v28 =	vor.u32 $0x19, v2;
	v23 =	vld.idx.msk [tilespmem:v23+s17+$0x0], $0xffff  }
0x41: {  	v30 =	vor.u32 $0x1A, v2;
	v24 =	vld.idx.msk [tilespmem:v24+s17+$0x0], $0xffff  }
0x42: {  	v31 =	vor.u32 $0x1B, v2;
	v25 =	vld.idx.msk [tilespmem:v25+s17+$0x0], $0xffff  }
0x43: {  	v34 =	vmov s0;
	v32 =	vor.u32 $0x1C, v2;
	v26 =	vld.idx.msk [tilespmem:v26+s17+$0x0], $0xffff  }
0x44: {  	v34 =	vshll.u32 v34, $0x7;
	v29 =	vshll.u32 v29, $0x5;
	v33 =	vor.u32 $0x1D, v2;
	v27 =	vld.idx.msk [tilespmem:v27+s17+$0x0], $0xffff  }
0x45: {  	v34 =	vor.u32 v0, v34;
	v29 =	vand.u32 $0x60, v29;
	v35 =	vor.u32 $0x1E, v2;
	v28 =	vld.idx.msk [tilespmem:v28+s17+$0x0], $0xffff  }
0x46: {  	v29 =	vor.u32 v34, v29;
	v30 =	vld.idx.msk [tilespmem:v30+s17+$0x0], $0xffff  }
0x47: {  	v2 =	vor.u32 $0x1F, v2;
	v31 =	vld.idx.msk [tilespmem:v31+s17+$0x0], $0xffff  }
0x48: {  	v34 =	vor.u32 $0x1, v29;
	v32 =	vld.idx.msk [tilespmem:v32+s17+$0x0], $0xffff  }
0x49: {  	v36 =	vor.u32 $0x2, v29;
	v33 =	vld.idx.msk [tilespmem:v33+s17+$0x0], $0xffff  }
0x4a: {  	v37 =	vor.u32 $0x3, v29;
	v35 =	vld.idx.msk [tilespmem:v35+s17+$0x0], $0xffff  }
0x4b: {  	v38 =	vor.u32 $0x4, v29;
	v39 =	vld.idx.msk [tilespmem:v29+s17+$0x0], $0xffff  }
0x4c: {  	v40 =	vor.u32 $0x5, v29;
	v2 =	vld.idx.msk [tilespmem:v2+s17+$0x0], $0xffff;
	[tilespmem:s31+$0x14800] =	vst v7  }
0x4d: {  	v41 =	vor.u32 $0x6, v29;
	v34 =	vld.idx.msk [tilespmem:v34+s17+$0x0], $0xffff;
	[tilespmem:s31+$0x14880] =	vst v3  }
0x4e: {  	v62 =	vor.u32 $0x7, v29;
	v7 =	vld.idx.msk [tilespmem:v36+s17+$0x0], $0xffff;
	[tilespmem:s31+$0x14900] =	vst v4  }
0x4f: {  	v63 =	vor.u32 $0x8, v29;
	v3 =	vld.idx.msk [tilespmem:v37+s17+$0x0], $0xffff;
	[tilespmem:s31+$0x14980] =	vst v5  }
0x50: {  	v44 =	vor.u32 $0x9, v29;
	v4 =	vld.idx.msk [tilespmem:v38+s17+$0x0], $0xffff;
	[tilespmem:s31+$0x14A00] =	vst v6  }
0x51: {  	v45 =	vor.u32 $0xA, v29;
	v5 =	vld.idx.msk [tilespmem:v40+s17+$0x0], $0xffff;
	[tilespmem:s31+$0x14A80] =	vst v8  }
0x52: {  	v46 =	vor.u32 $0xB, v29;
	v6 =	vld.idx.msk [tilespmem:v41+s17+$0x0], $0xffff;
	[tilespmem:s31+$0x14B00] =	vst v9  }
0x53: {  	v47 =	vor.u32 $0xC, v29;
	v8 =	vld.idx.msk [tilespmem:v62+s17+$0x0], $0xffff;
	[tilespmem:s31+$0x14B80] =	vst v10  }
0x54: {  	v48 =	vor.u32 $0xD, v29;
	v9 =	vld.idx.msk [tilespmem:v63+s17+$0x0], $0xffff;
	[tilespmem:s31+$0x14C00] =	vst v11  }
0x55: {  	v49 =	vor.u32 $0xE, v29;
	v10 =	vld.idx.msk [tilespmem:v44+s17+$0x0], $0xffff;
	[tilespmem:s31+$0x14C80] =	vst v12  }
0x56: {  	v50 =	vor.u32 $0xF, v29;
	v11 =	vld.idx.msk [tilespmem:v45+s17+$0x0], $0xffff;
	[tilespmem:s31+$0x14D00] =	vst v13  }
0x57: {  	v51 =	vor.u32 $0x10, v29;
	v12 =	vld.idx.msk [tilespmem:v46+s17+$0x0], $0xffff;
	[tilespmem:s31+$0x14D80] =	vst v14  }
0x58: {  	v52 =	vor.u32 $0x11, v29;
	v13 =	vld.idx.msk [tilespmem:v47+s17+$0x0], $0xffff;
	[tilespmem:s31+$0x14E00] =	vst v15  }
0x59: {  	v53 =	vor.u32 $0x12, v29;
	v14 =	vld.idx.msk [tilespmem:v48+s17+$0x0], $0xffff;
	[tilespmem:s31+$0x14E80] =	vst v16  }
0x5a: {  	v54 =	vor.u32 $0x13, v29;
	v15 =	vld.idx.msk [tilespmem:v49+s17+$0x0], $0xffff;
	[tilespmem:s31+$0x14F00] =	vst v17  }
0x5b: {  	v55 =	vor.u32 $0x14, v29;
	v16 =	vld.idx.msk [tilespmem:v50+s17+$0x0], $0xffff;
	[tilespmem:s31+$0x14F80] =	vst v18  }
0x5c: {  	v56 =	vor.u32 $0x15, v29;
	v17 =	vld.idx.msk [tilespmem:v51+s17+$0x0], $0xffff;
	[tilespmem:s31+$0x15000] =	vst v19  }
0x5d: {  	v57 =	vor.u32 $0x16, v29;
	v18 =	vld.idx.msk [tilespmem:v52+s17+$0x0], $0xffff;
	[tilespmem:s31+$0x15080] =	vst v20  }
0x5e: {  	v58 =	vor.u32 $0x17, v29;
	v19 =	vld.idx.msk [tilespmem:v53+s17+$0x0], $0xffff;
	[tilespmem:s31+$0x15100] =	vst v21  }
0x5f: {  	v59 =	vor.u32 $0x18, v29;
	v20 =	vld.idx.msk [tilespmem:v54+s17+$0x0], $0xffff;
	[tilespmem:s31+$0x15180] =	vst v22  }
0x60: {  	v60 =	vor.u32 $0x19, v29;
	v21 =	vld.idx.msk [tilespmem:v55+s17+$0x0], $0xffff;
	[tilespmem:s31+$0x15200] =	vst v23  }
0x61: {  	v23 =	vld.idx.msk [tilespmem:v56+s17+$0x0], $0xffff;
	v62 =	vor.u32 $0x1A, v29;
	[tilespmem:s31+$0x15280] =	vst v24  }
0x62: {  	v24 =	vld.idx.msk [tilespmem:v57+s17+$0x0], $0xffff;
	v63 =	vor.u32 $0x1B, v29;
	[tilespmem:s31+$0x15300] =	vst v25  }
0x63: {  	v25 =	vld.idx.msk [tilespmem:v58+s17+$0x0], $0xffff;
	v45 =	vor.u32 $0x1C, v29;
	[tilespmem:s31+$0x15380] =	vst v26  }
0x64: {  	v42 =	vmov s24;
	v26 =	vld.idx.msk [tilespmem:v59+s17+$0x0], $0xffff;
	v46 =	vor.u32 $0x1D, v29;
	[tilespmem:s31+$0x15400] =	vst v27  }
0x65: {  	v42 =	vshll.u32 v42, $0x7;
	v22 =	vld.idx.msk [tilespmem:v60+s17+$0x0], $0xffff;
	v47 =	vor.u32 $0x1E, v29;
	v41 =	vshll.u32 v61, $0x5;
	[tilespmem:s31+$0x15480] =	vst v28  }
0x66: {  	v29 =	vor.u32 $0x1F, v29;
	v49 =	vor.u32 v0, v42;
	[tilespmem:s31+$0x15500] =	vst v30;
	v48 =	vand.u32 $0x60, v41;
	v28 =	vld.idx.msk [tilespmem:v62+s17+$0x0], $0xffff  }
0x67: {  	[tilespmem:s31+$0x15580] =	vst v31;
	v36 =	vor.u32 v49, v48;
	v30 =	vld.idx.msk [tilespmem:v63+s17+$0x0], $0xffff  }
0x68: {  	[tilespmem:s31+$0x15600] =	vst v32;
	v50 =	vor.u32 $0x1, v36;
	v31 =	vld.idx.msk [tilespmem:v45+s17+$0x0], $0xffff  }
0x69: {  	[tilespmem:s31+$0x15680] =	vst v33;
	v51 =	vor.u32 $0x2, v36;
	v32 =	vld.idx.msk [tilespmem:v46+s17+$0x0], $0xffff  }
0x6a: {  	[tilespmem:s31+$0x15700] =	vst v35;
	v52 =	vor.u32 $0x3, v36;
	v27 =	vld.idx.msk [tilespmem:v47+s17+$0x0], $0xffff  }
0x6b: {  	v53 =	vor.u32 $0x4, v36;
	[tilespmem:s31+$0x15780] =	vst v2;
	v29 =	vld.idx.msk [tilespmem:v29+s17+$0x0], $0xffff  }
0x6c: {  	v54 =	vor.u32 $0x5, v36;
	[tilespmem:s31+$0x14810] =	vst v39;
	v2 =	vld.idx.msk [tilespmem:v36+s17+$0x0], $0xffff  }
0x6d: {  	v55 =	vor.u32 $0x6, v36;
	[tilespmem:s31+$0x14890] =	vst v34;
	v37 =	vld.idx.msk [tilespmem:v50+s17+$0x0], $0xffff  }
0x6e: {  	v56 =	vor.u32 $0x7, v36;
	[tilespmem:s31+$0x14910] =	vst v7;
	v34 =	vld.idx.msk [tilespmem:v51+s17+$0x0], $0xffff  }
0x6f: {  	v57 =	vor.u32 $0x8, v36;
	[tilespmem:s31+$0x14990] =	vst v3;
	v7 =	vld.idx.msk [tilespmem:v52+s17+$0x0], $0xffff  }
0x70: {  	v58 =	vor.u32 $0x9, v36;
	[tilespmem:s31+$0x14A10] =	vst v4;
	v3 =	vld.idx.msk [tilespmem:v53+s17+$0x0], $0xffff  }
0x71: {  	v59 =	vor.u32 $0xA, v36;
	[tilespmem:s31+$0x14A90] =	vst v5;
	v4 =	vld.idx.msk [tilespmem:v54+s17+$0x0], $0xffff  }
0x72: {  	v60 =	vor.u32 $0xB, v36;
	[tilespmem:s31+$0x14B10] =	vst v6;
	v5 =	vld.idx.msk [tilespmem:v55+s17+$0x0], $0xffff  }
0x73: {  	v61 =	vor.u32 $0xC, v36;
	[tilespmem:s31+$0x14B90] =	vst v8;
	v6 =	vld.idx.msk [tilespmem:v56+s17+$0x0], $0xffff  }
0x74: {  	v44 =	vor.u32 $0xF, v36;
	[tilespmem:s31+$0x14C10] =	vst v9;
	v8 =	vld.idx.msk [tilespmem:v57+s17+$0x0], $0xffff  }
0x75: {  	v48 =	vor.u32 $0x13, v36;
	[tilespmem:s31+$0x14C90] =	vst v10;
	v9 =	vld.idx.msk [tilespmem:v58+s17+$0x0], $0xffff  }
0x76: {  	v49 =	vor.u32 $0x14, v36;
	[tilespmem:s31+$0x14D10] =	vst v11;
	v10 =	vld.idx.msk [tilespmem:v59+s17+$0x0], $0xffff  }
0x77: {  	[tilespmem:s31+$0x14D90] =	vst v12;
	v11 =	vld.idx.msk [tilespmem:v60+s17+$0x0], $0xffff  }
0x78: {  	v62 =	vor.u32 $0xD, v36;
	[tilespmem:s31+$0x14E10] =	vst v13;
	v12 =	vld.idx.msk [tilespmem:v61+s17+$0x0], $0xffff  }
0x79: {  	v63 =	vor.u32 $0xE, v36;
	[tilespmem:s31+$0x14F10] =	vst v15;
	v15 =	vld.idx.msk [tilespmem:v44+s17+$0x0], $0xffff  }
0x7a: {  	v45 =	vor.u32 $0x10, v36;
	[tilespmem:s31+$0x15110] =	vst v19;
	v19 =	vld.idx.msk [tilespmem:v48+s17+$0x0], $0xffff  }
0x7b: {  	s24 =	sor.u32 $0x30, s31;
	v46 =	vor.u32 $0x11, v36;
	[tilespmem:s31+$0x15190] =	vst v20;
	v20 =	vld.idx.msk [tilespmem:v49+s17+$0x0], $0xffff  }
0x7c: {  	v47 =	vor.u32 $0x12, v36;
	[tilespmem:s31+$0x14E90] =	vst v14;
	v55 =	vld.idx.msk [tilespmem:v1+s24+$0x0 ss:$0x1], $0xffff  }
0x7d: {  	[tilespmem:s31+$0x14F90] =	vst v16;
	v50 =	vor.u32 $0x15, v36;
	v13 =	vld.idx.msk [tilespmem:v62+s17+$0x0], $0xffff  }
0x7e: {  	[tilespmem:s31+$0x15010] =	vst v17;
	v51 =	vor.u32 $0x16, v36;
	v14 =	vld.idx.msk [tilespmem:v63+s17+$0x0], $0xffff  }
0x7f: {  	[tilespmem:s31+$0x15090] =	vst v18;
	v52 =	vor.u32 $0x17, v36;
	v16 =	vld.idx.msk [tilespmem:v45+s17+$0x0], $0xffff  }
0x80: {  	[tilespmem:s31+$0x15210] =	vst v21;
	v53 =	vor.u32 $0x18, v36;
	v17 =	vld.idx.msk [tilespmem:v46+s17+$0x0], $0xffff  }
0x81: {  	[tilespmem:s31+$0x15290] =	vst v23;
	v54 =	vor.u32 $0x19, v36;
	v18 =	vld.idx.msk [tilespmem:v47+s17+$0x0], $0xffff  }
0x82: {  	[tilespmem:s31+$0x15310] =	vst v24;
	v56 =	vor.u32 $0x1A, v36;
	v23 =	vld.idx.msk [tilespmem:v50+s17+$0x0], $0xffff  }
0x83: {  	[tilespmem:s31+$0x15390] =	vst v25;
	v57 =	vor.u32 $0x1B, v36;
	v24 =	vld.idx.msk [tilespmem:v51+s17+$0x0], $0xffff  }
0x84: {  	[tilespmem:s31+$0x15410] =	vst v26;
	v58 =	vor.u32 $0x1C, v36;
	v25 =	vld.idx.msk [tilespmem:v52+s17+$0x0], $0xffff  }
0x85: {  	[tilespmem:s31+$0x15490] =	vst v22;
	v59 =	vor.u32 $0x1D, v36;
	v60 =	vmov s24;
	v26 =	vld.idx.msk [tilespmem:v53+s17+$0x0], $0xffff  }
0x86: {  	v61 =	vor.u32 $0x1E, v36;
	v41 =	vshll.u32 v60, $0x7;
	[tilespmem:s31+$0x15510] =	vst v28;
	v21 =	vld.idx.msk [tilespmem:v54+s17+$0x0], $0xffff;
	v40 =	vshll.u32 v55, $0x5  }
0x87: {  	v36 =	vor.u32 $0x1F, v36;
	v63 =	vor.u32 v0, v41;
	[tilespmem:s31+$0x15590] =	vst v30;
	v28 =	vld.idx.msk [tilespmem:v56+s17+$0x0], $0xffff;
	v62 =	vand.u32 $0x60, v40  }
0x88: {  	[tilespmem:s31+$0x15610] =	vst v31;
	v30 =	vld.idx.msk [tilespmem:v57+s17+$0x0], $0xffff;
	v33 =	vor.u32 v63, v62  }
0x89: {  	[tilespmem:s31+$0x15690] =	vst v32;
	v31 =	vld.idx.msk [tilespmem:v58+s17+$0x0], $0xffff;
	v44 =	vor.u32 $0x1, v33  }
0x8a: {  	[tilespmem:s31+$0x15710] =	vst v27;
	v32 =	vld.idx.msk [tilespmem:v59+s17+$0x0], $0xffff;
	v38 =	vor.u32 $0x2, v33  }
0x8b: {  	[tilespmem:s31+$0x15790] =	vst v29;
	v22 =	vld.idx.msk [tilespmem:v61+s17+$0x0], $0xffff;
	v45 =	vor.u32 $0x3, v33  }
0x8c: {  	v29 =	vld.idx.msk [tilespmem:v36+s17+$0x0], $0xffff;
	[tilespmem:s31+$0x14820] =	vst v2;
	v46 =	vor.u32 $0x4, v33  }
0x8d: {  	[tilespmem:s31+$0x148A0] =	vst v37;
	v47 =	vor.u32 $0x5, v33;
	v2 =	vld.idx.msk [tilespmem:v33+s17+$0x0], $0xffff  }
0x8e: {  	[tilespmem:s31+$0x14920] =	vst v34;
	v48 =	vor.u32 $0x6, v33;
	v35 =	vld.idx.msk [tilespmem:v44+s17+$0x0], $0xffff  }
0x8f: {  	[tilespmem:s31+$0x149A0] =	vst v7;
	v49 =	vor.u32 $0x7, v33;
	v34 =	vld.idx.msk [tilespmem:v38+s17+$0x0], $0xffff  }
0x90: {  	[tilespmem:s31+$0x14A20] =	vst v3;
	v50 =	vor.u32 $0x8, v33;
	v7 =	vld.idx.msk [tilespmem:v45+s17+$0x0], $0xffff  }
0x91: {  	[tilespmem:s31+$0x14AA0] =	vst v4;
	v51 =	vor.u32 $0x9, v33;
	v3 =	vld.idx.msk [tilespmem:v46+s17+$0x0], $0xffff  }
0x92: {  	[tilespmem:s31+$0x14B20] =	vst v5;
	v52 =	vor.u32 $0xA, v33;
	v4 =	vld.idx.msk [tilespmem:v47+s17+$0x0], $0xffff  }
0x93: {  	[tilespmem:s31+$0x14BA0] =	vst v6;
	v53 =	vor.u32 $0xB, v33;
	v5 =	vld.idx.msk [tilespmem:v48+s17+$0x0], $0xffff  }
0x94: {  	[tilespmem:s31+$0x14C20] =	vst v8;
	v54 =	vor.u32 $0xC, v33;
	v6 =	vld.idx.msk [tilespmem:v49+s17+$0x0], $0xffff  }
0x95: {  	[tilespmem:s31+$0x14CA0] =	vst v9;
	v55 =	vor.u32 $0xD, v33;
	v8 =	vld.idx.msk [tilespmem:v50+s17+$0x0], $0xffff  }
0x96: {  	[tilespmem:s31+$0x14D20] =	vst v10;
	v56 =	vor.u32 $0xE, v33;
	v9 =	vld.idx.msk [tilespmem:v51+s17+$0x0], $0xffff  }
0x97: {  	[tilespmem:s31+$0x14DA0] =	vst v11;
	v57 =	vor.u32 $0xF, v33;
	v10 =	vld.idx.msk [tilespmem:v52+s17+$0x0], $0xffff  }
0x98: {  	[tilespmem:s31+$0x14E20] =	vst v12;
	v58 =	vor.u32 $0x10, v33;
	v11 =	vld.idx.msk [tilespmem:v53+s17+$0x0], $0xffff  }
0x99: {  	[tilespmem:s31+$0x14FA0] =	vst v15;
	v59 =	vor.u32 $0x11, v33;
	v12 =	vld.idx.msk [tilespmem:v54+s17+$0x0], $0xffff  }
0x9a: {  	[tilespmem:s31+$0x14EA0] =	vst v13;
	v60 =	vor.u32 $0x12, v33;
	v13 =	vld.idx.msk [tilespmem:v55+s17+$0x0], $0xffff  }
0x9b: {  	[tilespmem:s31+$0x14F20] =	vst v14;
	v61 =	vor.u32 $0x13, v33;
	v14 =	vld.idx.msk [tilespmem:v56+s17+$0x0], $0xffff  }
0x9c: {  	[tilespmem:s31+$0x151A0] =	vst v19;
	v62 =	vor.u32 $0x14, v33;
	v15 =	vld.idx.msk [tilespmem:v57+s17+$0x0], $0xffff  }
0x9d: {  	[tilespmem:s31+$0x15020] =	vst v16;
	v63 =	vor.u32 $0x15, v33;
	v16 =	vld.idx.msk [tilespmem:v58+s17+$0x0], $0xffff  }
0x9e: {  	[tilespmem:s31+$0x150A0] =	vst v17;
	v42 =	vor.u32 $0x16, v33;
	v17 =	vld.idx.msk [tilespmem:v59+s17+$0x0], $0xffff  }
0x9f: {  	[tilespmem:s31+$0x15220] =	vst v20;
	v43 =	vld.idx.msk [tilespmem:v60+s17+$0x0], $0xffff;
	v44 =	vor.u32 $0x17, v33  }
0xa0: {  	[tilespmem:s31+$0x15120] =	vst v18;
	v45 =	vld.idx.msk [tilespmem:v61+s17+$0x0], $0xffff;
	v46 =	vor.u32 $0x18, v33  }
0xa1: {  	[tilespmem:s31+$0x152A0] =	vst v23;
	v47 =	vld.idx.msk [tilespmem:v62+s17+$0x0], $0xffff;
	v48 =	vor.u32 $0x19, v33  }
0xa2: {  	[tilespmem:s31+$0x15320] =	vst v24;
	v49 =	vld.idx.msk [tilespmem:v63+s17+$0x0], $0xffff;
	v50 =	vor.u32 $0x1A, v33  }
0xa3: {  	[tilespmem:s31+$0x153A0] =	vst v25;
	v51 =	vld.idx.msk [tilespmem:v42+s17+$0x0], $0xffff;
	v52 =	vor.u32 $0x1B, v33  }
0xa4: {  	[tilespmem:s31+$0x15420] =	vst v26;
	v54 =	vor.u32 $0x1C, v33;
	v53 =	vld.idx.msk [tilespmem:v44+s17+$0x0], $0xffff  }
0xa5: {  	[tilespmem:s31+$0x154A0] =	vst v21;
	v56 =	vor.u32 $0x1D, v33;
	v55 =	vld.idx.msk [tilespmem:v46+s17+$0x0], $0xffff  }
0xa6: {  	[tilespmem:s31+$0x15520] =	vst v28;
	v58 =	vor.u32 $0x1E, v33;
	v57 =	vld.idx.msk [tilespmem:v48+s17+$0x0], $0xffff  }
0xa7: {  	[tilespmem:s31+$0x155A0] =	vst v30;
	v33 =	vor.u32 $0x1F, v33;
	v59 =	vld.idx.msk [tilespmem:v50+s17+$0x0], $0xffff  }
0xa8: {  	[tilespmem:s31+$0x15620] =	vst v31;
	v60 =	vld.idx.msk [tilespmem:v52+s17+$0x0], $0xffff  }
0xa9: {  	[tilespmem:s31+$0x156A0] =	vst v32;
	v27 =	vld.idx.msk [tilespmem:v54+s17+$0x0], $0xffff  }
0xaa: {  	[tilespmem:s31+$0x15720] =	vst v22;
	v61 =	vld.idx.msk [tilespmem:v56+s17+$0x0], $0xffff  }
0xab: {  	[tilespmem:s31+$0x157A0] =	vst v29;
	v62 =	vld.idx.msk [tilespmem:v58+s17+$0x0], $0xffff  }
0xac: {  	v63 =	vld.idx.msk [tilespmem:v33+s17+$0x0], $0xffff;
	[tilespmem:s31+$0x14830] =	vst v2  }
0xad: {  	[tilespmem:s31+$0x148B0] =	vst v35  }
0xae: {  	[tilespmem:s31+$0x14930] =	vst v34  }
0xaf: {  	[tilespmem:s31+$0x149B0] =	vst v7  }
0xb0: {  	[tilespmem:s31+$0x14A30] =	vst v3  }
0xb1: {  	[tilespmem:s31+$0x14AB0] =	vst v4  }
0xb2: {  	[tilespmem:s31+$0x14B30] =	vst v5  }
0xb3: {  	[tilespmem:s31+$0x14BB0] =	vst v6  }
0xb4: {  	[tilespmem:s31+$0x14C30] =	vst v8  }
0xb5: {  	[tilespmem:s31+$0x14CB0] =	vst v9  }
0xb6: {  	[tilespmem:s31+$0x14D30] =	vst v10  }
0xb7: {  	[tilespmem:s31+$0x14DB0] =	vst v11  }
0xb8: {  	[tilespmem:s31+$0x14E30] =	vst v12  }
0xb9: {  	[tilespmem:s31+$0x14EB0] =	vst v13  }
0xba: {  	[tilespmem:s31+$0x14F30] =	vst v14  }
0xbb: {  	[tilespmem:s31+$0x14FB0] =	vst v15  }
0xbc: {  	[tilespmem:s31+$0x15030] =	vst v16  }
0xbd: {  	[tilespmem:s31+$0x150B0] =	vst v17  }
0xbe: {  	[tilespmem:s31+$0x15130] =	vst v43  }
0xbf: {  	[tilespmem:s31+$0x151B0] =	vst v45  }
0xc0: {  	[tilespmem:s31+$0x15230] =	vst v47  }
0xc1: {  	[tilespmem:s31+$0x152B0] =	vst v49  }
0xc2: {  	[tilespmem:s31+$0x15330] =	vst v51  }
0xc3: {  	[tilespmem:s31+$0x153B0] =	vst v53  }
0xc4: {  	[tilespmem:s31+$0x15430] =	vst v55  }
0xc5: {  	[tilespmem:s31+$0x154B0] =	vst v57  }
0xc6: {  	p1 =	por p0, p0;
	[tilespmem:s31+$0x15530] =	vst v59  }
.Ltmp0:
0xc7: {  	[tilespmem:s31+$0x155B0] =	vst v60;
	(pc) =	sbr.rel @p1 .LBB2_3-.Ltmp0, $4  }
0xc8: {  	[tilespmem:s31+$0x15630] =	vst v27  }
0xc9: {  	[tilespmem:s31+$0x156B0] =	vst v61  }
0xca: {  	[tilespmem:s31+$0x15730] =	vst v62  }
0xcb: {  	p0 =	por $0x0, $0x0;
	[tilespmem:s31+$0x157B0] =	vst v63;
	s31 =	simm.s32 $0x40  }
0xcc: {  	s31 =	sand.u32 $0x3FFFFE00, s30  }
0xcd: {  	v1 =	vmov s1;
	s0 =	sadd.s32 $0x6500, s31  }
0xce: {  	[tilespmem:s17], [sflag:$0x1] =	stream.indirect.gather [hbm4b:s4+s16], $0x80, s0, s16, $0xb8;
	[tilespmem:$0x18800] =	vst v63  }
0xcf: {  	_ =	swait.ge [sflag:s20], $0x4000  }
0xd0: {  	[sflag:s20] =	ssyncset.done $0x0  }
0xd1: {  	p0 =	por $0x1, $0x1;
	s0 =	simm.s32 $0x0;
	[sflag:s20] =	ssyncadd.s32 $0xFFFFC000  }
.LBB2_5:
0xd2: {  	v2 =	vld.idx.msk [tilespmem:v1+s0+$0x0 ss:$0x1], $0xffff;
	_ =	sdelay $0x3  }
0xd3: {  	v3 =	vmov s0  }
0xd4: {  	v3 =	vshll.u32 v3, $0x7;
	v2 =	vshll.u32 v2, $0x5  }
0xd5: {  	v3 =	vor.u32 v0, v3;
	v2 =	vand.u32 $0x60, v2  }
0xd6: {  	v2 =	vor.u32 v3, v2  }
0xd7: {  	v3 =	vor.u32 $0x1, v2  }
0xd8: {  	s1 =	sor.u32 $0x10, s0;
	v4 =	vor.u32 $0x2, v2  }
0xd9: {  	s24 =	sor.u32 $0x20, s0;
	v29 =	vld.idx.msk [tilespmem:v1+s1+$0x0 ss:$0x1], $0xffff;
	v5 =	vor.u32 $0x3, v2  }
0xda: {  	v61 =	vld.idx.msk [tilespmem:v1+s24+$0x0 ss:$0x1], $0xffff;
	v6 =	vor.u32 $0x4, v2  }
0xdb: {  	v8 =	vor.u32 $0x5, v2;
	v7 =	vld.idx.msk [tilespmem:v2+s19+$0x0], $0xffff  }
0xdc: {  	v9 =	vor.u32 $0x6, v2;
	v3 =	vld.idx.msk [tilespmem:v3+s19+$0x0], $0xffff  }
0xdd: {  	v10 =	vor.u32 $0x7, v2;
	v4 =	vld.idx.msk [tilespmem:v4+s19+$0x0], $0xffff  }
0xde: {  	v11 =	vor.u32 $0x8, v2;
	v5 =	vld.idx.msk [tilespmem:v5+s19+$0x0], $0xffff  }
0xdf: {  	v12 =	vor.u32 $0x9, v2;
	v6 =	vld.idx.msk [tilespmem:v6+s19+$0x0], $0xffff  }
0xe0: {  	v13 =	vor.u32 $0xA, v2;
	v8 =	vld.idx.msk [tilespmem:v8+s19+$0x0], $0xffff  }
0xe1: {  	v14 =	vor.u32 $0xB, v2;
	v9 =	vld.idx.msk [tilespmem:v9+s19+$0x0], $0xffff  }
0xe2: {  	v15 =	vor.u32 $0xC, v2;
	v10 =	vld.idx.msk [tilespmem:v10+s19+$0x0], $0xffff  }
0xe3: {  	v16 =	vor.u32 $0xD, v2;
	v11 =	vld.idx.msk [tilespmem:v11+s19+$0x0], $0xffff  }
0xe4: {  	v17 =	vor.u32 $0xE, v2;
	v12 =	vld.idx.msk [tilespmem:v12+s19+$0x0], $0xffff  }
0xe5: {  	v18 =	vor.u32 $0xF, v2;
	v13 =	vld.idx.msk [tilespmem:v13+s19+$0x0], $0xffff  }
0xe6: {  	v19 =	vor.u32 $0x10, v2;
	v14 =	vld.idx.msk [tilespmem:v14+s19+$0x0], $0xffff  }
0xe7: {  	v20 =	vor.u32 $0x11, v2;
	v15 =	vld.idx.msk [tilespmem:v15+s19+$0x0], $0xffff  }
0xe8: {  	v21 =	vor.u32 $0x12, v2;
	v16 =	vld.idx.msk [tilespmem:v16+s19+$0x0], $0xffff  }
0xe9: {  	v22 =	vor.u32 $0x13, v2;
	v17 =	vld.idx.msk [tilespmem:v17+s19+$0x0], $0xffff  }
0xea: {  	v23 =	vor.u32 $0x14, v2;
	v18 =	vld.idx.msk [tilespmem:v18+s19+$0x0], $0xffff  }
0xeb: {  	v24 =	vor.u32 $0x15, v2;
	v19 =	vld.idx.msk [tilespmem:v19+s19+$0x0], $0xffff  }
0xec: {  	v25 =	vor.u32 $0x16, v2;
	v20 =	vld.idx.msk [tilespmem:v20+s19+$0x0], $0xffff  }
0xed: {  	v26 =	vor.u32 $0x17, v2;
	v21 =	vld.idx.msk [tilespmem:v21+s19+$0x0], $0xffff  }
0xee: {  	v27 =	vor.u32 $0x18, v2;
	v22 =	vld.idx.msk [tilespmem:v22+s19+$0x0], $0xffff  }
0xef: {  	v28 =	vor.u32 $0x19, v2;
	v23 =	vld.idx.msk [tilespmem:v23+s19+$0x0], $0xffff  }
0xf0: {  	v30 =	vor.u32 $0x1A, v2;
	v24 =	vld.idx.msk [tilespmem:v24+s19+$0x0], $0xffff  }
0xf1: {  	v31 =	vor.u32 $0x1B, v2;
	v25 =	vld.idx.msk [tilespmem:v25+s19+$0x0], $0xffff  }
0xf2: {  	v34 =	vmov s1;
	v32 =	vor.u32 $0x1C, v2;
	v26 =	vld.idx.msk [tilespmem:v26+s19+$0x0], $0xffff  }
0xf3: {  	v34 =	vshll.u32 v34, $0x7;
	v29 =	vshll.u32 v29, $0x5;
	v33 =	vor.u32 $0x1D, v2;
	v27 =	vld.idx.msk [tilespmem:v27+s19+$0x0], $0xffff  }
0xf4: {  	v34 =	vor.u32 v0, v34;
	v29 =	vand.u32 $0x60, v29;
	v35 =	vor.u32 $0x1E, v2;
	v28 =	vld.idx.msk [tilespmem:v28+s19+$0x0], $0xffff  }
0xf5: {  	v29 =	vor.u32 v34, v29;
	v30 =	vld.idx.msk [tilespmem:v30+s19+$0x0], $0xffff  }
0xf6: {  	v2 =	vor.u32 $0x1F, v2;
	v31 =	vld.idx.msk [tilespmem:v31+s19+$0x0], $0xffff  }
0xf7: {  	v34 =	vor.u32 $0x1, v29;
	v32 =	vld.idx.msk [tilespmem:v32+s19+$0x0], $0xffff  }
0xf8: {  	v36 =	vor.u32 $0x2, v29;
	v33 =	vld.idx.msk [tilespmem:v33+s19+$0x0], $0xffff  }
0xf9: {  	v37 =	vor.u32 $0x3, v29;
	v35 =	vld.idx.msk [tilespmem:v35+s19+$0x0], $0xffff  }
0xfa: {  	v38 =	vor.u32 $0x4, v29;
	v39 =	vld.idx.msk [tilespmem:v29+s19+$0x0], $0xffff  }
0xfb: {  	v40 =	vor.u32 $0x5, v29;
	v2 =	vld.idx.msk [tilespmem:v2+s19+$0x0], $0xffff;
	[tilespmem:s0+$0x15800] =	vst v7  }
0xfc: {  	v41 =	vor.u32 $0x6, v29;
	v34 =	vld.idx.msk [tilespmem:v34+s19+$0x0], $0xffff;
	[tilespmem:s0+$0x15880] =	vst v3  }
0xfd: {  	v62 =	vor.u32 $0x7, v29;
	v7 =	vld.idx.msk [tilespmem:v36+s19+$0x0], $0xffff;
	[tilespmem:s0+$0x15900] =	vst v4  }
0xfe: {  	v63 =	vor.u32 $0x8, v29;
	v3 =	vld.idx.msk [tilespmem:v37+s19+$0x0], $0xffff;
	[tilespmem:s0+$0x15980] =	vst v5  }
0xff: {  	v44 =	vor.u32 $0x9, v29;
	v4 =	vld.idx.msk [tilespmem:v38+s19+$0x0], $0xffff;
	[tilespmem:s0+$0x15A00] =	vst v6  }
0x100: {  	v45 =	vor.u32 $0xA, v29;
	v5 =	vld.idx.msk [tilespmem:v40+s19+$0x0], $0xffff;
	[tilespmem:s0+$0x15A80] =	vst v8  }
0x101: {  	v46 =	vor.u32 $0xB, v29;
	v6 =	vld.idx.msk [tilespmem:v41+s19+$0x0], $0xffff;
	[tilespmem:s0+$0x15B00] =	vst v9  }
0x102: {  	v47 =	vor.u32 $0xC, v29;
	v8 =	vld.idx.msk [tilespmem:v62+s19+$0x0], $0xffff;
	[tilespmem:s0+$0x15B80] =	vst v10  }
0x103: {  	v48 =	vor.u32 $0xD, v29;
	v9 =	vld.idx.msk [tilespmem:v63+s19+$0x0], $0xffff;
	[tilespmem:s0+$0x15C00] =	vst v11  }
0x104: {  	v49 =	vor.u32 $0xE, v29;
	v10 =	vld.idx.msk [tilespmem:v44+s19+$0x0], $0xffff;
	[tilespmem:s0+$0x15C80] =	vst v12  }
0x105: {  	v50 =	vor.u32 $0xF, v29;
	v11 =	vld.idx.msk [tilespmem:v45+s19+$0x0], $0xffff;
	[tilespmem:s0+$0x15D00] =	vst v13  }
0x106: {  	v51 =	vor.u32 $0x10, v29;
	v12 =	vld.idx.msk [tilespmem:v46+s19+$0x0], $0xffff;
	[tilespmem:s0+$0x15D80] =	vst v14  }
0x107: {  	v52 =	vor.u32 $0x11, v29;
	v13 =	vld.idx.msk [tilespmem:v47+s19+$0x0], $0xffff;
	[tilespmem:s0+$0x15E00] =	vst v15  }
0x108: {  	v53 =	vor.u32 $0x12, v29;
	v14 =	vld.idx.msk [tilespmem:v48+s19+$0x0], $0xffff;
	[tilespmem:s0+$0x15E80] =	vst v16  }
0x109: {  	v54 =	vor.u32 $0x13, v29;
	v15 =	vld.idx.msk [tilespmem:v49+s19+$0x0], $0xffff;
	[tilespmem:s0+$0x15F00] =	vst v17  }
0x10a: {  	v55 =	vor.u32 $0x14, v29;
	v16 =	vld.idx.msk [tilespmem:v50+s19+$0x0], $0xffff;
	[tilespmem:s0+$0x15F80] =	vst v18  }
0x10b: {  	v56 =	vor.u32 $0x15, v29;
	v17 =	vld.idx.msk [tilespmem:v51+s19+$0x0], $0xffff;
	[tilespmem:s0+$0x16000] =	vst v19  }
0x10c: {  	v57 =	vor.u32 $0x16, v29;
	v18 =	vld.idx.msk [tilespmem:v52+s19+$0x0], $0xffff;
	[tilespmem:s0+$0x16080] =	vst v20  }
0x10d: {  	v58 =	vor.u32 $0x17, v29;
	v19 =	vld.idx.msk [tilespmem:v53+s19+$0x0], $0xffff;
	[tilespmem:s0+$0x16100] =	vst v21  }
0x10e: {  	v59 =	vor.u32 $0x18, v29;
	v20 =	vld.idx.msk [tilespmem:v54+s19+$0x0], $0xffff;
	[tilespmem:s0+$0x16180] =	vst v22  }
0x10f: {  	v60 =	vor.u32 $0x19, v29;
	v21 =	vld.idx.msk [tilespmem:v55+s19+$0x0], $0xffff;
	[tilespmem:s0+$0x16200] =	vst v23  }
0x110: {  	v23 =	vld.idx.msk [tilespmem:v56+s19+$0x0], $0xffff;
	v62 =	vor.u32 $0x1A, v29;
	[tilespmem:s0+$0x16280] =	vst v24  }
0x111: {  	v24 =	vld.idx.msk [tilespmem:v57+s19+$0x0], $0xffff;
	v63 =	vor.u32 $0x1B, v29;
	[tilespmem:s0+$0x16300] =	vst v25  }
0x112: {  	v25 =	vld.idx.msk [tilespmem:v58+s19+$0x0], $0xffff;
	v45 =	vor.u32 $0x1C, v29;
	[tilespmem:s0+$0x16380] =	vst v26  }
0x113: {  	v42 =	vmov s24;
	v26 =	vld.idx.msk [tilespmem:v59+s19+$0x0], $0xffff;
	v46 =	vor.u32 $0x1D, v29;
	[tilespmem:s0+$0x16400] =	vst v27  }
0x114: {  	v42 =	vshll.u32 v42, $0x7;
	v22 =	vld.idx.msk [tilespmem:v60+s19+$0x0], $0xffff;
	v47 =	vor.u32 $0x1E, v29;
	v41 =	vshll.u32 v61, $0x5;
	[tilespmem:s0+$0x16480] =	vst v28  }
0x115: {  	v29 =	vor.u32 $0x1F, v29;
	v49 =	vor.u32 v0, v42;
	[tilespmem:s0+$0x16500] =	vst v30;
	v48 =	vand.u32 $0x60, v41;
	v28 =	vld.idx.msk [tilespmem:v62+s19+$0x0], $0xffff  }
0x116: {  	[tilespmem:s0+$0x16580] =	vst v31;
	v36 =	vor.u32 v49, v48;
	v30 =	vld.idx.msk [tilespmem:v63+s19+$0x0], $0xffff  }
0x117: {  	[tilespmem:s0+$0x16600] =	vst v32;
	v50 =	vor.u32 $0x1, v36;
	v31 =	vld.idx.msk [tilespmem:v45+s19+$0x0], $0xffff  }
0x118: {  	[tilespmem:s0+$0x16680] =	vst v33;
	v51 =	vor.u32 $0x2, v36;
	v32 =	vld.idx.msk [tilespmem:v46+s19+$0x0], $0xffff  }
0x119: {  	[tilespmem:s0+$0x16700] =	vst v35;
	v52 =	vor.u32 $0x3, v36;
	v27 =	vld.idx.msk [tilespmem:v47+s19+$0x0], $0xffff  }
0x11a: {  	v53 =	vor.u32 $0x4, v36;
	[tilespmem:s0+$0x16780] =	vst v2;
	v29 =	vld.idx.msk [tilespmem:v29+s19+$0x0], $0xffff  }
0x11b: {  	v54 =	vor.u32 $0x5, v36;
	[tilespmem:s0+$0x15810] =	vst v39;
	v2 =	vld.idx.msk [tilespmem:v36+s19+$0x0], $0xffff  }
0x11c: {  	v55 =	vor.u32 $0x6, v36;
	[tilespmem:s0+$0x15890] =	vst v34;
	v37 =	vld.idx.msk [tilespmem:v50+s19+$0x0], $0xffff  }
0x11d: {  	v56 =	vor.u32 $0x7, v36;
	[tilespmem:s0+$0x15910] =	vst v7;
	v34 =	vld.idx.msk [tilespmem:v51+s19+$0x0], $0xffff  }
0x11e: {  	v57 =	vor.u32 $0x8, v36;
	[tilespmem:s0+$0x15990] =	vst v3;
	v7 =	vld.idx.msk [tilespmem:v52+s19+$0x0], $0xffff  }
0x11f: {  	v58 =	vor.u32 $0x9, v36;
	[tilespmem:s0+$0x15A10] =	vst v4;
	v3 =	vld.idx.msk [tilespmem:v53+s19+$0x0], $0xffff  }
0x120: {  	v59 =	vor.u32 $0xA, v36;
	[tilespmem:s0+$0x15A90] =	vst v5;
	v4 =	vld.idx.msk [tilespmem:v54+s19+$0x0], $0xffff  }
0x121: {  	v60 =	vor.u32 $0xB, v36;
	[tilespmem:s0+$0x15B10] =	vst v6;
	v5 =	vld.idx.msk [tilespmem:v55+s19+$0x0], $0xffff  }
0x122: {  	v61 =	vor.u32 $0xC, v36;
	[tilespmem:s0+$0x15B90] =	vst v8;
	v6 =	vld.idx.msk [tilespmem:v56+s19+$0x0], $0xffff  }
0x123: {  	v44 =	vor.u32 $0xF, v36;
	[tilespmem:s0+$0x15C10] =	vst v9;
	v8 =	vld.idx.msk [tilespmem:v57+s19+$0x0], $0xffff  }
0x124: {  	v48 =	vor.u32 $0x13, v36;
	[tilespmem:s0+$0x15C90] =	vst v10;
	v9 =	vld.idx.msk [tilespmem:v58+s19+$0x0], $0xffff  }
0x125: {  	v49 =	vor.u32 $0x14, v36;
	[tilespmem:s0+$0x15D10] =	vst v11;
	v10 =	vld.idx.msk [tilespmem:v59+s19+$0x0], $0xffff  }
0x126: {  	[tilespmem:s0+$0x15D90] =	vst v12;
	v11 =	vld.idx.msk [tilespmem:v60+s19+$0x0], $0xffff  }
0x127: {  	v62 =	vor.u32 $0xD, v36;
	[tilespmem:s0+$0x15E10] =	vst v13;
	v12 =	vld.idx.msk [tilespmem:v61+s19+$0x0], $0xffff  }
0x128: {  	v63 =	vor.u32 $0xE, v36;
	[tilespmem:s0+$0x15F10] =	vst v15;
	v15 =	vld.idx.msk [tilespmem:v44+s19+$0x0], $0xffff  }
0x129: {  	v45 =	vor.u32 $0x10, v36;
	[tilespmem:s0+$0x16110] =	vst v19;
	v19 =	vld.idx.msk [tilespmem:v48+s19+$0x0], $0xffff  }
0x12a: {  	s24 =	sor.u32 $0x30, s0;
	v46 =	vor.u32 $0x11, v36;
	[tilespmem:s0+$0x16190] =	vst v20;
	v20 =	vld.idx.msk [tilespmem:v49+s19+$0x0], $0xffff  }
0x12b: {  	v47 =	vor.u32 $0x12, v36;
	[tilespmem:s0+$0x15E90] =	vst v14;
	v55 =	vld.idx.msk [tilespmem:v1+s24+$0x0 ss:$0x1], $0xffff  }
0x12c: {  	[tilespmem:s0+$0x15F90] =	vst v16;
	v50 =	vor.u32 $0x15, v36;
	v13 =	vld.idx.msk [tilespmem:v62+s19+$0x0], $0xffff  }
0x12d: {  	[tilespmem:s0+$0x16010] =	vst v17;
	v51 =	vor.u32 $0x16, v36;
	v14 =	vld.idx.msk [tilespmem:v63+s19+$0x0], $0xffff  }
0x12e: {  	[tilespmem:s0+$0x16090] =	vst v18;
	v52 =	vor.u32 $0x17, v36;
	v16 =	vld.idx.msk [tilespmem:v45+s19+$0x0], $0xffff  }
0x12f: {  	[tilespmem:s0+$0x16210] =	vst v21;
	v53 =	vor.u32 $0x18, v36;
	v17 =	vld.idx.msk [tilespmem:v46+s19+$0x0], $0xffff  }
0x130: {  	[tilespmem:s0+$0x16290] =	vst v23;
	v54 =	vor.u32 $0x19, v36;
	v18 =	vld.idx.msk [tilespmem:v47+s19+$0x0], $0xffff  }
0x131: {  	[tilespmem:s0+$0x16310] =	vst v24;
	v56 =	vor.u32 $0x1A, v36;
	v23 =	vld.idx.msk [tilespmem:v50+s19+$0x0], $0xffff  }
0x132: {  	[tilespmem:s0+$0x16390] =	vst v25;
	v57 =	vor.u32 $0x1B, v36;
	v24 =	vld.idx.msk [tilespmem:v51+s19+$0x0], $0xffff  }
0x133: {  	[tilespmem:s0+$0x16410] =	vst v26;
	v58 =	vor.u32 $0x1C, v36;
	v25 =	vld.idx.msk [tilespmem:v52+s19+$0x0], $0xffff  }
0x134: {  	[tilespmem:s0+$0x16490] =	vst v22;
	v59 =	vor.u32 $0x1D, v36;
	v60 =	vmov s24;
	v26 =	vld.idx.msk [tilespmem:v53+s19+$0x0], $0xffff  }
0x135: {  	v61 =	vor.u32 $0x1E, v36;
	v41 =	vshll.u32 v60, $0x7;
	[tilespmem:s0+$0x16510] =	vst v28;
	v21 =	vld.idx.msk [tilespmem:v54+s19+$0x0], $0xffff;
	v40 =	vshll.u32 v55, $0x5  }
0x136: {  	v36 =	vor.u32 $0x1F, v36;
	v63 =	vor.u32 v0, v41;
	[tilespmem:s0+$0x16590] =	vst v30;
	v28 =	vld.idx.msk [tilespmem:v56+s19+$0x0], $0xffff;
	v62 =	vand.u32 $0x60, v40  }
0x137: {  	[tilespmem:s0+$0x16610] =	vst v31;
	v30 =	vld.idx.msk [tilespmem:v57+s19+$0x0], $0xffff;
	v33 =	vor.u32 v63, v62  }
0x138: {  	[tilespmem:s0+$0x16690] =	vst v32;
	v31 =	vld.idx.msk [tilespmem:v58+s19+$0x0], $0xffff;
	v44 =	vor.u32 $0x1, v33  }
0x139: {  	[tilespmem:s0+$0x16710] =	vst v27;
	v32 =	vld.idx.msk [tilespmem:v59+s19+$0x0], $0xffff;
	v38 =	vor.u32 $0x2, v33  }
0x13a: {  	[tilespmem:s0+$0x16790] =	vst v29;
	v22 =	vld.idx.msk [tilespmem:v61+s19+$0x0], $0xffff;
	v45 =	vor.u32 $0x3, v33  }
0x13b: {  	v29 =	vld.idx.msk [tilespmem:v36+s19+$0x0], $0xffff;
	[tilespmem:s0+$0x15820] =	vst v2;
	v46 =	vor.u32 $0x4, v33  }
0x13c: {  	[tilespmem:s0+$0x158A0] =	vst v37;
	v47 =	vor.u32 $0x5, v33;
	v2 =	vld.idx.msk [tilespmem:v33+s19+$0x0], $0xffff  }
0x13d: {  	[tilespmem:s0+$0x15920] =	vst v34;
	v48 =	vor.u32 $0x6, v33;
	v35 =	vld.idx.msk [tilespmem:v44+s19+$0x0], $0xffff  }
0x13e: {  	[tilespmem:s0+$0x159A0] =	vst v7;
	v49 =	vor.u32 $0x7, v33;
	v34 =	vld.idx.msk [tilespmem:v38+s19+$0x0], $0xffff  }
0x13f: {  	[tilespmem:s0+$0x15A20] =	vst v3;
	v50 =	vor.u32 $0x8, v33;
	v7 =	vld.idx.msk [tilespmem:v45+s19+$0x0], $0xffff  }
0x140: {  	[tilespmem:s0+$0x15AA0] =	vst v4;
	v51 =	vor.u32 $0x9, v33;
	v3 =	vld.idx.msk [tilespmem:v46+s19+$0x0], $0xffff  }
0x141: {  	[tilespmem:s0+$0x15B20] =	vst v5;
	v52 =	vor.u32 $0xA, v33;
	v4 =	vld.idx.msk [tilespmem:v47+s19+$0x0], $0xffff  }
0x142: {  	[tilespmem:s0+$0x15BA0] =	vst v6;
	v53 =	vor.u32 $0xB, v33;
	v5 =	vld.idx.msk [tilespmem:v48+s19+$0x0], $0xffff  }
0x143: {  	[tilespmem:s0+$0x15C20] =	vst v8;
	v54 =	vor.u32 $0xC, v33;
	v6 =	vld.idx.msk [tilespmem:v49+s19+$0x0], $0xffff  }
0x144: {  	[tilespmem:s0+$0x15CA0] =	vst v9;
	v55 =	vor.u32 $0xD, v33;
	v8 =	vld.idx.msk [tilespmem:v50+s19+$0x0], $0xffff  }
0x145: {  	[tilespmem:s0+$0x15D20] =	vst v10;
	v56 =	vor.u32 $0xE, v33;
	v9 =	vld.idx.msk [tilespmem:v51+s19+$0x0], $0xffff  }
0x146: {  	[tilespmem:s0+$0x15DA0] =	vst v11;
	v57 =	vor.u32 $0xF, v33;
	v10 =	vld.idx.msk [tilespmem:v52+s19+$0x0], $0xffff  }
0x147: {  	[tilespmem:s0+$0x15E20] =	vst v12;
	v58 =	vor.u32 $0x10, v33;
	v11 =	vld.idx.msk [tilespmem:v53+s19+$0x0], $0xffff  }
0x148: {  	[tilespmem:s0+$0x15FA0] =	vst v15;
	v59 =	vor.u32 $0x11, v33;
	v12 =	vld.idx.msk [tilespmem:v54+s19+$0x0], $0xffff  }
0x149: {  	[tilespmem:s0+$0x15EA0] =	vst v13;
	v60 =	vor.u32 $0x12, v33;
	v13 =	vld.idx.msk [tilespmem:v55+s19+$0x0], $0xffff  }
0x14a: {  	[tilespmem:s0+$0x15F20] =	vst v14;
	v61 =	vor.u32 $0x13, v33;
	v14 =	vld.idx.msk [tilespmem:v56+s19+$0x0], $0xffff  }
0x14b: {  	[tilespmem:s0+$0x161A0] =	vst v19;
	v62 =	vor.u32 $0x14, v33;
	v15 =	vld.idx.msk [tilespmem:v57+s19+$0x0], $0xffff  }
0x14c: {  	[tilespmem:s0+$0x16020] =	vst v16;
	v63 =	vor.u32 $0x15, v33;
	v16 =	vld.idx.msk [tilespmem:v58+s19+$0x0], $0xffff  }
0x14d: {  	[tilespmem:s0+$0x160A0] =	vst v17;
	v42 =	vor.u32 $0x16, v33;
	v17 =	vld.idx.msk [tilespmem:v59+s19+$0x0], $0xffff  }
0x14e: {  	[tilespmem:s0+$0x16220] =	vst v20;
	v43 =	vld.idx.msk [tilespmem:v60+s19+$0x0], $0xffff;
	v44 =	vor.u32 $0x17, v33  }
0x14f: {  	[tilespmem:s0+$0x16120] =	vst v18;
	v45 =	vld.idx.msk [tilespmem:v61+s19+$0x0], $0xffff;
	v46 =	vor.u32 $0x18, v33  }
0x150: {  	[tilespmem:s0+$0x162A0] =	vst v23;
	v47 =	vld.idx.msk [tilespmem:v62+s19+$0x0], $0xffff;
	v48 =	vor.u32 $0x19, v33  }
0x151: {  	[tilespmem:s0+$0x16320] =	vst v24;
	v49 =	vld.idx.msk [tilespmem:v63+s19+$0x0], $0xffff;
	v50 =	vor.u32 $0x1A, v33  }
0x152: {  	[tilespmem:s0+$0x163A0] =	vst v25;
	v51 =	vld.idx.msk [tilespmem:v42+s19+$0x0], $0xffff;
	v52 =	vor.u32 $0x1B, v33  }
0x153: {  	[tilespmem:s0+$0x16420] =	vst v26;
	v54 =	vor.u32 $0x1C, v33;
	v53 =	vld.idx.msk [tilespmem:v44+s19+$0x0], $0xffff  }
0x154: {  	[tilespmem:s0+$0x164A0] =	vst v21;
	v56 =	vor.u32 $0x1D, v33;
	v55 =	vld.idx.msk [tilespmem:v46+s19+$0x0], $0xffff  }
0x155: {  	[tilespmem:s0+$0x16520] =	vst v28;
	v58 =	vor.u32 $0x1E, v33;
	v57 =	vld.idx.msk [tilespmem:v48+s19+$0x0], $0xffff  }
0x156: {  	[tilespmem:s0+$0x165A0] =	vst v30;
	v33 =	vor.u32 $0x1F, v33;
	v59 =	vld.idx.msk [tilespmem:v50+s19+$0x0], $0xffff  }
0x157: {  	[tilespmem:s0+$0x16620] =	vst v31;
	v60 =	vld.idx.msk [tilespmem:v52+s19+$0x0], $0xffff  }
0x158: {  	[tilespmem:s0+$0x166A0] =	vst v32;
	v27 =	vld.idx.msk [tilespmem:v54+s19+$0x0], $0xffff  }
0x159: {  	[tilespmem:s0+$0x16720] =	vst v22;
	v61 =	vld.idx.msk [tilespmem:v56+s19+$0x0], $0xffff  }
0x15a: {  	[tilespmem:s0+$0x167A0] =	vst v29;
	v62 =	vld.idx.msk [tilespmem:v58+s19+$0x0], $0xffff  }
0x15b: {  	v63 =	vld.idx.msk [tilespmem:v33+s19+$0x0], $0xffff;
	[tilespmem:s0+$0x15830] =	vst v2  }
0x15c: {  	[tilespmem:s0+$0x158B0] =	vst v35  }
0x15d: {  	[tilespmem:s0+$0x15930] =	vst v34  }
0x15e: {  	[tilespmem:s0+$0x159B0] =	vst v7  }
0x15f: {  	[tilespmem:s0+$0x15A30] =	vst v3  }
0x160: {  	[tilespmem:s0+$0x15AB0] =	vst v4  }
0x161: {  	[tilespmem:s0+$0x15B30] =	vst v5  }
0x162: {  	[tilespmem:s0+$0x15BB0] =	vst v6  }
0x163: {  	[tilespmem:s0+$0x15C30] =	vst v8  }
0x164: {  	[tilespmem:s0+$0x15CB0] =	vst v9  }
0x165: {  	[tilespmem:s0+$0x15D30] =	vst v10  }
0x166: {  	[tilespmem:s0+$0x15DB0] =	vst v11  }
0x167: {  	[tilespmem:s0+$0x15E30] =	vst v12  }
0x168: {  	[tilespmem:s0+$0x15EB0] =	vst v13  }
0x169: {  	[tilespmem:s0+$0x15F30] =	vst v14  }
0x16a: {  	[tilespmem:s0+$0x15FB0] =	vst v15  }
0x16b: {  	[tilespmem:s0+$0x16030] =	vst v16  }
0x16c: {  	[tilespmem:s0+$0x160B0] =	vst v17  }
0x16d: {  	[tilespmem:s0+$0x16130] =	vst v43  }
0x16e: {  	[tilespmem:s0+$0x161B0] =	vst v45  }
0x16f: {  	[tilespmem:s0+$0x16230] =	vst v47  }
0x170: {  	[tilespmem:s0+$0x162B0] =	vst v49  }
0x171: {  	[tilespmem:s0+$0x16330] =	vst v51  }
0x172: {  	[tilespmem:s0+$0x163B0] =	vst v53  }
0x173: {  	[tilespmem:s0+$0x16430] =	vst v55  }
0x174: {  	[tilespmem:s0+$0x164B0] =	vst v57  }
0x175: {  	p1 =	por p0, p0;
	[tilespmem:s0+$0x16530] =	vst v59  }
.Ltmp1:
0x176: {  	[tilespmem:s0+$0x165B0] =	vst v60;
	(pc) =	sbr.rel @p1 .LBB2_5-.Ltmp1, $4  }
0x177: {  	[tilespmem:s0+$0x16630] =	vst v27  }
0x178: {  	[tilespmem:s0+$0x166B0] =	vst v61  }
0x179: {  	[tilespmem:s0+$0x16730] =	vst v62  }
0x17a: {  	p0 =	por $0x0, $0x0;
	[tilespmem:s0+$0x167B0] =	vst v63;
	s0 =	simm.s32 $0x40  }
0x17b: {  	s0 =	sshll.u32 s29, $0x13  }
0x17c: {  	s0 =	sor.u32 s5, s0  }
0x17d: {  	s0 =	sshrl.u32 s0, $0x3  }
0x17e: {  	s0 =	sadd.s32 s2, s0  }
0x17f: {  	[hbm4b:s0+s21] =	stream.strided.scatter [tilespmem:s14], [sflag:$0x2], $0x2000, s22, s21, $0x38;
	[tilespmem:$0x18800] =	vst v63  }
0x180: {  	_ =	swait.ge [sflag:s23], $0x2000  }
0x181: {  	s1 =	sshll.u32 s29, $0x2;
	[sflag:s23] =	ssyncset.done $0x0  }
0x182: {  	s24 =	sadd.s32 $0x6580, s30;
	s1 =	sor.u32 $0x2, s1;
	[sflag:s23] =	ssyncadd.s32 $0xFFFFE000  }
0x183: {  	[tilespmem:s19], [sflag:$0x1] =	stream.indirect.gather [hbm4b:s4+s16], $0x80, s24, s16, $0xb8;
	[tilespmem:$0x18800] =	vst v63  }
0x184: {  	s24 =	sshll.u32 s1, $0x7  }
0x185: {  	s24 =	sand.u32 $0x3FFFFF00, s24  }
0x186: {  	v1 =	vmov s24;
	_ =	sdelay $0x1  }
0x187: {  	_ =	swait.ge [sflag:s20], $0x4000  }
0x188: {  	s30 =	sor.u32 $0x180, s30;
	[sflag:s20] =	ssyncset.done $0x0  }
0x189: {  	p0 =	por $0x1, $0x1;
	s0 =	simm.s32 $0x0;
	[sflag:s20] =	ssyncadd.s32 $0xFFFFC000  }
.LBB2_7:
0x18a: {  	v2 =	vld.idx.msk [tilespmem:v1+s0+$0x0 ss:$0x1], $0xffff;
	_ =	sdelay $0x3  }
0x18b: {  	v3 =	vmov s0  }
0x18c: {  	v3 =	vshll.u32 v3, $0x7;
	v2 =	vshll.u32 v2, $0x5  }
0x18d: {  	v3 =	vor.u32 v0, v3;
	v2 =	vand.u32 $0x60, v2  }
0x18e: {  	v2 =	vor.u32 v3, v2  }
0x18f: {  	v3 =	vor.u32 $0x1, v2  }
0x190: {  	s24 =	sor.u32 $0x10, s0;
	v4 =	vor.u32 $0x2, v2  }
0x191: {  	v29 =	vld.idx.msk [tilespmem:v1+s24+$0x0 ss:$0x1], $0xffff;
	v34 =	vmov s24;
	s24 =	sor.u32 $0x20, s0;
	v5 =	vor.u32 $0x3, v2  }
0x192: {  	v61 =	vld.idx.msk [tilespmem:v1+s24+$0x0 ss:$0x1], $0xffff;
	v6 =	vor.u32 $0x4, v2  }
0x193: {  	v8 =	vor.u32 $0x5, v2;
	v7 =	vld.idx.msk [tilespmem:v2+s17+$0x0], $0xffff  }
0x194: {  	v9 =	vor.u32 $0x6, v2;
	v3 =	vld.idx.msk [tilespmem:v3+s17+$0x0], $0xffff  }
0x195: {  	v10 =	vor.u32 $0x7, v2;
	v4 =	vld.idx.msk [tilespmem:v4+s17+$0x0], $0xffff  }
0x196: {  	v11 =	vor.u32 $0x8, v2;
	v5 =	vld.idx.msk [tilespmem:v5+s17+$0x0], $0xffff  }
0x197: {  	v12 =	vor.u32 $0x9, v2;
	v6 =	vld.idx.msk [tilespmem:v6+s17+$0x0], $0xffff  }
0x198: {  	v13 =	vor.u32 $0xA, v2;
	v8 =	vld.idx.msk [tilespmem:v8+s17+$0x0], $0xffff  }
0x199: {  	v14 =	vor.u32 $0xB, v2;
	v9 =	vld.idx.msk [tilespmem:v9+s17+$0x0], $0xffff  }
0x19a: {  	v15 =	vor.u32 $0xC, v2;
	v10 =	vld.idx.msk [tilespmem:v10+s17+$0x0], $0xffff  }
0x19b: {  	v16 =	vor.u32 $0xD, v2;
	v11 =	vld.idx.msk [tilespmem:v11+s17+$0x0], $0xffff  }
0x19c: {  	v17 =	vor.u32 $0xE, v2;
	v12 =	vld.idx.msk [tilespmem:v12+s17+$0x0], $0xffff  }
0x19d: {  	v18 =	vor.u32 $0xF, v2;
	v13 =	vld.idx.msk [tilespmem:v13+s17+$0x0], $0xffff  }
0x19e: {  	v19 =	vor.u32 $0x10, v2;
	v14 =	vld.idx.msk [tilespmem:v14+s17+$0x0], $0xffff  }
0x19f: {  	v20 =	vor.u32 $0x11, v2;
	v15 =	vld.idx.msk [tilespmem:v15+s17+$0x0], $0xffff  }
0x1a0: {  	v21 =	vor.u32 $0x12, v2;
	v16 =	vld.idx.msk [tilespmem:v16+s17+$0x0], $0xffff  }
0x1a1: {  	v22 =	vor.u32 $0x13, v2;
	v17 =	vld.idx.msk [tilespmem:v17+s17+$0x0], $0xffff  }
0x1a2: {  	v23 =	vor.u32 $0x14, v2;
	v18 =	vld.idx.msk [tilespmem:v18+s17+$0x0], $0xffff  }
0x1a3: {  	v24 =	vor.u32 $0x15, v2;
	v19 =	vld.idx.msk [tilespmem:v19+s17+$0x0], $0xffff  }
0x1a4: {  	v25 =	vor.u32 $0x16, v2;
	v20 =	vld.idx.msk [tilespmem:v20+s17+$0x0], $0xffff  }
0x1a5: {  	v26 =	vor.u32 $0x17, v2;
	v21 =	vld.idx.msk [tilespmem:v21+s17+$0x0], $0xffff  }
0x1a6: {  	v27 =	vor.u32 $0x18, v2;
	v22 =	vld.idx.msk [tilespmem:v22+s17+$0x0], $0xffff  }
0x1a7: {  	v28 =	vor.u32 $0x19, v2;
	v23 =	vld.idx.msk [tilespmem:v23+s17+$0x0], $0xffff  }
0x1a8: {  	v30 =	vor.u32 $0x1A, v2;
	v24 =	vld.idx.msk [tilespmem:v24+s17+$0x0], $0xffff  }
0x1a9: {  	v31 =	vor.u32 $0x1B, v2;
	v25 =	vld.idx.msk [tilespmem:v25+s17+$0x0], $0xffff  }
0x1aa: {  	v32 =	vor.u32 $0x1C, v2;
	v26 =	vld.idx.msk [tilespmem:v26+s17+$0x0], $0xffff  }
0x1ab: {  	v34 =	vshll.u32 v34, $0x7;
	v29 =	vshll.u32 v29, $0x5;
	v33 =	vor.u32 $0x1D, v2;
	v27 =	vld.idx.msk [tilespmem:v27+s17+$0x0], $0xffff  }
0x1ac: {  	v34 =	vor.u32 v0, v34;
	v29 =	vand.u32 $0x60, v29;
	v35 =	vor.u32 $0x1E, v2;
	v28 =	vld.idx.msk [tilespmem:v28+s17+$0x0], $0xffff  }
0x1ad: {  	v29 =	vor.u32 v34, v29;
	v30 =	vld.idx.msk [tilespmem:v30+s17+$0x0], $0xffff  }
0x1ae: {  	v2 =	vor.u32 $0x1F, v2;
	v31 =	vld.idx.msk [tilespmem:v31+s17+$0x0], $0xffff  }
0x1af: {  	v34 =	vor.u32 $0x1, v29;
	v32 =	vld.idx.msk [tilespmem:v32+s17+$0x0], $0xffff  }
0x1b0: {  	v36 =	vor.u32 $0x2, v29;
	v33 =	vld.idx.msk [tilespmem:v33+s17+$0x0], $0xffff  }
0x1b1: {  	v37 =	vor.u32 $0x3, v29;
	v35 =	vld.idx.msk [tilespmem:v35+s17+$0x0], $0xffff  }
0x1b2: {  	v38 =	vor.u32 $0x4, v29;
	v39 =	vld.idx.msk [tilespmem:v29+s17+$0x0], $0xffff  }
0x1b3: {  	v40 =	vor.u32 $0x5, v29;
	v2 =	vld.idx.msk [tilespmem:v2+s17+$0x0], $0xffff;
	[tilespmem:s0+$0x16800] =	vst v7  }
0x1b4: {  	v41 =	vor.u32 $0x6, v29;
	v34 =	vld.idx.msk [tilespmem:v34+s17+$0x0], $0xffff;
	[tilespmem:s0+$0x16880] =	vst v3  }
0x1b5: {  	v62 =	vor.u32 $0x7, v29;
	v7 =	vld.idx.msk [tilespmem:v36+s17+$0x0], $0xffff;
	[tilespmem:s0+$0x16900] =	vst v4  }
0x1b6: {  	v63 =	vor.u32 $0x8, v29;
	v3 =	vld.idx.msk [tilespmem:v37+s17+$0x0], $0xffff;
	[tilespmem:s0+$0x16980] =	vst v5  }
0x1b7: {  	v44 =	vor.u32 $0x9, v29;
	v4 =	vld.idx.msk [tilespmem:v38+s17+$0x0], $0xffff;
	[tilespmem:s0+$0x16A00] =	vst v6  }
0x1b8: {  	v45 =	vor.u32 $0xA, v29;
	v5 =	vld.idx.msk [tilespmem:v40+s17+$0x0], $0xffff;
	[tilespmem:s0+$0x16A80] =	vst v8  }
0x1b9: {  	v46 =	vor.u32 $0xB, v29;
	v6 =	vld.idx.msk [tilespmem:v41+s17+$0x0], $0xffff;
	[tilespmem:s0+$0x16B00] =	vst v9  }
0x1ba: {  	v47 =	vor.u32 $0xC, v29;
	v8 =	vld.idx.msk [tilespmem:v62+s17+$0x0], $0xffff;
	[tilespmem:s0+$0x16B80] =	vst v10  }
0x1bb: {  	v48 =	vor.u32 $0xD, v29;
	v9 =	vld.idx.msk [tilespmem:v63+s17+$0x0], $0xffff;
	[tilespmem:s0+$0x16C00] =	vst v11  }
0x1bc: {  	v49 =	vor.u32 $0xE, v29;
	v10 =	vld.idx.msk [tilespmem:v44+s17+$0x0], $0xffff;
	[tilespmem:s0+$0x16C80] =	vst v12  }
0x1bd: {  	v50 =	vor.u32 $0xF, v29;
	v11 =	vld.idx.msk [tilespmem:v45+s17+$0x0], $0xffff;
	[tilespmem:s0+$0x16D00] =	vst v13  }
0x1be: {  	v51 =	vor.u32 $0x10, v29;
	v12 =	vld.idx.msk [tilespmem:v46+s17+$0x0], $0xffff;
	[tilespmem:s0+$0x16D80] =	vst v14  }
0x1bf: {  	v52 =	vor.u32 $0x11, v29;
	v13 =	vld.idx.msk [tilespmem:v47+s17+$0x0], $0xffff;
	[tilespmem:s0+$0x16E00] =	vst v15  }
0x1c0: {  	v53 =	vor.u32 $0x12, v29;
	v14 =	vld.idx.msk [tilespmem:v48+s17+$0x0], $0xffff;
	[tilespmem:s0+$0x16E80] =	vst v16  }
0x1c1: {  	v54 =	vor.u32 $0x13, v29;
	v15 =	vld.idx.msk [tilespmem:v49+s17+$0x0], $0xffff;
	[tilespmem:s0+$0x16F00] =	vst v17  }
0x1c2: {  	v55 =	vor.u32 $0x14, v29;
	v16 =	vld.idx.msk [tilespmem:v50+s17+$0x0], $0xffff;
	[tilespmem:s0+$0x16F80] =	vst v18  }
0x1c3: {  	v56 =	vor.u32 $0x15, v29;
	v17 =	vld.idx.msk [tilespmem:v51+s17+$0x0], $0xffff;
	[tilespmem:s0+$0x17000] =	vst v19  }
0x1c4: {  	v57 =	vor.u32 $0x16, v29;
	v18 =	vld.idx.msk [tilespmem:v52+s17+$0x0], $0xffff;
	[tilespmem:s0+$0x17080] =	vst v20  }
0x1c5: {  	v58 =	vor.u32 $0x17, v29;
	v19 =	vld.idx.msk [tilespmem:v53+s17+$0x0], $0xffff;
	[tilespmem:s0+$0x17100] =	vst v21  }
0x1c6: {  	v59 =	vor.u32 $0x18, v29;
	v20 =	vld.idx.msk [tilespmem:v54+s17+$0x0], $0xffff;
	[tilespmem:s0+$0x17180] =	vst v22  }
0x1c7: {  	v60 =	vor.u32 $0x19, v29;
	v21 =	vld.idx.msk [tilespmem:v55+s17+$0x0], $0xffff;
	[tilespmem:s0+$0x17200] =	vst v23  }
0x1c8: {  	v23 =	vld.idx.msk [tilespmem:v56+s17+$0x0], $0xffff;
	v62 =	vor.u32 $0x1A, v29;
	[tilespmem:s0+$0x17280] =	vst v24  }
0x1c9: {  	v24 =	vld.idx.msk [tilespmem:v57+s17+$0x0], $0xffff;
	v63 =	vor.u32 $0x1B, v29;
	[tilespmem:s0+$0x17300] =	vst v25  }
0x1ca: {  	v25 =	vld.idx.msk [tilespmem:v58+s17+$0x0], $0xffff;
	v45 =	vor.u32 $0x1C, v29;
	[tilespmem:s0+$0x17380] =	vst v26  }
0x1cb: {  	v42 =	vmov s24;
	v26 =	vld.idx.msk [tilespmem:v59+s17+$0x0], $0xffff;
	v46 =	vor.u32 $0x1D, v29;
	[tilespmem:s0+$0x17400] =	vst v27  }
0x1cc: {  	v42 =	vshll.u32 v42, $0x7;
	v22 =	vld.idx.msk [tilespmem:v60+s17+$0x0], $0xffff;
	v47 =	vor.u32 $0x1E, v29;
	v41 =	vshll.u32 v61, $0x5;
	[tilespmem:s0+$0x17480] =	vst v28  }
0x1cd: {  	v29 =	vor.u32 $0x1F, v29;
	v49 =	vor.u32 v0, v42;
	[tilespmem:s0+$0x17500] =	vst v30;
	v48 =	vand.u32 $0x60, v41;
	v28 =	vld.idx.msk [tilespmem:v62+s17+$0x0], $0xffff  }
0x1ce: {  	[tilespmem:s0+$0x17580] =	vst v31;
	v36 =	vor.u32 v49, v48;
	v30 =	vld.idx.msk [tilespmem:v63+s17+$0x0], $0xffff  }
0x1cf: {  	[tilespmem:s0+$0x17600] =	vst v32;
	v50 =	vor.u32 $0x1, v36;
	v31 =	vld.idx.msk [tilespmem:v45+s17+$0x0], $0xffff  }
0x1d0: {  	[tilespmem:s0+$0x17680] =	vst v33;
	v51 =	vor.u32 $0x2, v36;
	v32 =	vld.idx.msk [tilespmem:v46+s17+$0x0], $0xffff  }
0x1d1: {  	[tilespmem:s0+$0x17700] =	vst v35;
	v52 =	vor.u32 $0x3, v36;
	v27 =	vld.idx.msk [tilespmem:v47+s17+$0x0], $0xffff  }
0x1d2: {  	v53 =	vor.u32 $0x4, v36;
	[tilespmem:s0+$0x17780] =	vst v2;
	v29 =	vld.idx.msk [tilespmem:v29+s17+$0x0], $0xffff  }
0x1d3: {  	v54 =	vor.u32 $0x5, v36;
	[tilespmem:s0+$0x16810] =	vst v39;
	v2 =	vld.idx.msk [tilespmem:v36+s17+$0x0], $0xffff  }
0x1d4: {  	v55 =	vor.u32 $0x6, v36;
	[tilespmem:s0+$0x16890] =	vst v34;
	v37 =	vld.idx.msk [tilespmem:v50+s17+$0x0], $0xffff  }
0x1d5: {  	v56 =	vor.u32 $0x7, v36;
	[tilespmem:s0+$0x16910] =	vst v7;
	v34 =	vld.idx.msk [tilespmem:v51+s17+$0x0], $0xffff  }
0x1d6: {  	v57 =	vor.u32 $0x8, v36;
	[tilespmem:s0+$0x16990] =	vst v3;
	v7 =	vld.idx.msk [tilespmem:v52+s17+$0x0], $0xffff  }
0x1d7: {  	v58 =	vor.u32 $0x9, v36;
	[tilespmem:s0+$0x16A10] =	vst v4;
	v3 =	vld.idx.msk [tilespmem:v53+s17+$0x0], $0xffff  }
0x1d8: {  	v59 =	vor.u32 $0xA, v36;
	[tilespmem:s0+$0x16A90] =	vst v5;
	v4 =	vld.idx.msk [tilespmem:v54+s17+$0x0], $0xffff  }
0x1d9: {  	v60 =	vor.u32 $0xB, v36;
	[tilespmem:s0+$0x16B10] =	vst v6;
	v5 =	vld.idx.msk [tilespmem:v55+s17+$0x0], $0xffff  }
0x1da: {  	v61 =	vor.u32 $0xC, v36;
	[tilespmem:s0+$0x16B90] =	vst v8;
	v6 =	vld.idx.msk [tilespmem:v56+s17+$0x0], $0xffff  }
0x1db: {  	v44 =	vor.u32 $0xF, v36;
	[tilespmem:s0+$0x16C10] =	vst v9;
	v8 =	vld.idx.msk [tilespmem:v57+s17+$0x0], $0xffff  }
0x1dc: {  	v48 =	vor.u32 $0x13, v36;
	[tilespmem:s0+$0x16C90] =	vst v10;
	v9 =	vld.idx.msk [tilespmem:v58+s17+$0x0], $0xffff  }
0x1dd: {  	v49 =	vor.u32 $0x14, v36;
	[tilespmem:s0+$0x16D10] =	vst v11;
	v10 =	vld.idx.msk [tilespmem:v59+s17+$0x0], $0xffff  }
0x1de: {  	[tilespmem:s0+$0x16D90] =	vst v12;
	v11 =	vld.idx.msk [tilespmem:v60+s17+$0x0], $0xffff  }
0x1df: {  	v62 =	vor.u32 $0xD, v36;
	[tilespmem:s0+$0x16E10] =	vst v13;
	v12 =	vld.idx.msk [tilespmem:v61+s17+$0x0], $0xffff  }
0x1e0: {  	v63 =	vor.u32 $0xE, v36;
	[tilespmem:s0+$0x16F10] =	vst v15;
	v15 =	vld.idx.msk [tilespmem:v44+s17+$0x0], $0xffff  }
0x1e1: {  	v45 =	vor.u32 $0x10, v36;
	[tilespmem:s0+$0x17110] =	vst v19;
	v19 =	vld.idx.msk [tilespmem:v48+s17+$0x0], $0xffff  }
0x1e2: {  	s24 =	sor.u32 $0x30, s0;
	v46 =	vor.u32 $0x11, v36;
	[tilespmem:s0+$0x17190] =	vst v20;
	v20 =	vld.idx.msk [tilespmem:v49+s17+$0x0], $0xffff  }
0x1e3: {  	v47 =	vor.u32 $0x12, v36;
	[tilespmem:s0+$0x16E90] =	vst v14;
	v55 =	vld.idx.msk [tilespmem:v1+s24+$0x0 ss:$0x1], $0xffff  }
0x1e4: {  	[tilespmem:s0+$0x16F90] =	vst v16;
	v50 =	vor.u32 $0x15, v36;
	v13 =	vld.idx.msk [tilespmem:v62+s17+$0x0], $0xffff  }
0x1e5: {  	[tilespmem:s0+$0x17010] =	vst v17;
	v51 =	vor.u32 $0x16, v36;
	v14 =	vld.idx.msk [tilespmem:v63+s17+$0x0], $0xffff  }
0x1e6: {  	[tilespmem:s0+$0x17090] =	vst v18;
	v52 =	vor.u32 $0x17, v36;
	v16 =	vld.idx.msk [tilespmem:v45+s17+$0x0], $0xffff  }
0x1e7: {  	[tilespmem:s0+$0x17210] =	vst v21;
	v53 =	vor.u32 $0x18, v36;
	v17 =	vld.idx.msk [tilespmem:v46+s17+$0x0], $0xffff  }
0x1e8: {  	[tilespmem:s0+$0x17290] =	vst v23;
	v54 =	vor.u32 $0x19, v36;
	v18 =	vld.idx.msk [tilespmem:v47+s17+$0x0], $0xffff  }
0x1e9: {  	[tilespmem:s0+$0x17310] =	vst v24;
	v56 =	vor.u32 $0x1A, v36;
	v23 =	vld.idx.msk [tilespmem:v50+s17+$0x0], $0xffff  }
0x1ea: {  	[tilespmem:s0+$0x17390] =	vst v25;
	v57 =	vor.u32 $0x1B, v36;
	v24 =	vld.idx.msk [tilespmem:v51+s17+$0x0], $0xffff  }
0x1eb: {  	[tilespmem:s0+$0x17410] =	vst v26;
	v58 =	vor.u32 $0x1C, v36;
	v25 =	vld.idx.msk [tilespmem:v52+s17+$0x0], $0xffff  }
0x1ec: {  	[tilespmem:s0+$0x17490] =	vst v22;
	v59 =	vor.u32 $0x1D, v36;
	v60 =	vmov s24;
	v26 =	vld.idx.msk [tilespmem:v53+s17+$0x0], $0xffff  }
0x1ed: {  	v61 =	vor.u32 $0x1E, v36;
	v41 =	vshll.u32 v60, $0x7;
	[tilespmem:s0+$0x17510] =	vst v28;
	v21 =	vld.idx.msk [tilespmem:v54+s17+$0x0], $0xffff;
	v40 =	vshll.u32 v55, $0x5  }
0x1ee: {  	v36 =	vor.u32 $0x1F, v36;
	v63 =	vor.u32 v0, v41;
	[tilespmem:s0+$0x17590] =	vst v30;
	v28 =	vld.idx.msk [tilespmem:v56+s17+$0x0], $0xffff;
	v62 =	vand.u32 $0x60, v40  }
0x1ef: {  	[tilespmem:s0+$0x17610] =	vst v31;
	v30 =	vld.idx.msk [tilespmem:v57+s17+$0x0], $0xffff;
	v33 =	vor.u32 v63, v62  }
0x1f0: {  	[tilespmem:s0+$0x17690] =	vst v32;
	v31 =	vld.idx.msk [tilespmem:v58+s17+$0x0], $0xffff;
	v44 =	vor.u32 $0x1, v33  }
0x1f1: {  	[tilespmem:s0+$0x17710] =	vst v27;
	v32 =	vld.idx.msk [tilespmem:v59+s17+$0x0], $0xffff;
	v38 =	vor.u32 $0x2, v33  }
0x1f2: {  	[tilespmem:s0+$0x17790] =	vst v29;
	v22 =	vld.idx.msk [tilespmem:v61+s17+$0x0], $0xffff;
	v45 =	vor.u32 $0x3, v33  }
0x1f3: {  	v29 =	vld.idx.msk [tilespmem:v36+s17+$0x0], $0xffff;
	[tilespmem:s0+$0x16820] =	vst v2;
	v46 =	vor.u32 $0x4, v33  }
0x1f4: {  	[tilespmem:s0+$0x168A0] =	vst v37;
	v47 =	vor.u32 $0x5, v33;
	v2 =	vld.idx.msk [tilespmem:v33+s17+$0x0], $0xffff  }
0x1f5: {  	[tilespmem:s0+$0x16920] =	vst v34;
	v48 =	vor.u32 $0x6, v33;
	v35 =	vld.idx.msk [tilespmem:v44+s17+$0x0], $0xffff  }
0x1f6: {  	[tilespmem:s0+$0x169A0] =	vst v7;
	v49 =	vor.u32 $0x7, v33;
	v34 =	vld.idx.msk [tilespmem:v38+s17+$0x0], $0xffff  }
0x1f7: {  	[tilespmem:s0+$0x16A20] =	vst v3;
	v50 =	vor.u32 $0x8, v33;
	v7 =	vld.idx.msk [tilespmem:v45+s17+$0x0], $0xffff  }
0x1f8: {  	[tilespmem:s0+$0x16AA0] =	vst v4;
	v51 =	vor.u32 $0x9, v33;
	v3 =	vld.idx.msk [tilespmem:v46+s17+$0x0], $0xffff  }
0x1f9: {  	[tilespmem:s0+$0x16B20] =	vst v5;
	v52 =	vor.u32 $0xA, v33;
	v4 =	vld.idx.msk [tilespmem:v47+s17+$0x0], $0xffff  }
0x1fa: {  	[tilespmem:s0+$0x16BA0] =	vst v6;
	v53 =	vor.u32 $0xB, v33;
	v5 =	vld.idx.msk [tilespmem:v48+s17+$0x0], $0xffff  }
0x1fb: {  	[tilespmem:s0+$0x16C20] =	vst v8;
	v54 =	vor.u32 $0xC, v33;
	v6 =	vld.idx.msk [tilespmem:v49+s17+$0x0], $0xffff  }
0x1fc: {  	[tilespmem:s0+$0x16CA0] =	vst v9;
	v55 =	vor.u32 $0xD, v33;
	v8 =	vld.idx.msk [tilespmem:v50+s17+$0x0], $0xffff  }
0x1fd: {  	[tilespmem:s0+$0x16D20] =	vst v10;
	v56 =	vor.u32 $0xE, v33;
	v9 =	vld.idx.msk [tilespmem:v51+s17+$0x0], $0xffff  }
0x1fe: {  	[tilespmem:s0+$0x16DA0] =	vst v11;
	v57 =	vor.u32 $0xF, v33;
	v10 =	vld.idx.msk [tilespmem:v52+s17+$0x0], $0xffff  }
0x1ff: {  	[tilespmem:s0+$0x16E20] =	vst v12;
	v58 =	vor.u32 $0x10, v33;
	v11 =	vld.idx.msk [tilespmem:v53+s17+$0x0], $0xffff  }
0x200: {  	[tilespmem:s0+$0x16FA0] =	vst v15;
	v59 =	vor.u32 $0x11, v33;
	v12 =	vld.idx.msk [tilespmem:v54+s17+$0x0], $0xffff  }
0x201: {  	[tilespmem:s0+$0x16EA0] =	vst v13;
	v60 =	vor.u32 $0x12, v33;
	v13 =	vld.idx.msk [tilespmem:v55+s17+$0x0], $0xffff  }
0x202: {  	[tilespmem:s0+$0x16F20] =	vst v14;
	v61 =	vor.u32 $0x13, v33;
	v14 =	vld.idx.msk [tilespmem:v56+s17+$0x0], $0xffff  }
0x203: {  	[tilespmem:s0+$0x171A0] =	vst v19;
	v62 =	vor.u32 $0x14, v33;
	v15 =	vld.idx.msk [tilespmem:v57+s17+$0x0], $0xffff  }
0x204: {  	[tilespmem:s0+$0x17020] =	vst v16;
	v63 =	vor.u32 $0x15, v33;
	v16 =	vld.idx.msk [tilespmem:v58+s17+$0x0], $0xffff  }
0x205: {  	[tilespmem:s0+$0x170A0] =	vst v17;
	v42 =	vor.u32 $0x16, v33;
	v17 =	vld.idx.msk [tilespmem:v59+s17+$0x0], $0xffff  }
0x206: {  	[tilespmem:s0+$0x17220] =	vst v20;
	v43 =	vld.idx.msk [tilespmem:v60+s17+$0x0], $0xffff;
	v44 =	vor.u32 $0x17, v33  }
0x207: {  	[tilespmem:s0+$0x17120] =	vst v18;
	v45 =	vld.idx.msk [tilespmem:v61+s17+$0x0], $0xffff;
	v46 =	vor.u32 $0x18, v33  }
0x208: {  	[tilespmem:s0+$0x172A0] =	vst v23;
	v47 =	vld.idx.msk [tilespmem:v62+s17+$0x0], $0xffff;
	v48 =	vor.u32 $0x19, v33  }
0x209: {  	[tilespmem:s0+$0x17320] =	vst v24;
	v49 =	vld.idx.msk [tilespmem:v63+s17+$0x0], $0xffff;
	v50 =	vor.u32 $0x1A, v33  }
0x20a: {  	[tilespmem:s0+$0x173A0] =	vst v25;
	v51 =	vld.idx.msk [tilespmem:v42+s17+$0x0], $0xffff;
	v52 =	vor.u32 $0x1B, v33  }
0x20b: {  	[tilespmem:s0+$0x17420] =	vst v26;
	v54 =	vor.u32 $0x1C, v33;
	v53 =	vld.idx.msk [tilespmem:v44+s17+$0x0], $0xffff  }
0x20c: {  	[tilespmem:s0+$0x174A0] =	vst v21;
	v56 =	vor.u32 $0x1D, v33;
	v55 =	vld.idx.msk [tilespmem:v46+s17+$0x0], $0xffff  }
0x20d: {  	[tilespmem:s0+$0x17520] =	vst v28;
	v58 =	vor.u32 $0x1E, v33;
	v57 =	vld.idx.msk [tilespmem:v48+s17+$0x0], $0xffff  }
0x20e: {  	[tilespmem:s0+$0x175A0] =	vst v30;
	v33 =	vor.u32 $0x1F, v33;
	v59 =	vld.idx.msk [tilespmem:v50+s17+$0x0], $0xffff  }
0x20f: {  	[tilespmem:s0+$0x17620] =	vst v31;
	v60 =	vld.idx.msk [tilespmem:v52+s17+$0x0], $0xffff  }
0x210: {  	[tilespmem:s0+$0x176A0] =	vst v32;
	v27 =	vld.idx.msk [tilespmem:v54+s17+$0x0], $0xffff  }
0x211: {  	[tilespmem:s0+$0x17720] =	vst v22;
	v61 =	vld.idx.msk [tilespmem:v56+s17+$0x0], $0xffff  }
0x212: {  	[tilespmem:s0+$0x177A0] =	vst v29;
	v62 =	vld.idx.msk [tilespmem:v58+s17+$0x0], $0xffff  }
0x213: {  	v63 =	vld.idx.msk [tilespmem:v33+s17+$0x0], $0xffff;
	[tilespmem:s0+$0x16830] =	vst v2  }
0x214: {  	[tilespmem:s0+$0x168B0] =	vst v35  }
0x215: {  	[tilespmem:s0+$0x16930] =	vst v34  }
0x216: {  	[tilespmem:s0+$0x169B0] =	vst v7  }
0x217: {  	[tilespmem:s0+$0x16A30] =	vst v3  }
0x218: {  	[tilespmem:s0+$0x16AB0] =	vst v4  }
0x219: {  	[tilespmem:s0+$0x16B30] =	vst v5  }
0x21a: {  	[tilespmem:s0+$0x16BB0] =	vst v6  }
0x21b: {  	[tilespmem:s0+$0x16C30] =	vst v8  }
0x21c: {  	[tilespmem:s0+$0x16CB0] =	vst v9  }
0x21d: {  	[tilespmem:s0+$0x16D30] =	vst v10  }
0x21e: {  	[tilespmem:s0+$0x16DB0] =	vst v11  }
0x21f: {  	[tilespmem:s0+$0x16E30] =	vst v12  }
0x220: {  	[tilespmem:s0+$0x16EB0] =	vst v13  }
0x221: {  	[tilespmem:s0+$0x16F30] =	vst v14  }
0x222: {  	[tilespmem:s0+$0x16FB0] =	vst v15  }
0x223: {  	[tilespmem:s0+$0x17030] =	vst v16  }
0x224: {  	[tilespmem:s0+$0x170B0] =	vst v17  }
0x225: {  	[tilespmem:s0+$0x17130] =	vst v43  }
0x226: {  	[tilespmem:s0+$0x171B0] =	vst v45  }
0x227: {  	[tilespmem:s0+$0x17230] =	vst v47  }
0x228: {  	[tilespmem:s0+$0x172B0] =	vst v49  }
0x229: {  	[tilespmem:s0+$0x17330] =	vst v51  }
0x22a: {  	[tilespmem:s0+$0x173B0] =	vst v53  }
0x22b: {  	[tilespmem:s0+$0x17430] =	vst v55  }
0x22c: {  	[tilespmem:s0+$0x174B0] =	vst v57  }
0x22d: {  	p1 =	por p0, p0;
	[tilespmem:s0+$0x17530] =	vst v59  }
.Ltmp2:
0x22e: {  	[tilespmem:s0+$0x175B0] =	vst v60;
	(pc) =	sbr.rel @p1 .LBB2_7-.Ltmp2, $4  }
0x22f: {  	[tilespmem:s0+$0x17630] =	vst v27  }
0x230: {  	[tilespmem:s0+$0x176B0] =	vst v61  }
0x231: {  	[tilespmem:s0+$0x17730] =	vst v62  }
0x232: {  	p0 =	por $0x0, $0x0;
	[tilespmem:s0+$0x177B0] =	vst v63;
	s0 =	simm.s32 $0x40  }
0x233: {  	s0 =	sadd.s32 $0x6600, s31;
	v1 =	vmov s30  }
0x234: {  	[tilespmem:s17], [sflag:$0x1] =	stream.indirect.gather [hbm4b:s4+s16], $0x80, s0, s16, $0xb8;
	[tilespmem:$0x18800] =	vst v63  }
0x235: {  	_ =	swait.ge [sflag:s20], $0x4000  }
0x236: {  	[sflag:s20] =	ssyncset.done $0x0  }
0x237: {  	p0 =	por $0x1, $0x1;
	s0 =	simm.s32 $0x0;
	[sflag:s20] =	ssyncadd.s32 $0xFFFFC000  }
.LBB2_9:
0x238: {  	v2 =	vld.idx.msk [tilespmem:v1+s0+$0x0 ss:$0x1], $0xffff;
	_ =	sdelay $0x3  }
0x239: {  	v3 =	vmov s0  }
0x23a: {  	v3 =	vshll.u32 v3, $0x7;
	v2 =	vshll.u32 v2, $0x5  }
0x23b: {  	v3 =	vor.u32 v0, v3;
	v2 =	vand.u32 $0x60, v2  }
0x23c: {  	v2 =	vor.u32 v3, v2  }
0x23d: {  	v3 =	vor.u32 $0x1, v2  }
0x23e: {  	s24 =	sor.u32 $0x10, s0;
	v4 =	vor.u32 $0x2, v2  }
0x23f: {  	s30 =	sor.u32 $0x20, s0;
	v29 =	vld.idx.msk [tilespmem:v1+s24+$0x0 ss:$0x1], $0xffff;
	v5 =	vor.u32 $0x3, v2  }
0x240: {  	v61 =	vld.idx.msk [tilespmem:v1+s30+$0x0 ss:$0x1], $0xffff;
	v6 =	vor.u32 $0x4, v2  }
0x241: {  	v8 =	vor.u32 $0x5, v2;
	v7 =	vld.idx.msk [tilespmem:v2+s19+$0x0], $0xffff  }
0x242: {  	v9 =	vor.u32 $0x6, v2;
	v3 =	vld.idx.msk [tilespmem:v3+s19+$0x0], $0xffff  }
0x243: {  	v10 =	vor.u32 $0x7, v2;
	v4 =	vld.idx.msk [tilespmem:v4+s19+$0x0], $0xffff  }
0x244: {  	v11 =	vor.u32 $0x8, v2;
	v5 =	vld.idx.msk [tilespmem:v5+s19+$0x0], $0xffff  }
0x245: {  	v12 =	vor.u32 $0x9, v2;
	v6 =	vld.idx.msk [tilespmem:v6+s19+$0x0], $0xffff  }
0x246: {  	v13 =	vor.u32 $0xA, v2;
	v8 =	vld.idx.msk [tilespmem:v8+s19+$0x0], $0xffff  }
0x247: {  	v14 =	vor.u32 $0xB, v2;
	v9 =	vld.idx.msk [tilespmem:v9+s19+$0x0], $0xffff  }
0x248: {  	v15 =	vor.u32 $0xC, v2;
	v10 =	vld.idx.msk [tilespmem:v10+s19+$0x0], $0xffff  }
0x249: {  	v16 =	vor.u32 $0xD, v2;
	v11 =	vld.idx.msk [tilespmem:v11+s19+$0x0], $0xffff  }
0x24a: {  	v17 =	vor.u32 $0xE, v2;
	v12 =	vld.idx.msk [tilespmem:v12+s19+$0x0], $0xffff  }
0x24b: {  	v18 =	vor.u32 $0xF, v2;
	v13 =	vld.idx.msk [tilespmem:v13+s19+$0x0], $0xffff  }
0x24c: {  	v19 =	vor.u32 $0x10, v2;
	v14 =	vld.idx.msk [tilespmem:v14+s19+$0x0], $0xffff  }
0x24d: {  	v20 =	vor.u32 $0x11, v2;
	v15 =	vld.idx.msk [tilespmem:v15+s19+$0x0], $0xffff  }
0x24e: {  	v21 =	vor.u32 $0x12, v2;
	v16 =	vld.idx.msk [tilespmem:v16+s19+$0x0], $0xffff  }
0x24f: {  	v22 =	vor.u32 $0x13, v2;
	v17 =	vld.idx.msk [tilespmem:v17+s19+$0x0], $0xffff  }
0x250: {  	v23 =	vor.u32 $0x14, v2;
	v18 =	vld.idx.msk [tilespmem:v18+s19+$0x0], $0xffff  }
0x251: {  	v24 =	vor.u32 $0x15, v2;
	v19 =	vld.idx.msk [tilespmem:v19+s19+$0x0], $0xffff  }
0x252: {  	v25 =	vor.u32 $0x16, v2;
	v20 =	vld.idx.msk [tilespmem:v20+s19+$0x0], $0xffff  }
0x253: {  	v26 =	vor.u32 $0x17, v2;
	v21 =	vld.idx.msk [tilespmem:v21+s19+$0x0], $0xffff  }
0x254: {  	v27 =	vor.u32 $0x18, v2;
	v22 =	vld.idx.msk [tilespmem:v22+s19+$0x0], $0xffff  }
0x255: {  	v28 =	vor.u32 $0x19, v2;
	v23 =	vld.idx.msk [tilespmem:v23+s19+$0x0], $0xffff  }
0x256: {  	v30 =	vor.u32 $0x1A, v2;
	v24 =	vld.idx.msk [tilespmem:v24+s19+$0x0], $0xffff  }
0x257: {  	v31 =	vor.u32 $0x1B, v2;
	v25 =	vld.idx.msk [tilespmem:v25+s19+$0x0], $0xffff  }
0x258: {  	v34 =	vmov s24;
	v32 =	vor.u32 $0x1C, v2;
	v26 =	vld.idx.msk [tilespmem:v26+s19+$0x0], $0xffff  }
0x259: {  	v34 =	vshll.u32 v34, $0x7;
	v29 =	vshll.u32 v29, $0x5;
	v33 =	vor.u32 $0x1D, v2;
	v27 =	vld.idx.msk [tilespmem:v27+s19+$0x0], $0xffff  }
0x25a: {  	v34 =	vor.u32 v0, v34;
	v29 =	vand.u32 $0x60, v29;
	v35 =	vor.u32 $0x1E, v2;
	v28 =	vld.idx.msk [tilespmem:v28+s19+$0x0], $0xffff  }
0x25b: {  	v29 =	vor.u32 v34, v29;
	v30 =	vld.idx.msk [tilespmem:v30+s19+$0x0], $0xffff  }
0x25c: {  	v2 =	vor.u32 $0x1F, v2;
	v31 =	vld.idx.msk [tilespmem:v31+s19+$0x0], $0xffff  }
0x25d: {  	v34 =	vor.u32 $0x1, v29;
	v32 =	vld.idx.msk [tilespmem:v32+s19+$0x0], $0xffff  }
0x25e: {  	v36 =	vor.u32 $0x2, v29;
	v33 =	vld.idx.msk [tilespmem:v33+s19+$0x0], $0xffff  }
0x25f: {  	v37 =	vor.u32 $0x3, v29;
	v35 =	vld.idx.msk [tilespmem:v35+s19+$0x0], $0xffff  }
0x260: {  	v38 =	vor.u32 $0x4, v29;
	v39 =	vld.idx.msk [tilespmem:v29+s19+$0x0], $0xffff  }
0x261: {  	v40 =	vor.u32 $0x5, v29;
	v2 =	vld.idx.msk [tilespmem:v2+s19+$0x0], $0xffff;
	[tilespmem:s0+$0x17800] =	vst v7  }
0x262: {  	v41 =	vor.u32 $0x6, v29;
	v34 =	vld.idx.msk [tilespmem:v34+s19+$0x0], $0xffff;
	[tilespmem:s0+$0x17880] =	vst v3  }
0x263: {  	v62 =	vor.u32 $0x7, v29;
	v7 =	vld.idx.msk [tilespmem:v36+s19+$0x0], $0xffff;
	[tilespmem:s0+$0x17900] =	vst v4  }
0x264: {  	v63 =	vor.u32 $0x8, v29;
	v3 =	vld.idx.msk [tilespmem:v37+s19+$0x0], $0xffff;
	[tilespmem:s0+$0x17980] =	vst v5  }
0x265: {  	v44 =	vor.u32 $0x9, v29;
	v4 =	vld.idx.msk [tilespmem:v38+s19+$0x0], $0xffff;
	[tilespmem:s0+$0x17A00] =	vst v6  }
0x266: {  	v45 =	vor.u32 $0xA, v29;
	v5 =	vld.idx.msk [tilespmem:v40+s19+$0x0], $0xffff;
	[tilespmem:s0+$0x17A80] =	vst v8  }
0x267: {  	v46 =	vor.u32 $0xB, v29;
	v6 =	vld.idx.msk [tilespmem:v41+s19+$0x0], $0xffff;
	[tilespmem:s0+$0x17B00] =	vst v9  }
0x268: {  	v47 =	vor.u32 $0xC, v29;
	v8 =	vld.idx.msk [tilespmem:v62+s19+$0x0], $0xffff;
	[tilespmem:s0+$0x17B80] =	vst v10  }
0x269: {  	v48 =	vor.u32 $0xD, v29;
	v9 =	vld.idx.msk [tilespmem:v63+s19+$0x0], $0xffff;
	[tilespmem:s0+$0x17C00] =	vst v11  }
0x26a: {  	v49 =	vor.u32 $0xE, v29;
	v10 =	vld.idx.msk [tilespmem:v44+s19+$0x0], $0xffff;
	[tilespmem:s0+$0x17C80] =	vst v12  }
0x26b: {  	v50 =	vor.u32 $0xF, v29;
	v11 =	vld.idx.msk [tilespmem:v45+s19+$0x0], $0xffff;
	[tilespmem:s0+$0x17D00] =	vst v13  }
0x26c: {  	v51 =	vor.u32 $0x10, v29;
	v12 =	vld.idx.msk [tilespmem:v46+s19+$0x0], $0xffff;
	[tilespmem:s0+$0x17D80] =	vst v14  }
0x26d: {  	v52 =	vor.u32 $0x11, v29;
	v13 =	vld.idx.msk [tilespmem:v47+s19+$0x0], $0xffff;
	[tilespmem:s0+$0x17E00] =	vst v15  }
0x26e: {  	v53 =	vor.u32 $0x12, v29;
	v14 =	vld.idx.msk [tilespmem:v48+s19+$0x0], $0xffff;
	[tilespmem:s0+$0x17E80] =	vst v16  }
0x26f: {  	v54 =	vor.u32 $0x13, v29;
	v15 =	vld.idx.msk [tilespmem:v49+s19+$0x0], $0xffff;
	[tilespmem:s0+$0x17F00] =	vst v17  }
0x270: {  	v55 =	vor.u32 $0x14, v29;
	v16 =	vld.idx.msk [tilespmem:v50+s19+$0x0], $0xffff;
	[tilespmem:s0+$0x17F80] =	vst v18  }
0x271: {  	v56 =	vor.u32 $0x15, v29;
	v17 =	vld.idx.msk [tilespmem:v51+s19+$0x0], $0xffff;
	[tilespmem:s0+$0x18000] =	vst v19  }
0x272: {  	v57 =	vor.u32 $0x16, v29;
	v18 =	vld.idx.msk [tilespmem:v52+s19+$0x0], $0xffff;
	[tilespmem:s0+$0x18080] =	vst v20  }
0x273: {  	v58 =	vor.u32 $0x17, v29;
	v19 =	vld.idx.msk [tilespmem:v53+s19+$0x0], $0xffff;
	[tilespmem:s0+$0x18100] =	vst v21  }
0x274: {  	v59 =	vor.u32 $0x18, v29;
	v20 =	vld.idx.msk [tilespmem:v54+s19+$0x0], $0xffff;
	[tilespmem:s0+$0x18180] =	vst v22  }
0x275: {  	v60 =	vor.u32 $0x19, v29;
	v21 =	vld.idx.msk [tilespmem:v55+s19+$0x0], $0xffff;
	[tilespmem:s0+$0x18200] =	vst v23  }
0x276: {  	v23 =	vld.idx.msk [tilespmem:v56+s19+$0x0], $0xffff;
	v62 =	vor.u32 $0x1A, v29;
	[tilespmem:s0+$0x18280] =	vst v24  }
0x277: {  	v24 =	vld.idx.msk [tilespmem:v57+s19+$0x0], $0xffff;
	v63 =	vor.u32 $0x1B, v29;
	[tilespmem:s0+$0x18300] =	vst v25  }
0x278: {  	v25 =	vld.idx.msk [tilespmem:v58+s19+$0x0], $0xffff;
	v45 =	vor.u32 $0x1C, v29;
	[tilespmem:s0+$0x18380] =	vst v26  }
0x279: {  	v42 =	vmov s30;
	v26 =	vld.idx.msk [tilespmem:v59+s19+$0x0], $0xffff;
	v46 =	vor.u32 $0x1D, v29;
	[tilespmem:s0+$0x18400] =	vst v27  }
0x27a: {  	v42 =	vshll.u32 v42, $0x7;
	v22 =	vld.idx.msk [tilespmem:v60+s19+$0x0], $0xffff;
	v47 =	vor.u32 $0x1E, v29;
	v41 =	vshll.u32 v61, $0x5;
	[tilespmem:s0+$0x18480] =	vst v28  }
0x27b: {  	v29 =	vor.u32 $0x1F, v29;
	v49 =	vor.u32 v0, v42;
	[tilespmem:s0+$0x18500] =	vst v30;
	v48 =	vand.u32 $0x60, v41;
	v28 =	vld.idx.msk [tilespmem:v62+s19+$0x0], $0xffff  }
0x27c: {  	[tilespmem:s0+$0x18580] =	vst v31;
	v36 =	vor.u32 v49, v48;
	v30 =	vld.idx.msk [tilespmem:v63+s19+$0x0], $0xffff  }
0x27d: {  	[tilespmem:s0+$0x18600] =	vst v32;
	v50 =	vor.u32 $0x1, v36;
	v31 =	vld.idx.msk [tilespmem:v45+s19+$0x0], $0xffff  }
0x27e: {  	[tilespmem:s0+$0x18680] =	vst v33;
	v51 =	vor.u32 $0x2, v36;
	v32 =	vld.idx.msk [tilespmem:v46+s19+$0x0], $0xffff  }
0x27f: {  	[tilespmem:s0+$0x18700] =	vst v35;
	v52 =	vor.u32 $0x3, v36;
	v27 =	vld.idx.msk [tilespmem:v47+s19+$0x0], $0xffff  }
0x280: {  	v53 =	vor.u32 $0x4, v36;
	[tilespmem:s0+$0x18780] =	vst v2;
	v29 =	vld.idx.msk [tilespmem:v29+s19+$0x0], $0xffff  }
0x281: {  	v54 =	vor.u32 $0x5, v36;
	[tilespmem:s0+$0x17810] =	vst v39;
	v2 =	vld.idx.msk [tilespmem:v36+s19+$0x0], $0xffff  }
0x282: {  	v55 =	vor.u32 $0x6, v36;
	[tilespmem:s0+$0x17890] =	vst v34;
	v37 =	vld.idx.msk [tilespmem:v50+s19+$0x0], $0xffff  }
0x283: {  	v56 =	vor.u32 $0x7, v36;
	[tilespmem:s0+$0x17910] =	vst v7;
	v34 =	vld.idx.msk [tilespmem:v51+s19+$0x0], $0xffff  }
0x284: {  	v57 =	vor.u32 $0x8, v36;
	[tilespmem:s0+$0x17990] =	vst v3;
	v7 =	vld.idx.msk [tilespmem:v52+s19+$0x0], $0xffff  }
0x285: {  	v58 =	vor.u32 $0x9, v36;
	[tilespmem:s0+$0x17A10] =	vst v4;
	v3 =	vld.idx.msk [tilespmem:v53+s19+$0x0], $0xffff  }
0x286: {  	v59 =	vor.u32 $0xA, v36;
	[tilespmem:s0+$0x17A90] =	vst v5;
	v4 =	vld.idx.msk [tilespmem:v54+s19+$0x0], $0xffff  }
0x287: {  	v60 =	vor.u32 $0xB, v36;
	[tilespmem:s0+$0x17B10] =	vst v6;
	v5 =	vld.idx.msk [tilespmem:v55+s19+$0x0], $0xffff  }
0x288: {  	v61 =	vor.u32 $0xC, v36;
	[tilespmem:s0+$0x17B90] =	vst v8;
	v6 =	vld.idx.msk [tilespmem:v56+s19+$0x0], $0xffff  }
0x289: {  	v44 =	vor.u32 $0xF, v36;
	[tilespmem:s0+$0x17C10] =	vst v9;
	v8 =	vld.idx.msk [tilespmem:v57+s19+$0x0], $0xffff  }
0x28a: {  	v48 =	vor.u32 $0x13, v36;
	[tilespmem:s0+$0x17C90] =	vst v10;
	v9 =	vld.idx.msk [tilespmem:v58+s19+$0x0], $0xffff  }
0x28b: {  	v49 =	vor.u32 $0x14, v36;
	[tilespmem:s0+$0x17D10] =	vst v11;
	v10 =	vld.idx.msk [tilespmem:v59+s19+$0x0], $0xffff  }
0x28c: {  	[tilespmem:s0+$0x17D90] =	vst v12;
	v11 =	vld.idx.msk [tilespmem:v60+s19+$0x0], $0xffff  }
0x28d: {  	v62 =	vor.u32 $0xD, v36;
	[tilespmem:s0+$0x17E10] =	vst v13;
	v12 =	vld.idx.msk [tilespmem:v61+s19+$0x0], $0xffff  }
0x28e: {  	v63 =	vor.u32 $0xE, v36;
	[tilespmem:s0+$0x17F10] =	vst v15;
	v15 =	vld.idx.msk [tilespmem:v44+s19+$0x0], $0xffff  }
0x28f: {  	v45 =	vor.u32 $0x10, v36;
	[tilespmem:s0+$0x18110] =	vst v19;
	v19 =	vld.idx.msk [tilespmem:v48+s19+$0x0], $0xffff  }
0x290: {  	s31 =	sor.u32 $0x30, s0;
	v46 =	vor.u32 $0x11, v36;
	[tilespmem:s0+$0x18190] =	vst v20;
	v20 =	vld.idx.msk [tilespmem:v49+s19+$0x0], $0xffff  }
0x291: {  	v47 =	vor.u32 $0x12, v36;
	[tilespmem:s0+$0x17E90] =	vst v14;
	v55 =	vld.idx.msk [tilespmem:v1+s31+$0x0 ss:$0x1], $0xffff  }
0x292: {  	[tilespmem:s0+$0x17F90] =	vst v16;
	v50 =	vor.u32 $0x15, v36;
	v13 =	vld.idx.msk [tilespmem:v62+s19+$0x0], $0xffff  }
0x293: {  	[tilespmem:s0+$0x18010] =	vst v17;
	v51 =	vor.u32 $0x16, v36;
	v14 =	vld.idx.msk [tilespmem:v63+s19+$0x0], $0xffff  }
0x294: {  	[tilespmem:s0+$0x18090] =	vst v18;
	v52 =	vor.u32 $0x17, v36;
	v16 =	vld.idx.msk [tilespmem:v45+s19+$0x0], $0xffff  }
0x295: {  	[tilespmem:s0+$0x18210] =	vst v21;
	v53 =	vor.u32 $0x18, v36;
	v17 =	vld.idx.msk [tilespmem:v46+s19+$0x0], $0xffff  }
0x296: {  	[tilespmem:s0+$0x18290] =	vst v23;
	v54 =	vor.u32 $0x19, v36;
	v18 =	vld.idx.msk [tilespmem:v47+s19+$0x0], $0xffff  }
0x297: {  	[tilespmem:s0+$0x18310] =	vst v24;
	v56 =	vor.u32 $0x1A, v36;
	v23 =	vld.idx.msk [tilespmem:v50+s19+$0x0], $0xffff  }
0x298: {  	[tilespmem:s0+$0x18390] =	vst v25;
	v57 =	vor.u32 $0x1B, v36;
	v24 =	vld.idx.msk [tilespmem:v51+s19+$0x0], $0xffff  }
0x299: {  	[tilespmem:s0+$0x18410] =	vst v26;
	v58 =	vor.u32 $0x1C, v36;
	v25 =	vld.idx.msk [tilespmem:v52+s19+$0x0], $0xffff  }
0x29a: {  	[tilespmem:s0+$0x18490] =	vst v22;
	v59 =	vor.u32 $0x1D, v36;
	v60 =	vmov s31;
	v26 =	vld.idx.msk [tilespmem:v53+s19+$0x0], $0xffff  }
0x29b: {  	v61 =	vor.u32 $0x1E, v36;
	v41 =	vshll.u32 v60, $0x7;
	[tilespmem:s0+$0x18510] =	vst v28;
	v21 =	vld.idx.msk [tilespmem:v54+s19+$0x0], $0xffff;
	v40 =	vshll.u32 v55, $0x5  }
0x29c: {  	v36 =	vor.u32 $0x1F, v36;
	v63 =	vor.u32 v0, v41;
	[tilespmem:s0+$0x18590] =	vst v30;
	v28 =	vld.idx.msk [tilespmem:v56+s19+$0x0], $0xffff;
	v62 =	vand.u32 $0x60, v40  }
0x29d: {  	[tilespmem:s0+$0x18610] =	vst v31;
	v30 =	vld.idx.msk [tilespmem:v57+s19+$0x0], $0xffff;
	v33 =	vor.u32 v63, v62  }
0x29e: {  	[tilespmem:s0+$0x18690] =	vst v32;
	v31 =	vld.idx.msk [tilespmem:v58+s19+$0x0], $0xffff;
	v44 =	vor.u32 $0x1, v33  }
0x29f: {  	[tilespmem:s0+$0x18710] =	vst v27;
	v32 =	vld.idx.msk [tilespmem:v59+s19+$0x0], $0xffff;
	v38 =	vor.u32 $0x2, v33  }
0x2a0: {  	[tilespmem:s0+$0x18790] =	vst v29;
	v22 =	vld.idx.msk [tilespmem:v61+s19+$0x0], $0xffff;
	v45 =	vor.u32 $0x3, v33  }
0x2a1: {  	v29 =	vld.idx.msk [tilespmem:v36+s19+$0x0], $0xffff;
	[tilespmem:s0+$0x17820] =	vst v2;
	v46 =	vor.u32 $0x4, v33  }
0x2a2: {  	[tilespmem:s0+$0x178A0] =	vst v37;
	v47 =	vor.u32 $0x5, v33;
	v2 =	vld.idx.msk [tilespmem:v33+s19+$0x0], $0xffff  }
0x2a3: {  	[tilespmem:s0+$0x17920] =	vst v34;
	v48 =	vor.u32 $0x6, v33;
	v35 =	vld.idx.msk [tilespmem:v44+s19+$0x0], $0xffff  }
0x2a4: {  	[tilespmem:s0+$0x179A0] =	vst v7;
	v49 =	vor.u32 $0x7, v33;
	v34 =	vld.idx.msk [tilespmem:v38+s19+$0x0], $0xffff  }
0x2a5: {  	[tilespmem:s0+$0x17A20] =	vst v3;
	v50 =	vor.u32 $0x8, v33;
	v7 =	vld.idx.msk [tilespmem:v45+s19+$0x0], $0xffff  }
0x2a6: {  	[tilespmem:s0+$0x17AA0] =	vst v4;
	v51 =	vor.u32 $0x9, v33;
	v3 =	vld.idx.msk [tilespmem:v46+s19+$0x0], $0xffff  }
0x2a7: {  	[tilespmem:s0+$0x17B20] =	vst v5;
	v52 =	vor.u32 $0xA, v33;
	v4 =	vld.idx.msk [tilespmem:v47+s19+$0x0], $0xffff  }
0x2a8: {  	[tilespmem:s0+$0x17BA0] =	vst v6;
	v53 =	vor.u32 $0xB, v33;
	v5 =	vld.idx.msk [tilespmem:v48+s19+$0x0], $0xffff  }
0x2a9: {  	[tilespmem:s0+$0x17C20] =	vst v8;
	v54 =	vor.u32 $0xC, v33;
	v6 =	vld.idx.msk [tilespmem:v49+s19+$0x0], $0xffff  }
0x2aa: {  	[tilespmem:s0+$0x17CA0] =	vst v9;
	v55 =	vor.u32 $0xD, v33;
	v8 =	vld.idx.msk [tilespmem:v50+s19+$0x0], $0xffff  }
0x2ab: {  	[tilespmem:s0+$0x17D20] =	vst v10;
	v56 =	vor.u32 $0xE, v33;
	v9 =	vld.idx.msk [tilespmem:v51+s19+$0x0], $0xffff  }
0x2ac: {  	[tilespmem:s0+$0x17DA0] =	vst v11;
	v57 =	vor.u32 $0xF, v33;
	v10 =	vld.idx.msk [tilespmem:v52+s19+$0x0], $0xffff  }
0x2ad: {  	[tilespmem:s0+$0x17E20] =	vst v12;
	v58 =	vor.u32 $0x10, v33;
	v11 =	vld.idx.msk [tilespmem:v53+s19+$0x0], $0xffff  }
0x2ae: {  	[tilespmem:s0+$0x17FA0] =	vst v15;
	v59 =	vor.u32 $0x11, v33;
	v12 =	vld.idx.msk [tilespmem:v54+s19+$0x0], $0xffff  }
0x2af: {  	[tilespmem:s0+$0x17EA0] =	vst v13;
	v60 =	vor.u32 $0x12, v33;
	v13 =	vld.idx.msk [tilespmem:v55+s19+$0x0], $0xffff  }
0x2b0: {  	[tilespmem:s0+$0x17F20] =	vst v14;
	v61 =	vor.u32 $0x13, v33;
	v14 =	vld.idx.msk [tilespmem:v56+s19+$0x0], $0xffff  }
0x2b1: {  	[tilespmem:s0+$0x181A0] =	vst v19;
	v62 =	vor.u32 $0x14, v33;
	v15 =	vld.idx.msk [tilespmem:v57+s19+$0x0], $0xffff  }
0x2b2: {  	[tilespmem:s0+$0x18020] =	vst v16;
	v63 =	vor.u32 $0x15, v33;
	v16 =	vld.idx.msk [tilespmem:v58+s19+$0x0], $0xffff  }
0x2b3: {  	[tilespmem:s0+$0x180A0] =	vst v17;
	v42 =	vor.u32 $0x16, v33;
	v17 =	vld.idx.msk [tilespmem:v59+s19+$0x0], $0xffff  }
0x2b4: {  	[tilespmem:s0+$0x18220] =	vst v20;
	v43 =	vld.idx.msk [tilespmem:v60+s19+$0x0], $0xffff;
	v44 =	vor.u32 $0x17, v33  }
0x2b5: {  	[tilespmem:s0+$0x18120] =	vst v18;
	v45 =	vld.idx.msk [tilespmem:v61+s19+$0x0], $0xffff;
	v46 =	vor.u32 $0x18, v33  }
0x2b6: {  	[tilespmem:s0+$0x182A0] =	vst v23;
	v47 =	vld.idx.msk [tilespmem:v62+s19+$0x0], $0xffff;
	v48 =	vor.u32 $0x19, v33  }
0x2b7: {  	[tilespmem:s0+$0x18320] =	vst v24;
	v49 =	vld.idx.msk [tilespmem:v63+s19+$0x0], $0xffff;
	v50 =	vor.u32 $0x1A, v33  }
0x2b8: {  	[tilespmem:s0+$0x183A0] =	vst v25;
	v51 =	vld.idx.msk [tilespmem:v42+s19+$0x0], $0xffff;
	v52 =	vor.u32 $0x1B, v33  }
0x2b9: {  	[tilespmem:s0+$0x18420] =	vst v26;
	v54 =	vor.u32 $0x1C, v33;
	v53 =	vld.idx.msk [tilespmem:v44+s19+$0x0], $0xffff  }
0x2ba: {  	[tilespmem:s0+$0x184A0] =	vst v21;
	v56 =	vor.u32 $0x1D, v33;
	v55 =	vld.idx.msk [tilespmem:v46+s19+$0x0], $0xffff  }
0x2bb: {  	[tilespmem:s0+$0x18520] =	vst v28;
	v58 =	vor.u32 $0x1E, v33;
	v57 =	vld.idx.msk [tilespmem:v48+s19+$0x0], $0xffff  }
0x2bc: {  	[tilespmem:s0+$0x185A0] =	vst v30;
	v33 =	vor.u32 $0x1F, v33;
	v59 =	vld.idx.msk [tilespmem:v50+s19+$0x0], $0xffff  }
0x2bd: {  	[tilespmem:s0+$0x18620] =	vst v31;
	v60 =	vld.idx.msk [tilespmem:v52+s19+$0x0], $0xffff  }
0x2be: {  	[tilespmem:s0+$0x186A0] =	vst v32;
	v27 =	vld.idx.msk [tilespmem:v54+s19+$0x0], $0xffff  }
0x2bf: {  	[tilespmem:s0+$0x18720] =	vst v22;
	v61 =	vld.idx.msk [tilespmem:v56+s19+$0x0], $0xffff  }
0x2c0: {  	[tilespmem:s0+$0x187A0] =	vst v29;
	v62 =	vld.idx.msk [tilespmem:v58+s19+$0x0], $0xffff  }
0x2c1: {  	v63 =	vld.idx.msk [tilespmem:v33+s19+$0x0], $0xffff;
	[tilespmem:s0+$0x17830] =	vst v2  }
0x2c2: {  	[tilespmem:s0+$0x178B0] =	vst v35  }
0x2c3: {  	[tilespmem:s0+$0x17930] =	vst v34  }
0x2c4: {  	[tilespmem:s0+$0x179B0] =	vst v7  }
0x2c5: {  	[tilespmem:s0+$0x17A30] =	vst v3  }
0x2c6: {  	[tilespmem:s0+$0x17AB0] =	vst v4  }
0x2c7: {  	[tilespmem:s0+$0x17B30] =	vst v5  }
0x2c8: {  	[tilespmem:s0+$0x17BB0] =	vst v6  }
0x2c9: {  	[tilespmem:s0+$0x17C30] =	vst v8  }
0x2ca: {  	[tilespmem:s0+$0x17CB0] =	vst v9  }
0x2cb: {  	[tilespmem:s0+$0x17D30] =	vst v10  }
0x2cc: {  	[tilespmem:s0+$0x17DB0] =	vst v11  }
0x2cd: {  	[tilespmem:s0+$0x17E30] =	vst v12  }
0x2ce: {  	[tilespmem:s0+$0x17EB0] =	vst v13  }
0x2cf: {  	[tilespmem:s0+$0x17F30] =	vst v14  }
0x2d0: {  	[tilespmem:s0+$0x17FB0] =	vst v15  }
0x2d1: {  	[tilespmem:s0+$0x18030] =	vst v16  }
0x2d2: {  	[tilespmem:s0+$0x180B0] =	vst v17  }
0x2d3: {  	[tilespmem:s0+$0x18130] =	vst v43  }
0x2d4: {  	[tilespmem:s0+$0x181B0] =	vst v45  }
0x2d5: {  	[tilespmem:s0+$0x18230] =	vst v47  }
0x2d6: {  	[tilespmem:s0+$0x182B0] =	vst v49  }
0x2d7: {  	[tilespmem:s0+$0x18330] =	vst v51  }
0x2d8: {  	[tilespmem:s0+$0x183B0] =	vst v53  }
0x2d9: {  	[tilespmem:s0+$0x18430] =	vst v55  }
0x2da: {  	[tilespmem:s0+$0x184B0] =	vst v57  }
0x2db: {  	p1 =	por p0, p0;
	[tilespmem:s0+$0x18530] =	vst v59  }
.Ltmp3:
0x2dc: {  	[tilespmem:s0+$0x185B0] =	vst v60;
	(pc) =	sbr.rel @p1 .LBB2_9-.Ltmp3, $4  }
0x2dd: {  	[tilespmem:s0+$0x18630] =	vst v27  }
0x2de: {  	[tilespmem:s0+$0x186B0] =	vst v61  }
0x2df: {  	[tilespmem:s0+$0x18730] =	vst v62  }
0x2e0: {  	p0 =	por $0x0, $0x0;
	[tilespmem:s0+$0x187B0] =	vst v63;
	s0 =	simm.s32 $0x40  }
0x2e1: {  	s29 =	sadd.s32 $0x1, s29  }
0x2e2: {  	p0 =	sne.s32 s29, $0x31  }
.Ltmp4:
0x2e3: {  	s0 =	sshll.u32 s1, $0x11;
	(pc) =	sbr.rel @p0 .LBB2_2-.Ltmp4, $4  }
0x2e4: {  	s0 =	sor.u32 s5, s0  }
0x2e5: {  	s0 =	sshrl.u32 s0, $0x3  }
0x2e6: {  	s0 =	sadd.s32 s2, s0  }
0x2e7: {  	[hbm4b:s0+s21] =	stream.strided.scatter [tilespmem:s15], [sflag:$0x3], $0x2000, s22, s21, $0x38;
	[tilespmem:$0x18800] =	vst v63  }
0x2e8: {  	_ =	swait.ge [sflag:s18], $0x2000  }
0x2e9: {  	[sflag:s18] =	ssyncset.done $0x0  }
0x2ea: {  	s0 =	simm.s32 $0xC680;
	[sflag:s18] =	ssyncadd.s32 $0xFFFFE000  }
0x2eb: {  	[tilespmem:s19], [sflag:$0x1] =	stream.indirect.gather [hbm4b:s4+s16], $0x80, s0, s16, $0xb8;
	[tilespmem:$0x18800] =	vst v63  }
0x2ec: {  	_ =	swait.ge [sflag:s20], $0x4000  }
0x2ed: {  	[sflag:s20] =	ssyncset.done $0x0  }
0x2ee: {  	p0 =	por $0x1, $0x1;
	s0 =	simm.s32 $0x0;
	[sflag:s20] =	ssyncadd.s32 $0xFFFFC000  }
.LBB2_12:
0x2ef: {  	v1 =	vld [tilespmem:s0+$0x6200]  }
0x2f0: {  	v28 =	vld [tilespmem:s0+$0x6210];
	_ =	sdelay $0x1  }
0x2f1: {  	v2 =	vmov s0  }
0x2f2: {  	s1 =	sor.u32 $0x10, s0;
	v2 =	vshll.u32 v2, $0x7  }
0x2f3: {  	v33 =	vmov s1;
	v2 =	vor.u32 v0, v2;
	v1 =	vshll.u32 v1, $0x5  }
0x2f4: {  	v33 =	vshll.u32 v33, $0x7;
	v28 =	vshll.u32 v28, $0x5;
	v1 =	vand.u32 $0x60, v1  }
0x2f5: {  	v33 =	vor.u32 v0, v33;
	v28 =	vand.u32 $0x60, v28;
	v1 =	vor.u32 v2, v1  }
0x2f6: {  	v28 =	vor.u32 v33, v28  }
0x2f7: {  	v2 =	vor.u32 $0x1, v1  }
0x2f8: {  	v3 =	vor.u32 $0x2, v1  }
0x2f9: {  	v46 =	vld [tilespmem:s0+$0x6220];
	v4 =	vor.u32 $0x3, v1  }
0x2fa: {  	v5 =	vor.u32 $0x4, v1;
	v6 =	vld.idx.msk [tilespmem:v1+s17+$0x0], $0xffff  }
0x2fb: {  	v7 =	vor.u32 $0x5, v1;
	v38 =	vld.idx.msk [tilespmem:v28+s17+$0x0], $0xffff  }
0x2fc: {  	v8 =	vor.u32 $0x6, v1;
	v2 =	vld.idx.msk [tilespmem:v2+s17+$0x0], $0xffff  }
0x2fd: {  	v9 =	vor.u32 $0x7, v1;
	v3 =	vld.idx.msk [tilespmem:v3+s17+$0x0], $0xffff  }
0x2fe: {  	v10 =	vor.u32 $0x8, v1;
	v4 =	vld.idx.msk [tilespmem:v4+s17+$0x0], $0xffff  }
0x2ff: {  	v11 =	vor.u32 $0x9, v1;
	v5 =	vld.idx.msk [tilespmem:v5+s17+$0x0], $0xffff  }
0x300: {  	v12 =	vor.u32 $0xA, v1;
	v7 =	vld.idx.msk [tilespmem:v7+s17+$0x0], $0xffff  }
0x301: {  	v13 =	vor.u32 $0xB, v1;
	v8 =	vld.idx.msk [tilespmem:v8+s17+$0x0], $0xffff  }
0x302: {  	v14 =	vor.u32 $0xC, v1;
	v9 =	vld.idx.msk [tilespmem:v9+s17+$0x0], $0xffff  }
0x303: {  	v15 =	vor.u32 $0xD, v1;
	v10 =	vld.idx.msk [tilespmem:v10+s17+$0x0], $0xffff  }
0x304: {  	v16 =	vor.u32 $0xE, v1;
	v11 =	vld.idx.msk [tilespmem:v11+s17+$0x0], $0xffff  }
0x305: {  	v17 =	vor.u32 $0xF, v1;
	v12 =	vld.idx.msk [tilespmem:v12+s17+$0x0], $0xffff  }
0x306: {  	v18 =	vor.u32 $0x10, v1;
	v13 =	vld.idx.msk [tilespmem:v13+s17+$0x0], $0xffff  }
0x307: {  	v19 =	vor.u32 $0x11, v1;
	v14 =	vld.idx.msk [tilespmem:v14+s17+$0x0], $0xffff  }
0x308: {  	v20 =	vor.u32 $0x12, v1;
	v15 =	vld.idx.msk [tilespmem:v15+s17+$0x0], $0xffff  }
0x309: {  	v21 =	vor.u32 $0x13, v1;
	v16 =	vld.idx.msk [tilespmem:v16+s17+$0x0], $0xffff  }
0x30a: {  	v22 =	vor.u32 $0x14, v1;
	v17 =	vld.idx.msk [tilespmem:v17+s17+$0x0], $0xffff  }
0x30b: {  	v23 =	vor.u32 $0x15, v1;
	v18 =	vld.idx.msk [tilespmem:v18+s17+$0x0], $0xffff  }
0x30c: {  	v24 =	vor.u32 $0x16, v1;
	v19 =	vld.idx.msk [tilespmem:v19+s17+$0x0], $0xffff  }
0x30d: {  	v25 =	vor.u32 $0x17, v1;
	v20 =	vld.idx.msk [tilespmem:v20+s17+$0x0], $0xffff  }
0x30e: {  	v26 =	vor.u32 $0x18, v1;
	v21 =	vld.idx.msk [tilespmem:v21+s17+$0x0], $0xffff  }
0x30f: {  	v27 =	vor.u32 $0x19, v1;
	v22 =	vld.idx.msk [tilespmem:v22+s17+$0x0], $0xffff  }
0x310: {  	v29 =	vor.u32 $0x1A, v1;
	v23 =	vld.idx.msk [tilespmem:v23+s17+$0x0], $0xffff  }
0x311: {  	v30 =	vor.u32 $0x1B, v1;
	v24 =	vld.idx.msk [tilespmem:v24+s17+$0x0], $0xffff  }
0x312: {  	v31 =	vor.u32 $0x1C, v1;
	v25 =	vld.idx.msk [tilespmem:v25+s17+$0x0], $0xffff  }
0x313: {  	v32 =	vor.u32 $0x1D, v1;
	v26 =	vld.idx.msk [tilespmem:v26+s17+$0x0], $0xffff  }
0x314: {  	v34 =	vor.u32 $0x1E, v1;
	v27 =	vld.idx.msk [tilespmem:v27+s17+$0x0], $0xffff  }
0x315: {  	v1 =	vor.u32 $0x1F, v1;
	v29 =	vld.idx.msk [tilespmem:v29+s17+$0x0], $0xffff  }
0x316: {  	v33 =	vor.u32 $0x1, v28;
	v30 =	vld.idx.msk [tilespmem:v30+s17+$0x0], $0xffff  }
0x317: {  	v35 =	vor.u32 $0x2, v28;
	v31 =	vld.idx.msk [tilespmem:v31+s17+$0x0], $0xffff  }
0x318: {  	v36 =	vor.u32 $0x3, v28;
	v32 =	vld.idx.msk [tilespmem:v32+s17+$0x0], $0xffff  }
0x319: {  	v37 =	vor.u32 $0x4, v28;
	v34 =	vld.idx.msk [tilespmem:v34+s17+$0x0], $0xffff  }
0x31a: {  	v39 =	vor.u32 $0x5, v28;
	v1 =	vld.idx.msk [tilespmem:v1+s17+$0x0], $0xffff;
	[tilespmem:s0+$0x14800] =	vst v6  }
0x31b: {  	v40 =	vor.u32 $0x6, v28;
	v33 =	vld.idx.msk [tilespmem:v33+s17+$0x0], $0xffff;
	[tilespmem:s0+$0x14880] =	vst v2  }
0x31c: {  	v47 =	vor.u32 $0x7, v28;
	v6 =	vld.idx.msk [tilespmem:v35+s17+$0x0], $0xffff;
	[tilespmem:s0+$0x14900] =	vst v3  }
0x31d: {  	v48 =	vor.u32 $0x8, v28;
	v2 =	vld.idx.msk [tilespmem:v36+s17+$0x0], $0xffff;
	[tilespmem:s0+$0x14980] =	vst v4  }
0x31e: {  	v49 =	vor.u32 $0x9, v28;
	v3 =	vld.idx.msk [tilespmem:v37+s17+$0x0], $0xffff;
	[tilespmem:s0+$0x14A00] =	vst v5  }
0x31f: {  	v50 =	vor.u32 $0xA, v28;
	v4 =	vld.idx.msk [tilespmem:v39+s17+$0x0], $0xffff;
	[tilespmem:s0+$0x14A80] =	vst v7  }
0x320: {  	v51 =	vor.u32 $0xB, v28;
	v5 =	vld.idx.msk [tilespmem:v40+s17+$0x0], $0xffff;
	[tilespmem:s0+$0x14B00] =	vst v8  }
0x321: {  	v52 =	vor.u32 $0xC, v28;
	v7 =	vld.idx.msk [tilespmem:v47+s17+$0x0], $0xffff;
	[tilespmem:s0+$0x14B80] =	vst v9  }
0x322: {  	v53 =	vor.u32 $0xD, v28;
	v8 =	vld.idx.msk [tilespmem:v48+s17+$0x0], $0xffff;
	[tilespmem:s0+$0x14C00] =	vst v10  }
0x323: {  	v54 =	vor.u32 $0xE, v28;
	v9 =	vld.idx.msk [tilespmem:v49+s17+$0x0], $0xffff;
	[tilespmem:s0+$0x14C80] =	vst v11  }
0x324: {  	v55 =	vor.u32 $0xF, v28;
	v10 =	vld.idx.msk [tilespmem:v50+s17+$0x0], $0xffff;
	[tilespmem:s0+$0x14D00] =	vst v12  }
0x325: {  	v56 =	vor.u32 $0x10, v28;
	v11 =	vld.idx.msk [tilespmem:v51+s17+$0x0], $0xffff;
	[tilespmem:s0+$0x14D80] =	vst v13  }
0x326: {  	v57 =	vor.u32 $0x11, v28;
	v12 =	vld.idx.msk [tilespmem:v52+s17+$0x0], $0xffff;
	[tilespmem:s0+$0x14E00] =	vst v14  }
0x327: {  	v58 =	vor.u32 $0x12, v28;
	v13 =	vld.idx.msk [tilespmem:v53+s17+$0x0], $0xffff;
	[tilespmem:s0+$0x14E80] =	vst v15  }
0x328: {  	v59 =	vor.u32 $0x13, v28;
	v14 =	vld.idx.msk [tilespmem:v54+s17+$0x0], $0xffff;
	[tilespmem:s0+$0x14F00] =	vst v16  }
0x329: {  	v60 =	vor.u32 $0x14, v28;
	v15 =	vld.idx.msk [tilespmem:v55+s17+$0x0], $0xffff;
	[tilespmem:s0+$0x14F80] =	vst v17  }
0x32a: {  	v61 =	vor.u32 $0x15, v28;
	v16 =	vld.idx.msk [tilespmem:v56+s17+$0x0], $0xffff;
	[tilespmem:s0+$0x15000] =	vst v18  }
0x32b: {  	v62 =	vor.u32 $0x16, v28;
	v17 =	vld.idx.msk [tilespmem:v57+s17+$0x0], $0xffff;
	[tilespmem:s0+$0x15080] =	vst v19  }
0x32c: {  	v63 =	vor.u32 $0x17, v28;
	v18 =	vld.idx.msk [tilespmem:v58+s17+$0x0], $0xffff;
	[tilespmem:s0+$0x15100] =	vst v20  }
0x32d: {  	v44 =	vor.u32 $0x18, v28;
	v19 =	vld.idx.msk [tilespmem:v59+s17+$0x0], $0xffff;
	[tilespmem:s0+$0x15180] =	vst v21  }
0x32e: {  	v45 =	vor.u32 $0x19, v28;
	v20 =	vld.idx.msk [tilespmem:v60+s17+$0x0], $0xffff;
	[tilespmem:s0+$0x15200] =	vst v22  }
0x32f: {  	v22 =	vld.idx.msk [tilespmem:v61+s17+$0x0], $0xffff;
	v47 =	vor.u32 $0x1A, v28;
	[tilespmem:s0+$0x15280] =	vst v23  }
0x330: {  	v23 =	vld.idx.msk [tilespmem:v62+s17+$0x0], $0xffff;
	v48 =	vor.u32 $0x1B, v28;
	[tilespmem:s0+$0x15300] =	vst v24  }
0x331: {  	s30 =	sor.u32 $0x20, s0;
	v24 =	vld.idx.msk [tilespmem:v63+s17+$0x0], $0xffff;
	v49 =	vor.u32 $0x1C, v28;
	[tilespmem:s0+$0x15380] =	vst v25  }
0x332: {  	v41 =	vmov s30;
	v25 =	vld.idx.msk [tilespmem:v44+s17+$0x0], $0xffff;
	v50 =	vor.u32 $0x1D, v28;
	[tilespmem:s0+$0x15400] =	vst v26  }
0x333: {  	v41 =	vshll.u32 v41, $0x7;
	v21 =	vld.idx.msk [tilespmem:v45+s17+$0x0], $0xffff;
	v51 =	vor.u32 $0x1E, v28;
	v40 =	vshll.u32 v46, $0x5;
	[tilespmem:s0+$0x15480] =	vst v27  }
0x334: {  	v28 =	vor.u32 $0x1F, v28;
	v53 =	vor.u32 v0, v41;
	[tilespmem:s0+$0x15500] =	vst v29;
	v52 =	vand.u32 $0x60, v40;
	v27 =	vld.idx.msk [tilespmem:v47+s17+$0x0], $0xffff  }
0x335: {  	[tilespmem:s0+$0x15580] =	vst v30;
	v35 =	vor.u32 v53, v52;
	v29 =	vld.idx.msk [tilespmem:v48+s17+$0x0], $0xffff  }
0x336: {  	[tilespmem:s0+$0x15600] =	vst v31;
	v54 =	vor.u32 $0x1, v35;
	v30 =	vld.idx.msk [tilespmem:v49+s17+$0x0], $0xffff  }
0x337: {  	[tilespmem:s0+$0x15680] =	vst v32;
	v55 =	vor.u32 $0x2, v35;
	v31 =	vld.idx.msk [tilespmem:v50+s17+$0x0], $0xffff  }
0x338: {  	[tilespmem:s0+$0x15700] =	vst v34;
	v56 =	vor.u32 $0x3, v35;
	v26 =	vld.idx.msk [tilespmem:v51+s17+$0x0], $0xffff  }
0x339: {  	v57 =	vor.u32 $0x4, v35;
	[tilespmem:s0+$0x15780] =	vst v1;
	v28 =	vld.idx.msk [tilespmem:v28+s17+$0x0], $0xffff  }
0x33a: {  	v58 =	vor.u32 $0x5, v35;
	[tilespmem:s0+$0x14810] =	vst v38;
	v1 =	vld.idx.msk [tilespmem:v35+s17+$0x0], $0xffff  }
0x33b: {  	v59 =	vor.u32 $0x6, v35;
	[tilespmem:s0+$0x14890] =	vst v33;
	v36 =	vld.idx.msk [tilespmem:v54+s17+$0x0], $0xffff  }
0x33c: {  	v60 =	vor.u32 $0x7, v35;
	[tilespmem:s0+$0x14910] =	vst v6;
	v33 =	vld.idx.msk [tilespmem:v55+s17+$0x0], $0xffff  }
0x33d: {  	v61 =	vor.u32 $0x8, v35;
	[tilespmem:s0+$0x14990] =	vst v2;
	v6 =	vld.idx.msk [tilespmem:v56+s17+$0x0], $0xffff  }
0x33e: {  	v62 =	vor.u32 $0x9, v35;
	[tilespmem:s0+$0x14A10] =	vst v3;
	v2 =	vld.idx.msk [tilespmem:v57+s17+$0x0], $0xffff  }
0x33f: {  	v63 =	vor.u32 $0xA, v35;
	[tilespmem:s0+$0x14A90] =	vst v4;
	v3 =	vld.idx.msk [tilespmem:v58+s17+$0x0], $0xffff  }
0x340: {  	v42 =	vor.u32 $0xB, v35;
	[tilespmem:s0+$0x14B10] =	vst v5;
	v4 =	vld.idx.msk [tilespmem:v59+s17+$0x0], $0xffff  }
0x341: {  	v43 =	vor.u32 $0xC, v35;
	[tilespmem:s0+$0x14B90] =	vst v7;
	v5 =	vld.idx.msk [tilespmem:v60+s17+$0x0], $0xffff  }
0x342: {  	v44 =	vor.u32 $0xD, v35;
	[tilespmem:s0+$0x14C10] =	vst v8;
	v7 =	vld.idx.msk [tilespmem:v61+s17+$0x0], $0xffff  }
0x343: {  	v45 =	vor.u32 $0xE, v35;
	[tilespmem:s0+$0x14C90] =	vst v9;
	v8 =	vld.idx.msk [tilespmem:v62+s17+$0x0], $0xffff  }
0x344: {  	v46 =	vor.u32 $0xF, v35;
	[tilespmem:s0+$0x14D10] =	vst v10;
	v9 =	vld.idx.msk [tilespmem:v63+s17+$0x0], $0xffff  }
0x345: {  	[tilespmem:s0+$0x14D90] =	vst v11;
	v10 =	vld.idx.msk [tilespmem:v42+s17+$0x0], $0xffff  }
0x346: {  	v52 =	vor.u32 $0x15, v35;
	[tilespmem:s0+$0x14E10] =	vst v12;
	v11 =	vld.idx.msk [tilespmem:v43+s17+$0x0], $0xffff  }
0x347: {  	v53 =	vor.u32 $0x16, v35;
	[tilespmem:s0+$0x14E90] =	vst v13;
	v12 =	vld.idx.msk [tilespmem:v44+s17+$0x0], $0xffff  }
0x348: {  	v47 =	vor.u32 $0x10, v35;
	[tilespmem:s0+$0x14F10] =	vst v14;
	v13 =	vld.idx.msk [tilespmem:v45+s17+$0x0], $0xffff  }
0x349: {  	v48 =	vor.u32 $0x11, v35;
	[tilespmem:s0+$0x14F90] =	vst v15;
	v14 =	vld.idx.msk [tilespmem:v46+s17+$0x0], $0xffff  }
0x34a: {  	v49 =	vor.u32 $0x12, v35;
	[tilespmem:s0+$0x15010] =	vst v16;
	v57 =	vld [tilespmem:s0+$0x6230]  }
0x34b: {  	v50 =	vor.u32 $0x13, v35;
	[tilespmem:s0+$0x15290] =	vst v22;
	v22 =	vld.idx.msk [tilespmem:v52+s17+$0x0], $0xffff  }
0x34c: {  	v51 =	vor.u32 $0x14, v35;
	[tilespmem:s0+$0x15310] =	vst v23;
	v23 =	vld.idx.msk [tilespmem:v53+s17+$0x0], $0xffff  }
0x34d: {  	[tilespmem:s0+$0x15090] =	vst v17;
	v54 =	vor.u32 $0x17, v35;
	v15 =	vld.idx.msk [tilespmem:v47+s17+$0x0], $0xffff  }
0x34e: {  	[tilespmem:s0+$0x15110] =	vst v18;
	v55 =	vor.u32 $0x18, v35;
	v16 =	vld.idx.msk [tilespmem:v48+s17+$0x0], $0xffff  }
0x34f: {  	[tilespmem:s0+$0x15190] =	vst v19;
	v56 =	vor.u32 $0x19, v35;
	v17 =	vld.idx.msk [tilespmem:v49+s17+$0x0], $0xffff  }
0x350: {  	[tilespmem:s0+$0x15210] =	vst v20;
	v58 =	vor.u32 $0x1A, v35;
	v18 =	vld.idx.msk [tilespmem:v50+s17+$0x0], $0xffff  }
0x351: {  	[tilespmem:s0+$0x15390] =	vst v24;
	v59 =	vor.u32 $0x1B, v35;
	v19 =	vld.idx.msk [tilespmem:v51+s17+$0x0], $0xffff  }
0x352: {  	s31 =	sor.u32 $0x30, s0;
	[tilespmem:s0+$0x15410] =	vst v25;
	v60 =	vor.u32 $0x1C, v35;
	v24 =	vld.idx.msk [tilespmem:v54+s17+$0x0], $0xffff  }
0x353: {  	[tilespmem:s0+$0x15490] =	vst v21;
	v61 =	vor.u32 $0x1D, v35;
	v62 =	vmov s31;
	v25 =	vld.idx.msk [tilespmem:v55+s17+$0x0], $0xffff  }
0x354: {  	v63 =	vor.u32 $0x1E, v35;
	v40 =	vshll.u32 v62, $0x7;
	[tilespmem:s0+$0x15510] =	vst v27;
	v20 =	vld.idx.msk [tilespmem:v56+s17+$0x0], $0xffff;
	v39 =	vshll.u32 v57, $0x5  }
0x355: {  	v35 =	vor.u32 $0x1F, v35;
	v44 =	vor.u32 v0, v40;
	[tilespmem:s0+$0x15590] =	vst v29;
	v27 =	vld.idx.msk [tilespmem:v58+s17+$0x0], $0xffff;
	v43 =	vand.u32 $0x60, v39  }
0x356: {  	[tilespmem:s0+$0x15610] =	vst v30;
	v29 =	vld.idx.msk [tilespmem:v59+s17+$0x0], $0xffff;
	v32 =	vor.u32 v44, v43  }
0x357: {  	[tilespmem:s0+$0x15690] =	vst v31;
	v30 =	vld.idx.msk [tilespmem:v60+s17+$0x0], $0xffff;
	v45 =	vor.u32 $0x1, v32  }
0x358: {  	[tilespmem:s0+$0x15710] =	vst v26;
	v31 =	vld.idx.msk [tilespmem:v61+s17+$0x0], $0xffff;
	v37 =	vor.u32 $0x2, v32  }
0x359: {  	[tilespmem:s0+$0x15790] =	vst v28;
	v21 =	vld.idx.msk [tilespmem:v63+s17+$0x0], $0xffff;
	v46 =	vor.u32 $0x3, v32  }
0x35a: {  	v28 =	vld.idx.msk [tilespmem:v35+s17+$0x0], $0xffff;
	[tilespmem:s0+$0x14820] =	vst v1;
	v47 =	vor.u32 $0x4, v32  }
0x35b: {  	[tilespmem:s0+$0x148A0] =	vst v36;
	v48 =	vor.u32 $0x5, v32;
	v1 =	vld.idx.msk [tilespmem:v32+s17+$0x0], $0xffff  }
0x35c: {  	[tilespmem:s0+$0x14920] =	vst v33;
	v49 =	vor.u32 $0x6, v32;
	v34 =	vld.idx.msk [tilespmem:v45+s17+$0x0], $0xffff  }
0x35d: {  	[tilespmem:s0+$0x149A0] =	vst v6;
	v50 =	vor.u32 $0x7, v32;
	v33 =	vld.idx.msk [tilespmem:v37+s17+$0x0], $0xffff  }
0x35e: {  	[tilespmem:s0+$0x14A20] =	vst v2;
	v51 =	vor.u32 $0x8, v32;
	v6 =	vld.idx.msk [tilespmem:v46+s17+$0x0], $0xffff  }
0x35f: {  	[tilespmem:s0+$0x14AA0] =	vst v3;
	v52 =	vor.u32 $0x9, v32;
	v2 =	vld.idx.msk [tilespmem:v47+s17+$0x0], $0xffff  }
0x360: {  	[tilespmem:s0+$0x14B20] =	vst v4;
	v53 =	vor.u32 $0xA, v32;
	v3 =	vld.idx.msk [tilespmem:v48+s17+$0x0], $0xffff  }
0x361: {  	[tilespmem:s0+$0x14BA0] =	vst v5;
	v54 =	vor.u32 $0xB, v32;
	v4 =	vld.idx.msk [tilespmem:v49+s17+$0x0], $0xffff  }
0x362: {  	[tilespmem:s0+$0x14C20] =	vst v7;
	v55 =	vor.u32 $0xC, v32;
	v5 =	vld.idx.msk [tilespmem:v50+s17+$0x0], $0xffff  }
0x363: {  	[tilespmem:s0+$0x14CA0] =	vst v8;
	v56 =	vor.u32 $0xD, v32;
	v7 =	vld.idx.msk [tilespmem:v51+s17+$0x0], $0xffff  }
0x364: {  	[tilespmem:s0+$0x14D20] =	vst v9;
	v57 =	vor.u32 $0xE, v32;
	v8 =	vld.idx.msk [tilespmem:v52+s17+$0x0], $0xffff  }
0x365: {  	[tilespmem:s0+$0x14DA0] =	vst v10;
	v58 =	vor.u32 $0xF, v32;
	v9 =	vld.idx.msk [tilespmem:v53+s17+$0x0], $0xffff  }
0x366: {  	[tilespmem:s0+$0x14E20] =	vst v11;
	v59 =	vor.u32 $0x10, v32;
	v10 =	vld.idx.msk [tilespmem:v54+s17+$0x0], $0xffff  }
0x367: {  	[tilespmem:s0+$0x14EA0] =	vst v12;
	v60 =	vor.u32 $0x11, v32;
	v11 =	vld.idx.msk [tilespmem:v55+s17+$0x0], $0xffff  }
0x368: {  	[tilespmem:s0+$0x14F20] =	vst v13;
	v61 =	vor.u32 $0x12, v32;
	v12 =	vld.idx.msk [tilespmem:v56+s17+$0x0], $0xffff  }
0x369: {  	[tilespmem:s0+$0x14FA0] =	vst v14;
	v62 =	vor.u32 $0x13, v32;
	v13 =	vld.idx.msk [tilespmem:v57+s17+$0x0], $0xffff  }
0x36a: {  	[tilespmem:s0+$0x152A0] =	vst v22;
	v63 =	vor.u32 $0x14, v32;
	v14 =	vld.idx.msk [tilespmem:v58+s17+$0x0], $0xffff  }
0x36b: {  	[tilespmem:s0+$0x15020] =	vst v15;
	v40 =	vor.u32 $0x15, v32;
	v15 =	vld.idx.msk [tilespmem:v59+s17+$0x0], $0xffff  }
0x36c: {  	[tilespmem:s0+$0x15320] =	vst v23;
	v42 =	vor.u32 $0x16, v32;
	v41 =	vld.idx.msk [tilespmem:v60+s17+$0x0], $0xffff  }
0x36d: {  	[tilespmem:s0+$0x150A0] =	vst v16;
	v44 =	vor.u32 $0x17, v32;
	v43 =	vld.idx.msk [tilespmem:v61+s17+$0x0], $0xffff  }
0x36e: {  	[tilespmem:s0+$0x15120] =	vst v17;
	v45 =	vld.idx.msk [tilespmem:v62+s17+$0x0], $0xffff;
	v46 =	vor.u32 $0x18, v32  }
0x36f: {  	[tilespmem:s0+$0x151A0] =	vst v18;
	v47 =	vld.idx.msk [tilespmem:v63+s17+$0x0], $0xffff;
	v48 =	vor.u32 $0x19, v32  }
0x370: {  	[tilespmem:s0+$0x15220] =	vst v19;
	v49 =	vld.idx.msk [tilespmem:v40+s17+$0x0], $0xffff;
	v50 =	vor.u32 $0x1A, v32  }
0x371: {  	[tilespmem:s0+$0x153A0] =	vst v24;
	v51 =	vld.idx.msk [tilespmem:v42+s17+$0x0], $0xffff;
	v52 =	vor.u32 $0x1B, v32  }
0x372: {  	[tilespmem:s0+$0x15420] =	vst v25;
	v53 =	vld.idx.msk [tilespmem:v44+s17+$0x0], $0xffff;
	v54 =	vor.u32 $0x1C, v32  }
0x373: {  	[tilespmem:s0+$0x154A0] =	vst v20;
	v56 =	vor.u32 $0x1D, v32;
	v55 =	vld.idx.msk [tilespmem:v46+s17+$0x0], $0xffff  }
0x374: {  	[tilespmem:s0+$0x15520] =	vst v27;
	v58 =	vor.u32 $0x1E, v32;
	v57 =	vld.idx.msk [tilespmem:v48+s17+$0x0], $0xffff  }
0x375: {  	[tilespmem:s0+$0x155A0] =	vst v29;
	v32 =	vor.u32 $0x1F, v32;
	v59 =	vld.idx.msk [tilespmem:v50+s17+$0x0], $0xffff  }
0x376: {  	[tilespmem:s0+$0x15620] =	vst v30;
	v60 =	vld.idx.msk [tilespmem:v52+s17+$0x0], $0xffff  }
0x377: {  	[tilespmem:s0+$0x156A0] =	vst v31;
	v26 =	vld.idx.msk [tilespmem:v54+s17+$0x0], $0xffff  }
0x378: {  	[tilespmem:s0+$0x15720] =	vst v21;
	v61 =	vld.idx.msk [tilespmem:v56+s17+$0x0], $0xffff  }
0x379: {  	[tilespmem:s0+$0x157A0] =	vst v28;
	v62 =	vld.idx.msk [tilespmem:v58+s17+$0x0], $0xffff  }
0x37a: {  	v63 =	vld.idx.msk [tilespmem:v32+s17+$0x0], $0xffff;
	[tilespmem:s0+$0x14830] =	vst v1  }
0x37b: {  	[tilespmem:s0+$0x148B0] =	vst v34  }
0x37c: {  	[tilespmem:s0+$0x14930] =	vst v33  }
0x37d: {  	[tilespmem:s0+$0x149B0] =	vst v6  }
0x37e: {  	[tilespmem:s0+$0x14A30] =	vst v2  }
0x37f: {  	[tilespmem:s0+$0x14AB0] =	vst v3  }
0x380: {  	[tilespmem:s0+$0x14B30] =	vst v4  }
0x381: {  	[tilespmem:s0+$0x14BB0] =	vst v5  }
0x382: {  	[tilespmem:s0+$0x14C30] =	vst v7  }
0x383: {  	[tilespmem:s0+$0x14CB0] =	vst v8  }
0x384: {  	[tilespmem:s0+$0x14D30] =	vst v9  }
0x385: {  	[tilespmem:s0+$0x14DB0] =	vst v10  }
0x386: {  	[tilespmem:s0+$0x14E30] =	vst v11  }
0x387: {  	[tilespmem:s0+$0x14EB0] =	vst v12  }
0x388: {  	[tilespmem:s0+$0x14F30] =	vst v13  }
0x389: {  	[tilespmem:s0+$0x14FB0] =	vst v14  }
0x38a: {  	[tilespmem:s0+$0x15030] =	vst v15  }
0x38b: {  	[tilespmem:s0+$0x150B0] =	vst v41  }
0x38c: {  	[tilespmem:s0+$0x15130] =	vst v43  }
0x38d: {  	[tilespmem:s0+$0x151B0] =	vst v45  }
0x38e: {  	[tilespmem:s0+$0x15230] =	vst v47  }
0x38f: {  	[tilespmem:s0+$0x152B0] =	vst v49  }
0x390: {  	[tilespmem:s0+$0x15330] =	vst v51  }
0x391: {  	[tilespmem:s0+$0x153B0] =	vst v53  }
0x392: {  	[tilespmem:s0+$0x15430] =	vst v55  }
0x393: {  	[tilespmem:s0+$0x154B0] =	vst v57  }
0x394: {  	p1 =	por p0, p0;
	[tilespmem:s0+$0x15530] =	vst v59  }
.Ltmp5:
0x395: {  	[tilespmem:s0+$0x155B0] =	vst v60;
	(pc) =	sbr.rel @p1 .LBB2_12-.Ltmp5, $4  }
0x396: {  	[tilespmem:s0+$0x15630] =	vst v26  }
0x397: {  	[tilespmem:s0+$0x156B0] =	vst v61  }
0x398: {  	[tilespmem:s0+$0x15730] =	vst v62  }
0x399: {  	p0 =	por $0x0, $0x0;
	[tilespmem:s0+$0x157B0] =	vst v63;
	s0 =	simm.s32 $0x40  }
0x39a: {  	[tilespmem:s17], [sflag:$0x1] =	stream.indirect.gather [hbm4b:s4+s16], $0x80, s25, s16, $0xb8;
	[tilespmem:$0x18800] =	vst v63  }
0x39b: {  	_ =	swait.ge [sflag:s20], $0x4000  }
0x39c: {  	[sflag:s20] =	ssyncset.done $0x0  }
0x39d: {  	s0 =	simm.s32 $0x0;
	p0 =	por $0x1, $0x1;
	[sflag:s20] =	ssyncadd.s32 $0xFFFFC000  }
.LBB2_14:
0x39e: {  	v1 =	vld [tilespmem:s0+$0x6280]  }
0x39f: {  	v28 =	vld [tilespmem:s0+$0x6290];
	_ =	sdelay $0x1  }
0x3a0: {  	v2 =	vmov s0  }
0x3a1: {  	s1 =	sor.u32 $0x10, s0;
	v2 =	vshll.u32 v2, $0x7  }
0x3a2: {  	v33 =	vmov s1;
	v2 =	vor.u32 v0, v2;
	v1 =	vshll.u32 v1, $0x5  }
0x3a3: {  	v33 =	vshll.u32 v33, $0x7;
	v28 =	vshll.u32 v28, $0x5;
	v1 =	vand.u32 $0x60, v1  }
0x3a4: {  	v33 =	vor.u32 v0, v33;
	v28 =	vand.u32 $0x60, v28;
	v1 =	vor.u32 v2, v1  }
0x3a5: {  	v28 =	vor.u32 v33, v28  }
0x3a6: {  	v2 =	vor.u32 $0x1, v1  }
0x3a7: {  	v3 =	vor.u32 $0x2, v1  }
0x3a8: {  	v46 =	vld [tilespmem:s0+$0x62A0];
	v4 =	vor.u32 $0x3, v1  }
0x3a9: {  	v5 =	vor.u32 $0x4, v1;
	v6 =	vld.idx.msk [tilespmem:v1+s19+$0x0], $0xffff  }
0x3aa: {  	v7 =	vor.u32 $0x5, v1;
	v38 =	vld.idx.msk [tilespmem:v28+s19+$0x0], $0xffff  }
0x3ab: {  	v8 =	vor.u32 $0x6, v1;
	v2 =	vld.idx.msk [tilespmem:v2+s19+$0x0], $0xffff  }
0x3ac: {  	v9 =	vor.u32 $0x7, v1;
	v3 =	vld.idx.msk [tilespmem:v3+s19+$0x0], $0xffff  }
0x3ad: {  	v10 =	vor.u32 $0x8, v1;
	v4 =	vld.idx.msk [tilespmem:v4+s19+$0x0], $0xffff  }
0x3ae: {  	v11 =	vor.u32 $0x9, v1;
	v5 =	vld.idx.msk [tilespmem:v5+s19+$0x0], $0xffff  }
0x3af: {  	v12 =	vor.u32 $0xA, v1;
	v7 =	vld.idx.msk [tilespmem:v7+s19+$0x0], $0xffff  }
0x3b0: {  	v13 =	vor.u32 $0xB, v1;
	v8 =	vld.idx.msk [tilespmem:v8+s19+$0x0], $0xffff  }
0x3b1: {  	v14 =	vor.u32 $0xC, v1;
	v9 =	vld.idx.msk [tilespmem:v9+s19+$0x0], $0xffff  }
0x3b2: {  	v15 =	vor.u32 $0xD, v1;
	v10 =	vld.idx.msk [tilespmem:v10+s19+$0x0], $0xffff  }
0x3b3: {  	v16 =	vor.u32 $0xE, v1;
	v11 =	vld.idx.msk [tilespmem:v11+s19+$0x0], $0xffff  }
0x3b4: {  	v17 =	vor.u32 $0xF, v1;
	v12 =	vld.idx.msk [tilespmem:v12+s19+$0x0], $0xffff  }
0x3b5: {  	v18 =	vor.u32 $0x10, v1;
	v13 =	vld.idx.msk [tilespmem:v13+s19+$0x0], $0xffff  }
0x3b6: {  	v19 =	vor.u32 $0x11, v1;
	v14 =	vld.idx.msk [tilespmem:v14+s19+$0x0], $0xffff  }
0x3b7: {  	v20 =	vor.u32 $0x12, v1;
	v15 =	vld.idx.msk [tilespmem:v15+s19+$0x0], $0xffff  }
0x3b8: {  	v21 =	vor.u32 $0x13, v1;
	v16 =	vld.idx.msk [tilespmem:v16+s19+$0x0], $0xffff  }
0x3b9: {  	v22 =	vor.u32 $0x14, v1;
	v17 =	vld.idx.msk [tilespmem:v17+s19+$0x0], $0xffff  }
0x3ba: {  	v23 =	vor.u32 $0x15, v1;
	v18 =	vld.idx.msk [tilespmem:v18+s19+$0x0], $0xffff  }
0x3bb: {  	v24 =	vor.u32 $0x16, v1;
	v19 =	vld.idx.msk [tilespmem:v19+s19+$0x0], $0xffff  }
0x3bc: {  	v25 =	vor.u32 $0x17, v1;
	v20 =	vld.idx.msk [tilespmem:v20+s19+$0x0], $0xffff  }
0x3bd: {  	v26 =	vor.u32 $0x18, v1;
	v21 =	vld.idx.msk [tilespmem:v21+s19+$0x0], $0xffff  }
0x3be: {  	v27 =	vor.u32 $0x19, v1;
	v22 =	vld.idx.msk [tilespmem:v22+s19+$0x0], $0xffff  }
0x3bf: {  	v29 =	vor.u32 $0x1A, v1;
	v23 =	vld.idx.msk [tilespmem:v23+s19+$0x0], $0xffff  }
0x3c0: {  	v30 =	vor.u32 $0x1B, v1;
	v24 =	vld.idx.msk [tilespmem:v24+s19+$0x0], $0xffff  }
0x3c1: {  	v31 =	vor.u32 $0x1C, v1;
	v25 =	vld.idx.msk [tilespmem:v25+s19+$0x0], $0xffff  }
0x3c2: {  	v32 =	vor.u32 $0x1D, v1;
	v26 =	vld.idx.msk [tilespmem:v26+s19+$0x0], $0xffff  }
0x3c3: {  	v34 =	vor.u32 $0x1E, v1;
	v27 =	vld.idx.msk [tilespmem:v27+s19+$0x0], $0xffff  }
0x3c4: {  	v1 =	vor.u32 $0x1F, v1;
	v29 =	vld.idx.msk [tilespmem:v29+s19+$0x0], $0xffff  }
0x3c5: {  	v33 =	vor.u32 $0x1, v28;
	v30 =	vld.idx.msk [tilespmem:v30+s19+$0x0], $0xffff  }
0x3c6: {  	v35 =	vor.u32 $0x2, v28;
	v31 =	vld.idx.msk [tilespmem:v31+s19+$0x0], $0xffff  }
0x3c7: {  	v36 =	vor.u32 $0x3, v28;
	v32 =	vld.idx.msk [tilespmem:v32+s19+$0x0], $0xffff  }
0x3c8: {  	v37 =	vor.u32 $0x4, v28;
	v34 =	vld.idx.msk [tilespmem:v34+s19+$0x0], $0xffff  }
0x3c9: {  	v39 =	vor.u32 $0x5, v28;
	v1 =	vld.idx.msk [tilespmem:v1+s19+$0x0], $0xffff;
	[tilespmem:s0+$0x15800] =	vst v6  }
0x3ca: {  	v40 =	vor.u32 $0x6, v28;
	v33 =	vld.idx.msk [tilespmem:v33+s19+$0x0], $0xffff;
	[tilespmem:s0+$0x15880] =	vst v2  }
0x3cb: {  	v47 =	vor.u32 $0x7, v28;
	v6 =	vld.idx.msk [tilespmem:v35+s19+$0x0], $0xffff;
	[tilespmem:s0+$0x15900] =	vst v3  }
0x3cc: {  	v48 =	vor.u32 $0x8, v28;
	v2 =	vld.idx.msk [tilespmem:v36+s19+$0x0], $0xffff;
	[tilespmem:s0+$0x15980] =	vst v4  }
0x3cd: {  	v49 =	vor.u32 $0x9, v28;
	v3 =	vld.idx.msk [tilespmem:v37+s19+$0x0], $0xffff;
	[tilespmem:s0+$0x15A00] =	vst v5  }
0x3ce: {  	v50 =	vor.u32 $0xA, v28;
	v4 =	vld.idx.msk [tilespmem:v39+s19+$0x0], $0xffff;
	[tilespmem:s0+$0x15A80] =	vst v7  }
0x3cf: {  	v51 =	vor.u32 $0xB, v28;
	v5 =	vld.idx.msk [tilespmem:v40+s19+$0x0], $0xffff;
	[tilespmem:s0+$0x15B00] =	vst v8  }
0x3d0: {  	v52 =	vor.u32 $0xC, v28;
	v7 =	vld.idx.msk [tilespmem:v47+s19+$0x0], $0xffff;
	[tilespmem:s0+$0x15B80] =	vst v9  }
0x3d1: {  	v53 =	vor.u32 $0xD, v28;
	v8 =	vld.idx.msk [tilespmem:v48+s19+$0x0], $0xffff;
	[tilespmem:s0+$0x15C00] =	vst v10  }
0x3d2: {  	v54 =	vor.u32 $0xE, v28;
	v9 =	vld.idx.msk [tilespmem:v49+s19+$0x0], $0xffff;
	[tilespmem:s0+$0x15C80] =	vst v11  }
0x3d3: {  	v55 =	vor.u32 $0xF, v28;
	v10 =	vld.idx.msk [tilespmem:v50+s19+$0x0], $0xffff;
	[tilespmem:s0+$0x15D00] =	vst v12  }
0x3d4: {  	v56 =	vor.u32 $0x10, v28;
	v11 =	vld.idx.msk [tilespmem:v51+s19+$0x0], $0xffff;
	[tilespmem:s0+$0x15D80] =	vst v13  }
0x3d5: {  	v57 =	vor.u32 $0x11, v28;
	v12 =	vld.idx.msk [tilespmem:v52+s19+$0x0], $0xffff;
	[tilespmem:s0+$0x15E00] =	vst v14  }
0x3d6: {  	v58 =	vor.u32 $0x12, v28;
	v13 =	vld.idx.msk [tilespmem:v53+s19+$0x0], $0xffff;
	[tilespmem:s0+$0x15E80] =	vst v15  }
0x3d7: {  	v59 =	vor.u32 $0x13, v28;
	v14 =	vld.idx.msk [tilespmem:v54+s19+$0x0], $0xffff;
	[tilespmem:s0+$0x15F00] =	vst v16  }
0x3d8: {  	v60 =	vor.u32 $0x14, v28;
	v15 =	vld.idx.msk [tilespmem:v55+s19+$0x0], $0xffff;
	[tilespmem:s0+$0x15F80] =	vst v17  }
0x3d9: {  	v61 =	vor.u32 $0x15, v28;
	v16 =	vld.idx.msk [tilespmem:v56+s19+$0x0], $0xffff;
	[tilespmem:s0+$0x16000] =	vst v18  }
0x3da: {  	v62 =	vor.u32 $0x16, v28;
	v17 =	vld.idx.msk [tilespmem:v57+s19+$0x0], $0xffff;
	[tilespmem:s0+$0x16080] =	vst v19  }
0x3db: {  	v63 =	vor.u32 $0x17, v28;
	v18 =	vld.idx.msk [tilespmem:v58+s19+$0x0], $0xffff;
	[tilespmem:s0+$0x16100] =	vst v20  }
0x3dc: {  	v44 =	vor.u32 $0x18, v28;
	v19 =	vld.idx.msk [tilespmem:v59+s19+$0x0], $0xffff;
	[tilespmem:s0+$0x16180] =	vst v21  }
0x3dd: {  	v45 =	vor.u32 $0x19, v28;
	v20 =	vld.idx.msk [tilespmem:v60+s19+$0x0], $0xffff;
	[tilespmem:s0+$0x16200] =	vst v22  }
0x3de: {  	v22 =	vld.idx.msk [tilespmem:v61+s19+$0x0], $0xffff;
	v47 =	vor.u32 $0x1A, v28;
	[tilespmem:s0+$0x16280] =	vst v23  }
0x3df: {  	v23 =	vld.idx.msk [tilespmem:v62+s19+$0x0], $0xffff;
	v48 =	vor.u32 $0x1B, v28;
	[tilespmem:s0+$0x16300] =	vst v24  }
0x3e0: {  	s30 =	sor.u32 $0x20, s0;
	v24 =	vld.idx.msk [tilespmem:v63+s19+$0x0], $0xffff;
	v49 =	vor.u32 $0x1C, v28;
	[tilespmem:s0+$0x16380] =	vst v25  }
0x3e1: {  	v41 =	vmov s30;
	v25 =	vld.idx.msk [tilespmem:v44+s19+$0x0], $0xffff;
	v50 =	vor.u32 $0x1D, v28;
	[tilespmem:s0+$0x16400] =	vst v26  }
0x3e2: {  	v41 =	vshll.u32 v41, $0x7;
	v21 =	vld.idx.msk [tilespmem:v45+s19+$0x0], $0xffff;
	v51 =	vor.u32 $0x1E, v28;
	v40 =	vshll.u32 v46, $0x5;
	[tilespmem:s0+$0x16480] =	vst v27  }
0x3e3: {  	v28 =	vor.u32 $0x1F, v28;
	v53 =	vor.u32 v0, v41;
	[tilespmem:s0+$0x16500] =	vst v29;
	v52 =	vand.u32 $0x60, v40;
	v27 =	vld.idx.msk [tilespmem:v47+s19+$0x0], $0xffff  }
0x3e4: {  	[tilespmem:s0+$0x16580] =	vst v30;
	v35 =	vor.u32 v53, v52;
	v29 =	vld.idx.msk [tilespmem:v48+s19+$0x0], $0xffff  }
0x3e5: {  	[tilespmem:s0+$0x16600] =	vst v31;
	v54 =	vor.u32 $0x1, v35;
	v30 =	vld.idx.msk [tilespmem:v49+s19+$0x0], $0xffff  }
0x3e6: {  	[tilespmem:s0+$0x16680] =	vst v32;
	v55 =	vor.u32 $0x2, v35;
	v31 =	vld.idx.msk [tilespmem:v50+s19+$0x0], $0xffff  }
0x3e7: {  	[tilespmem:s0+$0x16700] =	vst v34;
	v56 =	vor.u32 $0x3, v35;
	v26 =	vld.idx.msk [tilespmem:v51+s19+$0x0], $0xffff  }
0x3e8: {  	v57 =	vor.u32 $0x4, v35;
	[tilespmem:s0+$0x16780] =	vst v1;
	v28 =	vld.idx.msk [tilespmem:v28+s19+$0x0], $0xffff  }
0x3e9: {  	v58 =	vor.u32 $0x5, v35;
	[tilespmem:s0+$0x15810] =	vst v38;
	v1 =	vld.idx.msk [tilespmem:v35+s19+$0x0], $0xffff  }
0x3ea: {  	v59 =	vor.u32 $0x6, v35;
	[tilespmem:s0+$0x15890] =	vst v33;
	v36 =	vld.idx.msk [tilespmem:v54+s19+$0x0], $0xffff  }
0x3eb: {  	v60 =	vor.u32 $0x7, v35;
	[tilespmem:s0+$0x15910] =	vst v6;
	v33 =	vld.idx.msk [tilespmem:v55+s19+$0x0], $0xffff  }
0x3ec: {  	v61 =	vor.u32 $0x8, v35;
	[tilespmem:s0+$0x15990] =	vst v2;
	v6 =	vld.idx.msk [tilespmem:v56+s19+$0x0], $0xffff  }
0x3ed: {  	v62 =	vor.u32 $0x9, v35;
	[tilespmem:s0+$0x15A10] =	vst v3;
	v2 =	vld.idx.msk [tilespmem:v57+s19+$0x0], $0xffff  }
0x3ee: {  	v63 =	vor.u32 $0xA, v35;
	[tilespmem:s0+$0x15A90] =	vst v4;
	v3 =	vld.idx.msk [tilespmem:v58+s19+$0x0], $0xffff  }
0x3ef: {  	v42 =	vor.u32 $0xB, v35;
	[tilespmem:s0+$0x15B10] =	vst v5;
	v4 =	vld.idx.msk [tilespmem:v59+s19+$0x0], $0xffff  }
0x3f0: {  	v43 =	vor.u32 $0xC, v35;
	[tilespmem:s0+$0x15B90] =	vst v7;
	v5 =	vld.idx.msk [tilespmem:v60+s19+$0x0], $0xffff  }
0x3f1: {  	v44 =	vor.u32 $0xD, v35;
	[tilespmem:s0+$0x15C10] =	vst v8;
	v7 =	vld.idx.msk [tilespmem:v61+s19+$0x0], $0xffff  }
0x3f2: {  	v45 =	vor.u32 $0xE, v35;
	[tilespmem:s0+$0x15C90] =	vst v9;
	v8 =	vld.idx.msk [tilespmem:v62+s19+$0x0], $0xffff  }
0x3f3: {  	v46 =	vor.u32 $0xF, v35;
	[tilespmem:s0+$0x15D10] =	vst v10;
	v9 =	vld.idx.msk [tilespmem:v63+s19+$0x0], $0xffff  }
0x3f4: {  	[tilespmem:s0+$0x15D90] =	vst v11;
	v10 =	vld.idx.msk [tilespmem:v42+s19+$0x0], $0xffff  }
0x3f5: {  	v52 =	vor.u32 $0x15, v35;
	[tilespmem:s0+$0x15E10] =	vst v12;
	v11 =	vld.idx.msk [tilespmem:v43+s19+$0x0], $0xffff  }
0x3f6: {  	v53 =	vor.u32 $0x16, v35;
	[tilespmem:s0+$0x15E90] =	vst v13;
	v12 =	vld.idx.msk [tilespmem:v44+s19+$0x0], $0xffff  }
0x3f7: {  	v47 =	vor.u32 $0x10, v35;
	[tilespmem:s0+$0x15F10] =	vst v14;
	v13 =	vld.idx.msk [tilespmem:v45+s19+$0x0], $0xffff  }
0x3f8: {  	v48 =	vor.u32 $0x11, v35;
	[tilespmem:s0+$0x15F90] =	vst v15;
	v14 =	vld.idx.msk [tilespmem:v46+s19+$0x0], $0xffff  }
0x3f9: {  	v49 =	vor.u32 $0x12, v35;
	[tilespmem:s0+$0x16010] =	vst v16;
	v57 =	vld [tilespmem:s0+$0x62B0]  }
0x3fa: {  	v50 =	vor.u32 $0x13, v35;
	[tilespmem:s0+$0x16290] =	vst v22;
	v22 =	vld.idx.msk [tilespmem:v52+s19+$0x0], $0xffff  }
0x3fb: {  	v51 =	vor.u32 $0x14, v35;
	[tilespmem:s0+$0x16310] =	vst v23;
	v23 =	vld.idx.msk [tilespmem:v53+s19+$0x0], $0xffff  }
0x3fc: {  	[tilespmem:s0+$0x16090] =	vst v17;
	v54 =	vor.u32 $0x17, v35;
	v15 =	vld.idx.msk [tilespmem:v47+s19+$0x0], $0xffff  }
0x3fd: {  	[tilespmem:s0+$0x16110] =	vst v18;
	v55 =	vor.u32 $0x18, v35;
	v16 =	vld.idx.msk [tilespmem:v48+s19+$0x0], $0xffff  }
0x3fe: {  	[tilespmem:s0+$0x16190] =	vst v19;
	v56 =	vor.u32 $0x19, v35;
	v17 =	vld.idx.msk [tilespmem:v49+s19+$0x0], $0xffff  }
0x3ff: {  	[tilespmem:s0+$0x16210] =	vst v20;
	v58 =	vor.u32 $0x1A, v35;
	v18 =	vld.idx.msk [tilespmem:v50+s19+$0x0], $0xffff  }
0x400: {  	[tilespmem:s0+$0x16390] =	vst v24;
	v59 =	vor.u32 $0x1B, v35;
	v19 =	vld.idx.msk [tilespmem:v51+s19+$0x0], $0xffff  }
0x401: {  	s31 =	sor.u32 $0x30, s0;
	[tilespmem:s0+$0x16410] =	vst v25;
	v60 =	vor.u32 $0x1C, v35;
	v24 =	vld.idx.msk [tilespmem:v54+s19+$0x0], $0xffff  }
0x402: {  	[tilespmem:s0+$0x16490] =	vst v21;
	v61 =	vor.u32 $0x1D, v35;
	v62 =	vmov s31;
	v25 =	vld.idx.msk [tilespmem:v55+s19+$0x0], $0xffff  }
0x403: {  	v63 =	vor.u32 $0x1E, v35;
	v40 =	vshll.u32 v62, $0x7;
	[tilespmem:s0+$0x16510] =	vst v27;
	v20 =	vld.idx.msk [tilespmem:v56+s19+$0x0], $0xffff;
	v39 =	vshll.u32 v57, $0x5  }
0x404: {  	v35 =	vor.u32 $0x1F, v35;
	v44 =	vor.u32 v0, v40;
	[tilespmem:s0+$0x16590] =	vst v29;
	v27 =	vld.idx.msk [tilespmem:v58+s19+$0x0], $0xffff;
	v43 =	vand.u32 $0x60, v39  }
0x405: {  	[tilespmem:s0+$0x16610] =	vst v30;
	v29 =	vld.idx.msk [tilespmem:v59+s19+$0x0], $0xffff;
	v32 =	vor.u32 v44, v43  }
0x406: {  	[tilespmem:s0+$0x16690] =	vst v31;
	v30 =	vld.idx.msk [tilespmem:v60+s19+$0x0], $0xffff;
	v45 =	vor.u32 $0x1, v32  }
0x407: {  	[tilespmem:s0+$0x16710] =	vst v26;
	v31 =	vld.idx.msk [tilespmem:v61+s19+$0x0], $0xffff;
	v37 =	vor.u32 $0x2, v32  }
0x408: {  	[tilespmem:s0+$0x16790] =	vst v28;
	v21 =	vld.idx.msk [tilespmem:v63+s19+$0x0], $0xffff;
	v46 =	vor.u32 $0x3, v32  }
0x409: {  	v28 =	vld.idx.msk [tilespmem:v35+s19+$0x0], $0xffff;
	[tilespmem:s0+$0x15820] =	vst v1;
	v47 =	vor.u32 $0x4, v32  }
0x40a: {  	[tilespmem:s0+$0x158A0] =	vst v36;
	v48 =	vor.u32 $0x5, v32;
	v1 =	vld.idx.msk [tilespmem:v32+s19+$0x0], $0xffff  }
0x40b: {  	[tilespmem:s0+$0x15920] =	vst v33;
	v49 =	vor.u32 $0x6, v32;
	v34 =	vld.idx.msk [tilespmem:v45+s19+$0x0], $0xffff  }
0x40c: {  	[tilespmem:s0+$0x159A0] =	vst v6;
	v50 =	vor.u32 $0x7, v32;
	v33 =	vld.idx.msk [tilespmem:v37+s19+$0x0], $0xffff  }
0x40d: {  	[tilespmem:s0+$0x15A20] =	vst v2;
	v51 =	vor.u32 $0x8, v32;
	v6 =	vld.idx.msk [tilespmem:v46+s19+$0x0], $0xffff  }
0x40e: {  	[tilespmem:s0+$0x15AA0] =	vst v3;
	v52 =	vor.u32 $0x9, v32;
	v2 =	vld.idx.msk [tilespmem:v47+s19+$0x0], $0xffff  }
0x40f: {  	[tilespmem:s0+$0x15B20] =	vst v4;
	v53 =	vor.u32 $0xA, v32;
	v3 =	vld.idx.msk [tilespmem:v48+s19+$0x0], $0xffff  }
0x410: {  	[tilespmem:s0+$0x15BA0] =	vst v5;
	v54 =	vor.u32 $0xB, v32;
	v4 =	vld.idx.msk [tilespmem:v49+s19+$0x0], $0xffff  }
0x411: {  	[tilespmem:s0+$0x15C20] =	vst v7;
	v55 =	vor.u32 $0xC, v32;
	v5 =	vld.idx.msk [tilespmem:v50+s19+$0x0], $0xffff  }
0x412: {  	[tilespmem:s0+$0x15CA0] =	vst v8;
	v56 =	vor.u32 $0xD, v32;
	v7 =	vld.idx.msk [tilespmem:v51+s19+$0x0], $0xffff  }
0x413: {  	[tilespmem:s0+$0x15D20] =	vst v9;
	v57 =	vor.u32 $0xE, v32;
	v8 =	vld.idx.msk [tilespmem:v52+s19+$0x0], $0xffff  }
0x414: {  	[tilespmem:s0+$0x15DA0] =	vst v10;
	v58 =	vor.u32 $0xF, v32;
	v9 =	vld.idx.msk [tilespmem:v53+s19+$0x0], $0xffff  }
0x415: {  	[tilespmem:s0+$0x15E20] =	vst v11;
	v59 =	vor.u32 $0x10, v32;
	v10 =	vld.idx.msk [tilespmem:v54+s19+$0x0], $0xffff  }
0x416: {  	[tilespmem:s0+$0x15EA0] =	vst v12;
	v60 =	vor.u32 $0x11, v32;
	v11 =	vld.idx.msk [tilespmem:v55+s19+$0x0], $0xffff  }
0x417: {  	[tilespmem:s0+$0x15F20] =	vst v13;
	v61 =	vor.u32 $0x12, v32;
	v12 =	vld.idx.msk [tilespmem:v56+s19+$0x0], $0xffff  }
0x418: {  	[tilespmem:s0+$0x15FA0] =	vst v14;
	v62 =	vor.u32 $0x13, v32;
	v13 =	vld.idx.msk [tilespmem:v57+s19+$0x0], $0xffff  }
0x419: {  	[tilespmem:s0+$0x162A0] =	vst v22;
	v63 =	vor.u32 $0x14, v32;
	v14 =	vld.idx.msk [tilespmem:v58+s19+$0x0], $0xffff  }
0x41a: {  	[tilespmem:s0+$0x16020] =	vst v15;
	v40 =	vor.u32 $0x15, v32;
	v15 =	vld.idx.msk [tilespmem:v59+s19+$0x0], $0xffff  }
0x41b: {  	[tilespmem:s0+$0x16320] =	vst v23;
	v42 =	vor.u32 $0x16, v32;
	v41 =	vld.idx.msk [tilespmem:v60+s19+$0x0], $0xffff  }
0x41c: {  	[tilespmem:s0+$0x160A0] =	vst v16;
	v44 =	vor.u32 $0x17, v32;
	v43 =	vld.idx.msk [tilespmem:v61+s19+$0x0], $0xffff  }
0x41d: {  	[tilespmem:s0+$0x16120] =	vst v17;
	v45 =	vld.idx.msk [tilespmem:v62+s19+$0x0], $0xffff;
	v46 =	vor.u32 $0x18, v32  }
0x41e: {  	[tilespmem:s0+$0x161A0] =	vst v18;
	v47 =	vld.idx.msk [tilespmem:v63+s19+$0x0], $0xffff;
	v48 =	vor.u32 $0x19, v32  }
0x41f: {  	[tilespmem:s0+$0x16220] =	vst v19;
	v49 =	vld.idx.msk [tilespmem:v40+s19+$0x0], $0xffff;
	v50 =	vor.u32 $0x1A, v32  }
0x420: {  	[tilespmem:s0+$0x163A0] =	vst v24;
	v51 =	vld.idx.msk [tilespmem:v42+s19+$0x0], $0xffff;
	v52 =	vor.u32 $0x1B, v32  }
0x421: {  	[tilespmem:s0+$0x16420] =	vst v25;
	v53 =	vld.idx.msk [tilespmem:v44+s19+$0x0], $0xffff;
	v54 =	vor.u32 $0x1C, v32  }
0x422: {  	[tilespmem:s0+$0x164A0] =	vst v20;
	v56 =	vor.u32 $0x1D, v32;
	v55 =	vld.idx.msk [tilespmem:v46+s19+$0x0], $0xffff  }
0x423: {  	[tilespmem:s0+$0x16520] =	vst v27;
	v58 =	vor.u32 $0x1E, v32;
	v57 =	vld.idx.msk [tilespmem:v48+s19+$0x0], $0xffff  }
0x424: {  	[tilespmem:s0+$0x165A0] =	vst v29;
	v32 =	vor.u32 $0x1F, v32;
	v59 =	vld.idx.msk [tilespmem:v50+s19+$0x0], $0xffff  }
0x425: {  	[tilespmem:s0+$0x16620] =	vst v30;
	v60 =	vld.idx.msk [tilespmem:v52+s19+$0x0], $0xffff  }
0x426: {  	[tilespmem:s0+$0x166A0] =	vst v31;
	v26 =	vld.idx.msk [tilespmem:v54+s19+$0x0], $0xffff  }
0x427: {  	[tilespmem:s0+$0x16720] =	vst v21;
	v61 =	vld.idx.msk [tilespmem:v56+s19+$0x0], $0xffff  }
0x428: {  	[tilespmem:s0+$0x167A0] =	vst v28;
	v62 =	vld.idx.msk [tilespmem:v58+s19+$0x0], $0xffff  }
0x429: {  	v63 =	vld.idx.msk [tilespmem:v32+s19+$0x0], $0xffff;
	[tilespmem:s0+$0x15830] =	vst v1  }
0x42a: {  	[tilespmem:s0+$0x158B0] =	vst v34  }
0x42b: {  	[tilespmem:s0+$0x15930] =	vst v33  }
0x42c: {  	[tilespmem:s0+$0x159B0] =	vst v6  }
0x42d: {  	[tilespmem:s0+$0x15A30] =	vst v2  }
0x42e: {  	[tilespmem:s0+$0x15AB0] =	vst v3  }
0x42f: {  	[tilespmem:s0+$0x15B30] =	vst v4  }
0x430: {  	[tilespmem:s0+$0x15BB0] =	vst v5  }
0x431: {  	[tilespmem:s0+$0x15C30] =	vst v7  }
0x432: {  	[tilespmem:s0+$0x15CB0] =	vst v8  }
0x433: {  	[tilespmem:s0+$0x15D30] =	vst v9  }
0x434: {  	[tilespmem:s0+$0x15DB0] =	vst v10  }
0x435: {  	[tilespmem:s0+$0x15E30] =	vst v11  }
0x436: {  	[tilespmem:s0+$0x15EB0] =	vst v12  }
0x437: {  	[tilespmem:s0+$0x15F30] =	vst v13  }
0x438: {  	[tilespmem:s0+$0x15FB0] =	vst v14  }
0x439: {  	[tilespmem:s0+$0x16030] =	vst v15  }
0x43a: {  	[tilespmem:s0+$0x160B0] =	vst v41  }
0x43b: {  	[tilespmem:s0+$0x16130] =	vst v43  }
0x43c: {  	[tilespmem:s0+$0x161B0] =	vst v45  }
0x43d: {  	[tilespmem:s0+$0x16230] =	vst v47  }
0x43e: {  	[tilespmem:s0+$0x162B0] =	vst v49  }
0x43f: {  	[tilespmem:s0+$0x16330] =	vst v51  }
0x440: {  	[tilespmem:s0+$0x163B0] =	vst v53  }
0x441: {  	[tilespmem:s0+$0x16430] =	vst v55  }
0x442: {  	[tilespmem:s0+$0x164B0] =	vst v57  }
0x443: {  	p1 =	por p0, p0;
	[tilespmem:s0+$0x16530] =	vst v59  }
.Ltmp6:
0x444: {  	[tilespmem:s0+$0x165B0] =	vst v60;
	(pc) =	sbr.rel @p1 .LBB2_14-.Ltmp6, $4  }
0x445: {  	[tilespmem:s0+$0x16630] =	vst v26  }
0x446: {  	[tilespmem:s0+$0x166B0] =	vst v61  }
0x447: {  	[tilespmem:s0+$0x16730] =	vst v62  }
0x448: {  	p0 =	por $0x0, $0x0;
	[tilespmem:s0+$0x167B0] =	vst v63;
	s0 =	simm.s32 $0x40  }
0x449: {  	[hbm4b:s9+s21] =	stream.strided.scatter [tilespmem:s14], [sflag:$0x2], $0x2000, s22, s21, $0x38;
	[tilespmem:$0x18800] =	vst v63  }
0x44a: {  	_ =	swait.ge [sflag:s23], $0x2000  }
0x44b: {  	[sflag:s23] =	ssyncset.done $0x0  }
0x44c: {  	[sflag:s23] =	ssyncadd.s32 $0xFFFFE000  }
0x44d: {  	[tilespmem:s19], [sflag:$0x1] =	stream.indirect.gather [hbm4b:s4+s16], $0x80, s26, s16, $0xb8;
	[tilespmem:$0x18800] =	vst v63  }
0x44e: {  	_ =	swait.ge [sflag:s20], $0x4000  }
0x44f: {  	[sflag:s20] =	ssyncset.done $0x0  }
0x450: {  	s0 =	simm.s32 $0x0;
	p0 =	por $0x1, $0x1;
	[sflag:s20] =	ssyncadd.s32 $0xFFFFC000  }
.LBB2_16:
0x451: {  	v1 =	vld [tilespmem:s0+$0x6300]  }
0x452: {  	v28 =	vld [tilespmem:s0+$0x6310];
	_ =	sdelay $0x1  }
0x453: {  	v2 =	vmov s0  }
0x454: {  	s1 =	sor.u32 $0x10, s0;
	v2 =	vshll.u32 v2, $0x7  }
0x455: {  	v33 =	vmov s1;
	v2 =	vor.u32 v0, v2;
	v1 =	vshll.u32 v1, $0x5  }
0x456: {  	v33 =	vshll.u32 v33, $0x7;
	v28 =	vshll.u32 v28, $0x5;
	v1 =	vand.u32 $0x60, v1  }
0x457: {  	v33 =	vor.u32 v0, v33;
	v28 =	vand.u32 $0x60, v28;
	v1 =	vor.u32 v2, v1  }
0x458: {  	v28 =	vor.u32 v33, v28  }
0x459: {  	v2 =	vor.u32 $0x1, v1  }
0x45a: {  	v3 =	vor.u32 $0x2, v1  }
0x45b: {  	v46 =	vld [tilespmem:s0+$0x6320];
	v4 =	vor.u32 $0x3, v1  }
0x45c: {  	v5 =	vor.u32 $0x4, v1;
	v6 =	vld.idx.msk [tilespmem:v1+s17+$0x0], $0xffff  }
0x45d: {  	v7 =	vor.u32 $0x5, v1;
	v38 =	vld.idx.msk [tilespmem:v28+s17+$0x0], $0xffff  }
0x45e: {  	v8 =	vor.u32 $0x6, v1;
	v2 =	vld.idx.msk [tilespmem:v2+s17+$0x0], $0xffff  }
0x45f: {  	v9 =	vor.u32 $0x7, v1;
	v3 =	vld.idx.msk [tilespmem:v3+s17+$0x0], $0xffff  }
0x460: {  	v10 =	vor.u32 $0x8, v1;
	v4 =	vld.idx.msk [tilespmem:v4+s17+$0x0], $0xffff  }
0x461: {  	v11 =	vor.u32 $0x9, v1;
	v5 =	vld.idx.msk [tilespmem:v5+s17+$0x0], $0xffff  }
0x462: {  	v12 =	vor.u32 $0xA, v1;
	v7 =	vld.idx.msk [tilespmem:v7+s17+$0x0], $0xffff  }
0x463: {  	v13 =	vor.u32 $0xB, v1;
	v8 =	vld.idx.msk [tilespmem:v8+s17+$0x0], $0xffff  }
0x464: {  	v14 =	vor.u32 $0xC, v1;
	v9 =	vld.idx.msk [tilespmem:v9+s17+$0x0], $0xffff  }
0x465: {  	v15 =	vor.u32 $0xD, v1;
	v10 =	vld.idx.msk [tilespmem:v10+s17+$0x0], $0xffff  }
0x466: {  	v16 =	vor.u32 $0xE, v1;
	v11 =	vld.idx.msk [tilespmem:v11+s17+$0x0], $0xffff  }
0x467: {  	v17 =	vor.u32 $0xF, v1;
	v12 =	vld.idx.msk [tilespmem:v12+s17+$0x0], $0xffff  }
0x468: {  	v18 =	vor.u32 $0x10, v1;
	v13 =	vld.idx.msk [tilespmem:v13+s17+$0x0], $0xffff  }
0x469: {  	v19 =	vor.u32 $0x11, v1;
	v14 =	vld.idx.msk [tilespmem:v14+s17+$0x0], $0xffff  }
0x46a: {  	v20 =	vor.u32 $0x12, v1;
	v15 =	vld.idx.msk [tilespmem:v15+s17+$0x0], $0xffff  }
0x46b: {  	v21 =	vor.u32 $0x13, v1;
	v16 =	vld.idx.msk [tilespmem:v16+s17+$0x0], $0xffff  }
0x46c: {  	v22 =	vor.u32 $0x14, v1;
	v17 =	vld.idx.msk [tilespmem:v17+s17+$0x0], $0xffff  }
0x46d: {  	v23 =	vor.u32 $0x15, v1;
	v18 =	vld.idx.msk [tilespmem:v18+s17+$0x0], $0xffff  }
0x46e: {  	v24 =	vor.u32 $0x16, v1;
	v19 =	vld.idx.msk [tilespmem:v19+s17+$0x0], $0xffff  }
0x46f: {  	v25 =	vor.u32 $0x17, v1;
	v20 =	vld.idx.msk [tilespmem:v20+s17+$0x0], $0xffff  }
0x470: {  	v26 =	vor.u32 $0x18, v1;
	v21 =	vld.idx.msk [tilespmem:v21+s17+$0x0], $0xffff  }
0x471: {  	v27 =	vor.u32 $0x19, v1;
	v22 =	vld.idx.msk [tilespmem:v22+s17+$0x0], $0xffff  }
0x472: {  	v29 =	vor.u32 $0x1A, v1;
	v23 =	vld.idx.msk [tilespmem:v23+s17+$0x0], $0xffff  }
0x473: {  	v30 =	vor.u32 $0x1B, v1;
	v24 =	vld.idx.msk [tilespmem:v24+s17+$0x0], $0xffff  }
0x474: {  	v31 =	vor.u32 $0x1C, v1;
	v25 =	vld.idx.msk [tilespmem:v25+s17+$0x0], $0xffff  }
0x475: {  	v32 =	vor.u32 $0x1D, v1;
	v26 =	vld.idx.msk [tilespmem:v26+s17+$0x0], $0xffff  }
0x476: {  	v34 =	vor.u32 $0x1E, v1;
	v27 =	vld.idx.msk [tilespmem:v27+s17+$0x0], $0xffff  }
0x477: {  	v1 =	vor.u32 $0x1F, v1;
	v29 =	vld.idx.msk [tilespmem:v29+s17+$0x0], $0xffff  }
0x478: {  	v33 =	vor.u32 $0x1, v28;
	v30 =	vld.idx.msk [tilespmem:v30+s17+$0x0], $0xffff  }
0x479: {  	v35 =	vor.u32 $0x2, v28;
	v31 =	vld.idx.msk [tilespmem:v31+s17+$0x0], $0xffff  }
0x47a: {  	v36 =	vor.u32 $0x3, v28;
	v32 =	vld.idx.msk [tilespmem:v32+s17+$0x0], $0xffff  }
0x47b: {  	v37 =	vor.u32 $0x4, v28;
	v34 =	vld.idx.msk [tilespmem:v34+s17+$0x0], $0xffff  }
0x47c: {  	v39 =	vor.u32 $0x5, v28;
	v1 =	vld.idx.msk [tilespmem:v1+s17+$0x0], $0xffff;
	[tilespmem:s0+$0x16800] =	vst v6  }
0x47d: {  	v40 =	vor.u32 $0x6, v28;
	v33 =	vld.idx.msk [tilespmem:v33+s17+$0x0], $0xffff;
	[tilespmem:s0+$0x16880] =	vst v2  }
0x47e: {  	v47 =	vor.u32 $0x7, v28;
	v6 =	vld.idx.msk [tilespmem:v35+s17+$0x0], $0xffff;
	[tilespmem:s0+$0x16900] =	vst v3  }
0x47f: {  	v48 =	vor.u32 $0x8, v28;
	v2 =	vld.idx.msk [tilespmem:v36+s17+$0x0], $0xffff;
	[tilespmem:s0+$0x16980] =	vst v4  }
0x480: {  	v49 =	vor.u32 $0x9, v28;
	v3 =	vld.idx.msk [tilespmem:v37+s17+$0x0], $0xffff;
	[tilespmem:s0+$0x16A00] =	vst v5  }
0x481: {  	v50 =	vor.u32 $0xA, v28;
	v4 =	vld.idx.msk [tilespmem:v39+s17+$0x0], $0xffff;
	[tilespmem:s0+$0x16A80] =	vst v7  }
0x482: {  	v51 =	vor.u32 $0xB, v28;
	v5 =	vld.idx.msk [tilespmem:v40+s17+$0x0], $0xffff;
	[tilespmem:s0+$0x16B00] =	vst v8  }
0x483: {  	v52 =	vor.u32 $0xC, v28;
	v7 =	vld.idx.msk [tilespmem:v47+s17+$0x0], $0xffff;
	[tilespmem:s0+$0x16B80] =	vst v9  }
0x484: {  	v53 =	vor.u32 $0xD, v28;
	v8 =	vld.idx.msk [tilespmem:v48+s17+$0x0], $0xffff;
	[tilespmem:s0+$0x16C00] =	vst v10  }
0x485: {  	v54 =	vor.u32 $0xE, v28;
	v9 =	vld.idx.msk [tilespmem:v49+s17+$0x0], $0xffff;
	[tilespmem:s0+$0x16C80] =	vst v11  }
0x486: {  	v55 =	vor.u32 $0xF, v28;
	v10 =	vld.idx.msk [tilespmem:v50+s17+$0x0], $0xffff;
	[tilespmem:s0+$0x16D00] =	vst v12  }
0x487: {  	v56 =	vor.u32 $0x10, v28;
	v11 =	vld.idx.msk [tilespmem:v51+s17+$0x0], $0xffff;
	[tilespmem:s0+$0x16D80] =	vst v13  }
0x488: {  	v57 =	vor.u32 $0x11, v28;
	v12 =	vld.idx.msk [tilespmem:v52+s17+$0x0], $0xffff;
	[tilespmem:s0+$0x16E00] =	vst v14  }
0x489: {  	v58 =	vor.u32 $0x12, v28;
	v13 =	vld.idx.msk [tilespmem:v53+s17+$0x0], $0xffff;
	[tilespmem:s0+$0x16E80] =	vst v15  }
0x48a: {  	v59 =	vor.u32 $0x13, v28;
	v14 =	vld.idx.msk [tilespmem:v54+s17+$0x0], $0xffff;
	[tilespmem:s0+$0x16F00] =	vst v16  }
0x48b: {  	v60 =	vor.u32 $0x14, v28;
	v15 =	vld.idx.msk [tilespmem:v55+s17+$0x0], $0xffff;
	[tilespmem:s0+$0x16F80] =	vst v17  }
0x48c: {  	v61 =	vor.u32 $0x15, v28;
	v16 =	vld.idx.msk [tilespmem:v56+s17+$0x0], $0xffff;
	[tilespmem:s0+$0x17000] =	vst v18  }
0x48d: {  	v62 =	vor.u32 $0x16, v28;
	v17 =	vld.idx.msk [tilespmem:v57+s17+$0x0], $0xffff;
	[tilespmem:s0+$0x17080] =	vst v19  }
0x48e: {  	v63 =	vor.u32 $0x17, v28;
	v18 =	vld.idx.msk [tilespmem:v58+s17+$0x0], $0xffff;
	[tilespmem:s0+$0x17100] =	vst v20  }
0x48f: {  	v44 =	vor.u32 $0x18, v28;
	v19 =	vld.idx.msk [tilespmem:v59+s17+$0x0], $0xffff;
	[tilespmem:s0+$0x17180] =	vst v21  }
0x490: {  	v45 =	vor.u32 $0x19, v28;
	v20 =	vld.idx.msk [tilespmem:v60+s17+$0x0], $0xffff;
	[tilespmem:s0+$0x17200] =	vst v22  }
0x491: {  	v22 =	vld.idx.msk [tilespmem:v61+s17+$0x0], $0xffff;
	v47 =	vor.u32 $0x1A, v28;
	[tilespmem:s0+$0x17280] =	vst v23  }
0x492: {  	v23 =	vld.idx.msk [tilespmem:v62+s17+$0x0], $0xffff;
	v48 =	vor.u32 $0x1B, v28;
	[tilespmem:s0+$0x17300] =	vst v24  }
0x493: {  	s30 =	sor.u32 $0x20, s0;
	v24 =	vld.idx.msk [tilespmem:v63+s17+$0x0], $0xffff;
	v49 =	vor.u32 $0x1C, v28;
	[tilespmem:s0+$0x17380] =	vst v25  }
0x494: {  	v41 =	vmov s30;
	v25 =	vld.idx.msk [tilespmem:v44+s17+$0x0], $0xffff;
	v50 =	vor.u32 $0x1D, v28;
	[tilespmem:s0+$0x17400] =	vst v26  }
0x495: {  	v41 =	vshll.u32 v41, $0x7;
	v21 =	vld.idx.msk [tilespmem:v45+s17+$0x0], $0xffff;
	v51 =	vor.u32 $0x1E, v28;
	v40 =	vshll.u32 v46, $0x5;
	[tilespmem:s0+$0x17480] =	vst v27  }
0x496: {  	v28 =	vor.u32 $0x1F, v28;
	v53 =	vor.u32 v0, v41;
	[tilespmem:s0+$0x17500] =	vst v29;
	v52 =	vand.u32 $0x60, v40;
	v27 =	vld.idx.msk [tilespmem:v47+s17+$0x0], $0xffff  }
0x497: {  	[tilespmem:s0+$0x17580] =	vst v30;
	v35 =	vor.u32 v53, v52;
	v29 =	vld.idx.msk [tilespmem:v48+s17+$0x0], $0xffff  }
0x498: {  	[tilespmem:s0+$0x17600] =	vst v31;
	v54 =	vor.u32 $0x1, v35;
	v30 =	vld.idx.msk [tilespmem:v49+s17+$0x0], $0xffff  }
0x499: {  	[tilespmem:s0+$0x17680] =	vst v32;
	v55 =	vor.u32 $0x2, v35;
	v31 =	vld.idx.msk [tilespmem:v50+s17+$0x0], $0xffff  }
0x49a: {  	[tilespmem:s0+$0x17700] =	vst v34;
	v56 =	vor.u32 $0x3, v35;
	v26 =	vld.idx.msk [tilespmem:v51+s17+$0x0], $0xffff  }
0x49b: {  	v57 =	vor.u32 $0x4, v35;
	[tilespmem:s0+$0x17780] =	vst v1;
	v28 =	vld.idx.msk [tilespmem:v28+s17+$0x0], $0xffff  }
0x49c: {  	v58 =	vor.u32 $0x5, v35;
	[tilespmem:s0+$0x16810] =	vst v38;
	v1 =	vld.idx.msk [tilespmem:v35+s17+$0x0], $0xffff  }
0x49d: {  	v59 =	vor.u32 $0x6, v35;
	[tilespmem:s0+$0x16890] =	vst v33;
	v36 =	vld.idx.msk [tilespmem:v54+s17+$0x0], $0xffff  }
0x49e: {  	v60 =	vor.u32 $0x7, v35;
	[tilespmem:s0+$0x16910] =	vst v6;
	v33 =	vld.idx.msk [tilespmem:v55+s17+$0x0], $0xffff  }
0x49f: {  	v61 =	vor.u32 $0x8, v35;
	[tilespmem:s0+$0x16990] =	vst v2;
	v6 =	vld.idx.msk [tilespmem:v56+s17+$0x0], $0xffff  }
0x4a0: {  	v62 =	vor.u32 $0x9, v35;
	[tilespmem:s0+$0x16A10] =	vst v3;
	v2 =	vld.idx.msk [tilespmem:v57+s17+$0x0], $0xffff  }
0x4a1: {  	v63 =	vor.u32 $0xA, v35;
	[tilespmem:s0+$0x16A90] =	vst v4;
	v3 =	vld.idx.msk [tilespmem:v58+s17+$0x0], $0xffff  }
0x4a2: {  	v42 =	vor.u32 $0xB, v35;
	[tilespmem:s0+$0x16B10] =	vst v5;
	v4 =	vld.idx.msk [tilespmem:v59+s17+$0x0], $0xffff  }
0x4a3: {  	v43 =	vor.u32 $0xC, v35;
	[tilespmem:s0+$0x16B90] =	vst v7;
	v5 =	vld.idx.msk [tilespmem:v60+s17+$0x0], $0xffff  }
0x4a4: {  	v44 =	vor.u32 $0xD, v35;
	[tilespmem:s0+$0x16C10] =	vst v8;
	v7 =	vld.idx.msk [tilespmem:v61+s17+$0x0], $0xffff  }
0x4a5: {  	v45 =	vor.u32 $0xE, v35;
	[tilespmem:s0+$0x16C90] =	vst v9;
	v8 =	vld.idx.msk [tilespmem:v62+s17+$0x0], $0xffff  }
0x4a6: {  	v46 =	vor.u32 $0xF, v35;
	[tilespmem:s0+$0x16D10] =	vst v10;
	v9 =	vld.idx.msk [tilespmem:v63+s17+$0x0], $0xffff  }
0x4a7: {  	[tilespmem:s0+$0x16D90] =	vst v11;
	v10 =	vld.idx.msk [tilespmem:v42+s17+$0x0], $0xffff  }
0x4a8: {  	v52 =	vor.u32 $0x15, v35;
	[tilespmem:s0+$0x16E10] =	vst v12;
	v11 =	vld.idx.msk [tilespmem:v43+s17+$0x0], $0xffff  }
0x4a9: {  	v53 =	vor.u32 $0x16, v35;
	[tilespmem:s0+$0x16E90] =	vst v13;
	v12 =	vld.idx.msk [tilespmem:v44+s17+$0x0], $0xffff  }
0x4aa: {  	v47 =	vor.u32 $0x10, v35;
	[tilespmem:s0+$0x16F10] =	vst v14;
	v13 =	vld.idx.msk [tilespmem:v45+s17+$0x0], $0xffff  }
0x4ab: {  	v48 =	vor.u32 $0x11, v35;
	[tilespmem:s0+$0x16F90] =	vst v15;
	v14 =	vld.idx.msk [tilespmem:v46+s17+$0x0], $0xffff  }
0x4ac: {  	v49 =	vor.u32 $0x12, v35;
	[tilespmem:s0+$0x17010] =	vst v16;
	v57 =	vld [tilespmem:s0+$0x6330]  }
0x4ad: {  	v50 =	vor.u32 $0x13, v35;
	[tilespmem:s0+$0x17290] =	vst v22;
	v22 =	vld.idx.msk [tilespmem:v52+s17+$0x0], $0xffff  }
0x4ae: {  	v51 =	vor.u32 $0x14, v35;
	[tilespmem:s0+$0x17310] =	vst v23;
	v23 =	vld.idx.msk [tilespmem:v53+s17+$0x0], $0xffff  }
0x4af: {  	[tilespmem:s0+$0x17090] =	vst v17;
	v54 =	vor.u32 $0x17, v35;
	v15 =	vld.idx.msk [tilespmem:v47+s17+$0x0], $0xffff  }
0x4b0: {  	[tilespmem:s0+$0x17110] =	vst v18;
	v55 =	vor.u32 $0x18, v35;
	v16 =	vld.idx.msk [tilespmem:v48+s17+$0x0], $0xffff  }
0x4b1: {  	[tilespmem:s0+$0x17190] =	vst v19;
	v56 =	vor.u32 $0x19, v35;
	v17 =	vld.idx.msk [tilespmem:v49+s17+$0x0], $0xffff  }
0x4b2: {  	[tilespmem:s0+$0x17210] =	vst v20;
	v58 =	vor.u32 $0x1A, v35;
	v18 =	vld.idx.msk [tilespmem:v50+s17+$0x0], $0xffff  }
0x4b3: {  	[tilespmem:s0+$0x17390] =	vst v24;
	v59 =	vor.u32 $0x1B, v35;
	v19 =	vld.idx.msk [tilespmem:v51+s17+$0x0], $0xffff  }
0x4b4: {  	s31 =	sor.u32 $0x30, s0;
	[tilespmem:s0+$0x17410] =	vst v25;
	v60 =	vor.u32 $0x1C, v35;
	v24 =	vld.idx.msk [tilespmem:v54+s17+$0x0], $0xffff  }
0x4b5: {  	[tilespmem:s0+$0x17490] =	vst v21;
	v61 =	vor.u32 $0x1D, v35;
	v62 =	vmov s31;
	v25 =	vld.idx.msk [tilespmem:v55+s17+$0x0], $0xffff  }
0x4b6: {  	v63 =	vor.u32 $0x1E, v35;
	v40 =	vshll.u32 v62, $0x7;
	[tilespmem:s0+$0x17510] =	vst v27;
	v20 =	vld.idx.msk [tilespmem:v56+s17+$0x0], $0xffff;
	v39 =	vshll.u32 v57, $0x5  }
0x4b7: {  	v35 =	vor.u32 $0x1F, v35;
	v44 =	vor.u32 v0, v40;
	[tilespmem:s0+$0x17590] =	vst v29;
	v27 =	vld.idx.msk [tilespmem:v58+s17+$0x0], $0xffff;
	v43 =	vand.u32 $0x60, v39  }
0x4b8: {  	[tilespmem:s0+$0x17610] =	vst v30;
	v29 =	vld.idx.msk [tilespmem:v59+s17+$0x0], $0xffff;
	v32 =	vor.u32 v44, v43  }
0x4b9: {  	[tilespmem:s0+$0x17690] =	vst v31;
	v30 =	vld.idx.msk [tilespmem:v60+s17+$0x0], $0xffff;
	v45 =	vor.u32 $0x1, v32  }
0x4ba: {  	[tilespmem:s0+$0x17710] =	vst v26;
	v31 =	vld.idx.msk [tilespmem:v61+s17+$0x0], $0xffff;
	v37 =	vor.u32 $0x2, v32  }
0x4bb: {  	[tilespmem:s0+$0x17790] =	vst v28;
	v21 =	vld.idx.msk [tilespmem:v63+s17+$0x0], $0xffff;
	v46 =	vor.u32 $0x3, v32  }
0x4bc: {  	v28 =	vld.idx.msk [tilespmem:v35+s17+$0x0], $0xffff;
	[tilespmem:s0+$0x16820] =	vst v1;
	v47 =	vor.u32 $0x4, v32  }
0x4bd: {  	[tilespmem:s0+$0x168A0] =	vst v36;
	v48 =	vor.u32 $0x5, v32;
	v1 =	vld.idx.msk [tilespmem:v32+s17+$0x0], $0xffff  }
0x4be: {  	[tilespmem:s0+$0x16920] =	vst v33;
	v49 =	vor.u32 $0x6, v32;
	v34 =	vld.idx.msk [tilespmem:v45+s17+$0x0], $0xffff  }
0x4bf: {  	[tilespmem:s0+$0x169A0] =	vst v6;
	v50 =	vor.u32 $0x7, v32;
	v33 =	vld.idx.msk [tilespmem:v37+s17+$0x0], $0xffff  }
0x4c0: {  	[tilespmem:s0+$0x16A20] =	vst v2;
	v51 =	vor.u32 $0x8, v32;
	v6 =	vld.idx.msk [tilespmem:v46+s17+$0x0], $0xffff  }
0x4c1: {  	[tilespmem:s0+$0x16AA0] =	vst v3;
	v52 =	vor.u32 $0x9, v32;
	v2 =	vld.idx.msk [tilespmem:v47+s17+$0x0], $0xffff  }
0x4c2: {  	[tilespmem:s0+$0x16B20] =	vst v4;
	v53 =	vor.u32 $0xA, v32;
	v3 =	vld.idx.msk [tilespmem:v48+s17+$0x0], $0xffff  }
0x4c3: {  	[tilespmem:s0+$0x16BA0] =	vst v5;
	v54 =	vor.u32 $0xB, v32;
	v4 =	vld.idx.msk [tilespmem:v49+s17+$0x0], $0xffff  }
0x4c4: {  	[tilespmem:s0+$0x16C20] =	vst v7;
	v55 =	vor.u32 $0xC, v32;
	v5 =	vld.idx.msk [tilespmem:v50+s17+$0x0], $0xffff  }
0x4c5: {  	[tilespmem:s0+$0x16CA0] =	vst v8;
	v56 =	vor.u32 $0xD, v32;
	v7 =	vld.idx.msk [tilespmem:v51+s17+$0x0], $0xffff  }
0x4c6: {  	[tilespmem:s0+$0x16D20] =	vst v9;
	v57 =	vor.u32 $0xE, v32;
	v8 =	vld.idx.msk [tilespmem:v52+s17+$0x0], $0xffff  }
0x4c7: {  	[tilespmem:s0+$0x16DA0] =	vst v10;
	v58 =	vor.u32 $0xF, v32;
	v9 =	vld.idx.msk [tilespmem:v53+s17+$0x0], $0xffff  }
0x4c8: {  	[tilespmem:s0+$0x16E20] =	vst v11;
	v59 =	vor.u32 $0x10, v32;
	v10 =	vld.idx.msk [tilespmem:v54+s17+$0x0], $0xffff  }
0x4c9: {  	[tilespmem:s0+$0x16EA0] =	vst v12;
	v60 =	vor.u32 $0x11, v32;
	v11 =	vld.idx.msk [tilespmem:v55+s17+$0x0], $0xffff  }
0x4ca: {  	[tilespmem:s0+$0x16F20] =	vst v13;
	v61 =	vor.u32 $0x12, v32;
	v12 =	vld.idx.msk [tilespmem:v56+s17+$0x0], $0xffff  }
0x4cb: {  	[tilespmem:s0+$0x16FA0] =	vst v14;
	v62 =	vor.u32 $0x13, v32;
	v13 =	vld.idx.msk [tilespmem:v57+s17+$0x0], $0xffff  }
0x4cc: {  	[tilespmem:s0+$0x172A0] =	vst v22;
	v63 =	vor.u32 $0x14, v32;
	v14 =	vld.idx.msk [tilespmem:v58+s17+$0x0], $0xffff  }
0x4cd: {  	[tilespmem:s0+$0x17020] =	vst v15;
	v40 =	vor.u32 $0x15, v32;
	v15 =	vld.idx.msk [tilespmem:v59+s17+$0x0], $0xffff  }
0x4ce: {  	[tilespmem:s0+$0x17320] =	vst v23;
	v42 =	vor.u32 $0x16, v32;
	v41 =	vld.idx.msk [tilespmem:v60+s17+$0x0], $0xffff  }
0x4cf: {  	[tilespmem:s0+$0x170A0] =	vst v16;
	v44 =	vor.u32 $0x17, v32;
	v43 =	vld.idx.msk [tilespmem:v61+s17+$0x0], $0xffff  }
0x4d0: {  	[tilespmem:s0+$0x17120] =	vst v17;
	v45 =	vld.idx.msk [tilespmem:v62+s17+$0x0], $0xffff;
	v46 =	vor.u32 $0x18, v32  }
0x4d1: {  	[tilespmem:s0+$0x171A0] =	vst v18;
	v47 =	vld.idx.msk [tilespmem:v63+s17+$0x0], $0xffff;
	v48 =	vor.u32 $0x19, v32  }
0x4d2: {  	[tilespmem:s0+$0x17220] =	vst v19;
	v49 =	vld.idx.msk [tilespmem:v40+s17+$0x0], $0xffff;
	v50 =	vor.u32 $0x1A, v32  }
0x4d3: {  	[tilespmem:s0+$0x173A0] =	vst v24;
	v51 =	vld.idx.msk [tilespmem:v42+s17+$0x0], $0xffff;
	v52 =	vor.u32 $0x1B, v32  }
0x4d4: {  	[tilespmem:s0+$0x17420] =	vst v25;
	v53 =	vld.idx.msk [tilespmem:v44+s17+$0x0], $0xffff;
	v54 =	vor.u32 $0x1C, v32  }
0x4d5: {  	[tilespmem:s0+$0x174A0] =	vst v20;
	v56 =	vor.u32 $0x1D, v32;
	v55 =	vld.idx.msk [tilespmem:v46+s17+$0x0], $0xffff  }
0x4d6: {  	[tilespmem:s0+$0x17520] =	vst v27;
	v58 =	vor.u32 $0x1E, v32;
	v57 =	vld.idx.msk [tilespmem:v48+s17+$0x0], $0xffff  }
0x4d7: {  	[tilespmem:s0+$0x175A0] =	vst v29;
	v32 =	vor.u32 $0x1F, v32;
	v59 =	vld.idx.msk [tilespmem:v50+s17+$0x0], $0xffff  }
0x4d8: {  	[tilespmem:s0+$0x17620] =	vst v30;
	v60 =	vld.idx.msk [tilespmem:v52+s17+$0x0], $0xffff  }
0x4d9: {  	[tilespmem:s0+$0x176A0] =	vst v31;
	v26 =	vld.idx.msk [tilespmem:v54+s17+$0x0], $0xffff  }
0x4da: {  	[tilespmem:s0+$0x17720] =	vst v21;
	v61 =	vld.idx.msk [tilespmem:v56+s17+$0x0], $0xffff  }
0x4db: {  	[tilespmem:s0+$0x177A0] =	vst v28;
	v62 =	vld.idx.msk [tilespmem:v58+s17+$0x0], $0xffff  }
0x4dc: {  	v63 =	vld.idx.msk [tilespmem:v32+s17+$0x0], $0xffff;
	[tilespmem:s0+$0x16830] =	vst v1  }
0x4dd: {  	[tilespmem:s0+$0x168B0] =	vst v34  }
0x4de: {  	[tilespmem:s0+$0x16930] =	vst v33  }
0x4df: {  	[tilespmem:s0+$0x169B0] =	vst v6  }
0x4e0: {  	[tilespmem:s0+$0x16A30] =	vst v2  }
0x4e1: {  	[tilespmem:s0+$0x16AB0] =	vst v3  }
0x4e2: {  	[tilespmem:s0+$0x16B30] =	vst v4  }
0x4e3: {  	[tilespmem:s0+$0x16BB0] =	vst v5  }
0x4e4: {  	[tilespmem:s0+$0x16C30] =	vst v7  }
0x4e5: {  	[tilespmem:s0+$0x16CB0] =	vst v8  }
0x4e6: {  	[tilespmem:s0+$0x16D30] =	vst v9  }
0x4e7: {  	[tilespmem:s0+$0x16DB0] =	vst v10  }
0x4e8: {  	[tilespmem:s0+$0x16E30] =	vst v11  }
0x4e9: {  	[tilespmem:s0+$0x16EB0] =	vst v12  }
0x4ea: {  	[tilespmem:s0+$0x16F30] =	vst v13  }
0x4eb: {  	[tilespmem:s0+$0x16FB0] =	vst v14  }
0x4ec: {  	[tilespmem:s0+$0x17030] =	vst v15  }
0x4ed: {  	[tilespmem:s0+$0x170B0] =	vst v41  }
0x4ee: {  	[tilespmem:s0+$0x17130] =	vst v43  }
0x4ef: {  	[tilespmem:s0+$0x171B0] =	vst v45  }
0x4f0: {  	[tilespmem:s0+$0x17230] =	vst v47  }
0x4f1: {  	[tilespmem:s0+$0x172B0] =	vst v49  }
0x4f2: {  	[tilespmem:s0+$0x17330] =	vst v51  }
0x4f3: {  	[tilespmem:s0+$0x173B0] =	vst v53  }
0x4f4: {  	[tilespmem:s0+$0x17430] =	vst v55  }
0x4f5: {  	[tilespmem:s0+$0x174B0] =	vst v57  }
0x4f6: {  	p1 =	por p0, p0;
	[tilespmem:s0+$0x17530] =	vst v59  }
.Ltmp7:
0x4f7: {  	[tilespmem:s0+$0x175B0] =	vst v60;
	(pc) =	sbr.rel @p1 .LBB2_16-.Ltmp7, $4  }
0x4f8: {  	[tilespmem:s0+$0x17630] =	vst v26  }
0x4f9: {  	[tilespmem:s0+$0x176B0] =	vst v61  }
0x4fa: {  	[tilespmem:s0+$0x17730] =	vst v62  }
0x4fb: {  	p0 =	por $0x0, $0x0;
	[tilespmem:s0+$0x177B0] =	vst v63;
	s0 =	simm.s32 $0x40  }
0x4fc: {  	_ =	swait.ge [sflag:s20], $0x4000  }
0x4fd: {  	[sflag:s20] =	ssyncset.done $0x0  }
0x4fe: {  	s0 =	simm.s32 $0x0;
	p0 =	por $0x1, $0x1;
	[sflag:s20] =	ssyncadd.s32 $0xFFFFC000  }
.LBB2_18:
0x4ff: {  	v1 =	vld [tilespmem:s0+$0x6380]  }
0x500: {  	v28 =	vld [tilespmem:s0+$0x6390];
	_ =	sdelay $0x1  }
0x501: {  	v2 =	vmov s0  }
0x502: {  	s1 =	sor.u32 $0x10, s0;
	v2 =	vshll.u32 v2, $0x7  }
0x503: {  	v33 =	vmov s1;
	v2 =	vor.u32 v0, v2;
	v1 =	vshll.u32 v1, $0x5  }
0x504: {  	v33 =	vshll.u32 v33, $0x7;
	v28 =	vshll.u32 v28, $0x5;
	v1 =	vand.u32 $0x60, v1  }
0x505: {  	v33 =	vor.u32 v0, v33;
	v28 =	vand.u32 $0x60, v28;
	v1 =	vor.u32 v2, v1  }
0x506: {  	v28 =	vor.u32 v33, v28  }
0x507: {  	v2 =	vor.u32 $0x1, v1  }
0x508: {  	v3 =	vor.u32 $0x2, v1  }
0x509: {  	v46 =	vld [tilespmem:s0+$0x63A0];
	v4 =	vor.u32 $0x3, v1  }
0x50a: {  	v5 =	vor.u32 $0x4, v1;
	v6 =	vld.idx.msk [tilespmem:v1+s19+$0x0], $0xffff  }
0x50b: {  	v7 =	vor.u32 $0x5, v1;
	v38 =	vld.idx.msk [tilespmem:v28+s19+$0x0], $0xffff  }
0x50c: {  	v8 =	vor.u32 $0x6, v1;
	v2 =	vld.idx.msk [tilespmem:v2+s19+$0x0], $0xffff  }
0x50d: {  	v9 =	vor.u32 $0x7, v1;
	v3 =	vld.idx.msk [tilespmem:v3+s19+$0x0], $0xffff  }
0x50e: {  	v10 =	vor.u32 $0x8, v1;
	v4 =	vld.idx.msk [tilespmem:v4+s19+$0x0], $0xffff  }
0x50f: {  	v11 =	vor.u32 $0x9, v1;
	v5 =	vld.idx.msk [tilespmem:v5+s19+$0x0], $0xffff  }
0x510: {  	v12 =	vor.u32 $0xA, v1;
	v7 =	vld.idx.msk [tilespmem:v7+s19+$0x0], $0xffff  }
0x511: {  	v13 =	vor.u32 $0xB, v1;
	v8 =	vld.idx.msk [tilespmem:v8+s19+$0x0], $0xffff  }
0x512: {  	v14 =	vor.u32 $0xC, v1;
	v9 =	vld.idx.msk [tilespmem:v9+s19+$0x0], $0xffff  }
0x513: {  	v15 =	vor.u32 $0xD, v1;
	v10 =	vld.idx.msk [tilespmem:v10+s19+$0x0], $0xffff  }
0x514: {  	v16 =	vor.u32 $0xE, v1;
	v11 =	vld.idx.msk [tilespmem:v11+s19+$0x0], $0xffff  }
0x515: {  	v17 =	vor.u32 $0xF, v1;
	v12 =	vld.idx.msk [tilespmem:v12+s19+$0x0], $0xffff  }
0x516: {  	v18 =	vor.u32 $0x10, v1;
	v13 =	vld.idx.msk [tilespmem:v13+s19+$0x0], $0xffff  }
0x517: {  	v19 =	vor.u32 $0x11, v1;
	v14 =	vld.idx.msk [tilespmem:v14+s19+$0x0], $0xffff  }
0x518: {  	v20 =	vor.u32 $0x12, v1;
	v15 =	vld.idx.msk [tilespmem:v15+s19+$0x0], $0xffff  }
0x519: {  	v21 =	vor.u32 $0x13, v1;
	v16 =	vld.idx.msk [tilespmem:v16+s19+$0x0], $0xffff  }
0x51a: {  	v22 =	vor.u32 $0x14, v1;
	v17 =	vld.idx.msk [tilespmem:v17+s19+$0x0], $0xffff  }
0x51b: {  	v23 =	vor.u32 $0x15, v1;
	v18 =	vld.idx.msk [tilespmem:v18+s19+$0x0], $0xffff  }
0x51c: {  	v24 =	vor.u32 $0x16, v1;
	v19 =	vld.idx.msk [tilespmem:v19+s19+$0x0], $0xffff  }
0x51d: {  	v25 =	vor.u32 $0x17, v1;
	v20 =	vld.idx.msk [tilespmem:v20+s19+$0x0], $0xffff  }
0x51e: {  	v26 =	vor.u32 $0x18, v1;
	v21 =	vld.idx.msk [tilespmem:v21+s19+$0x0], $0xffff  }
0x51f: {  	v27 =	vor.u32 $0x19, v1;
	v22 =	vld.idx.msk [tilespmem:v22+s19+$0x0], $0xffff  }
0x520: {  	v29 =	vor.u32 $0x1A, v1;
	v23 =	vld.idx.msk [tilespmem:v23+s19+$0x0], $0xffff  }
0x521: {  	v30 =	vor.u32 $0x1B, v1;
	v24 =	vld.idx.msk [tilespmem:v24+s19+$0x0], $0xffff  }
0x522: {  	v31 =	vor.u32 $0x1C, v1;
	v25 =	vld.idx.msk [tilespmem:v25+s19+$0x0], $0xffff  }
0x523: {  	v32 =	vor.u32 $0x1D, v1;
	v26 =	vld.idx.msk [tilespmem:v26+s19+$0x0], $0xffff  }
0x524: {  	v34 =	vor.u32 $0x1E, v1;
	v27 =	vld.idx.msk [tilespmem:v27+s19+$0x0], $0xffff  }
0x525: {  	v1 =	vor.u32 $0x1F, v1;
	v29 =	vld.idx.msk [tilespmem:v29+s19+$0x0], $0xffff  }
0x526: {  	v33 =	vor.u32 $0x1, v28;
	v30 =	vld.idx.msk [tilespmem:v30+s19+$0x0], $0xffff  }
0x527: {  	v35 =	vor.u32 $0x2, v28;
	v31 =	vld.idx.msk [tilespmem:v31+s19+$0x0], $0xffff  }
0x528: {  	v36 =	vor.u32 $0x3, v28;
	v32 =	vld.idx.msk [tilespmem:v32+s19+$0x0], $0xffff  }
0x529: {  	v37 =	vor.u32 $0x4, v28;
	v34 =	vld.idx.msk [tilespmem:v34+s19+$0x0], $0xffff  }
0x52a: {  	v39 =	vor.u32 $0x5, v28;
	v1 =	vld.idx.msk [tilespmem:v1+s19+$0x0], $0xffff;
	[tilespmem:s0+$0x17800] =	vst v6  }
0x52b: {  	v40 =	vor.u32 $0x6, v28;
	v33 =	vld.idx.msk [tilespmem:v33+s19+$0x0], $0xffff;
	[tilespmem:s0+$0x17880] =	vst v2  }
0x52c: {  	v47 =	vor.u32 $0x7, v28;
	v6 =	vld.idx.msk [tilespmem:v35+s19+$0x0], $0xffff;
	[tilespmem:s0+$0x17900] =	vst v3  }
0x52d: {  	v48 =	vor.u32 $0x8, v28;
	v2 =	vld.idx.msk [tilespmem:v36+s19+$0x0], $0xffff;
	[tilespmem:s0+$0x17980] =	vst v4  }
0x52e: {  	v49 =	vor.u32 $0x9, v28;
	v3 =	vld.idx.msk [tilespmem:v37+s19+$0x0], $0xffff;
	[tilespmem:s0+$0x17A00] =	vst v5  }
0x52f: {  	v50 =	vor.u32 $0xA, v28;
	v4 =	vld.idx.msk [tilespmem:v39+s19+$0x0], $0xffff;
	[tilespmem:s0+$0x17A80] =	vst v7  }
0x530: {  	v51 =	vor.u32 $0xB, v28;
	v5 =	vld.idx.msk [tilespmem:v40+s19+$0x0], $0xffff;
	[tilespmem:s0+$0x17B00] =	vst v8  }
0x531: {  	v52 =	vor.u32 $0xC, v28;
	v7 =	vld.idx.msk [tilespmem:v47+s19+$0x0], $0xffff;
	[tilespmem:s0+$0x17B80] =	vst v9  }
0x532: {  	v53 =	vor.u32 $0xD, v28;
	v8 =	vld.idx.msk [tilespmem:v48+s19+$0x0], $0xffff;
	[tilespmem:s0+$0x17C00] =	vst v10  }
0x533: {  	v54 =	vor.u32 $0xE, v28;
	v9 =	vld.idx.msk [tilespmem:v49+s19+$0x0], $0xffff;
	[tilespmem:s0+$0x17C80] =	vst v11  }
0x534: {  	v55 =	vor.u32 $0xF, v28;
	v10 =	vld.idx.msk [tilespmem:v50+s19+$0x0], $0xffff;
	[tilespmem:s0+$0x17D00] =	vst v12  }
0x535: {  	v56 =	vor.u32 $0x10, v28;
	v11 =	vld.idx.msk [tilespmem:v51+s19+$0x0], $0xffff;
	[tilespmem:s0+$0x17D80] =	vst v13  }
0x536: {  	v57 =	vor.u32 $0x11, v28;
	v12 =	vld.idx.msk [tilespmem:v52+s19+$0x0], $0xffff;
	[tilespmem:s0+$0x17E00] =	vst v14  }
0x537: {  	v58 =	vor.u32 $0x12, v28;
	v13 =	vld.idx.msk [tilespmem:v53+s19+$0x0], $0xffff;
	[tilespmem:s0+$0x17E80] =	vst v15  }
0x538: {  	v59 =	vor.u32 $0x13, v28;
	v14 =	vld.idx.msk [tilespmem:v54+s19+$0x0], $0xffff;
	[tilespmem:s0+$0x17F00] =	vst v16  }
0x539: {  	v60 =	vor.u32 $0x14, v28;
	v15 =	vld.idx.msk [tilespmem:v55+s19+$0x0], $0xffff;
	[tilespmem:s0+$0x17F80] =	vst v17  }
0x53a: {  	v61 =	vor.u32 $0x15, v28;
	v16 =	vld.idx.msk [tilespmem:v56+s19+$0x0], $0xffff;
	[tilespmem:s0+$0x18000] =	vst v18  }
0x53b: {  	v62 =	vor.u32 $0x16, v28;
	v17 =	vld.idx.msk [tilespmem:v57+s19+$0x0], $0xffff;
	[tilespmem:s0+$0x18080] =	vst v19  }
0x53c: {  	v63 =	vor.u32 $0x17, v28;
	v18 =	vld.idx.msk [tilespmem:v58+s19+$0x0], $0xffff;
	[tilespmem:s0+$0x18100] =	vst v20  }
0x53d: {  	v44 =	vor.u32 $0x18, v28;
	v19 =	vld.idx.msk [tilespmem:v59+s19+$0x0], $0xffff;
	[tilespmem:s0+$0x18180] =	vst v21  }
0x53e: {  	v45 =	vor.u32 $0x19, v28;
	v20 =	vld.idx.msk [tilespmem:v60+s19+$0x0], $0xffff;
	[tilespmem:s0+$0x18200] =	vst v22  }
0x53f: {  	v22 =	vld.idx.msk [tilespmem:v61+s19+$0x0], $0xffff;
	v47 =	vor.u32 $0x1A, v28;
	[tilespmem:s0+$0x18280] =	vst v23  }
0x540: {  	v23 =	vld.idx.msk [tilespmem:v62+s19+$0x0], $0xffff;
	v48 =	vor.u32 $0x1B, v28;
	[tilespmem:s0+$0x18300] =	vst v24  }
0x541: {  	s30 =	sor.u32 $0x20, s0;
	v24 =	vld.idx.msk [tilespmem:v63+s19+$0x0], $0xffff;
	v49 =	vor.u32 $0x1C, v28;
	[tilespmem:s0+$0x18380] =	vst v25  }
0x542: {  	v41 =	vmov s30;
	v25 =	vld.idx.msk [tilespmem:v44+s19+$0x0], $0xffff;
	v50 =	vor.u32 $0x1D, v28;
	[tilespmem:s0+$0x18400] =	vst v26  }
0x543: {  	v41 =	vshll.u32 v41, $0x7;
	v21 =	vld.idx.msk [tilespmem:v45+s19+$0x0], $0xffff;
	v51 =	vor.u32 $0x1E, v28;
	v40 =	vshll.u32 v46, $0x5;
	[tilespmem:s0+$0x18480] =	vst v27  }
0x544: {  	v28 =	vor.u32 $0x1F, v28;
	v53 =	vor.u32 v0, v41;
	[tilespmem:s0+$0x18500] =	vst v29;
	v52 =	vand.u32 $0x60, v40;
	v27 =	vld.idx.msk [tilespmem:v47+s19+$0x0], $0xffff  }
0x545: {  	[tilespmem:s0+$0x18580] =	vst v30;
	v35 =	vor.u32 v53, v52;
	v29 =	vld.idx.msk [tilespmem:v48+s19+$0x0], $0xffff  }
0x546: {  	[tilespmem:s0+$0x18600] =	vst v31;
	v54 =	vor.u32 $0x1, v35;
	v30 =	vld.idx.msk [tilespmem:v49+s19+$0x0], $0xffff  }
0x547: {  	[tilespmem:s0+$0x18680] =	vst v32;
	v55 =	vor.u32 $0x2, v35;
	v31 =	vld.idx.msk [tilespmem:v50+s19+$0x0], $0xffff  }
0x548: {  	[tilespmem:s0+$0x18700] =	vst v34;
	v56 =	vor.u32 $0x3, v35;
	v26 =	vld.idx.msk [tilespmem:v51+s19+$0x0], $0xffff  }
0x549: {  	v57 =	vor.u32 $0x4, v35;
	[tilespmem:s0+$0x18780] =	vst v1;
	v28 =	vld.idx.msk [tilespmem:v28+s19+$0x0], $0xffff  }
0x54a: {  	v58 =	vor.u32 $0x5, v35;
	[tilespmem:s0+$0x17810] =	vst v38;
	v1 =	vld.idx.msk [tilespmem:v35+s19+$0x0], $0xffff  }
0x54b: {  	v59 =	vor.u32 $0x6, v35;
	[tilespmem:s0+$0x17890] =	vst v33;
	v36 =	vld.idx.msk [tilespmem:v54+s19+$0x0], $0xffff  }
0x54c: {  	v60 =	vor.u32 $0x7, v35;
	[tilespmem:s0+$0x17910] =	vst v6;
	v33 =	vld.idx.msk [tilespmem:v55+s19+$0x0], $0xffff  }
0x54d: {  	v61 =	vor.u32 $0x8, v35;
	[tilespmem:s0+$0x17990] =	vst v2;
	v6 =	vld.idx.msk [tilespmem:v56+s19+$0x0], $0xffff  }
0x54e: {  	v62 =	vor.u32 $0x9, v35;
	[tilespmem:s0+$0x17A10] =	vst v3;
	v2 =	vld.idx.msk [tilespmem:v57+s19+$0x0], $0xffff  }
0x54f: {  	v63 =	vor.u32 $0xA, v35;
	[tilespmem:s0+$0x17A90] =	vst v4;
	v3 =	vld.idx.msk [tilespmem:v58+s19+$0x0], $0xffff  }
0x550: {  	v42 =	vor.u32 $0xB, v35;
	[tilespmem:s0+$0x17B10] =	vst v5;
	v4 =	vld.idx.msk [tilespmem:v59+s19+$0x0], $0xffff  }
0x551: {  	v43 =	vor.u32 $0xC, v35;
	[tilespmem:s0+$0x17B90] =	vst v7;
	v5 =	vld.idx.msk [tilespmem:v60+s19+$0x0], $0xffff  }
0x552: {  	v44 =	vor.u32 $0xD, v35;
	[tilespmem:s0+$0x17C10] =	vst v8;
	v7 =	vld.idx.msk [tilespmem:v61+s19+$0x0], $0xffff  }
0x553: {  	v45 =	vor.u32 $0xE, v35;
	[tilespmem:s0+$0x17C90] =	vst v9;
	v8 =	vld.idx.msk [tilespmem:v62+s19+$0x0], $0xffff  }
0x554: {  	v46 =	vor.u32 $0xF, v35;
	[tilespmem:s0+$0x17D10] =	vst v10;
	v9 =	vld.idx.msk [tilespmem:v63+s19+$0x0], $0xffff  }
0x555: {  	[tilespmem:s0+$0x17D90] =	vst v11;
	v10 =	vld.idx.msk [tilespmem:v42+s19+$0x0], $0xffff  }
0x556: {  	v52 =	vor.u32 $0x15, v35;
	[tilespmem:s0+$0x17E10] =	vst v12;
	v11 =	vld.idx.msk [tilespmem:v43+s19+$0x0], $0xffff  }
0x557: {  	v53 =	vor.u32 $0x16, v35;
	[tilespmem:s0+$0x17E90] =	vst v13;
	v12 =	vld.idx.msk [tilespmem:v44+s19+$0x0], $0xffff  }
0x558: {  	v47 =	vor.u32 $0x10, v35;
	[tilespmem:s0+$0x17F10] =	vst v14;
	v13 =	vld.idx.msk [tilespmem:v45+s19+$0x0], $0xffff  }
0x559: {  	v48 =	vor.u32 $0x11, v35;
	[tilespmem:s0+$0x17F90] =	vst v15;
	v14 =	vld.idx.msk [tilespmem:v46+s19+$0x0], $0xffff  }
0x55a: {  	v49 =	vor.u32 $0x12, v35;
	[tilespmem:s0+$0x18010] =	vst v16;
	v57 =	vld [tilespmem:s0+$0x63B0]  }
0x55b: {  	v50 =	vor.u32 $0x13, v35;
	[tilespmem:s0+$0x18290] =	vst v22;
	v22 =	vld.idx.msk [tilespmem:v52+s19+$0x0], $0xffff  }
0x55c: {  	v51 =	vor.u32 $0x14, v35;
	[tilespmem:s0+$0x18310] =	vst v23;
	v23 =	vld.idx.msk [tilespmem:v53+s19+$0x0], $0xffff  }
0x55d: {  	[tilespmem:s0+$0x18090] =	vst v17;
	v54 =	vor.u32 $0x17, v35;
	v15 =	vld.idx.msk [tilespmem:v47+s19+$0x0], $0xffff  }
0x55e: {  	[tilespmem:s0+$0x18110] =	vst v18;
	v55 =	vor.u32 $0x18, v35;
	v16 =	vld.idx.msk [tilespmem:v48+s19+$0x0], $0xffff  }
0x55f: {  	[tilespmem:s0+$0x18190] =	vst v19;
	v56 =	vor.u32 $0x19, v35;
	v17 =	vld.idx.msk [tilespmem:v49+s19+$0x0], $0xffff  }
0x560: {  	[tilespmem:s0+$0x18210] =	vst v20;
	v58 =	vor.u32 $0x1A, v35;
	v18 =	vld.idx.msk [tilespmem:v50+s19+$0x0], $0xffff  }
0x561: {  	[tilespmem:s0+$0x18390] =	vst v24;
	v59 =	vor.u32 $0x1B, v35;
	v19 =	vld.idx.msk [tilespmem:v51+s19+$0x0], $0xffff  }
0x562: {  	s31 =	sor.u32 $0x30, s0;
	[tilespmem:s0+$0x18410] =	vst v25;
	v60 =	vor.u32 $0x1C, v35;
	v24 =	vld.idx.msk [tilespmem:v54+s19+$0x0], $0xffff  }
0x563: {  	[tilespmem:s0+$0x18490] =	vst v21;
	v61 =	vor.u32 $0x1D, v35;
	v62 =	vmov s31;
	v25 =	vld.idx.msk [tilespmem:v55+s19+$0x0], $0xffff  }
0x564: {  	v63 =	vor.u32 $0x1E, v35;
	v40 =	vshll.u32 v62, $0x7;
	[tilespmem:s0+$0x18510] =	vst v27;
	v20 =	vld.idx.msk [tilespmem:v56+s19+$0x0], $0xffff;
	v39 =	vshll.u32 v57, $0x5  }
0x565: {  	v35 =	vor.u32 $0x1F, v35;
	v44 =	vor.u32 v0, v40;
	[tilespmem:s0+$0x18590] =	vst v29;
	v27 =	vld.idx.msk [tilespmem:v58+s19+$0x0], $0xffff;
	v43 =	vand.u32 $0x60, v39  }
0x566: {  	[tilespmem:s0+$0x18610] =	vst v30;
	v29 =	vld.idx.msk [tilespmem:v59+s19+$0x0], $0xffff;
	v32 =	vor.u32 v44, v43  }
0x567: {  	[tilespmem:s0+$0x18690] =	vst v31;
	v30 =	vld.idx.msk [tilespmem:v60+s19+$0x0], $0xffff;
	v45 =	vor.u32 $0x1, v32  }
0x568: {  	[tilespmem:s0+$0x18710] =	vst v26;
	v31 =	vld.idx.msk [tilespmem:v61+s19+$0x0], $0xffff;
	v37 =	vor.u32 $0x2, v32  }
0x569: {  	[tilespmem:s0+$0x18790] =	vst v28;
	v21 =	vld.idx.msk [tilespmem:v63+s19+$0x0], $0xffff;
	v46 =	vor.u32 $0x3, v32  }
0x56a: {  	v28 =	vld.idx.msk [tilespmem:v35+s19+$0x0], $0xffff;
	[tilespmem:s0+$0x17820] =	vst v1;
	v47 =	vor.u32 $0x4, v32  }
0x56b: {  	[tilespmem:s0+$0x178A0] =	vst v36;
	v48 =	vor.u32 $0x5, v32;
	v1 =	vld.idx.msk [tilespmem:v32+s19+$0x0], $0xffff  }
0x56c: {  	[tilespmem:s0+$0x17920] =	vst v33;
	v49 =	vor.u32 $0x6, v32;
	v34 =	vld.idx.msk [tilespmem:v45+s19+$0x0], $0xffff  }
0x56d: {  	[tilespmem:s0+$0x179A0] =	vst v6;
	v50 =	vor.u32 $0x7, v32;
	v33 =	vld.idx.msk [tilespmem:v37+s19+$0x0], $0xffff  }
0x56e: {  	[tilespmem:s0+$0x17A20] =	vst v2;
	v51 =	vor.u32 $0x8, v32;
	v6 =	vld.idx.msk [tilespmem:v46+s19+$0x0], $0xffff  }
0x56f: {  	[tilespmem:s0+$0x17AA0] =	vst v3;
	v52 =	vor.u32 $0x9, v32;
	v2 =	vld.idx.msk [tilespmem:v47+s19+$0x0], $0xffff  }
0x570: {  	[tilespmem:s0+$0x17B20] =	vst v4;
	v53 =	vor.u32 $0xA, v32;
	v3 =	vld.idx.msk [tilespmem:v48+s19+$0x0], $0xffff  }
0x571: {  	[tilespmem:s0+$0x17BA0] =	vst v5;
	v54 =	vor.u32 $0xB, v32;
	v4 =	vld.idx.msk [tilespmem:v49+s19+$0x0], $0xffff  }
0x572: {  	[tilespmem:s0+$0x17C20] =	vst v7;
	v55 =	vor.u32 $0xC, v32;
	v5 =	vld.idx.msk [tilespmem:v50+s19+$0x0], $0xffff  }
0x573: {  	[tilespmem:s0+$0x17CA0] =	vst v8;
	v56 =	vor.u32 $0xD, v32;
	v7 =	vld.idx.msk [tilespmem:v51+s19+$0x0], $0xffff  }
0x574: {  	[tilespmem:s0+$0x17D20] =	vst v9;
	v57 =	vor.u32 $0xE, v32;
	v8 =	vld.idx.msk [tilespmem:v52+s19+$0x0], $0xffff  }
0x575: {  	[tilespmem:s0+$0x17DA0] =	vst v10;
	v58 =	vor.u32 $0xF, v32;
	v9 =	vld.idx.msk [tilespmem:v53+s19+$0x0], $0xffff  }
0x576: {  	[tilespmem:s0+$0x17E20] =	vst v11;
	v59 =	vor.u32 $0x10, v32;
	v10 =	vld.idx.msk [tilespmem:v54+s19+$0x0], $0xffff  }
0x577: {  	[tilespmem:s0+$0x17EA0] =	vst v12;
	v60 =	vor.u32 $0x11, v32;
	v11 =	vld.idx.msk [tilespmem:v55+s19+$0x0], $0xffff  }
0x578: {  	[tilespmem:s0+$0x17F20] =	vst v13;
	v61 =	vor.u32 $0x12, v32;
	v12 =	vld.idx.msk [tilespmem:v56+s19+$0x0], $0xffff  }
0x579: {  	[tilespmem:s0+$0x17FA0] =	vst v14;
	v62 =	vor.u32 $0x13, v32;
	v13 =	vld.idx.msk [tilespmem:v57+s19+$0x0], $0xffff  }
0x57a: {  	[tilespmem:s0+$0x182A0] =	vst v22;
	v63 =	vor.u32 $0x14, v32;
	v14 =	vld.idx.msk [tilespmem:v58+s19+$0x0], $0xffff  }
0x57b: {  	[tilespmem:s0+$0x18020] =	vst v15;
	v40 =	vor.u32 $0x15, v32;
	v15 =	vld.idx.msk [tilespmem:v59+s19+$0x0], $0xffff  }
0x57c: {  	[tilespmem:s0+$0x18320] =	vst v23;
	v42 =	vor.u32 $0x16, v32;
	v41 =	vld.idx.msk [tilespmem:v60+s19+$0x0], $0xffff  }
0x57d: {  	[tilespmem:s0+$0x180A0] =	vst v16;
	v44 =	vor.u32 $0x17, v32;
	v43 =	vld.idx.msk [tilespmem:v61+s19+$0x0], $0xffff  }
0x57e: {  	[tilespmem:s0+$0x18120] =	vst v17;
	v45 =	vld.idx.msk [tilespmem:v62+s19+$0x0], $0xffff;
	v46 =	vor.u32 $0x18, v32  }
0x57f: {  	[tilespmem:s0+$0x181A0] =	vst v18;
	v47 =	vld.idx.msk [tilespmem:v63+s19+$0x0], $0xffff;
	v48 =	vor.u32 $0x19, v32  }
0x580: {  	[tilespmem:s0+$0x18220] =	vst v19;
	v49 =	vld.idx.msk [tilespmem:v40+s19+$0x0], $0xffff;
	v50 =	vor.u32 $0x1A, v32  }
0x581: {  	[tilespmem:s0+$0x183A0] =	vst v24;
	v51 =	vld.idx.msk [tilespmem:v42+s19+$0x0], $0xffff;
	v52 =	vor.u32 $0x1B, v32  }
0x582: {  	[tilespmem:s0+$0x18420] =	vst v25;
	v53 =	vld.idx.msk [tilespmem:v44+s19+$0x0], $0xffff;
	v54 =	vor.u32 $0x1C, v32  }
0x583: {  	[tilespmem:s0+$0x184A0] =	vst v20;
	v56 =	vor.u32 $0x1D, v32;
	v55 =	vld.idx.msk [tilespmem:v46+s19+$0x0], $0xffff  }
0x584: {  	[tilespmem:s0+$0x18520] =	vst v27;
	v58 =	vor.u32 $0x1E, v32;
	v57 =	vld.idx.msk [tilespmem:v48+s19+$0x0], $0xffff  }
0x585: {  	[tilespmem:s0+$0x185A0] =	vst v29;
	v32 =	vor.u32 $0x1F, v32;
	v59 =	vld.idx.msk [tilespmem:v50+s19+$0x0], $0xffff  }
0x586: {  	[tilespmem:s0+$0x18620] =	vst v30;
	v60 =	vld.idx.msk [tilespmem:v52+s19+$0x0], $0xffff  }
0x587: {  	[tilespmem:s0+$0x186A0] =	vst v31;
	v26 =	vld.idx.msk [tilespmem:v54+s19+$0x0], $0xffff  }
0x588: {  	[tilespmem:s0+$0x18720] =	vst v21;
	v61 =	vld.idx.msk [tilespmem:v56+s19+$0x0], $0xffff  }
0x589: {  	[tilespmem:s0+$0x187A0] =	vst v28;
	v62 =	vld.idx.msk [tilespmem:v58+s19+$0x0], $0xffff  }
0x58a: {  	v63 =	vld.idx.msk [tilespmem:v32+s19+$0x0], $0xffff;
	[tilespmem:s0+$0x17830] =	vst v1  }
0x58b: {  	[tilespmem:s0+$0x178B0] =	vst v34  }
0x58c: {  	[tilespmem:s0+$0x17930] =	vst v33  }
0x58d: {  	[tilespmem:s0+$0x179B0] =	vst v6  }
0x58e: {  	[tilespmem:s0+$0x17A30] =	vst v2  }
0x58f: {  	[tilespmem:s0+$0x17AB0] =	vst v3  }
0x590: {  	[tilespmem:s0+$0x17B30] =	vst v4  }
0x591: {  	[tilespmem:s0+$0x17BB0] =	vst v5  }
0x592: {  	[tilespmem:s0+$0x17C30] =	vst v7  }
0x593: {  	[tilespmem:s0+$0x17CB0] =	vst v8  }
0x594: {  	[tilespmem:s0+$0x17D30] =	vst v9  }
0x595: {  	[tilespmem:s0+$0x17DB0] =	vst v10  }
0x596: {  	[tilespmem:s0+$0x17E30] =	vst v11  }
0x597: {  	[tilespmem:s0+$0x17EB0] =	vst v12  }
0x598: {  	[tilespmem:s0+$0x17F30] =	vst v13  }
0x599: {  	[tilespmem:s0+$0x17FB0] =	vst v14  }
0x59a: {  	[tilespmem:s0+$0x18030] =	vst v15  }
0x59b: {  	[tilespmem:s0+$0x180B0] =	vst v41  }
0x59c: {  	[tilespmem:s0+$0x18130] =	vst v43  }
0x59d: {  	[tilespmem:s0+$0x181B0] =	vst v45  }
0x59e: {  	[tilespmem:s0+$0x18230] =	vst v47  }
0x59f: {  	[tilespmem:s0+$0x182B0] =	vst v49  }
0x5a0: {  	[tilespmem:s0+$0x18330] =	vst v51  }
0x5a1: {  	[tilespmem:s0+$0x183B0] =	vst v53  }
0x5a2: {  	[tilespmem:s0+$0x18430] =	vst v55  }
0x5a3: {  	[tilespmem:s0+$0x184B0] =	vst v57  }
0x5a4: {  	p1 =	por p0, p0;
	[tilespmem:s0+$0x18530] =	vst v59  }
.Ltmp8:
0x5a5: {  	[tilespmem:s0+$0x185B0] =	vst v60;
	(pc) =	sbr.rel @p1 .LBB2_18-.Ltmp8, $4  }
0x5a6: {  	[tilespmem:s0+$0x18630] =	vst v26  }
0x5a7: {  	[tilespmem:s0+$0x186B0] =	vst v61  }
0x5a8: {  	[tilespmem:s0+$0x18730] =	vst v62  }
0x5a9: {  	p0 =	por $0x0, $0x0;
	[tilespmem:s0+$0x187B0] =	vst v63;
	s0 =	simm.s32 $0x40  }
0x5aa: {  	[hbm4b:s10+s21] =	stream.strided.scatter [tilespmem:s15], [sflag:$0x3], $0x2000, s22, s21, $0x38;
	[tilespmem:$0x18800] =	vst v63  }
0x5ab: {  	s28 =	sadd.s32 $0x1, s28  }
0x5ac: {  	_ =	swait.ge [sflag:s18], $0x2000;
	p0 =	sne.s32 s28, s11  }
.Ltmp9:
0x5ad: {  	[sflag:s18] =	ssyncset.done $0x0;
	(pc) =	sbr.rel @p0 .LBB2_1-.Ltmp9, $4  }
0x5ae: {  	[sflag:s18] =	ssyncadd.s32 $0xFFFFE000  }
0x5af: {  	_ =	swait.ge [sflag:s23], $0x2000  }
0x5b0: {  	[sflag:s23] =	ssyncset.done $0x0  }
0x5b1: {  	[sflag:s23] =	ssyncadd.s32 $0xFFFFE000  }
0x5b2: {  	_ =	sfence.sel $0x180000  }
0x5b3: {  	[bflag:$0x0] =	sbarrier.arrive $0xFFFF  }
0x5b4: {  	_ =	strace $0x90000047  }
0x5b5: {  	s0 =	stileid.u32;
	[bflag:$0x2] =	sbarrier.arrive $0xFFFF  }
0x5b6: {  	p0 =	sne.s32 s0, $0x0;
	s0 =	rddreg [dreg:$0x2]  }
0x5b7: {  	s0 =	sadd.s32 @!p0 $0x100000, s0  }
0x5b8: {  	[sflag:s0] =	ssyncadd.tile.s32 @!p0 $0x1;
	_ =	shalt  }
.Lfunc_end2:
_tile_overlayer_lowered:
.L_overlay_start_2:
0x5b9: {  	(tag) =	ssettag $0x2  }
0x5ba: {  	s0 =	rddreg [dreg:$0x0];
	s2 =	stileid.u32  }
0x5bb: {  	s1 =	rddreg [dreg:$0x1];
	p0 =	sne.s32 s2, $0x0  }
0x5bc: {  	s3 =	rddreg [dreg:$0x2];
	[bflag:$0x3] =	sbarrier.arrive $0xFFFF;
	s2 =	simm.s32 @!p0 $0x1C04  }
0x5bd: {  	[timem:s3], [sflag:s2] =	dma.local @!p0 [hbm:s0], s1  }
0x5be: {  	s0 =	simm.s32 @!p0 $0x4  }
0x5bf: {  	_ =	swait.ge @!p0 [sflag:s0], s1  }
0x5c0: {  	s1 =	ssub.s32 @!p0 $0x0, s1;
	[sflag:s0] =	ssyncset.done @!p0 $0x0  }
0x5c1: {  	[sflag:s0] =	ssyncadd.s32 @!p0 s1  }
0x5c2: {  	[bflag:$0x3] =	sbarrier.arrive $0xFFFF  }
0x5c3: {  	_ =	shalt  }

</sc_bundles>
